<compile_context>
chip_gen: v7x
topology: tpu7x:2x2x1
jax: 0.10.2.dev20260603
libtpu: 0.0.44.dev20260713+nightly
codegen_flags: <defaults>
</compile_context>

<pallas_src>
import functools
import jax
import jax.numpy as jnp
from jax import lax
from jax.experimental import pallas as pl
from jax.experimental.pallas import tpu as pltpu
from jax.experimental.pallas import tpu_sc as plsc

N = 10000
E = 320000
H = 64
G = 16
NODE_OUT = 3

NC = 2
NS = 16
NW = NC * NS

NPAD = 10240
EPAD = 327680
EW = EPAD // NW
CHUNK = 128
NCH = EW // CHUNK
ROWS_PT = NPAD // NS

BN = 1024
BE = 2048

_f32 = jnp.float32



def _encedge_body(ef, w1, b1, w2, b2, wc, bc, c0, c1, c2, c3):
    h = jnp.maximum(jnp.dot(ef[...], w1[...], preferred_element_type=_f32) + b1[...], 0.0)
    he = jnp.dot(h, w2[...], preferred_element_type=_f32) + b2[...]
    cf = jnp.dot(he, wc[...], preferred_element_type=_f32) + bc[...]
    c0[...] = cf[:, 0:64]
    c1[...] = cf[:, 64:128]
    c2[...] = cf[:, 128:192]
    c3[...] = cf[:, 192:256]


def _enc_edge(ef, w1, b1, w2, b2, wc, bc):
    full = lambda s: pl.BlockSpec(s, lambda i: (0, 0))
    out = jax.ShapeDtypeStruct((EPAD, H), _f32)
    return pl.pallas_call(
        _encedge_body,
        grid=(EPAD // BE,),
        in_specs=[
            pl.BlockSpec((BE, 16), lambda i: (i, 0)),
            full((16, H)), full((1, H)), full((H, H)), full((1, H)),
            full((H, 4 * H)), full((1, 4 * H)),
        ],
        out_specs=[pl.BlockSpec((BE, H), lambda i: (i, 0))] * 4,
        out_shape=[out, out, out, out],
    )(ef, w1, b1, w2, b2, wc, bc)


def _mlp_body(x, w1, b1, w2, b2, o):
    h = jnp.maximum(jnp.dot(x[...], w1[...], preferred_element_type=_f32) + b1[...], 0.0)
    o[...] = jnp.dot(h, w2[...], preferred_element_type=_f32) + b2[...]


def _mlp_rows(x, w1, b1, w2, b2, dout):
    m, din = x.shape
    full = lambda s: pl.BlockSpec(s, lambda i: (0, 0))
    return pl.pallas_call(
        _mlp_body,
        grid=(m // BN,),
        in_specs=[
            pl.BlockSpec((BN, din), lambda i: (i, 0)),
            full((din, H)), full((1, H)), full((H, dout)), full((1, dout)),
        ],
        out_specs=pl.BlockSpec((BN, dout), lambda i: (i, 0)),
        out_shape=jax.ShapeDtypeStruct((m, dout), _f32),
    )(x, w1, b1, w2, b2)


def _ab_body(hv, wab, a, b):
    ab = jnp.dot(hv[...], wab[...], preferred_element_type=_f32)
    a[...] = ab[:, :H]
    b[...] = ab[:, H:]


def _ab(hv, wab):
    out = jax.ShapeDtypeStruct((NPAD, H), _f32)
    return pl.pallas_call(
        _ab_body,
        grid=(NPAD // BN,),
        in_specs=[
            pl.BlockSpec((BN, H), lambda i: (i, 0)),
            pl.BlockSpec((H, 2 * H), lambda i: (0, 0)),
        ],
        out_specs=[pl.BlockSpec((BN, H), lambda i: (i, 0))] * 2,
        out_shape=[out, out],
    )(hv, wab)


def _update_body(s0, s1, c0, c1, hv, wm2, bm2, wu1a, wu1b, bu1, wu2, bu2, o):
    cnt = c0[:, :1] + c1[:, :1]
    s = s0[...] + s1[...]
    aggsum = jnp.dot(s, wm2[...], preferred_element_type=_f32) + cnt * bm2[...]
    agg = aggsum / jnp.clip(cnt, 1.0, None)
    h = jnp.maximum(
        jnp.dot(hv[...], wu1a[...], preferred_element_type=_f32)
        + jnp.dot(agg, wu1b[...], preferred_element_type=_f32) + bu1[...], 0.0)
    o[...] = jnp.dot(h, wu2[...], preferred_element_type=_f32) + bu2[...]


def _update(s0, s1, c0, c1, hv, wm2, bm2, wu1a, wu1b, bu1, wu2, bu2):
    full = lambda s: pl.BlockSpec(s, lambda i: (0, 0))
    row = lambda d: pl.BlockSpec((BN, d), lambda i: (i, 0))
    return pl.pallas_call(
        _update_body,
        grid=(NPAD // BN,),
        in_specs=[
            row(H), row(H), row(16), row(16), row(H),
            full((H, H)), full((1, H)), full((H, H)), full((H, H)),
            full((1, H)), full((H, H)), full((1, H)),
        ],
        out_specs=row(H),
        out_shape=jax.ShapeDtypeStruct((NPAD, H), _f32),
    )(s0, s1, c0, c1, hv, wm2, bm2, wu1a, wu1b, bu1, wu2, bu2)


def _readout_body(hv, bf, w1, b1, w2, b2, o, ssum, scnt):
    i = pl.program_id(0)

    @pl.when(i == 0)
    def _():
        ssum[...] = jnp.zeros_like(ssum)
        scnt[...] = jnp.zeros_like(scnt)

    gids = lax.broadcasted_iota(jnp.int32, (1, G), 1).astype(_f32)
    onehot = (bf[...] == gids).astype(_f32)
    dn = (((0,), (0,)), ((), ()))
    ssum[...] += lax.dot_general(onehot, hv[...], dn, preferred_element_type=_f32)
    scnt[...] += lax.dot_general(onehot, jnp.ones((BN, 1), _f32), dn,
                                 preferred_element_type=_f32)

    @pl.when(i == pl.num_programs(0) - 1)
    def _():
        pooled = ssum[...] / jnp.clip(scnt[...], 1.0, None)
        h = jnp.maximum(jnp.dot(pooled, w1[...], preferred_element_type=_f32) + b1[...], 0.0)
        o[...] = jnp.dot(h, w2[...], preferred_element_type=_f32) + b2[...]


def _readout(hv, bf, w1, b1, w2, b2):
    full = lambda s: pl.BlockSpec(s, lambda i: (0, 0))
    return pl.pallas_call(
        _readout_body,
        grid=(NPAD // BN,),
        in_specs=[
            pl.BlockSpec((BN, H), lambda i: (i, 0)),
            pl.BlockSpec((BN, 1), lambda i: (i, 0)),
            full((H, H)), full((1, H)), full((H, 1)), full((1, 1)),
        ],
        out_specs=full((G, 1)),
        out_shape=jax.ShapeDtypeStruct((G, 1), _f32),
        scratch_shapes=[pltpu.VMEM((G, H), _f32), pltpu.VMEM((G, 1), _f32)],
    )(hv, bf, w1, b1, w2, b2)



_MESH = dict(core_axis_name="c", subcore_axis_name="s")


def _sc_counts(dst_p, ones_rows, zeros_cnt):
    CHC = 256
    nch = EW // CHC

    @functools.partial(
        pl.kernel,
        out_type=jax.ShapeDtypeStruct((NC, NPAD, 16), _f32),
        mesh=plsc.VectorSubcoreMesh(**_MESH),
        compiler_params=pltpu.CompilerParams(use_tc_tiling_on_sc=False),
        scratch_types=[
            pltpu.VMEM((256,), jnp.int32),
            pltpu.VMEM((256, 16), _f32),
            pltpu.VMEM_SHARED((NPAD, 16), _f32),
        ],
    )
    def k(dst_hbm, ones_hbm, zero_hbm, out_hbm, idx_v, ones_v, cnt_sh):
        cid = lax.axis_index("c")
        sid = lax.axis_index("s")
        wid = sid * NC + cid

        @pl.when(sid == 0)
        def _():
            pltpu.sync_copy(zero_hbm, cnt_sh)
        pltpu.sync_copy(ones_hbm, ones_v)
        plsc.subcore_barrier()

        def body(j, _):
            base = wid * EW + j * CHC
            pltpu.sync_copy(dst_hbm.at[pl.ds(base, CHC)], idx_v)
            pltpu.sync_copy(ones_v, cnt_sh.at[idx_v], add=True)
            return 0
        lax.fori_loop(0, nch, body, 0)
        plsc.subcore_barrier()
        pltpu.sync_copy(cnt_sh.at[pl.ds(sid * ROWS_PT, ROWS_PT)],
                        out_hbm.at[cid, pl.ds(sid * ROWS_PT, ROWS_PT)])

    return k(dst_p, ones_rows, zeros_cnt)


def _sc_edge(a_t, b_t, c_e, src_p, dst_p, zeros_s):
    @functools.partial(
        pl.kernel,
        out_type=jax.ShapeDtypeStruct((NC, NPAD, H), _f32),
        mesh=plsc.VectorSubcoreMesh(**_MESH),
        compiler_params=pltpu.CompilerParams(use_tc_tiling_on_sc=False),
        scratch_types=[
            pltpu.VMEM((CHUNK,), jnp.int32),
            pltpu.VMEM((CHUNK,), jnp.int32),
            pltpu.VMEM((CHUNK,), jnp.int32),
            pltpu.VMEM((CHUNK,), jnp.int32),
            pltpu.VMEM((CHUNK,), jnp.int32),
            pltpu.VMEM((CHUNK,), jnp.int32),
            pltpu.VMEM((CHUNK, H), _f32),
            pltpu.VMEM((CHUNK, H), _f32),
            pltpu.VMEM((CHUNK, H), _f32),
            pltpu.VMEM((CHUNK, H), _f32),
            pltpu.VMEM((CHUNK, H), _f32),
            pltpu.VMEM((CHUNK, H), _f32),
            pltpu.VMEM((CHUNK, H), _f32),
            pltpu.VMEM((CHUNK, H), _f32),
            pltpu.SemaphoreType.DMA,
            pltpu.SemaphoreType.DMA,
            pltpu.SemaphoreType.DMA,
            pltpu.SemaphoreType.DMA,
            pltpu.SemaphoreType.DMA,
            pltpu.SemaphoreType.DMA,
            pltpu.VMEM_SHARED((NPAD, H), _f32),
        ],
    )
    def k(a_hbm, b_hbm, c_hbm, src_hbm, dst_hbm, zero_hbm, out_hbm,
          is0, is1, id0, id1, ic0, ic1, ba0, ba1, bb0, bb1, bc0, bc1,
          bh0, bh1, si0, si1, sg0, sg1, ss0, ss1, s_sh):
        IS, ID, IC = [is0, is1], [id0, id1], [ic0, ic1]
        BA, BB, BC, BH = [ba0, ba1], [bb0, bb1], [bc0, bc1], [bh0, bh1]
        SI, SG, SS = [si0, si1], [sg0, sg1], [ss0, ss1]

        cid = lax.axis_index("c")
        sid = lax.axis_index("s")
        wid = sid * NC + cid
        base0 = wid * EW
        tile_rows = pl.ds(sid * ROWS_PT, ROWS_PT)

        @pl.when(sid == 0)
        def _():
            pltpu.sync_copy(zero_hbm, s_sh)
        plsc.subcore_barrier()

        def start_idx(s, j):
            base = base0 + j * CHUNK
            pltpu.async_copy(src_hbm.at[pl.ds(base, CHUNK)], IS[s], SI[s])
            pltpu.async_copy(dst_hbm.at[pl.ds(base, CHUNK)], ID[s], SI[s])
            pltpu.async_copy(c_hbm.at[pl.ds(base, CHUNK)], BC[s], SI[s])

        def wait_idx(s):
            pltpu.make_async_copy(src_hbm.at[pl.ds(0, CHUNK)], IS[s], SI[s]).wait()
            pltpu.make_async_copy(dst_hbm.at[pl.ds(0, CHUNK)], ID[s], SI[s]).wait()
            pltpu.make_async_copy(c_hbm.at[pl.ds(0, CHUNK)], BC[s], SI[s]).wait()

        def start_gather(s):
            pltpu.async_copy(a_hbm.at[IS[s]], BA[s], SG[s])
            pltpu.async_copy(b_hbm.at[ID[s]], BB[s], SG[s])

        def wait_gather(s):
            pltpu.make_async_copy(a_hbm.at[IS[s]], BA[s], SG[s]).wait()
            pltpu.make_async_copy(b_hbm.at[ID[s]], BB[s], SG[s]).wait()

        def start_scatter(s):
            pltpu.async_copy(BH[s], s_sh.at[IC[s]], SS[s], add=True)

        def wait_scatter(s):
            pltpu.make_async_copy(BH[s], s_sh.at[IC[s]], SS[s]).wait()

        def compute(s):
            a_, b_, c_, h_ = BA[s], BB[s], BC[s], BH[s]

            @plsc.parallel_loop(0, CHUNK, unroll=4)
            def _(r):
                for c4 in range(H // 16):
                    sl = pl.ds(c4 * 16, 16)
                    h_[r, sl] = jnp.maximum(a_[r, sl] + b_[r, sl] + c_[r, sl], 0.0)

        def phase(j, s):
            o = 1 - s

            @pl.when(j >= 3)
            def _():
                wait_scatter(o)

            @pl.when(j < NCH)
            def _():
                wait_idx(s)
                start_gather(s)

            @pl.when(jnp.logical_and(j >= 1, j <= NCH))
            def _():
                wait_gather(o)
                for q in range(CHUNK // 16):
                    qs = pl.ds(q * 16, 16)
                    IC[o][qs] = ID[o][qs]
                compute(o)
                start_scatter(o)

            @pl.when(j + 1 < NCH)
            def _():
                start_idx(o, j + 1)

        start_idx(0, 0)

        def pair(i, _):
            j = 2 * i
            phase(j, 0)
            phase(j + 1, 1)
            return 0
        lax.fori_loop(0, (NCH + 2) // 2, pair, 0)
        wait_scatter((NCH - 1) % 2)

        plsc.subcore_barrier()
        pltpu.sync_copy(s_sh.at[tile_rows], out_hbm.at[cid, tile_rows])

    return k(a_t, b_t, c_e, src_p, dst_p, zeros_s)



def kernel(node_features, edge_features, edge_index, batch, params):
    p = params
    src_p = jnp.pad(edge_index[0], (0, EPAD - E))
    dst_p = jnp.pad(edge_index[1], (0, EPAD - E), constant_values=N)
    nf = jnp.pad(node_features, ((0, NPAD - N), (0, 0)))
    ef = jnp.pad(edge_features, ((0, EPAD - E), (0, 0)))
    bf = jnp.pad(batch.astype(_f32), (0, NPAD - N),
                 constant_values=float(G)).reshape(NPAD, 1)

    enW1, enb1, enW2, enb2 = p['enc_node']
    eeW1, eeb1, eeW2, eeb2 = p['enc_edge']
    wc = jnp.concatenate([lp['msg'][0][2 * H:3 * H, :] for lp in p['layers']], axis=1)
    bc = jnp.concatenate([lp['msg'][1] for lp in p['layers']]).reshape(1, 4 * H)

    cs = _enc_edge(ef, eeW1, eeb1.reshape(1, H), eeW2, eeb2.reshape(1, H), wc, bc)
    hv = _mlp_rows(nf, enW1, enb1.reshape(1, H), enW2, enb2.reshape(1, H), H)

    ones_rows = jnp.zeros((256, 16), _f32).at[:, 0].set(1.0)
    cnt2 = _sc_counts(dst_p, ones_rows, jnp.zeros((NPAD, 16), _f32))
    cnt0, cnt1 = cnt2[0], cnt2[1]

    zeros_s = jnp.zeros((NPAD, H), _f32)
    for l, lp in enumerate(p['layers']):
        mW1, mb1, mW2, mb2 = lp['msg']
        uW1, ub1, uW2, ub2 = lp['upd']
        wab = jnp.concatenate([mW1[:H], mW1[H:2 * H]], axis=1)
        a_t, b_t = _ab(hv, wab)
        s2 = _sc_edge(a_t, b_t, cs[l], src_p, dst_p, zeros_s)
        hv = _update(s2[0], s2[1], cnt0, cnt1, hv, mW2, mb2.reshape(1, H),
                     uW1[:H], uW1[H:], ub1.reshape(1, H), uW2, ub2.reshape(1, H))

    dW1, db1, dW2, db2 = p['dec']
    node_pred = _mlp_rows(hv, dW1, db1.reshape(1, H), dW2,
                          db2.reshape(1, NODE_OUT), NODE_OUT)[:N]

    rW1, rb1, rW2, rb2 = p['ro']
    global_pred = _readout(hv, bf, rW1, rb1.reshape(1, H), rW2, rb2.reshape(1, 1))
    return node_pred, global_pred

# --- scband reference (transcript-rebuilt; emitter-appended) ---
"""Pipeline reference for scband-sgn-57518202028479 (READ-ONLY COPY).

The authoritative reference and input builder live on the scoring server;
editing this copy changes nothing except your own understanding.
"""

import jax, jax.numpy as jnp
import numpy as np

N = 10000
E = 320000
NODE_IN = 128
EDGE_IN = 16
H = 64
NODE_OUT = 3
GLOB_OUT = 1
N_LAYERS = 4
G = 16


def _mlp2(x, p):
    W1, b1, W2, b2 = p
    h = jnp.maximum(jnp.dot(x, W1) + b1, 0.0)
    return jnp.dot(h, W2) + b2


def _make_mlp(rng, din, dh, dout):
    W1 = (rng.standard_normal((din, dh)).astype(np.float32) / np.sqrt(din))
    b1 = np.zeros((dh,), np.float32)
    W2 = (rng.standard_normal((dh, dout)).astype(np.float32) / np.sqrt(dh))
    b2 = np.zeros((dout,), np.float32)
    return (jnp.asarray(W1), jnp.asarray(b1), jnp.asarray(W2), jnp.asarray(b2))


def setup_inputs(seed: int = 0) -> dict:
    key = jax.random.key(seed)
    ks = jax.random.split(key, 4)
    node_features = jax.random.normal(ks[0], (N, NODE_IN), dtype=jnp.float32)
    edge_features = jax.random.normal(ks[1], (E, EDGE_IN), dtype=jnp.float32)
    edge_index = jax.random.randint(ks[2], (2, E), 0, N, dtype=jnp.int32)
    batch = jnp.sort(jax.random.randint(ks[3], (N,), 0, G, dtype=jnp.int32))
    rng = np.random.default_rng(0)
    params = {
        'enc_node': _make_mlp(rng, NODE_IN, H, H),
        'enc_edge': _make_mlp(rng, EDGE_IN, H, H),
        'layers': [
            {'msg': _make_mlp(rng, 3 * H, H, H), 'upd': _make_mlp(rng, 2 * H, H, H)}
            for _ in range(N_LAYERS)
        ],
        'dec': _make_mlp(rng, H, H, NODE_OUT),
        'ro': _make_mlp(rng, H, H, GLOB_OUT),
    }
    return {'node_features': node_features, 'edge_features': edge_features,
            'edge_index': edge_index, 'batch': batch, 'params': params}


def _forward(node_features, edge_features, edge_index, batch, params):
    # Encoder
    h_v = _mlp2(node_features, params['enc_node'])
    h_e = _mlp2(edge_features, params['enc_edge'])
    src = edge_index[0]
    dst = edge_index[1]
    # Processor: interaction layers of message passing with mean aggregation
    for lp in params['layers']:
        h_src = jnp.take(h_v, src, axis=0)
        h_dst = jnp.take(h_v, dst, axis=0)
        message_input = jnp.concatenate([h_src, h_dst, h_e], axis=-1)
        messages = _mlp2(message_input, lp['msg'])
        agg_sum = jax.ops.segment_sum(messages, dst, num_segments=N)
        counts = jax.ops.segment_sum(jnp.ones((E,), jnp.float32), dst, num_segments=N)
        aggregated = agg_sum / jnp.clip(counts, 1.0, None)[:, None]
        update_input = jnp.concatenate([h_v, aggregated], axis=-1)
        h_v = _mlp2(update_input, lp['upd'])
    # Node decoder
    node_pred = _mlp2(h_v, params['dec'])
    # Global readout: per-graph mean pooling + MLP
    pool_sum = jax.ops.segment_sum(h_v, batch, num_segments=G)
    pool_cnt = jax.ops.segment_sum(jnp.ones((N,), jnp.float32), batch, num_segments=G)
    pooled = pool_sum / jnp.clip(pool_cnt, 1.0, None)[:, None]
    global_pred = _mlp2(pooled, params['ro'])
    return node_pred, global_pred


def reference(node_features, edge_features, edge_index, batch, params):
    return _forward(node_features, edge_features, edge_index, batch, params)

if __name__ == "__main__":
    import jax
    _d = setup_inputs()
    print(jax.jit(kernel)(*tuple(_d.values())))

</pallas_src>

<mosaic_0001>
#map = affine_map<(d0, d1) -> (0)>
#map1 = affine_map<(d0, d1) -> (0, 0)>
#map2 = affine_map<(d0, d1) -> (0, 0, 0)>
module attributes {stable_mosaic.version = 14 : i64} {
  func.func @k(%arg0: i32, %arg1: i32, %arg2: memref<327680xi32, #tpu.memory_space<hbm>>, %arg3: memref<256x16xf32, #tpu.memory_space<hbm>>, %arg4: memref<10240x16xf32, #tpu.memory_space<hbm>>, %arg5: memref<2x10240x16xf32, #tpu.memory_space<hbm>>, %arg6: memref<256xi32, #tpu.memory_space<vmem>>, %arg7: memref<256x16xf32, #tpu.memory_space<vmem>>, %arg8: memref<10240x16xf32, #tpu.memory_space<vmem_shared>>) attributes {dimension_semantics = [#tpu.dimension_semantics<core_parallel>, #tpu.dimension_semantics<subcore_parallel>], iteration_bounds = array<i64: 2, 16>, scalar_prefetch = 0 : i64, scratch_operands = 3 : i64, tpu.core_type = #tpu.core_type<sc_vector_subcore>, window_params = [{transform_indices = #map}, {transform_indices = #map1}, {transform_indices = #map1}, {transform_indices = #map2}]} {
    %mul3A = arith.constant 2 : i32
    %mul3A_0 = arith.muli %arg1, %mul3A : i32
    %add3A = arith.addi %mul3A_0, %arg0 : i32
    %eq3A = arith.constant 0 : i32
    %eq3A_1 = arith.cmpi eq, %arg1, %eq3A : i32
    %convert_element_type3A = arith.extui %eq3A_1 : i1 to i32
    %cond3A = arith.constant 0 : i32
    %cond3A_2 = arith.cmpi ne, %convert_element_type3A, %cond3A : i32
    scf.if %cond3A_2 {
      "tpu.region"() ({
        %run_scoped3A = tpu.sem_alloc : memref<!tpu.dma_semaphore, #tpu.memory_space<semaphore_mem>>
        tpu.enqueue_dma source(%arg4 : memref<10240x16xf32, #tpu.memory_space<hbm>>) target(%arg8 : memref<10240x16xf32, #tpu.memory_space<vmem_shared>>) target_semaphore(%run_scoped3A : memref<!tpu.dma_semaphore, #tpu.memory_space<semaphore_mem>>)
        tpu.wait_dma2 semaphore(%run_scoped3A : memref<!tpu.dma_semaphore, #tpu.memory_space<semaphore_mem>>) src(%arg4 : memref<10240x16xf32, #tpu.memory_space<hbm>>) dst(%arg8 : memref<10240x16xf32, #tpu.memory_space<vmem_shared>>)
        tpu.yield
      }) : () -> ()
    } else {
    }
    "tpu.region"() ({
      %run_scoped3A = tpu.sem_alloc : memref<!tpu.dma_semaphore, #tpu.memory_space<semaphore_mem>>
      tpu.enqueue_dma source(%arg3 : memref<256x16xf32, #tpu.memory_space<hbm>>) target(%arg7 : memref<256x16xf32, #tpu.memory_space<vmem>>) target_semaphore(%run_scoped3A : memref<!tpu.dma_semaphore, #tpu.memory_space<semaphore_mem>>)
      tpu.wait_dma2 semaphore(%run_scoped3A : memref<!tpu.dma_semaphore, #tpu.memory_space<semaphore_mem>>) src(%arg3 : memref<256x16xf32, #tpu.memory_space<hbm>>) dst(%arg7 : memref<256x16xf32, #tpu.memory_space<vmem>>)
      tpu.yield
    }) : () -> ()
    %barrier3A = arith.constant 0 : index
    tpu.barrier barrier_id(%barrier3A)
    %scan3A = arith.constant 0 : i32
    %scan3A_3 = arith.constant 0 : i32
    %scan3A_4 = arith.constant 40 : i32
    %scan3A_5 = arith.addi %scan3A_3, %scan3A_4 : i32
    %scan3A_6 = arith.constant 1 : i32
    %scan3A_7 = scf.for %scan3A_14 = %scan3A_3 to %scan3A_5 step %scan3A_6 iter_args(%scan3A_15 = %scan3A) -> (i32)  : i32 {
      %mul3A_16 = arith.constant 10240 : i32
      %mul3A_17 = arith.muli %add3A, %mul3A_16 : i32
      %mul3A_18 = arith.constant 256 : i32
      %mul3A_19 = arith.muli %scan3A_14, %mul3A_18 : i32
      %add3A_20 = arith.addi %mul3A_17, %mul3A_19 : i32
      "tpu.region"() ({
        %run_scoped3A = tpu.sem_alloc : memref<!tpu.dma_semaphore, #tpu.memory_space<semaphore_mem>>
        %dma_start3A = tpu.memref_slice %arg2[%add3A_20] : memref<327680xi32, #tpu.memory_space<hbm>> -> memref<256xi32, #tpu.memory_space<hbm>>
        %dma_start3A_22 = tpu.memref_slice %arg2[%add3A_20] : memref<327680xi32, #tpu.memory_space<hbm>> -> memref<256xi32, #tpu.memory_space<hbm>>
        tpu.enqueue_dma source(%dma_start3A_22 : memref<256xi32, #tpu.memory_space<hbm>>) target(%arg6 : memref<256xi32, #tpu.memory_space<vmem>>) target_semaphore(%run_scoped3A : memref<!tpu.dma_semaphore, #tpu.memory_space<semaphore_mem>>)
        %dma_wait3A = tpu.memref_slice %arg2[%add3A_20] : memref<327680xi32, #tpu.memory_space<hbm>> -> memref<256xi32, #tpu.memory_space<hbm>>
        %dma_wait3A_23 = tpu.memref_slice %arg2[%add3A_20] : memref<327680xi32, #tpu.memory_space<hbm>> -> memref<256xi32, #tpu.memory_space<hbm>>
        tpu.wait_dma2 semaphore(%run_scoped3A : memref<!tpu.dma_semaphore, #tpu.memory_space<semaphore_mem>>) src(%dma_wait3A_23 : memref<256xi32, #tpu.memory_space<hbm>>) dst(%arg6 : memref<256xi32, #tpu.memory_space<vmem>>)
        tpu.yield
      }) : () -> ()
      "tpu.region"() ({
        %run_scoped3A = tpu.sem_alloc : memref<!tpu.dma_semaphore, #tpu.memory_space<semaphore_mem>>
        %dma_start3A = arith.constant 0 : i32
        %dma_start3A_22 = arith.constant 0 : i32
        %dma_start3A_23 = tpu.memref_slice %arg8[%dma_start3A, %dma_start3A_22] : memref<10240x16xf32, #tpu.memory_space<vmem_shared>> -> memref<10240x16xf32, #tpu.memory_space<vmem_shared>>
        tpu.enqueue_indirect_dma source(%arg7 : memref<256x16xf32, #tpu.memory_space<vmem>>) target(%dma_start3A_23 : memref<10240x16xf32, #tpu.memory_space<vmem_shared>>) offsets(%arg6 : memref<256xi32, #tpu.memory_space<vmem>>) semaphore(%run_scoped3A : memref<!tpu.dma_semaphore, #tpu.memory_space<semaphore_mem>>) {add = true}
        %dma_wait3A = arith.constant 0 : i32
        %dma_wait3A_24 = arith.constant 0 : i32
        %dma_wait3A_25 = tpu.memref_slice %arg8[%dma_wait3A, %dma_wait3A_24] : memref<10240x16xf32, #tpu.memory_space<vmem_shared>> -> memref<10240x16xf32, #tpu.memory_space<vmem_shared>>
        tpu.wait_indirect_dma semaphore(%run_scoped3A : memref<!tpu.dma_semaphore, #tpu.memory_space<semaphore_mem>>) src(%arg7 : memref<256x16xf32, #tpu.memory_space<vmem>>) dst(%dma_wait3A_25 : memref<10240x16xf32, #tpu.memory_space<vmem_shared>>)
        tpu.yield
      }) : () -> ()
      %scan3A_21 = arith.constant 0 : i32
      scf.yield %scan3A_21 : i32
    }
    %scan3A_8 = arith.constant 40 : i32
    %barrier3A_9 = arith.constant 0 : index
    tpu.barrier barrier_id(%barrier3A_9)
    %mul3A_10 = arith.constant 640 : i32
    %mul3A_11 = arith.muli %arg1, %mul3A_10 : i32
    %mul3A_12 = arith.constant 640 : i32
    %mul3A_13 = arith.muli %arg1, %mul3A_12 : i32
    "tpu.region"() ({
      %run_scoped3A = tpu.sem_alloc : memref<!tpu.dma_semaphore, #tpu.memory_space<semaphore_mem>>
      %dma_start3A = arith.constant 0 : i32
      %dma_start3A_14 = tpu.memref_slice %arg5[%arg0, %mul3A_13, %dma_start3A] : memref<2x10240x16xf32, #tpu.memory_space<hbm>> -> memref<1x640x16xf32, #tpu.memory_space<hbm>>
      %dma_start3A_15 = tpu.memref_squeeze %dma_start3A_14 : memref<1x640x16xf32, #tpu.memory_space<hbm>> -> memref<640x16xf32, #tpu.memory_space<hbm>>
      %dma_start3A_16 = arith.constant 0 : i32
      %dma_start3A_17 = tpu.memref_slice %arg8[%mul3A_11, %dma_start3A_16] : memref<10240x16xf32, #tpu.memory_space<vmem_shared>> -> memref<640x16xf32, #tpu.memory_space<vmem_shared>>
      tpu.enqueue_dma source(%dma_start3A_17 : memref<640x16xf32, #tpu.memory_space<vmem_shared>>) target(%dma_start3A_15 : memref<640x16xf32, #tpu.memory_space<hbm>>) target_semaphore(%run_scoped3A : memref<!tpu.dma_semaphore, #tpu.memory_space<semaphore_mem>>)
      %dma_wait3A = arith.constant 0 : i32
      %dma_wait3A_18 = tpu.memref_slice %arg5[%arg0, %mul3A_13, %dma_wait3A] : memref<2x10240x16xf32, #tpu.memory_space<hbm>> -> memref<1x640x16xf32, #tpu.memory_space<hbm>>
      %dma_wait3A_19 = tpu.memref_squeeze %dma_wait3A_18 : memref<1x640x16xf32, #tpu.memory_space<hbm>> -> memref<640x16xf32, #tpu.memory_space<hbm>>
      %dma_wait3A_20 = arith.constant 0 : i32
      %dma_wait3A_21 = tpu.memref_slice %arg8[%mul3A_11, %dma_wait3A_20] : memref<10240x16xf32, #tpu.memory_space<vmem_shared>> -> memref<640x16xf32, #tpu.memory_space<vmem_shared>>
      tpu.wait_dma2 semaphore(%run_scoped3A : memref<!tpu.dma_semaphore, #tpu.memory_space<semaphore_mem>>) src(%dma_wait3A_21 : memref<640x16xf32, #tpu.memory_space<vmem_shared>>) dst(%dma_wait3A_19 : memref<640x16xf32, #tpu.memory_space<hbm>>)
      tpu.yield
    }) : () -> ()
    return
  }
}

#map = affine_map<(d0, d1) -> (0, 0)>
#map1 = affine_map<(d0, d1) -> (0)>
#map2 = affine_map<(d0, d1) -> (0, 0, 0)>
module attributes {stable_mosaic.version = 14 : i64} {
  func.func @k(%arg0: i32, %arg1: i32, %arg2: memref<10240x64xf32, #tpu.memory_space<hbm>>, %arg3: memref<10240x64xf32, #tpu.memory_space<hbm>>, %arg4: memref<327680x64xf32, #tpu.memory_space<hbm>>, %arg5: memref<327680xi32, #tpu.memory_space<hbm>>, %arg6: memref<327680xi32, #tpu.memory_space<hbm>>, %arg7: memref<10240x64xf32, #tpu.memory_space<hbm>>, %arg8: memref<2x10240x64xf32, #tpu.memory_space<hbm>>, %arg9: memref<128xi32, #tpu.memory_space<vmem>>, %arg10: memref<128xi32, #tpu.memory_space<vmem>>, %arg11: memref<128xi32, #tpu.memory_space<vmem>>, %arg12: memref<128xi32, #tpu.memory_space<vmem>>, %arg13: memref<128xi32, #tpu.memory_space<vmem>>, %arg14: memref<128xi32, #tpu.memory_space<vmem>>, %arg15: memref<128x64xf32, #tpu.memory_space<vmem>>, %arg16: memref<128x64xf32, #tpu.memory_space<vmem>>, %arg17: memref<128x64xf32, #tpu.memory_space<vmem>>, %arg18: memref<128x64xf32, #tpu.memory_space<vmem>>, %arg19: memref<128x64xf32, #tpu.memory_space<vmem>>, %arg20: memref<128x64xf32, #tpu.memory_space<vmem>>, %arg21: memref<128x64xf32, #tpu.memory_space<vmem>>, %arg22: memref<128x64xf32, #tpu.memory_space<vmem>>, %arg23: memref<!tpu.dma_semaphore, #tpu.memory_space<semaphore_mem>>, %arg24: memref<!tpu.dma_semaphore, #tpu.memory_space<semaphore_mem>>, %arg25: memref<!tpu.dma_semaphore, #tpu.memory_space<semaphore_mem>>, %arg26: memref<!tpu.dma_semaphore, #tpu.memory_space<semaphore_mem>>, %arg27: memref<!tpu.dma_semaphore, #tpu.memory_space<semaphore_mem>>, %arg28: memref<!tpu.dma_semaphore, #tpu.memory_space<semaphore_mem>>, %arg29: memref<10240x64xf32, #tpu.memory_space<vmem_shared>>) attributes {dimension_semantics = [#tpu.dimension_semantics<core_parallel>, #tpu.dimension_semantics<subcore_parallel>], iteration_bounds = array<i64: 2, 16>, scalar_prefetch = 0 : i64, scratch_operands = 21 : i64, tpu.core_type = #tpu.core_type<sc_vector_subcore>, window_params = [{transform_indices = #map}, {transform_indices = #map}, {transform_indices = #map}, {transform_indices = #map1}, {transform_indices = #map1}, {transform_indices = #map}, {transform_indices = #map2}]} {
    %mul3A = arith.constant 2 : i32
    %mul3A_0 = arith.muli %arg1, %mul3A : i32
    %add3A = arith.addi %mul3A_0, %arg0 : i32
    %mul3A_1 = arith.constant 10240 : i32
    %mul3A_2 = arith.muli %add3A, %mul3A_1 : i32
    %mul3A_3 = arith.constant 640 : i32
    %mul3A_4 = arith.muli %arg1, %mul3A_3 : i32
    %eq3A = arith.constant 0 : i32
    %eq3A_5 = arith.cmpi eq, %arg1, %eq3A : i32
    %convert_element_type3A = arith.extui %eq3A_5 : i1 to i32
    %cond3A = arith.constant 0 : i32
    %cond3A_6 = arith.cmpi ne, %convert_element_type3A, %cond3A : i32
    scf.if %cond3A_6 {
      "tpu.region"() ({
        %run_scoped3A = tpu.sem_alloc : memref<!tpu.dma_semaphore, #tpu.memory_space<semaphore_mem>>
        tpu.enqueue_dma source(%arg7 : memref<10240x64xf32, #tpu.memory_space<hbm>>) target(%arg29 : memref<10240x64xf32, #tpu.memory_space<vmem_shared>>) target_semaphore(%run_scoped3A : memref<!tpu.dma_semaphore, #tpu.memory_space<semaphore_mem>>)
        tpu.wait_dma2 semaphore(%run_scoped3A : memref<!tpu.dma_semaphore, #tpu.memory_space<semaphore_mem>>) src(%arg7 : memref<10240x64xf32, #tpu.memory_space<hbm>>) dst(%arg29 : memref<10240x64xf32, #tpu.memory_space<vmem_shared>>)
        tpu.yield
      }) : () -> ()
    } else {
    }
    %barrier3A = arith.constant 0 : index
    tpu.barrier barrier_id(%barrier3A)
    %add3A_7 = arith.constant 0 : i32
    %add3A_8 = arith.addi %mul3A_2, %add3A_7 : i32
    %dma_start3A = tpu.memref_slice %arg5[%add3A_8] : memref<327680xi32, #tpu.memory_space<hbm>> -> memref<128xi32, #tpu.memory_space<hbm>>
    %dma_start3A_9 = tpu.memref_slice %arg5[%add3A_8] : memref<327680xi32, #tpu.memory_space<hbm>> -> memref<128xi32, #tpu.memory_space<hbm>>
    tpu.enqueue_dma source(%dma_start3A_9 : memref<128xi32, #tpu.memory_space<hbm>>) target(%arg9 : memref<128xi32, #tpu.memory_space<vmem>>) target_semaphore(%arg23 : memref<!tpu.dma_semaphore, #tpu.memory_space<semaphore_mem>>)
    %dma_start3A_10 = tpu.memref_slice %arg6[%add3A_8] : memref<327680xi32, #tpu.memory_space<hbm>> -> memref<128xi32, #tpu.memory_space<hbm>>
    %dma_start3A_11 = tpu.memref_slice %arg6[%add3A_8] : memref<327680xi32, #tpu.memory_space<hbm>> -> memref<128xi32, #tpu.memory_space<hbm>>
    tpu.enqueue_dma source(%dma_start3A_11 : memref<128xi32, #tpu.memory_space<hbm>>) target(%arg11 : memref<128xi32, #tpu.memory_space<vmem>>) target_semaphore(%arg23 : memref<!tpu.dma_semaphore, #tpu.memory_space<semaphore_mem>>)
    %dma_start3A_12 = arith.constant 0 : i32
    %dma_start3A_13 = tpu.memref_slice %arg4[%add3A_8, %dma_start3A_12] : memref<327680x64xf32, #tpu.memory_space<hbm>> -> memref<128x64xf32, #tpu.memory_space<hbm>>
    %dma_start3A_14 = arith.constant 0 : i32
    %dma_start3A_15 = tpu.memref_slice %arg4[%add3A_8, %dma_start3A_14] : memref<327680x64xf32, #tpu.memory_space<hbm>> -> memref<128x64xf32, #tpu.memory_space<hbm>>
    tpu.enqueue_dma source(%dma_start3A_15 : memref<128x64xf32, #tpu.memory_space<hbm>>) target(%arg19 : memref<128x64xf32, #tpu.memory_space<vmem>>) target_semaphore(%arg23 : memref<!tpu.dma_semaphore, #tpu.memory_space<semaphore_mem>>)
    %scan3A = arith.constant 0 : i32
    %scan3A_16 = arith.constant 0 : i32
    %scan3A_17 = arith.constant 41 : i32
    %scan3A_18 = arith.addi %scan3A_16, %scan3A_17 : i32
    %scan3A_19 = arith.constant 1 : i32
    %scan3A_20 = scf.for %scan3A_25 = %scan3A_16 to %scan3A_18 step %scan3A_19 iter_args(%scan3A_26 = %scan3A) -> (i32)  : i32 {
      %mul3A_27 = arith.constant 2 : i32
      %mul3A_28 = arith.muli %mul3A_27, %scan3A_25 : i32
      %ge3A = arith.constant 3 : i32
      %ge3A_29 = arith.cmpi sge, %mul3A_28, %ge3A : i32
      %convert_element_type3A_30 = arith.extui %ge3A_29 : i1 to i32
      %cond3A_31 = arith.constant 0 : i32
      %cond3A_32 = arith.cmpi ne, %convert_element_type3A_30, %cond3A_31 : i32
      scf.if %cond3A_32 {
        %dma_wait3A_78 = arith.constant 0 : i32
        %dma_wait3A_79 = arith.constant 0 : i32
        %dma_wait3A_80 = tpu.memref_slice %arg29[%dma_wait3A_78, %dma_wait3A_79] : memref<10240x64xf32, #tpu.memory_space<vmem_shared>> -> memref<10240x64xf32, #tpu.memory_space<vmem_shared>>
        tpu.wait_indirect_dma semaphore(%arg28 : memref<!tpu.dma_semaphore, #tpu.memory_space<semaphore_mem>>) src(%arg22 : memref<128x64xf32, #tpu.memory_space<vmem>>) dst(%dma_wait3A_80 : memref<10240x64xf32, #tpu.memory_space<vmem_shared>>)
      } else {
      }
      %lt3A = arith.constant 80 : i32
      %lt3A_33 = arith.cmpi slt, %mul3A_28, %lt3A : i32
      %convert_element_type3A_34 = arith.extui %lt3A_33 : i1 to i32
      %cond3A_35 = arith.constant 0 : i32
      %cond3A_36 = arith.cmpi ne, %convert_element_type3A_34, %cond3A_35 : i32
      scf.if %cond3A_36 {
        %dma_wait3A_78 = arith.constant 0 : i32
        %dma_wait3A_79 = tpu.memref_slice %arg5[%dma_wait3A_78] : memref<327680xi32, #tpu.memory_space<hbm>> -> memref<128xi32, #tpu.memory_space<hbm>>
        %dma_wait3A_80 = arith.constant 0 : i32
        %dma_wait3A_81 = tpu.memref_slice %arg5[%dma_wait3A_80] : memref<327680xi32, #tpu.memory_space<hbm>> -> memref<128xi32, #tpu.memory_space<hbm>>
        tpu.wait_dma2 semaphore(%arg23 : memref<!tpu.dma_semaphore, #tpu.memory_space<semaphore_mem>>) src(%dma_wait3A_81 : memref<128xi32, #tpu.memory_space<hbm>>) dst(%arg9 : memref<128xi32, #tpu.memory_space<vmem>>)
        %dma_wait3A_82 = arith.constant 0 : i32
        %dma_wait3A_83 = tpu.memref_slice %arg6[%dma_wait3A_82] : memref<327680xi32, #tpu.memory_space<hbm>> -> memref<128xi32, #tpu.memory_space<hbm>>
        %dma_wait3A_84 = arith.constant 0 : i32
        %dma_wait3A_85 = tpu.memref_slice %arg6[%dma_wait3A_84] : memref<327680xi32, #tpu.memory_space<hbm>> -> memref<128xi32, #tpu.memory_space<hbm>>
        tpu.wait_dma2 semaphore(%arg23 : memref<!tpu.dma_semaphore, #tpu.memory_space<semaphore_mem>>) src(%dma_wait3A_85 : memref<128xi32, #tpu.memory_space<hbm>>) dst(%arg11 : memref<128xi32, #tpu.memory_space<vmem>>)
        %dma_wait3A_86 = arith.constant 0 : i32
        %dma_wait3A_87 = arith.constant 0 : i32
        %dma_wait3A_88 = tpu.memref_slice %arg4[%dma_wait3A_86, %dma_wait3A_87] : memref<327680x64xf32, #tpu.memory_space<hbm>> -> memref<128x64xf32, #tpu.memory_space<hbm>>
        %dma_wait3A_89 = arith.constant 0 : i32
        %dma_wait3A_90 = arith.constant 0 : i32
        %dma_wait3A_91 = tpu.memref_slice %arg4[%dma_wait3A_89, %dma_wait3A_90] : memref<327680x64xf32, #tpu.memory_space<hbm>> -> memref<128x64xf32, #tpu.memory_space<hbm>>
        tpu.wait_dma2 semaphore(%arg23 : memref<!tpu.dma_semaphore, #tpu.memory_space<semaphore_mem>>) src(%dma_wait3A_91 : memref<128x64xf32, #tpu.memory_space<hbm>>) dst(%arg19 : memref<128x64xf32, #tpu.memory_space<vmem>>)
        %dma_start3A_92 = arith.constant 0 : i32
        %dma_start3A_93 = arith.constant 0 : i32
        %dma_start3A_94 = tpu.memref_slice %arg2[%dma_start3A_92, %dma_start3A_93] : memref<10240x64xf32, #tpu.memory_space<hbm>> -> memref<10240x64xf32, #tpu.memory_space<hbm>>
        tpu.enqueue_indirect_dma source(%dma_start3A_94 : memref<10240x64xf32, #tpu.memory_space<hbm>>) target(%arg15 : memref<128x64xf32, #tpu.memory_space<vmem>>) offsets(%arg9 : memref<128xi32, #tpu.memory_space<vmem>>) semaphore(%arg25 : memref<!tpu.dma_semaphore, #tpu.memory_space<semaphore_mem>>)
        %dma_start3A_95 = arith.constant 0 : i32
        %dma_start3A_96 = arith.constant 0 : i32
        %dma_start3A_97 = tpu.memref_slice %arg3[%dma_start3A_95, %dma_start3A_96] : memref<10240x64xf32, #tpu.memory_space<hbm>> -> memref<10240x64xf32, #tpu.memory_space<hbm>>
        tpu.enqueue_indirect_dma source(%dma_start3A_97 : memref<10240x64xf32, #tpu.memory_space<hbm>>) target(%arg17 : memref<128x64xf32, #tpu.memory_space<vmem>>) offsets(%arg11 : memref<128xi32, #tpu.memory_space<vmem>>) semaphore(%arg25 : memref<!tpu.dma_semaphore, #tpu.memory_space<semaphore_mem>>)
      } else {
      }
      %ge3A_37 = arith.constant 1 : i32
      %ge3A_38 = arith.cmpi sge, %mul3A_28, %ge3A_37 : i32
      %le3A = arith.constant 80 : i32
      %le3A_39 = arith.cmpi sle, %mul3A_28, %le3A : i32
      %and3A = arith.andi %ge3A_38, %le3A_39 : i1
      %convert_element_type3A_40 = arith.extui %and3A : i1 to i32
      %cond3A_41 = arith.constant 0 : i32
      %cond3A_42 = arith.cmpi ne, %convert_element_type3A_40, %cond3A_41 : i32
      scf.if %cond3A_42 {
        %dma_wait3A_78 = arith.constant 0 : i32
        %dma_wait3A_79 = arith.constant 0 : i32
        %dma_wait3A_80 = tpu.memref_slice %arg2[%dma_wait3A_78, %dma_wait3A_79] : memref<10240x64xf32, #tpu.memory_space<hbm>> -> memref<10240x64xf32, #tpu.memory_space<hbm>>
        tpu.wait_indirect_dma semaphore(%arg26 : memref<!tpu.dma_semaphore, #tpu.memory_space<semaphore_mem>>) src(%dma_wait3A_80 : memref<10240x64xf32, #tpu.memory_space<hbm>>) dst(%arg16 : memref<128x64xf32, #tpu.memory_space<vmem>>)
        %dma_wait3A_81 = arith.constant 0 : i32
        %dma_wait3A_82 = arith.constant 0 : i32
        %dma_wait3A_83 = tpu.memref_slice %arg3[%dma_wait3A_81, %dma_wait3A_82] : memref<10240x64xf32, #tpu.memory_space<hbm>> -> memref<10240x64xf32, #tpu.memory_space<hbm>>
        tpu.wait_indirect_dma semaphore(%arg26 : memref<!tpu.dma_semaphore, #tpu.memory_space<semaphore_mem>>) src(%dma_wait3A_83 : memref<10240x64xf32, #tpu.memory_space<hbm>>) dst(%arg18 : memref<128x64xf32, #tpu.memory_space<vmem>>)
        %get3A = arith.constant 0 : index
        %get3A_84 = tpu.vector_load %arg12[%get3A] {strides = array<i32>} : memref<128xi32, #tpu.memory_space<vmem>>, vector<16xi32>,
        %get3A_85 = vector.shape_cast %get3A_84 : vector<16xi32> to vector<16xi32>
        %swap3A = arith.constant 0 : index
        %swap3A_86 = tpu.vector_load %arg14[%swap3A] {strides = array<i32>} : memref<128xi32, #tpu.memory_space<vmem>>, vector<16xi32>,
        %swap3A_87 = vector.shape_cast %swap3A_86 : vector<16xi32> to vector<16xi32>
        %swap3A_88 = vector.shape_cast %get3A_85 : vector<16xi32> to vector<16xi32>
        tpu.vector_store %arg14[%swap3A], %swap3A_88 {strides = array<i32>} : memref<128xi32, #tpu.memory_space<vmem>>, vector<16xi32>,
        %get3A_89 = arith.constant 16 : index
        %get3A_90 = tpu.vector_load %arg12[%get3A_89] {strides = array<i32>} : memref<128xi32, #tpu.memory_space<vmem>>, vector<16xi32>,
        %get3A_91 = vector.shape_cast %get3A_90 : vector<16xi32> to vector<16xi32>
        %swap3A_92 = arith.constant 16 : index
        %swap3A_93 = tpu.vector_load %arg14[%swap3A_92] {strides = array<i32>} : memref<128xi32, #tpu.memory_space<vmem>>, vector<16xi32>,
        %swap3A_94 = vector.shape_cast %swap3A_93 : vector<16xi32> to vector<16xi32>
        %swap3A_95 = vector.shape_cast %get3A_91 : vector<16xi32> to vector<16xi32>
        tpu.vector_store %arg14[%swap3A_92], %swap3A_95 {strides = array<i32>} : memref<128xi32, #tpu.memory_space<vmem>>, vector<16xi32>,
        %get3A_96 = arith.constant 32 : index
        %get3A_97 = tpu.vector_load %arg12[%get3A_96] {strides = array<i32>} : memref<128xi32, #tpu.memory_space<vmem>>, vector<16xi32>,
        %get3A_98 = vector.shape_cast %get3A_97 : vector<16xi32> to vector<16xi32>
        %swap3A_99 = arith.constant 32 : index
        %swap3A_100 = tpu.vector_load %arg14[%swap3A_99] {strides = array<i32>} : memref<128xi32, #tpu.memory_space<vmem>>, vector<16xi32>,
        %swap3A_101 = vector.shape_cast %swap3A_100 : vector<16xi32> to vector<16xi32>
        %swap3A_102 = vector.shape_cast %get3A_98 : vector<16xi32> to vector<16xi32>
        tpu.vector_store %arg14[%swap3A_99], %swap3A_102 {strides = array<i32>} : memref<128xi32, #tpu.memory_space<vmem>>, vector<16xi32>,
        %get3A_103 = arith.constant 48 : index
        %get3A_104 = tpu.vector_load %arg12[%get3A_103] {strides = array<i32>} : memref<128xi32, #tpu.memory_space<vmem>>, vector<16xi32>,
        %get3A_105 = vector.shape_cast %get3A_104 : vector<16xi32> to vector<16xi32>
        %swap3A_106 = arith.constant 48 : index
        %swap3A_107 = tpu.vector_load %arg14[%swap3A_106] {strides = array<i32>} : memref<128xi32, #tpu.memory_space<vmem>>, vector<16xi32>,
        %swap3A_108 = vector.shape_cast %swap3A_107 : vector<16xi32> to vector<16xi32>
        %swap3A_109 = vector.shape_cast %get3A_105 : vector<16xi32> to vector<16xi32>
        tpu.vector_store %arg14[%swap3A_106], %swap3A_109 {strides = array<i32>} : memref<128xi32, #tpu.memory_space<vmem>>, vector<16xi32>,
        %get3A_110 = arith.constant 64 : index
        %get3A_111 = tpu.vector_load %arg12[%get3A_110] {strides = array<i32>} : memref<128xi32, #tpu.memory_space<vmem>>, vector<16xi32>,
        %get3A_112 = vector.shape_cast %get3A_111 : vector<16xi32> to vector<16xi32>
        %swap3A_113 = arith.constant 64 : index
        %swap3A_114 = tpu.vector_load %arg14[%swap3A_113] {strides = array<i32>} : memref<128xi32, #tpu.memory_space<vmem>>, vector<16xi32>,
        %swap3A_115 = vector.shape_cast %swap3A_114 : vector<16xi32> to vector<16xi32>
        %swap3A_116 = vector.shape_cast %get3A_112 : vector<16xi32> to vector<16xi32>
        tpu.vector_store %arg14[%swap3A_113], %swap3A_116 {strides = array<i32>} : memref<128xi32, #tpu.memory_space<vmem>>, vector<16xi32>,
        %get3A_117 = arith.constant 80 : index
        %get3A_118 = tpu.vector_load %arg12[%get3A_117] {strides = array<i32>} : memref<128xi32, #tpu.memory_space<vmem>>, vector<16xi32>,
        %get3A_119 = vector.shape_cast %get3A_118 : vector<16xi32> to vector<16xi32>
        %swap3A_120 = arith.constant 80 : index
        %swap3A_121 = tpu.vector_load %arg14[%swap3A_120] {strides = array<i32>} : memref<128xi32, #tpu.memory_space<vmem>>, vector<16xi32>,
        %swap3A_122 = vector.shape_cast %swap3A_121 : vector<16xi32> to vector<16xi32>
        %swap3A_123 = vector.shape_cast %get3A_119 : vector<16xi32> to vector<16xi32>
        tpu.vector_store %arg14[%swap3A_120], %swap3A_123 {strides = array<i32>} : memref<128xi32, #tpu.memory_space<vmem>>, vector<16xi32>,
        %get3A_124 = arith.constant 96 : index
        %get3A_125 = tpu.vector_load %arg12[%get3A_124] {strides = array<i32>} : memref<128xi32, #tpu.memory_space<vmem>>, vector<16xi32>,
        %get3A_126 = vector.shape_cast %get3A_125 : vector<16xi32> to vector<16xi32>
        %swap3A_127 = arith.constant 96 : index
        %swap3A_128 = tpu.vector_load %arg14[%swap3A_127] {strides = array<i32>} : memref<128xi32, #tpu.memory_space<vmem>>, vector<16xi32>,
        %swap3A_129 = vector.shape_cast %swap3A_128 : vector<16xi32> to vector<16xi32>
        %swap3A_130 = vector.shape_cast %get3A_126 : vector<16xi32> to vector<16xi32>
        tpu.vector_store %arg14[%swap3A_127], %swap3A_130 {strides = array<i32>} : memref<128xi32, #tpu.memory_space<vmem>>, vector<16xi32>,
        %get3A_131 = arith.constant 112 : index
        %get3A_132 = tpu.vector_load %arg12[%get3A_131] {strides = array<i32>} : memref<128xi32, #tpu.memory_space<vmem>>, vector<16xi32>,
        %get3A_133 = vector.shape_cast %get3A_132 : vector<16xi32> to vector<16xi32>
        %swap3A_134 = arith.constant 112 : index
        %swap3A_135 = tpu.vector_load %arg14[%swap3A_134] {strides = array<i32>} : memref<128xi32, #tpu.memory_space<vmem>>, vector<16xi32>,
        %swap3A_136 = vector.shape_cast %swap3A_135 : vector<16xi32> to vector<16xi32>
        %swap3A_137 = vector.shape_cast %get3A_133 : vector<16xi32> to vector<16xi32>
        tpu.vector_store %arg14[%swap3A_134], %swap3A_137 {strides = array<i32>} : memref<128xi32, #tpu.memory_space<vmem>>, vector<16xi32>,
        %parallel_loop3A = arith.constant 0 : i32
        %parallel_loop3A_138 = arith.constant 128 : i32
        %parallel_loop3A_139 = arith.constant 1 : i32
        scf.for %parallel_loop3A_143 = %parallel_loop3A to %parallel_loop3A_138 step %parallel_loop3A_139  : i32 {
          %parallel_loop3A_144 = arith.index_cast %parallel_loop3A_143 : i32 to index
          %parallel_loop3A_145 = arith.constant 0 : index
          %parallel_loop3A_146 = tpu.vector_load %arg16[%parallel_loop3A_144, %parallel_loop3A_145] {strides = array<i32>} : memref<128x64xf32, #tpu.memory_space<vmem>>, vector<1x16xf32>,
          %parallel_loop3A_147 = vector.shape_cast %parallel_loop3A_146 : vector<1x16xf32> to vector<16xf32>
          %parallel_loop3A_148 = arith.index_cast %parallel_loop3A_143 : i32 to index
          %parallel_loop3A_149 = arith.constant 0 : index
          %parallel_loop3A_150 = tpu.vector_load %arg18[%parallel_loop3A_148, %parallel_loop3A_149] {strides = array<i32>} : memref<128x64xf32, #tpu.memory_space<vmem>>, vector<1x16xf32>,
          %parallel_loop3A_151 = vector.shape_cast %parallel_loop3A_150 : vector<1x16xf32> to vector<16xf32>
          %parallel_loop3A_152 = arith.addf %parallel_loop3A_147, %parallel_loop3A_151 : vector<16xf32>
          %parallel_loop3A_153 = arith.index_cast %parallel_loop3A_143 : i32 to index
          %parallel_loop3A_154 = arith.constant 0 : index
          %parallel_loop3A_155 = tpu.vector_load %arg20[%parallel_loop3A_153, %parallel_loop3A_154] {strides = array<i32>} : memref<128x64xf32, #tpu.memory_space<vmem>>, vector<1x16xf32>,
          %parallel_loop3A_156 = vector.shape_cast %parallel_loop3A_155 : vector<1x16xf32> to vector<16xf32>
          %parallel_loop3A_157 = arith.addf %parallel_loop3A_152, %parallel_loop3A_156 : vector<16xf32>
          %parallel_loop3A_158 = arith.constant 0.000000e+00 : f32
          %parallel_loop3A_159 = vector.broadcast %parallel_loop3A_158 : f32 to vector<16xf32>
          %parallel_loop3A_160 = arith.maximumf %parallel_loop3A_157, %parallel_loop3A_159 : vector<16xf32>
          %parallel_loop3A_161 = arith.index_cast %parallel_loop3A_143 : i32 to index
          %parallel_loop3A_162 = arith.constant 0 : index
          %parallel_loop3A_163 = tpu.vector_load %arg22[%parallel_loop3A_161, %parallel_loop3A_162] {strides = array<i32>} : memref<128x64xf32, #tpu.memory_space<vmem>>, vector<1x16xf32>,
          %parallel_loop3A_164 = vector.shape_cast %parallel_loop3A_163 : vector<1x16xf32> to vector<16xf32>
          %parallel_loop3A_165 = vector.shape_cast %parallel_loop3A_160 : vector<16xf32> to vector<1x16xf32>
          tpu.vector_store %arg22[%parallel_loop3A_161, %parallel_loop3A_162], %parallel_loop3A_165 {strides = array<i32>} : memref<128x64xf32, #tpu.memory_space<vmem>>, vector<1x16xf32>,
          %parallel_loop3A_166 = arith.index_cast %parallel_loop3A_143 : i32 to index
          %parallel_loop3A_167 = arith.constant 16 : index
          %parallel_loop3A_168 = tpu.vector_load %arg16[%parallel_loop3A_166, %parallel_loop3A_167] {strides = array<i32>} : memref<128x64xf32, #tpu.memory_space<vmem>>, vector<1x16xf32>,
          %parallel_loop3A_169 = vector.shape_cast %parallel_loop3A_168 : vector<1x16xf32> to vector<16xf32>
          %parallel_loop3A_170 = arith.index_cast %parallel_loop3A_143 : i32 to index
          %parallel_loop3A_171 = arith.constant 16 : index
          %parallel_loop3A_172 = tpu.vector_load %arg18[%parallel_loop3A_170, %parallel_loop3A_171] {strides = array<i32>} : memref<128x64xf32, #tpu.memory_space<vmem>>, vector<1x16xf32>,
          %parallel_loop3A_173 = vector.shape_cast %parallel_loop3A_172 : vector<1x16xf32> to vector<16xf32>
          %parallel_loop3A_174 = arith.addf %parallel_loop3A_169, %parallel_loop3A_173 : vector<16xf32>
          %parallel_loop3A_175 = arith.index_cast %parallel_loop3A_143 : i32 to index
          %parallel_loop3A_176 = arith.constant 16 : index
          %parallel_loop3A_177 = tpu.vector_load %arg20[%parallel_loop3A_175, %parallel_loop3A_176] {strides = array<i32>} : memref<128x64xf32, #tpu.memory_space<vmem>>, vector<1x16xf32>,
          %parallel_loop3A_178 = vector.shape_cast %parallel_loop3A_177 : vector<1x16xf32> to vector<16xf32>
          %parallel_loop3A_179 = arith.addf %parallel_loop3A_174, %parallel_loop3A_178 : vector<16xf32>
          %parallel_loop3A_180 = arith.constant 0.000000e+00 : f32
          %parallel_loop3A_181 = vector.broadcast %parallel_loop3A_180 : f32 to vector<16xf32>
          %parallel_loop3A_182 = arith.maximumf %parallel_loop3A_179, %parallel_loop3A_181 : vector<16xf32>
          %parallel_loop3A_183 = arith.index_cast %parallel_loop3A_143 : i32 to index
          %parallel_loop3A_184 = arith.constant 16 : index
          %parallel_loop3A_185 = tpu.vector_load %arg22[%parallel_loop3A_183, %parallel_loop3A_184] {strides = array<i32>} : memref<128x64xf32, #tpu.memory_space<vmem>>, vector<1x16xf32>,
          %parallel_loop3A_186 = vector.shape_cast %parallel_loop3A_185 : vector<1x16xf32> to vector<16xf32>
          %parallel_loop3A_187 = vector.shape_cast %parallel_loop3A_182 : vector<16xf32> to vector<1x16xf32>
          tpu.vector_store %arg22[%parallel_loop3A_183, %parallel_loop3A_184], %parallel_loop3A_187 {strides = array<i32>} : memref<128x64xf32, #tpu.memory_space<vmem>>, vector<1x16xf32>,
          %parallel_loop3A_188 = arith.index_cast %parallel_loop3A_143 : i32 to index
          %parallel_loop3A_189 = arith.constant 32 : index
          %parallel_loop3A_190 = tpu.vector_load %arg16[%parallel_loop3A_188, %parallel_loop3A_189] {strides = array<i32>} : memref<128x64xf32, #tpu.memory_space<vmem>>, vector<1x16xf32>,
          %parallel_loop3A_191 = vector.shape_cast %parallel_loop3A_190 : vector<1x16xf32> to vector<16xf32>
          %parallel_loop3A_192 = arith.index_cast %parallel_loop3A_143 : i32 to index
          %parallel_loop3A_193 = arith.constant 32 : index
          %parallel_loop3A_194 = tpu.vector_load %arg18[%parallel_loop3A_192, %parallel_loop3A_193] {strides = array<i32>} : memref<128x64xf32, #tpu.memory_space<vmem>>, vector<1x16xf32>,
          %parallel_loop3A_195 = vector.shape_cast %parallel_loop3A_194 : vector<1x16xf32> to vector<16xf32>
          %parallel_loop3A_196 = arith.addf %parallel_loop3A_191, %parallel_loop3A_195 : vector<16xf32>
          %parallel_loop3A_197 = arith.index_cast %parallel_loop3A_143 : i32 to index
          %parallel_loop3A_198 = arith.constant 32 : index
          %parallel_loop3A_199 = tpu.vector_load %arg20[%parallel_loop3A_197, %parallel_loop3A_198] {strides = array<i32>} : memref<128x64xf32, #tpu.memory_space<vmem>>, vector<1x16xf32>,
          %parallel_loop3A_200 = vector.shape_cast %parallel_loop3A_199 : vector<1x16xf32> to vector<16xf32>
          %parallel_loop3A_201 = arith.addf %parallel_loop3A_196, %parallel_loop3A_200 : vector<16xf32>
          %parallel_loop3A_202 = arith.constant 0.000000e+00 : f32
          %parallel_loop3A_203 = vector.broadcast %parallel_loop3A_202 : f32 to vector<16xf32>
          %parallel_loop3A_204 = arith.maximumf %parallel_loop3A_201, %parallel_loop3A_203 : vector<16xf32>
          %parallel_loop3A_205 = arith.index_cast %parallel_loop3A_143 : i32 to index
          %parallel_loop3A_206 = arith.constant 32 : index
          %parallel_loop3A_207 = tpu.vector_load %arg22[%parallel_loop3A_205, %parallel_loop3A_206] {strides = array<i32>} : memref<128x64xf32, #tpu.memory_space<vmem>>, vector<1x16xf32>,
          %parallel_loop3A_208 = vector.shape_cast %parallel_loop3A_207 : vector<1x16xf32> to vector<16xf32>
          %parallel_loop3A_209 = vector.shape_cast %parallel_loop3A_204 : vector<16xf32> to vector<1x16xf32>
          tpu.vector_store %arg22[%parallel_loop3A_205, %parallel_loop3A_206], %parallel_loop3A_209 {strides = array<i32>} : memref<128x64xf32, #tpu.memory_space<vmem>>, vector<1x16xf32>,
          %parallel_loop3A_210 = arith.index_cast %parallel_loop3A_143 : i32 to index
          %parallel_loop3A_211 = arith.constant 48 : index
          %parallel_loop3A_212 = tpu.vector_load %arg16[%parallel_loop3A_210, %parallel_loop3A_211] {strides = array<i32>} : memref<128x64xf32, #tpu.memory_space<vmem>>, vector<1x16xf32>,
          %parallel_loop3A_213 = vector.shape_cast %parallel_loop3A_212 : vector<1x16xf32> to vector<16xf32>
          %parallel_loop3A_214 = arith.index_cast %parallel_loop3A_143 : i32 to index
          %parallel_loop3A_215 = arith.constant 48 : index
          %parallel_loop3A_216 = tpu.vector_load %arg18[%parallel_loop3A_214, %parallel_loop3A_215] {strides = array<i32>} : memref<128x64xf32, #tpu.memory_space<vmem>>, vector<1x16xf32>,
          %parallel_loop3A_217 = vector.shape_cast %parallel_loop3A_216 : vector<1x16xf32> to vector<16xf32>
          %parallel_loop3A_218 = arith.addf %parallel_loop3A_213, %parallel_loop3A_217 : vector<16xf32>
          %parallel_loop3A_219 = arith.index_cast %parallel_loop3A_143 : i32 to index
          %parallel_loop3A_220 = arith.constant 48 : index
          %parallel_loop3A_221 = tpu.vector_load %arg20[%parallel_loop3A_219, %parallel_loop3A_220] {strides = array<i32>} : memref<128x64xf32, #tpu.memory_space<vmem>>, vector<1x16xf32>,
          %parallel_loop3A_222 = vector.shape_cast %parallel_loop3A_221 : vector<1x16xf32> to vector<16xf32>
          %parallel_loop3A_223 = arith.addf %parallel_loop3A_218, %parallel_loop3A_222 : vector<16xf32>
          %parallel_loop3A_224 = arith.constant 0.000000e+00 : f32
          %parallel_loop3A_225 = vector.broadcast %parallel_loop3A_224 : f32 to vector<16xf32>
          %parallel_loop3A_226 = arith.maximumf %parallel_loop3A_223, %parallel_loop3A_225 : vector<16xf32>
          %parallel_loop3A_227 = arith.index_cast %parallel_loop3A_143 : i32 to index
          %parallel_loop3A_228 = arith.constant 48 : index
          %parallel_loop3A_229 = tpu.vector_load %arg22[%parallel_loop3A_227, %parallel_loop3A_228] {strides = array<i32>} : memref<128x64xf32, #tpu.memory_space<vmem>>, vector<1x16xf32>,
          %parallel_loop3A_230 = vector.shape_cast %parallel_loop3A_229 : vector<1x16xf32> to vector<16xf32>
          %parallel_loop3A_231 = vector.shape_cast %parallel_loop3A_226 : vector<16xf32> to vector<1x16xf32>
          tpu.vector_store %arg22[%parallel_loop3A_227, %parallel_loop3A_228], %parallel_loop3A_231 {strides = array<i32>} : memref<128x64xf32, #tpu.memory_space<vmem>>, vector<1x16xf32>,
        } {sc.loop_unroll_factor = 4 : i64, sc.parallel_access}
        %dma_start3A_140 = arith.constant 0 : i32
        %dma_start3A_141 = arith.constant 0 : i32
        %dma_start3A_142 = tpu.memref_slice %arg29[%dma_start3A_140, %dma_start3A_141] : memref<10240x64xf32, #tpu.memory_space<vmem_shared>> -> memref<10240x64xf32, #tpu.memory_space<vmem_shared>>
        tpu.enqueue_indirect_dma source(%arg22 : memref<128x64xf32, #tpu.memory_space<vmem>>) target(%dma_start3A_142 : memref<10240x64xf32, #tpu.memory_space<vmem_shared>>) offsets(%arg14 : memref<128xi32, #tpu.memory_space<vmem>>) semaphore(%arg28 : memref<!tpu.dma_semaphore, #tpu.memory_space<semaphore_mem>>) {add = true}
      } else {
      }
      %add3A_43 = arith.constant 1 : i32
      %add3A_44 = arith.addi %mul3A_28, %add3A_43 : i32
      %lt3A_45 = arith.constant 80 : i32
      %lt3A_46 = arith.cmpi slt, %add3A_44, %lt3A_45 : i32
      %convert_element_type3A_47 = arith.extui %lt3A_46 : i1 to i32
      %cond3A_48 = arith.constant 0 : i32
      %cond3A_49 = arith.cmpi ne, %convert_element_type3A_47, %cond3A_48 : i32
      scf.if %cond3A_49 {
        %add3A_78 = arith.constant 1 : i32
        %add3A_79 = arith.addi %mul3A_28, %add3A_78 : i32
        %mul3A_80 = arith.constant 128 : i32
        %mul3A_81 = arith.muli %add3A_79, %mul3A_80 : i32
        %add3A_82 = arith.addi %mul3A_2, %mul3A_81 : i32
        %dma_start3A_83 = tpu.memref_slice %arg5[%add3A_82] : memref<327680xi32, #tpu.memory_space<hbm>> -> memref<128xi32, #tpu.memory_space<hbm>>
        %dma_start3A_84 = tpu.memref_slice %arg5[%add3A_82] : memref<327680xi32, #tpu.memory_space<hbm>> -> memref<128xi32, #tpu.memory_space<hbm>>
        tpu.enqueue_dma source(%dma_start3A_84 : memref<128xi32, #tpu.memory_space<hbm>>) target(%arg10 : memref<128xi32, #tpu.memory_space<vmem>>) target_semaphore(%arg24 : memref<!tpu.dma_semaphore, #tpu.memory_space<semaphore_mem>>)
        %dma_start3A_85 = tpu.memref_slice %arg6[%add3A_82] : memref<327680xi32, #tpu.memory_space<hbm>> -> memref<128xi32, #tpu.memory_space<hbm>>
        %dma_start3A_86 = tpu.memref_slice %arg6[%add3A_82] : memref<327680xi32, #tpu.memory_space<hbm>> -> memref<128xi32, #tpu.memory_space<hbm>>
        tpu.enqueue_dma source(%dma_start3A_86 : memref<128xi32, #tpu.memory_space<hbm>>) target(%arg12 : memref<128xi32, #tpu.memory_space<vmem>>) target_semaphore(%arg24 : memref<!tpu.dma_semaphore, #tpu.memory_space<semaphore_mem>>)
        %dma_start3A_87 = arith.constant 0 : i32
        %dma_start3A_88 = tpu.memref_slice %arg4[%add3A_82, %dma_start3A_87] : memref<327680x64xf32, #tpu.memory_space<hbm>> -> memref<128x64xf32, #tpu.memory_space<hbm>>
        %dma_start3A_89 = arith.constant 0 : i32
        %dma_start3A_90 = tpu.memref_slice %arg4[%add3A_82, %dma_start3A_89] : memref<327680x64xf32, #tpu.memory_space<hbm>> -> memref<128x64xf32, #tpu.memory_space<hbm>>
        tpu.enqueue_dma source(%dma_start3A_90 : memref<128x64xf32, #tpu.memory_space<hbm>>) target(%arg20 : memref<128x64xf32, #tpu.memory_space<vmem>>) target_semaphore(%arg24 : memref<!tpu.dma_semaphore, #tpu.memory_space<semaphore_mem>>)
      } else {
      }
      %add3A_50 = arith.constant 1 : i32
      %add3A_51 = arith.addi %mul3A_28, %add3A_50 : i32
      %ge3A_52 = arith.constant 3 : i32
      %ge3A_53 = arith.cmpi sge, %add3A_51, %ge3A_52 : i32
      %convert_element_type3A_54 = arith.extui %ge3A_53 : i1 to i32
      %cond3A_55 = arith.constant 0 : i32
      %cond3A_56 = arith.cmpi ne, %convert_element_type3A_54, %cond3A_55 : i32
      scf.if %cond3A_56 {
        %dma_wait3A_78 = arith.constant 0 : i32
        %dma_wait3A_79 = arith.constant 0 : i32
        %dma_wait3A_80 = tpu.memref_slice %arg29[%dma_wait3A_78, %dma_wait3A_79] : memref<10240x64xf32, #tpu.memory_space<vmem_shared>> -> memref<10240x64xf32, #tpu.memory_space<vmem_shared>>
        tpu.wait_indirect_dma semaphore(%arg27 : memref<!tpu.dma_semaphore, #tpu.memory_space<semaphore_mem>>) src(%arg21 : memref<128x64xf32, #tpu.memory_space<vmem>>) dst(%dma_wait3A_80 : memref<10240x64xf32, #tpu.memory_space<vmem_shared>>)
      } else {
      }
      %lt3A_57 = arith.constant 80 : i32
      %lt3A_58 = arith.cmpi slt, %add3A_51, %lt3A_57 : i32
      %convert_element_type3A_59 = arith.extui %lt3A_58 : i1 to i32
      %cond3A_60 = arith.constant 0 : i32
      %cond3A_61 = arith.cmpi ne, %convert_element_type3A_59, %cond3A_60 : i32
      scf.if %cond3A_61 {
        %dma_wait3A_78 = arith.constant 0 : i32
        %dma_wait3A_79 = tpu.memref_slice %arg5[%dma_wait3A_78] : memref<327680xi32, #tpu.memory_space<hbm>> -> memref<128xi32, #tpu.memory_space<hbm>>
        %dma_wait3A_80 = arith.constant 0 : i32
        %dma_wait3A_81 = tpu.memref_slice %arg5[%dma_wait3A_80] : memref<327680xi32, #tpu.memory_space<hbm>> -> memref<128xi32, #tpu.memory_space<hbm>>
        tpu.wait_dma2 semaphore(%arg24 : memref<!tpu.dma_semaphore, #tpu.memory_space<semaphore_mem>>) src(%dma_wait3A_81 : memref<128xi32, #tpu.memory_space<hbm>>) dst(%arg10 : memref<128xi32, #tpu.memory_space<vmem>>)
        %dma_wait3A_82 = arith.constant 0 : i32
        %dma_wait3A_83 = tpu.memref_slice %arg6[%dma_wait3A_82] : memref<327680xi32, #tpu.memory_space<hbm>> -> memref<128xi32, #tpu.memory_space<hbm>>
        %dma_wait3A_84 = arith.constant 0 : i32
        %dma_wait3A_85 = tpu.memref_slice %arg6[%dma_wait3A_84] : memref<327680xi32, #tpu.memory_space<hbm>> -> memref<128xi32, #tpu.memory_space<hbm>>
        tpu.wait_dma2 semaphore(%arg24 : memref<!tpu.dma_semaphore, #tpu.memory_space<semaphore_mem>>) src(%dma_wait3A_85 : memref<128xi32, #tpu.memory_space<hbm>>) dst(%arg12 : memref<128xi32, #tpu.memory_space<vmem>>)
        %dma_wait3A_86 = arith.constant 0 : i32
        %dma_wait3A_87 = arith.constant 0 : i32
        %dma_wait3A_88 = tpu.memref_slice %arg4[%dma_wait3A_86, %dma_wait3A_87] : memref<327680x64xf32, #tpu.memory_space<hbm>> -> memref<128x64xf32, #tpu.memory_space<hbm>>
        %dma_wait3A_89 = arith.constant 0 : i32
        %dma_wait3A_90 = arith.constant 0 : i32
        %dma_wait3A_91 = tpu.memref_slice %arg4[%dma_wait3A_89, %dma_wait3A_90] : memref<327680x64xf32, #tpu.memory_space<hbm>> -> memref<128x64xf32, #tpu.memory_space<hbm>>
        tpu.wait_dma2 semaphore(%arg24 : memref<!tpu.dma_semaphore, #tpu.memory_space<semaphore_mem>>) src(%dma_wait3A_91 : memref<128x64xf32, #tpu.memory_space<hbm>>) dst(%arg20 : memref<128x64xf32, #tpu.memory_space<vmem>>)
        %dma_start3A_92 = arith.constant 0 : i32
        %dma_start3A_93 = arith.constant 0 : i32
        %dma_start3A_94 = tpu.memref_slice %arg2[%dma_start3A_92, %dma_start3A_93] : memref<10240x64xf32, #tpu.memory_space<hbm>> -> memref<10240x64xf32, #tpu.memory_space<hbm>>
        tpu.enqueue_indirect_dma source(%dma_start3A_94 : memref<10240x64xf32, #tpu.memory_space<hbm>>) target(%arg16 : memref<128x64xf32, #tpu.memory_space<vmem>>) offsets(%arg10 : memref<128xi32, #tpu.memory_space<vmem>>) semaphore(%arg26 : memref<!tpu.dma_semaphore, #tpu.memory_space<semaphore_mem>>)
        %dma_start3A_95 = arith.constant 0 : i32
        %dma_start3A_96 = arith.constant 0 : i32
        %dma_start3A_97 = tpu.memref_slice %arg3[%dma_start3A_95, %dma_start3A_96] : memref<10240x64xf32, #tpu.memory_space<hbm>> -> memref<10240x64xf32, #tpu.memory_space<hbm>>
        tpu.enqueue_indirect_dma source(%dma_start3A_97 : memref<10240x64xf32, #tpu.memory_space<hbm>>) target(%arg18 : memref<128x64xf32, #tpu.memory_space<vmem>>) offsets(%arg12 : memref<128xi32, #tpu.memory_space<vmem>>) semaphore(%arg26 : memref<!tpu.dma_semaphore, #tpu.memory_space<semaphore_mem>>)
      } else {
      }
      %ge3A_62 = arith.constant 1 : i32
      %ge3A_63 = arith.cmpi sge, %add3A_51, %ge3A_62 : i32
      %le3A_64 = arith.constant 80 : i32
      %le3A_65 = arith.cmpi sle, %add3A_51, %le3A_64 : i32
      %and3A_66 = arith.andi %ge3A_63, %le3A_65 : i1
      %convert_element_type3A_67 = arith.extui %and3A_66 : i1 to i32
      %cond3A_68 = arith.constant 0 : i32
      %cond3A_69 = arith.cmpi ne, %convert_element_type3A_67, %cond3A_68 : i32
      scf.if %cond3A_69 {
        %dma_wait3A_78 = arith.constant 0 : i32
        %dma_wait3A_79 = arith.constant 0 : i32
        %dma_wait3A_80 = tpu.memref_slice %arg2[%dma_wait3A_78, %dma_wait3A_79] : memref<10240x64xf32, #tpu.memory_space<hbm>> -> memref<10240x64xf32, #tpu.memory_space<hbm>>
        tpu.wait_indirect_dma semaphore(%arg25 : memref<!tpu.dma_semaphore, #tpu.memory_space<semaphore_mem>>) src(%dma_wait3A_80 : memref<10240x64xf32, #tpu.memory_space<hbm>>) dst(%arg15 : memref<128x64xf32, #tpu.memory_space<vmem>>)
        %dma_wait3A_81 = arith.constant 0 : i32
        %dma_wait3A_82 = arith.constant 0 : i32
        %dma_wait3A_83 = tpu.memref_slice %arg3[%dma_wait3A_81, %dma_wait3A_82] : memref<10240x64xf32, #tpu.memory_space<hbm>> -> memref<10240x64xf32, #tpu.memory_space<hbm>>
        tpu.wait_indirect_dma semaphore(%arg25 : memref<!tpu.dma_semaphore, #tpu.memory_space<semaphore_mem>>) src(%dma_wait3A_83 : memref<10240x64xf32, #tpu.memory_space<hbm>>) dst(%arg17 : memref<128x64xf32, #tpu.memory_space<vmem>>)
        %get3A = arith.constant 0 : index
        %get3A_84 = tpu.vector_load %arg11[%get3A] {strides = array<i32>} : memref<128xi32, #tpu.memory_space<vmem>>, vector<16xi32>,
        %get3A_85 = vector.shape_cast %get3A_84 : vector<16xi32> to vector<16xi32>
        %swap3A = arith.constant 0 : index
        %swap3A_86 = tpu.vector_load %arg13[%swap3A] {strides = array<i32>} : memref<128xi32, #tpu.memory_space<vmem>>, vector<16xi32>,
        %swap3A_87 = vector.shape_cast %swap3A_86 : vector<16xi32> to vector<16xi32>
        %swap3A_88 = vector.shape_cast %get3A_85 : vector<16xi32> to vector<16xi32>
        tpu.vector_store %arg13[%swap3A], %swap3A_88 {strides = array<i32>} : memref<128xi32, #tpu.memory_space<vmem>>, vector<16xi32>,
        %get3A_89 = arith.constant 16 : index
        %get3A_90 = tpu.vector_load %arg11[%get3A_89] {strides = array<i32>} : memref<128xi32, #tpu.memory_space<vmem>>, vector<16xi32>,
        %get3A_91 = vector.shape_cast %get3A_90 : vector<16xi32> to vector<16xi32>
        %swap3A_92 = arith.constant 16 : index
        %swap3A_93 = tpu.vector_load %arg13[%swap3A_92] {strides = array<i32>} : memref<128xi32, #tpu.memory_space<vmem>>, vector<16xi32>,
        %swap3A_94 = vector.shape_cast %swap3A_93 : vector<16xi32> to vector<16xi32>
        %swap3A_95 = vector.shape_cast %get3A_91 : vector<16xi32> to vector<16xi32>
        tpu.vector_store %arg13[%swap3A_92], %swap3A_95 {strides = array<i32>} : memref<128xi32, #tpu.memory_space<vmem>>, vector<16xi32>,
        %get3A_96 = arith.constant 32 : index
        %get3A_97 = tpu.vector_load %arg11[%get3A_96] {strides = array<i32>} : memref<128xi32, #tpu.memory_space<vmem>>, vector<16xi32>,
        %get3A_98 = vector.shape_cast %get3A_97 : vector<16xi32> to vector<16xi32>
        %swap3A_99 = arith.constant 32 : index
        %swap3A_100 = tpu.vector_load %arg13[%swap3A_99] {strides = array<i32>} : memref<128xi32, #tpu.memory_space<vmem>>, vector<16xi32>,
        %swap3A_101 = vector.shape_cast %swap3A_100 : vector<16xi32> to vector<16xi32>
        %swap3A_102 = vector.shape_cast %get3A_98 : vector<16xi32> to vector<16xi32>
        tpu.vector_store %arg13[%swap3A_99], %swap3A_102 {strides = array<i32>} : memref<128xi32, #tpu.memory_space<vmem>>, vector<16xi32>,
        %get3A_103 = arith.constant 48 : index
        %get3A_104 = tpu.vector_load %arg11[%get3A_103] {strides = array<i32>} : memref<128xi32, #tpu.memory_space<vmem>>, vector<16xi32>,
        %get3A_105 = vector.shape_cast %get3A_104 : vector<16xi32> to vector<16xi32>
        %swap3A_106 = arith.constant 48 : index
        %swap3A_107 = tpu.vector_load %arg13[%swap3A_106] {strides = array<i32>} : memref<128xi32, #tpu.memory_space<vmem>>, vector<16xi32>,
        %swap3A_108 = vector.shape_cast %swap3A_107 : vector<16xi32> to vector<16xi32>
        %swap3A_109 = vector.shape_cast %get3A_105 : vector<16xi32> to vector<16xi32>
        tpu.vector_store %arg13[%swap3A_106], %swap3A_109 {strides = array<i32>} : memref<128xi32, #tpu.memory_space<vmem>>, vector<16xi32>,
        %get3A_110 = arith.constant 64 : index
        %get3A_111 = tpu.vector_load %arg11[%get3A_110] {strides = array<i32>} : memref<128xi32, #tpu.memory_space<vmem>>, vector<16xi32>,
        %get3A_112 = vector.shape_cast %get3A_111 : vector<16xi32> to vector<16xi32>
        %swap3A_113 = arith.constant 64 : index
        %swap3A_114 = tpu.vector_load %arg13[%swap3A_113] {strides = array<i32>} : memref<128xi32, #tpu.memory_space<vmem>>, vector<16xi32>,
        %swap3A_115 = vector.shape_cast %swap3A_114 : vector<16xi32> to vector<16xi32>
        %swap3A_116 = vector.shape_cast %get3A_112 : vector<16xi32> to vector<16xi32>
        tpu.vector_store %arg13[%swap3A_113], %swap3A_116 {strides = array<i32>} : memref<128xi32, #tpu.memory_space<vmem>>, vector<16xi32>,
        %get3A_117 = arith.constant 80 : index
        %get3A_118 = tpu.vector_load %arg11[%get3A_117] {strides = array<i32>} : memref<128xi32, #tpu.memory_space<vmem>>, vector<16xi32>,
        %get3A_119 = vector.shape_cast %get3A_118 : vector<16xi32> to vector<16xi32>
        %swap3A_120 = arith.constant 80 : index
        %swap3A_121 = tpu.vector_load %arg13[%swap3A_120] {strides = array<i32>} : memref<128xi32, #tpu.memory_space<vmem>>, vector<16xi32>,
        %swap3A_122 = vector.shape_cast %swap3A_121 : vector<16xi32> to vector<16xi32>
        %swap3A_123 = vector.shape_cast %get3A_119 : vector<16xi32> to vector<16xi32>
        tpu.vector_store %arg13[%swap3A_120], %swap3A_123 {strides = array<i32>} : memref<128xi32, #tpu.memory_space<vmem>>, vector<16xi32>,
        %get3A_124 = arith.constant 96 : index
        %get3A_125 = tpu.vector_load %arg11[%get3A_124] {strides = array<i32>} : memref<128xi32, #tpu.memory_space<vmem>>, vector<16xi32>,
        %get3A_126 = vector.shape_cast %get3A_125 : vector<16xi32> to vector<16xi32>
        %swap3A_127 = arith.constant 96 : index
        %swap3A_128 = tpu.vector_load %arg13[%swap3A_127] {strides = array<i32>} : memref<128xi32, #tpu.memory_space<vmem>>, vector<16xi32>,
        %swap3A_129 = vector.shape_cast %swap3A_128 : vector<16xi32> to vector<16xi32>
        %swap3A_130 = vector.shape_cast %get3A_126 : vector<16xi32> to vector<16xi32>
        tpu.vector_store %arg13[%swap3A_127], %swap3A_130 {strides = array<i32>} : memref<128xi32, #tpu.memory_space<vmem>>, vector<16xi32>,
        %get3A_131 = arith.constant 112 : index
        %get3A_132 = tpu.vector_load %arg11[%get3A_131] {strides = array<i32>} : memref<128xi32, #tpu.memory_space<vmem>>, vector<16xi32>,
        %get3A_133 = vector.shape_cast %get3A_132 : vector<16xi32> to vector<16xi32>
        %swap3A_134 = arith.constant 112 : index
        %swap3A_135 = tpu.vector_load %arg13[%swap3A_134] {strides = array<i32>} : memref<128xi32, #tpu.memory_space<vmem>>, vector<16xi32>,
        %swap3A_136 = vector.shape_cast %swap3A_135 : vector<16xi32> to vector<16xi32>
        %swap3A_137 = vector.shape_cast %get3A_133 : vector<16xi32> to vector<16xi32>
        tpu.vector_store %arg13[%swap3A_134], %swap3A_137 {strides = array<i32>} : memref<128xi32, #tpu.memory_space<vmem>>, vector<16xi32>,
        %parallel_loop3A = arith.constant 0 : i32
        %parallel_loop3A_138 = arith.constant 128 : i32
        %parallel_loop3A_139 = arith.constant 1 : i32
        scf.for %parallel_loop3A_143 = %parallel_loop3A to %parallel_loop3A_138 step %parallel_loop3A_139  : i32 {
          %parallel_loop3A_144 = arith.index_cast %parallel_loop3A_143 : i32 to index
          %parallel_loop3A_145 = arith.constant 0 : index
          %parallel_loop3A_146 = tpu.vector_load %arg15[%parallel_loop3A_144, %parallel_loop3A_145] {strides = array<i32>} : memref<128x64xf32, #tpu.memory_space<vmem>>, vector<1x16xf32>,
          %parallel_loop3A_147 = vector.shape_cast %parallel_loop3A_146 : vector<1x16xf32> to vector<16xf32>
          %parallel_loop3A_148 = arith.index_cast %parallel_loop3A_143 : i32 to index
          %parallel_loop3A_149 = arith.constant 0 : index
          %parallel_loop3A_150 = tpu.vector_load %arg17[%parallel_loop3A_148, %parallel_loop3A_149] {strides = array<i32>} : memref<128x64xf32, #tpu.memory_space<vmem>>, vector<1x16xf32>,
          %parallel_loop3A_151 = vector.shape_cast %parallel_loop3A_150 : vector<1x16xf32> to vector<16xf32>
          %parallel_loop3A_152 = arith.addf %parallel_loop3A_147, %parallel_loop3A_151 : vector<16xf32>
          %parallel_loop3A_153 = arith.index_cast %parallel_loop3A_143 : i32 to index
          %parallel_loop3A_154 = arith.constant 0 : index
          %parallel_loop3A_155 = tpu.vector_load %arg19[%parallel_loop3A_153, %parallel_loop3A_154] {strides = array<i32>} : memref<128x64xf32, #tpu.memory_space<vmem>>, vector<1x16xf32>,
          %parallel_loop3A_156 = vector.shape_cast %parallel_loop3A_155 : vector<1x16xf32> to vector<16xf32>
          %parallel_loop3A_157 = arith.addf %parallel_loop3A_152, %parallel_loop3A_156 : vector<16xf32>
          %parallel_loop3A_158 = arith.constant 0.000000e+00 : f32
          %parallel_loop3A_159 = vector.broadcast %parallel_loop3A_158 : f32 to vector<16xf32>
          %parallel_loop3A_160 = arith.maximumf %parallel_loop3A_157, %parallel_loop3A_159 : vector<16xf32>
          %parallel_loop3A_161 = arith.index_cast %parallel_loop3A_143 : i32 to index
          %parallel_loop3A_162 = arith.constant 0 : index
          %parallel_loop3A_163 = tpu.vector_load %arg21[%parallel_loop3A_161, %parallel_loop3A_162] {strides = array<i32>} : memref<128x64xf32, #tpu.memory_space<vmem>>, vector<1x16xf32>,
          %parallel_loop3A_164 = vector.shape_cast %parallel_loop3A_163 : vector<1x16xf32> to vector<16xf32>
          %parallel_loop3A_165 = vector.shape_cast %parallel_loop3A_160 : vector<16xf32> to vector<1x16xf32>
          tpu.vector_store %arg21[%parallel_loop3A_161, %parallel_loop3A_162], %parallel_loop3A_165 {strides = array<i32>} : memref<128x64xf32, #tpu.memory_space<vmem>>, vector<1x16xf32>,
          %parallel_loop3A_166 = arith.index_cast %parallel_loop3A_143 : i32 to index
          %parallel_loop3A_167 = arith.constant 16 : index
          %parallel_loop3A_168 = tpu.vector_load %arg15[%parallel_loop3A_166, %parallel_loop3A_167] {strides = array<i32>} : memref<128x64xf32, #tpu.memory_space<vmem>>, vector<1x16xf32>,
          %parallel_loop3A_169 = vector.shape_cast %parallel_loop3A_168 : vector<1x16xf32> to vector<16xf32>
          %parallel_loop3A_170 = arith.index_cast %parallel_loop3A_143 : i32 to index
          %parallel_loop3A_171 = arith.constant 16 : index
          %parallel_loop3A_172 = tpu.vector_load %arg17[%parallel_loop3A_170, %parallel_loop3A_171] {strides = array<i32>} : memref<128x64xf32, #tpu.memory_space<vmem>>, vector<1x16xf32>,
          %parallel_loop3A_173 = vector.shape_cast %parallel_loop3A_172 : vector<1x16xf32> to vector<16xf32>
          %parallel_loop3A_174 = arith.addf %parallel_loop3A_169, %parallel_loop3A_173 : vector<16xf32>
          %parallel_loop3A_175 = arith.index_cast %parallel_loop3A_143 : i32 to index
          %parallel_loop3A_176 = arith.constant 16 : index
          %parallel_loop3A_177 = tpu.vector_load %arg19[%parallel_loop3A_175, %parallel_loop3A_176] {strides = array<i32>} : memref<128x64xf32, #tpu.memory_space<vmem>>, vector<1x16xf32>,
          %parallel_loop3A_178 = vector.shape_cast %parallel_loop3A_177 : vector<1x16xf32> to vector<16xf32>
          %parallel_loop3A_179 = arith.addf %parallel_loop3A_174, %parallel_loop3A_178 : vector<16xf32>
          %parallel_loop3A_180 = arith.constant 0.000000e+00 : f32
          %parallel_loop3A_181 = vector.broadcast %parallel_loop3A_180 : f32 to vector<16xf32>
          %parallel_loop3A_182 = arith.maximumf %parallel_loop3A_179, %parallel_loop3A_181 : vector<16xf32>
          %parallel_loop3A_183 = arith.index_cast %parallel_loop3A_143 : i32 to index
          %parallel_loop3A_184 = arith.constant 16 : index
          %parallel_loop3A_185 = tpu.vector_load %arg21[%parallel_loop3A_183, %parallel_loop3A_184] {strides = array<i32>} : memref<128x64xf32, #tpu.memory_space<vmem>>, vector<1x16xf32>,
          %parallel_loop3A_186 = vector.shape_cast %parallel_loop3A_185 : vector<1x16xf32> to vector<16xf32>
          %parallel_loop3A_187 = vector.shape_cast %parallel_loop3A_182 : vector<16xf32> to vector<1x16xf32>
          tpu.vector_store %arg21[%parallel_loop3A_183, %parallel_loop3A_184], %parallel_loop3A_187 {strides = array<i32>} : memref<128x64xf32, #tpu.memory_space<vmem>>, vector<1x16xf32>,
          %parallel_loop3A_188 = arith.index_cast %parallel_loop3A_143 : i32 to index
          %parallel_loop3A_189 = arith.constant 32 : index
          %parallel_loop3A_190 = tpu.vector_load %arg15[%parallel_loop3A_188, %parallel_loop3A_189] {strides = array<i32>} : memref<128x64xf32, #tpu.memory_space<vmem>>, vector<1x16xf32>,
          %parallel_loop3A_191 = vector.shape_cast %parallel_loop3A_190 : vector<1x16xf32> to vector<16xf32>
          %parallel_loop3A_192 = arith.index_cast %parallel_loop3A_143 : i32 to index
          %parallel_loop3A_193 = arith.constant 32 : index
          %parallel_loop3A_194 = tpu.vector_load %arg17[%parallel_loop3A_192, %parallel_loop3A_193] {strides = array<i32>} : memref<128x64xf32, #tpu.memory_space<vmem>>, vector<1x16xf32>,
          %parallel_loop3A_195 = vector.shape_cast %parallel_loop3A_194 : vector<1x16xf32> to vector<16xf32>
          %parallel_loop3A_196 = arith.addf %parallel_loop3A_191, %parallel_loop3A_195 : vector<16xf32>
          %parallel_loop3A_197 = arith.index_cast %parallel_loop3A_143 : i32 to index
          %parallel_loop3A_198 = arith.constant 32 : index
          %parallel_loop3A_199 = tpu.vector_load %arg19[%parallel_loop3A_197, %parallel_loop3A_198] {strides = array<i32>} : memref<128x64xf32, #tpu.memory_space<vmem>>, vector<1x16xf32>,
          %parallel_loop3A_200 = vector.shape_cast %parallel_loop3A_199 : vector<1x16xf32> to vector<16xf32>
          %parallel_loop3A_201 = arith.addf %parallel_loop3A_196, %parallel_loop3A_200 : vector<16xf32>
          %parallel_loop3A_202 = arith.constant 0.000000e+00 : f32
          %parallel_loop3A_203 = vector.broadcast %parallel_loop3A_202 : f32 to vector<16xf32>
          %parallel_loop3A_204 = arith.maximumf %parallel_loop3A_201, %parallel_loop3A_203 : vector<16xf32>
          %parallel_loop3A_205 = arith.index_cast %parallel_loop3A_143 : i32 to index
          %parallel_loop3A_206 = arith.constant 32 : index
          %parallel_loop3A_207 = tpu.vector_load %arg21[%parallel_loop3A_205, %parallel_loop3A_206] {strides = array<i32>} : memref<128x64xf32, #tpu.memory_space<vmem>>, vector<1x16xf32>,
          %parallel_loop3A_208 = vector.shape_cast %parallel_loop3A_207 : vector<1x16xf32> to vector<16xf32>
          %parallel_loop3A_209 = vector.shape_cast %parallel_loop3A_204 : vector<16xf32> to vector<1x16xf32>
          tpu.vector_store %arg21[%parallel_loop3A_205, %parallel_loop3A_206], %parallel_loop3A_209 {strides = array<i32>} : memref<128x64xf32, #tpu.memory_space<vmem>>, vector<1x16xf32>,
          %parallel_loop3A_210 = arith.index_cast %parallel_loop3A_143 : i32 to index
          %parallel_loop3A_211 = arith.constant 48 : index
          %parallel_loop3A_212 = tpu.vector_load %arg15[%parallel_loop3A_210, %parallel_loop3A_211] {strides = array<i32>} : memref<128x64xf32, #tpu.memory_space<vmem>>, vector<1x16xf32>,
          %parallel_loop3A_213 = vector.shape_cast %parallel_loop3A_212 : vector<1x16xf32> to vector<16xf32>
          %parallel_loop3A_214 = arith.index_cast %parallel_loop3A_143 : i32 to index
          %parallel_loop3A_215 = arith.constant 48 : index
          %parallel_loop3A_216 = tpu.vector_load %arg17[%parallel_loop3A_214, %parallel_loop3A_215] {strides = array<i32>} : memref<128x64xf32, #tpu.memory_space<vmem>>, vector<1x16xf32>,
          %parallel_loop3A_217 = vector.shape_cast %parallel_loop3A_216 : vector<1x16xf32> to vector<16xf32>
          %parallel_loop3A_218 = arith.addf %parallel_loop3A_213, %parallel_loop3A_217 : vector<16xf32>
          %parallel_loop3A_219 = arith.index_cast %parallel_loop3A_143 : i32 to index
          %parallel_loop3A_220 = arith.constant 48 : index
          %parallel_loop3A_221 = tpu.vector_load %arg19[%parallel_loop3A_219, %parallel_loop3A_220] {strides = array<i32>} : memref<128x64xf32, #tpu.memory_space<vmem>>, vector<1x16xf32>,
          %parallel_loop3A_222 = vector.shape_cast %parallel_loop3A_221 : vector<1x16xf32> to vector<16xf32>
          %parallel_loop3A_223 = arith.addf %parallel_loop3A_218, %parallel_loop3A_222 : vector<16xf32>
          %parallel_loop3A_224 = arith.constant 0.000000e+00 : f32
          %parallel_loop3A_225 = vector.broadcast %parallel_loop3A_224 : f32 to vector<16xf32>
          %parallel_loop3A_226 = arith.maximumf %parallel_loop3A_223, %parallel_loop3A_225 : vector<16xf32>
          %parallel_loop3A_227 = arith.index_cast %parallel_loop3A_143 : i32 to index
          %parallel_loop3A_228 = arith.constant 48 : index
          %parallel_loop3A_229 = tpu.vector_load %arg21[%parallel_loop3A_227, %parallel_loop3A_228] {strides = array<i32>} : memref<128x64xf32, #tpu.memory_space<vmem>>, vector<1x16xf32>,
          %parallel_loop3A_230 = vector.shape_cast %parallel_loop3A_229 : vector<1x16xf32> to vector<16xf32>
          %parallel_loop3A_231 = vector.shape_cast %parallel_loop3A_226 : vector<16xf32> to vector<1x16xf32>
          tpu.vector_store %arg21[%parallel_loop3A_227, %parallel_loop3A_228], %parallel_loop3A_231 {strides = array<i32>} : memref<128x64xf32, #tpu.memory_space<vmem>>, vector<1x16xf32>,
        } {sc.loop_unroll_factor = 4 : i64, sc.parallel_access}
        %dma_start3A_140 = arith.constant 0 : i32
        %dma_start3A_141 = arith.constant 0 : i32
        %dma_start3A_142 = tpu.memref_slice %arg29[%dma_start3A_140, %dma_start3A_141] : memref<10240x64xf32, #tpu.memory_space<vmem_shared>> -> memref<10240x64xf32, #tpu.memory_space<vmem_shared>>
        tpu.enqueue_indirect_dma source(%arg21 : memref<128x64xf32, #tpu.memory_space<vmem>>) target(%dma_start3A_142 : memref<10240x64xf32, #tpu.memory_space<vmem_shared>>) offsets(%arg13 : memref<128xi32, #tpu.memory_space<vmem>>) semaphore(%arg27 : memref<!tpu.dma_semaphore, #tpu.memory_space<semaphore_mem>>) {add = true}
      } else {
      }
      %add3A_70 = arith.constant 1 : i32
      %add3A_71 = arith.addi %add3A_51, %add3A_70 : i32
      %lt3A_72 = arith.constant 80 : i32
      %lt3A_73 = arith.cmpi slt, %add3A_71, %lt3A_72 : i32
      %convert_element_type3A_74 = arith.extui %lt3A_73 : i1 to i32
      %cond3A_75 = arith.constant 0 : i32
      %cond3A_76 = arith.cmpi ne, %convert_element_type3A_74, %cond3A_75 : i32
      scf.if %cond3A_76 {
        %add3A_78 = arith.constant 1 : i32
        %add3A_79 = arith.addi %add3A_51, %add3A_78 : i32
        %mul3A_80 = arith.constant 128 : i32
        %mul3A_81 = arith.muli %add3A_79, %mul3A_80 : i32
        %add3A_82 = arith.addi %mul3A_2, %mul3A_81 : i32
        %dma_start3A_83 = tpu.memref_slice %arg5[%add3A_82] : memref<327680xi32, #tpu.memory_space<hbm>> -> memref<128xi32, #tpu.memory_space<hbm>>
        %dma_start3A_84 = tpu.memref_slice %arg5[%add3A_82] : memref<327680xi32, #tpu.memory_space<hbm>> -> memref<128xi32, #tpu.memory_space<hbm>>
        tpu.enqueue_dma source(%dma_start3A_84 : memref<128xi32, #tpu.memory_space<hbm>>) target(%arg9 : memref<128xi32, #tpu.memory_space<vmem>>) target_semaphore(%arg23 : memref<!tpu.dma_semaphore, #tpu.memory_space<semaphore_mem>>)
        %dma_start3A_85 = tpu.memref_slice %arg6[%add3A_82] : memref<327680xi32, #tpu.memory_space<hbm>> -> memref<128xi32, #tpu.memory_space<hbm>>
        %dma_start3A_86 = tpu.memref_slice %arg6[%add3A_82] : memref<327680xi32, #tpu.memory_space<hbm>> -> memref<128xi32, #tpu.memory_space<hbm>>
        tpu.enqueue_dma source(%dma_start3A_86 : memref<128xi32, #tpu.memory_space<hbm>>) target(%arg11 : memref<128xi32, #tpu.memory_space<vmem>>) target_semaphore(%arg23 : memref<!tpu.dma_semaphore, #tpu.memory_space<semaphore_mem>>)
        %dma_start3A_87 = arith.constant 0 : i32
        %dma_start3A_88 = tpu.memref_slice %arg4[%add3A_82, %dma_start3A_87] : memref<327680x64xf32, #tpu.memory_space<hbm>> -> memref<128x64xf32, #tpu.memory_space<hbm>>
        %dma_start3A_89 = arith.constant 0 : i32
        %dma_start3A_90 = tpu.memref_slice %arg4[%add3A_82, %dma_start3A_89] : memref<327680x64xf32, #tpu.memory_space<hbm>> -> memref<128x64xf32, #tpu.memory_space<hbm>>
        tpu.enqueue_dma source(%dma_start3A_90 : memref<128x64xf32, #tpu.memory_space<hbm>>) target(%arg19 : memref<128x64xf32, #tpu.memory_space<vmem>>) target_semaphore(%arg23 : memref<!tpu.dma_semaphore, #tpu.memory_space<semaphore_mem>>)
      } else {
      }
      %scan3A_77 = arith.constant 0 : i32
      scf.yield %scan3A_77 : i32
    }
    %scan3A_21 = arith.constant 41 : i32
    %dma_wait3A = arith.constant 0 : i32
    %dma_wait3A_22 = arith.constant 0 : i32
    %dma_wait3A_23 = tpu.memref_slice %arg29[%dma_wait3A, %dma_wait3A_22] : memref<10240x64xf32, #tpu.memory_space<vmem_shared>> -> memref<10240x64xf32, #tpu.memory_space<vmem_shared>>
    tpu.wait_indirect_dma semaphore(%arg28 : memref<!tpu.dma_semaphore, #tpu.memory_space<semaphore_mem>>) src(%arg22 : memref<128x64xf32, #tpu.memory_space<vmem>>) dst(%dma_wait3A_23 : memref<10240x64xf32, #tpu.memory_space<vmem_shared>>)
    %barrier3A_24 = arith.constant 0 : index
    tpu.barrier barrier_id(%barrier3A_24)
    "tpu.region"() ({
      %run_scoped3A = tpu.sem_alloc : memref<!tpu.dma_semaphore, #tpu.memory_space<semaphore_mem>>
      %dma_start3A_25 = arith.constant 0 : i32
      %dma_start3A_26 = tpu.memref_slice %arg8[%arg0, %mul3A_4, %dma_start3A_25] : memref<2x10240x64xf32, #tpu.memory_space<hbm>> -> memref<1x640x64xf32, #tpu.memory_space<hbm>>
      %dma_start3A_27 = tpu.memref_squeeze %dma_start3A_26 : memref<1x640x64xf32, #tpu.memory_space<hbm>> -> memref<640x64xf32, #tpu.memory_space<hbm>>
      %dma_start3A_28 = arith.constant 0 : i32
      %dma_start3A_29 = tpu.memref_slice %arg29[%mul3A_4, %dma_start3A_28] : memref<10240x64xf32, #tpu.memory_space<vmem_shared>> -> memref<640x64xf32, #tpu.memory_space<vmem_shared>>
      tpu.enqueue_dma source(%dma_start3A_29 : memref<640x64xf32, #tpu.memory_space<vmem_shared>>) target(%dma_start3A_27 : memref<640x64xf32, #tpu.memory_space<hbm>>) target_semaphore(%run_scoped3A : memref<!tpu.dma_semaphore, #tpu.memory_space<semaphore_mem>>)
      %dma_wait3A_30 = arith.constant 0 : i32
      %dma_wait3A_31 = tpu.memref_slice %arg8[%arg0, %mul3A_4, %dma_wait3A_30] : memref<2x10240x64xf32, #tpu.memory_space<hbm>> -> memref<1x640x64xf32, #tpu.memory_space<hbm>>
      %dma_wait3A_32 = tpu.memref_squeeze %dma_wait3A_31 : memref<1x640x64xf32, #tpu.memory_space<hbm>> -> memref<640x64xf32, #tpu.memory_space<hbm>>
      %dma_wait3A_33 = arith.constant 0 : i32
      %dma_wait3A_34 = tpu.memref_slice %arg29[%mul3A_4, %dma_wait3A_33] : memref<10240x64xf32, #tpu.memory_space<vmem_shared>> -> memref<640x64xf32, #tpu.memory_space<vmem_shared>>
      tpu.wait_dma2 semaphore(%run_scoped3A : memref<!tpu.dma_semaphore, #tpu.memory_space<semaphore_mem>>) src(%dma_wait3A_34 : memref<640x64xf32, #tpu.memory_space<vmem_shared>>) dst(%dma_wait3A_32 : memref<640x64xf32, #tpu.memory_space<hbm>>)
      tpu.yield
    }) : () -> ()
    return
  }
}

#map = affine_map<(d0, d1) -> (0, 0)>
#map1 = affine_map<(d0, d1) -> (0)>
#map2 = affine_map<(d0, d1) -> (0, 0, 0)>
module attributes {stable_mosaic.version = 14 : i64} {
  func.func @k(%arg0: i32, %arg1: i32, %arg2: memref<10240x64xf32, #tpu.memory_space<hbm>>, %arg3: memref<10240x64xf32, #tpu.memory_space<hbm>>, %arg4: memref<327680x64xf32, #tpu.memory_space<hbm>>, %arg5: memref<327680xi32, #tpu.memory_space<hbm>>, %arg6: memref<327680xi32, #tpu.memory_space<hbm>>, %arg7: memref<10240x64xf32, #tpu.memory_space<hbm>>, %arg8: memref<2x10240x64xf32, #tpu.memory_space<hbm>>, %arg9: memref<128xi32, #tpu.memory_space<vmem>>, %arg10: memref<128xi32, #tpu.memory_space<vmem>>, %arg11: memref<128xi32, #tpu.memory_space<vmem>>, %arg12: memref<128xi32, #tpu.memory_space<vmem>>, %arg13: memref<128xi32, #tpu.memory_space<vmem>>, %arg14: memref<128xi32, #tpu.memory_space<vmem>>, %arg15: memref<128x64xf32, #tpu.memory_space<vmem>>, %arg16: memref<128x64xf32, #tpu.memory_space<vmem>>, %arg17: memref<128x64xf32, #tpu.memory_space<vmem>>, %arg18: memref<128x64xf32, #tpu.memory_space<vmem>>, %arg19: memref<128x64xf32, #tpu.memory_space<vmem>>, %arg20: memref<128x64xf32, #tpu.memory_space<vmem>>, %arg21: memref<128x64xf32, #tpu.memory_space<vmem>>, %arg22: memref<128x64xf32, #tpu.memory_space<vmem>>, %arg23: memref<!tpu.dma_semaphore, #tpu.memory_space<semaphore_mem>>, %arg24: memref<!tpu.dma_semaphore, #tpu.memory_space<semaphore_mem>>, %arg25: memref<!tpu.dma_semaphore, #tpu.memory_space<semaphore_mem>>, %arg26: memref<!tpu.dma_semaphore, #tpu.memory_space<semaphore_mem>>, %arg27: memref<!tpu.dma_semaphore, #tpu.memory_space<semaphore_mem>>, %arg28: memref<!tpu.dma_semaphore, #tpu.memory_space<semaphore_mem>>, %arg29: memref<10240x64xf32, #tpu.memory_space<vmem_shared>>) attributes {dimension_semantics = [#tpu.dimension_semantics<core_parallel>, #tpu.dimension_semantics<subcore_parallel>], iteration_bounds = array<i64: 2, 16>, scalar_prefetch = 0 : i64, scratch_operands = 21 : i64, tpu.core_type = #tpu.core_type<sc_vector_subcore>, window_params = [{transform_indices = #map}, {transform_indices = #map}, {transform_indices = #map}, {transform_indices = #map1}, {transform_indices = #map1}, {transform_indices = #map}, {transform_indices = #map2}]} {
    %mul3A = arith.constant 2 : i32
    %mul3A_0 = arith.muli %arg1, %mul3A : i32
    %add3A = arith.addi %mul3A_0, %arg0 : i32
    %mul3A_1 = arith.constant 10240 : i32
    %mul3A_2 = arith.muli %add3A, %mul3A_1 : i32
    %mul3A_3 = arith.constant 640 : i32
    %mul3A_4 = arith.muli %arg1, %mul3A_3 : i32
    %eq3A = arith.constant 0 : i32
    %eq3A_5 = arith.cmpi eq, %arg1, %eq3A : i32
    %convert_element_type3A = arith.extui %eq3A_5 : i1 to i32
    %cond3A = arith.constant 0 : i32
    %cond3A_6 = arith.cmpi ne, %convert_element_type3A, %cond3A : i32
    scf.if %cond3A_6 {
      "tpu.region"() ({
        %run_scoped3A = tpu.sem_alloc : memref<!tpu.dma_semaphore, #tpu.memory_space<semaphore_mem>>
        tpu.enqueue_dma source(%arg7 : memref<10240x64xf32, #tpu.memory_space<hbm>>) target(%arg29 : memref<10240x64xf32, #tpu.memory_space<vmem_shared>>) target_semaphore(%run_scoped3A : memref<!tpu.dma_semaphore, #tpu.memory_space<semaphore_mem>>)
        tpu.wait_dma2 semaphore(%run_scoped3A : memref<!tpu.dma_semaphore, #tpu.memory_space<semaphore_mem>>) src(%arg7 : memref<10240x64xf32, #tpu.memory_space<hbm>>) dst(%arg29 : memref<10240x64xf32, #tpu.memory_space<vmem_shared>>)
        tpu.yield
      }) : () -> ()
    } else {
    }
    %barrier3A = arith.constant 0 : index
    tpu.barrier barrier_id(%barrier3A)
    %add3A_7 = arith.constant 0 : i32
    %add3A_8 = arith.addi %mul3A_2, %add3A_7 : i32
    %dma_start3A = tpu.memref_slice %arg5[%add3A_8] : memref<327680xi32, #tpu.memory_space<hbm>> -> memref<128xi32, #tpu.memory_space<hbm>>
    %dma_start3A_9 = tpu.memref_slice %arg5[%add3A_8] : memref<327680xi32, #tpu.memory_space<hbm>> -> memref<128xi32, #tpu.memory_space<hbm>>
    tpu.enqueue_dma source(%dma_start3A_9 : memref<128xi32, #tpu.memory_space<hbm>>) target(%arg9 : memref<128xi32, #tpu.memory_space<vmem>>) target_semaphore(%arg23 : memref<!tpu.dma_semaphore, #tpu.memory_space<semaphore_mem>>)
    %dma_start3A_10 = tpu.memref_slice %arg6[%add3A_8] : memref<327680xi32, #tpu.memory_space<hbm>> -> memref<128xi32, #tpu.memory_space<hbm>>
    %dma_start3A_11 = tpu.memref_slice %arg6[%add3A_8] : memref<327680xi32, #tpu.memory_space<hbm>> -> memref<128xi32, #tpu.memory_space<hbm>>
    tpu.enqueue_dma source(%dma_start3A_11 : memref<128xi32, #tpu.memory_space<hbm>>) target(%arg11 : memref<128xi32, #tpu.memory_space<vmem>>) target_semaphore(%arg23 : memref<!tpu.dma_semaphore, #tpu.memory_space<semaphore_mem>>)
    %dma_start3A_12 = arith.constant 0 : i32
    %dma_start3A_13 = tpu.memref_slice %arg4[%add3A_8, %dma_start3A_12] : memref<327680x64xf32, #tpu.memory_space<hbm>> -> memref<128x64xf32, #tpu.memory_space<hbm>>
    %dma_start3A_14 = arith.constant 0 : i32
    %dma_start3A_15 = tpu.memref_slice %arg4[%add3A_8, %dma_start3A_14] : memref<327680x64xf32, #tpu.memory_space<hbm>> -> memref<128x64xf32, #tpu.memory_space<hbm>>
    tpu.enqueue_dma source(%dma_start3A_15 : memref<128x64xf32, #tpu.memory_space<hbm>>) target(%arg19 : memref<128x64xf32, #tpu.memory_space<vmem>>) target_semaphore(%arg23 : memref<!tpu.dma_semaphore, #tpu.memory_space<semaphore_mem>>)
    %scan3A = arith.constant 0 : i32
    %scan3A_16 = arith.constant 0 : i32
    %scan3A_17 = arith.constant 41 : i32
    %scan3A_18 = arith.addi %scan3A_16, %scan3A_17 : i32
    %scan3A_19 = arith.constant 1 : i32
    %scan3A_20 = scf.for %scan3A_25 = %scan3A_16 to %scan3A_18 step %scan3A_19 iter_args(%scan3A_26 = %scan3A) -> (i32)  : i32 {
      %mul3A_27 = arith.constant 2 : i32
      %mul3A_28 = arith.muli %mul3A_27, %scan3A_25 : i32
      %ge3A = arith.constant 3 : i32
      %ge3A_29 = arith.cmpi sge, %mul3A_28, %ge3A : i32
      %convert_element_type3A_30 = arith.extui %ge3A_29 : i1 to i32
      %cond3A_31 = arith.constant 0 : i32
      %cond3A_32 = arith.cmpi ne, %convert_element_type3A_30, %cond3A_31 : i32
      scf.if %cond3A_32 {
        %dma_wait3A_78 = arith.constant 0 : i32
        %dma_wait3A_79 = arith.constant 0 : i32
        %dma_wait3A_80 = tpu.memref_slice %arg29[%dma_wait3A_78, %dma_wait3A_79] : memref<10240x64xf32, #tpu.memory_space<vmem_shared>> -> memref<10240x64xf32, #tpu.memory_space<vmem_shared>>
        tpu.wait_indirect_dma semaphore(%arg28 : memref<!tpu.dma_semaphore, #tpu.memory_space<semaphore_mem>>) src(%arg22 : memref<128x64xf32, #tpu.memory_space<vmem>>) dst(%dma_wait3A_80 : memref<10240x64xf32, #tpu.memory_space<vmem_shared>>)
      } else {
      }
      %lt3A = arith.constant 80 : i32
      %lt3A_33 = arith.cmpi slt, %mul3A_28, %lt3A : i32
      %convert_element_type3A_34 = arith.extui %lt3A_33 : i1 to i32
      %cond3A_35 = arith.constant 0 : i32
      %cond3A_36 = arith.cmpi ne, %convert_element_type3A_34, %cond3A_35 : i32
      scf.if %cond3A_36 {
        %dma_wait3A_78 = arith.constant 0 : i32
        %dma_wait3A_79 = tpu.memref_slice %arg5[%dma_wait3A_78] : memref<327680xi32, #tpu.memory_space<hbm>> -> memref<128xi32, #tpu.memory_space<hbm>>
        %dma_wait3A_80 = arith.constant 0 : i32
        %dma_wait3A_81 = tpu.memref_slice %arg5[%dma_wait3A_80] : memref<327680xi32, #tpu.memory_space<hbm>> -> memref<128xi32, #tpu.memory_space<hbm>>
        tpu.wait_dma2 semaphore(%arg23 : memref<!tpu.dma_semaphore, #tpu.memory_space<semaphore_mem>>) src(%dma_wait3A_81 : memref<128xi32, #tpu.memory_space<hbm>>) dst(%arg9 : memref<128xi32, #tpu.memory_space<vmem>>)
        %dma_wait3A_82 = arith.constant 0 : i32
        %dma_wait3A_83 = tpu.memref_slice %arg6[%dma_wait3A_82] : memref<327680xi32, #tpu.memory_space<hbm>> -> memref<128xi32, #tpu.memory_space<hbm>>
        %dma_wait3A_84 = arith.constant 0 : i32
        %dma_wait3A_85 = tpu.memref_slice %arg6[%dma_wait3A_84] : memref<327680xi32, #tpu.memory_space<hbm>> -> memref<128xi32, #tpu.memory_space<hbm>>
        tpu.wait_dma2 semaphore(%arg23 : memref<!tpu.dma_semaphore, #tpu.memory_space<semaphore_mem>>) src(%dma_wait3A_85 : memref<128xi32, #tpu.memory_space<hbm>>) dst(%arg11 : memref<128xi32, #tpu.memory_space<vmem>>)
        %dma_wait3A_86 = arith.constant 0 : i32
        %dma_wait3A_87 = arith.constant 0 : i32
        %dma_wait3A_88 = tpu.memref_slice %arg4[%dma_wait3A_86, %dma_wait3A_87] : memref<327680x64xf32, #tpu.memory_space<hbm>> -> memref<128x64xf32, #tpu.memory_space<hbm>>
        %dma_wait3A_89 = arith.constant 0 : i32
        %dma_wait3A_90 = arith.constant 0 : i32
        %dma_wait3A_91 = tpu.memref_slice %arg4[%dma_wait3A_89, %dma_wait3A_90] : memref<327680x64xf32, #tpu.memory_space<hbm>> -> memref<128x64xf32, #tpu.memory_space<hbm>>
        tpu.wait_dma2 semaphore(%arg23 : memref<!tpu.dma_semaphore, #tpu.memory_space<semaphore_mem>>) src(%dma_wait3A_91 : memref<128x64xf32, #tpu.memory_space<hbm>>) dst(%arg19 : memref<128x64xf32, #tpu.memory_space<vmem>>)
        %dma_start3A_92 = arith.constant 0 : i32
        %dma_start3A_93 = arith.constant 0 : i32
        %dma_start3A_94 = tpu.memref_slice %arg2[%dma_start3A_92, %dma_start3A_93] : memref<10240x64xf32, #tpu.memory_space<hbm>> -> memref<10240x64xf32, #tpu.memory_space<hbm>>
        tpu.enqueue_indirect_dma source(%dma_start3A_94 : memref<10240x64xf32, #tpu.memory_space<hbm>>) target(%arg15 : memref<128x64xf32, #tpu.memory_space<vmem>>) offsets(%arg9 : memref<128xi32, #tpu.memory_space<vmem>>) semaphore(%arg25 : memref<!tpu.dma_semaphore, #tpu.memory_space<semaphore_mem>>)
        %dma_start3A_95 = arith.constant 0 : i32
        %dma_start3A_96 = arith.constant 0 : i32
        %dma_start3A_97 = tpu.memref_slice %arg3[%dma_start3A_95, %dma_start3A_96] : memref<10240x64xf32, #tpu.memory_space<hbm>> -> memref<10240x64xf32, #tpu.memory_space<hbm>>
        tpu.enqueue_indirect_dma source(%dma_start3A_97 : memref<10240x64xf32, #tpu.memory_space<hbm>>) target(%arg17 : memref<128x64xf32, #tpu.memory_space<vmem>>) offsets(%arg11 : memref<128xi32, #tpu.memory_space<vmem>>) semaphore(%arg25 : memref<!tpu.dma_semaphore, #tpu.memory_space<semaphore_mem>>)
      } else {
      }
      %ge3A_37 = arith.constant 1 : i32
      %ge3A_38 = arith.cmpi sge, %mul3A_28, %ge3A_37 : i32
      %le3A = arith.constant 80 : i32
      %le3A_39 = arith.cmpi sle, %mul3A_28, %le3A : i32
      %and3A = arith.andi %ge3A_38, %le3A_39 : i1
      %convert_element_type3A_40 = arith.extui %and3A : i1 to i32
      %cond3A_41 = arith.constant 0 : i32
      %cond3A_42 = arith.cmpi ne, %convert_element_type3A_40, %cond3A_41 : i32
      scf.if %cond3A_42 {
        %dma_wait3A_78 = arith.constant 0 : i32
        %dma_wait3A_79 = arith.constant 0 : i32
        %dma_wait3A_80 = tpu.memref_slice %arg2[%dma_wait3A_78, %dma_wait3A_79] : memref<10240x64xf32, #tpu.memory_space<hbm>> -> memref<10240x64xf32, #tpu.memory_space<hbm>>
        tpu.wait_indirect_dma semaphore(%arg26 : memref<!tpu.dma_semaphore, #tpu.memory_space<semaphore_mem>>) src(%dma_wait3A_80 : memref<10240x64xf32, #tpu.memory_space<hbm>>) dst(%arg16 : memref<128x64xf32, #tpu.memory_space<vmem>>)
        %dma_wait3A_81 = arith.constant 0 : i32
        %dma_wait3A_82 = arith.constant 0 : i32
        %dma_wait3A_83 = tpu.memref_slice %arg3[%dma_wait3A_81, %dma_wait3A_82] : memref<10240x64xf32, #tpu.memory_space<hbm>> -> memref<10240x64xf32, #tpu.memory_space<hbm>>
        tpu.wait_indirect_dma semaphore(%arg26 : memref<!tpu.dma_semaphore, #tpu.memory_space<semaphore_mem>>) src(%dma_wait3A_83 : memref<10240x64xf32, #tpu.memory_space<hbm>>) dst(%arg18 : memref<128x64xf32, #tpu.memory_space<vmem>>)
        %get3A = arith.constant 0 : index
        %get3A_84 = tpu.vector_load %arg12[%get3A] {strides = array<i32>} : memref<128xi32, #tpu.memory_space<vmem>>, vector<16xi32>,
        %get3A_85 = vector.shape_cast %get3A_84 : vector<16xi32> to vector<16xi32>
        %swap3A = arith.constant 0 : index
        %swap3A_86 = tpu.vector_load %arg14[%swap3A] {strides = array<i32>} : memref<128xi32, #tpu.memory_space<vmem>>, vector<16xi32>,
        %swap3A_87 = vector.shape_cast %swap3A_86 : vector<16xi32> to vector<16xi32>
        %swap3A_88 = vector.shape_cast %get3A_85 : vector<16xi32> to vector<16xi32>
        tpu.vector_store %arg14[%swap3A], %swap3A_88 {strides = array<i32>} : memref<128xi32, #tpu.memory_space<vmem>>, vector<16xi32>,
        %get3A_89 = arith.constant 16 : index
        %get3A_90 = tpu.vector_load %arg12[%get3A_89] {strides = array<i32>} : memref<128xi32, #tpu.memory_space<vmem>>, vector<16xi32>,
        %get3A_91 = vector.shape_cast %get3A_90 : vector<16xi32> to vector<16xi32>
        %swap3A_92 = arith.constant 16 : index
        %swap3A_93 = tpu.vector_load %arg14[%swap3A_92] {strides = array<i32>} : memref<128xi32, #tpu.memory_space<vmem>>, vector<16xi32>,
        %swap3A_94 = vector.shape_cast %swap3A_93 : vector<16xi32> to vector<16xi32>
        %swap3A_95 = vector.shape_cast %get3A_91 : vector<16xi32> to vector<16xi32>
        tpu.vector_store %arg14[%swap3A_92], %swap3A_95 {strides = array<i32>} : memref<128xi32, #tpu.memory_space<vmem>>, vector<16xi32>,
        %get3A_96 = arith.constant 32 : index
        %get3A_97 = tpu.vector_load %arg12[%get3A_96] {strides = array<i32>} : memref<128xi32, #tpu.memory_space<vmem>>, vector<16xi32>,
        %get3A_98 = vector.shape_cast %get3A_97 : vector<16xi32> to vector<16xi32>
        %swap3A_99 = arith.constant 32 : index
        %swap3A_100 = tpu.vector_load %arg14[%swap3A_99] {strides = array<i32>} : memref<128xi32, #tpu.memory_space<vmem>>, vector<16xi32>,
        %swap3A_101 = vector.shape_cast %swap3A_100 : vector<16xi32> to vector<16xi32>
        %swap3A_102 = vector.shape_cast %get3A_98 : vector<16xi32> to vector<16xi32>
        tpu.vector_store %arg14[%swap3A_99], %swap3A_102 {strides = array<i32>} : memref<128xi32, #tpu.memory_space<vmem>>, vector<16xi32>,
        %get3A_103 = arith.constant 48 : index
        %get3A_104 = tpu.vector_load %arg12[%get3A_103] {strides = array<i32>} : memref<128xi32, #tpu.memory_space<vmem>>, vector<16xi32>,
        %get3A_105 = vector.shape_cast %get3A_104 : vector<16xi32> to vector<16xi32>
        %swap3A_106 = arith.constant 48 : index
        %swap3A_107 = tpu.vector_load %arg14[%swap3A_106] {strides = array<i32>} : memref<128xi32, #tpu.memory_space<vmem>>, vector<16xi32>,
        %swap3A_108 = vector.shape_cast %swap3A_107 : vector<16xi32> to vector<16xi32>
        %swap3A_109 = vector.shape_cast %get3A_105 : vector<16xi32> to vector<16xi32>
        tpu.vector_store %arg14[%swap3A_106], %swap3A_109 {strides = array<i32>} : memref<128xi32, #tpu.memory_space<vmem>>, vector<16xi32>,
        %get3A_110 = arith.constant 64 : index
        %get3A_111 = tpu.vector_load %arg12[%get3A_110] {strides = array<i32>} : memref<128xi32, #tpu.memory_space<vmem>>, vector<16xi32>,
        %get3A_112 = vector.shape_cast %get3A_111 : vector<16xi32> to vector<16xi32>
        %swap3A_113 = arith.constant 64 : index
        %swap3A_114 = tpu.vector_load %arg14[%swap3A_113] {strides = array<i32>} : memref<128xi32, #tpu.memory_space<vmem>>, vector<16xi32>,
        %swap3A_115 = vector.shape_cast %swap3A_114 : vector<16xi32> to vector<16xi32>
        %swap3A_116 = vector.shape_cast %get3A_112 : vector<16xi32> to vector<16xi32>
        tpu.vector_store %arg14[%swap3A_113], %swap3A_116 {strides = array<i32>} : memref<128xi32, #tpu.memory_space<vmem>>, vector<16xi32>,
        %get3A_117 = arith.constant 80 : index
        %get3A_118 = tpu.vector_load %arg12[%get3A_117] {strides = array<i32>} : memref<128xi32, #tpu.memory_space<vmem>>, vector<16xi32>,
        %get3A_119 = vector.shape_cast %get3A_118 : vector<16xi32> to vector<16xi32>
        %swap3A_120 = arith.constant 80 : index
        %swap3A_121 = tpu.vector_load %arg14[%swap3A_120] {strides = array<i32>} : memref<128xi32, #tpu.memory_space<vmem>>, vector<16xi32>,
        %swap3A_122 = vector.shape_cast %swap3A_121 : vector<16xi32> to vector<16xi32>
        %swap3A_123 = vector.shape_cast %get3A_119 : vector<16xi32> to vector<16xi32>
        tpu.vector_store %arg14[%swap3A_120], %swap3A_123 {strides = array<i32>} : memref<128xi32, #tpu.memory_space<vmem>>, vector<16xi32>,
        %get3A_124 = arith.constant 96 : index
        %get3A_125 = tpu.vector_load %arg12[%get3A_124] {strides = array<i32>} : memref<128xi32, #tpu.memory_space<vmem>>, vector<16xi32>,
        %get3A_126 = vector.shape_cast %get3A_125 : vector<16xi32> to vector<16xi32>
        %swap3A_127 = arith.constant 96 : index
        %swap3A_128 = tpu.vector_load %arg14[%swap3A_127] {strides = array<i32>} : memref<128xi32, #tpu.memory_space<vmem>>, vector<16xi32>,
        %swap3A_129 = vector.shape_cast %swap3A_128 : vector<16xi32> to vector<16xi32>
        %swap3A_130 = vector.shape_cast %get3A_126 : vector<16xi32> to vector<16xi32>
        tpu.vector_store %arg14[%swap3A_127], %swap3A_130 {strides = array<i32>} : memref<128xi32, #tpu.memory_space<vmem>>, vector<16xi32>,
        %get3A_131 = arith.constant 112 : index
        %get3A_132 = tpu.vector_load %arg12[%get3A_131] {strides = array<i32>} : memref<128xi32, #tpu.memory_space<vmem>>, vector<16xi32>,
        %get3A_133 = vector.shape_cast %get3A_132 : vector<16xi32> to vector<16xi32>
        %swap3A_134 = arith.constant 112 : index
        %swap3A_135 = tpu.vector_load %arg14[%swap3A_134] {strides = array<i32>} : memref<128xi32, #tpu.memory_space<vmem>>, vector<16xi32>,
        %swap3A_136 = vector.shape_cast %swap3A_135 : vector<16xi32> to vector<16xi32>
        %swap3A_137 = vector.shape_cast %get3A_133 : vector<16xi32> to vector<16xi32>
        tpu.vector_store %arg14[%swap3A_134], %swap3A_137 {strides = array<i32>} : memref<128xi32, #tpu.memory_space<vmem>>, vector<16xi32>,
        %parallel_loop3A = arith.constant 0 : i32
        %parallel_loop3A_138 = arith.constant 128 : i32
        %parallel_loop3A_139 = arith.constant 1 : i32
        scf.for %parallel_loop3A_143 = %parallel_loop3A to %parallel_loop3A_138 step %parallel_loop3A_139  : i32 {
          %parallel_loop3A_144 = arith.index_cast %parallel_loop3A_143 : i32 to index
          %parallel_loop3A_145 = arith.constant 0 : index
          %parallel_loop3A_146 = tpu.vector_load %arg16[%parallel_loop3A_144, %parallel_loop3A_145] {strides = array<i32>} : memref<128x64xf32, #tpu.memory_space<vmem>>, vector<1x16xf32>,
          %parallel_loop3A_147 = vector.shape_cast %parallel_loop3A_146 : vector<1x16xf32> to vector<16xf32>
          %parallel_loop3A_148 = arith.index_cast %parallel_loop3A_143 : i32 to index
          %parallel_loop3A_149 = arith.constant 0 : index
          %parallel_loop3A_150 = tpu.vector_load %arg18[%parallel_loop3A_148, %parallel_loop3A_149] {strides = array<i32>} : memref<128x64xf32, #tpu.memory_space<vmem>>, vector<1x16xf32>,
          %parallel_loop3A_151 = vector.shape_cast %parallel_loop3A_150 : vector<1x16xf32> to vector<16xf32>
          %parallel_loop3A_152 = arith.addf %parallel_loop3A_147, %parallel_loop3A_151 : vector<16xf32>
          %parallel_loop3A_153 = arith.index_cast %parallel_loop3A_143 : i32 to index
          %parallel_loop3A_154 = arith.constant 0 : index
          %parallel_loop3A_155 = tpu.vector_load %arg20[%parallel_loop3A_153, %parallel_loop3A_154] {strides = array<i32>} : memref<128x64xf32, #tpu.memory_space<vmem>>, vector<1x16xf32>,
          %parallel_loop3A_156 = vector.shape_cast %parallel_loop3A_155 : vector<1x16xf32> to vector<16xf32>
          %parallel_loop3A_157 = arith.addf %parallel_loop3A_152, %parallel_loop3A_156 : vector<16xf32>
          %parallel_loop3A_158 = arith.constant 0.000000e+00 : f32
          %parallel_loop3A_159 = vector.broadcast %parallel_loop3A_158 : f32 to vector<16xf32>
          %parallel_loop3A_160 = arith.maximumf %parallel_loop3A_157, %parallel_loop3A_159 : vector<16xf32>
          %parallel_loop3A_161 = arith.index_cast %parallel_loop3A_143 : i32 to index
          %parallel_loop3A_162 = arith.constant 0 : index
          %parallel_loop3A_163 = tpu.vector_load %arg22[%parallel_loop3A_161, %parallel_loop3A_162] {strides = array<i32>} : memref<128x64xf32, #tpu.memory_space<vmem>>, vector<1x16xf32>,
          %parallel_loop3A_164 = vector.shape_cast %parallel_loop3A_163 : vector<1x16xf32> to vector<16xf32>
          %parallel_loop3A_165 = vector.shape_cast %parallel_loop3A_160 : vector<16xf32> to vector<1x16xf32>
          tpu.vector_store %arg22[%parallel_loop3A_161, %parallel_loop3A_162], %parallel_loop3A_165 {strides = array<i32>} : memref<128x64xf32, #tpu.memory_space<vmem>>, vector<1x16xf32>,
          %parallel_loop3A_166 = arith.index_cast %parallel_loop3A_143 : i32 to index
          %parallel_loop3A_167 = arith.constant 16 : index
          %parallel_loop3A_168 = tpu.vector_load %arg16[%parallel_loop3A_166, %parallel_loop3A_167] {strides = array<i32>} : memref<128x64xf32, #tpu.memory_space<vmem>>, vector<1x16xf32>,
          %parallel_loop3A_169 = vector.shape_cast %parallel_loop3A_168 : vector<1x16xf32> to vector<16xf32>
          %parallel_loop3A_170 = arith.index_cast %parallel_loop3A_143 : i32 to index
          %parallel_loop3A_171 = arith.constant 16 : index
          %parallel_loop3A_172 = tpu.vector_load %arg18[%parallel_loop3A_170, %parallel_loop3A_171] {strides = array<i32>} : memref<128x64xf32, #tpu.memory_space<vmem>>, vector<1x16xf32>,
          %parallel_loop3A_173 = vector.shape_cast %parallel_loop3A_172 : vector<1x16xf32> to vector<16xf32>
          %parallel_loop3A_174 = arith.addf %parallel_loop3A_169, %parallel_loop3A_173 : vector<16xf32>
          %parallel_loop3A_175 = arith.index_cast %parallel_loop3A_143 : i32 to index
          %parallel_loop3A_176 = arith.constant 16 : index
          %parallel_loop3A_177 = tpu.vector_load %arg20[%parallel_loop3A_175, %parallel_loop3A_176] {strides = array<i32>} : memref<128x64xf32, #tpu.memory_space<vmem>>, vector<1x16xf32>,
          %parallel_loop3A_178 = vector.shape_cast %parallel_loop3A_177 : vector<1x16xf32> to vector<16xf32>
          %parallel_loop3A_179 = arith.addf %parallel_loop3A_174, %parallel_loop3A_178 : vector<16xf32>
          %parallel_loop3A_180 = arith.constant 0.000000e+00 : f32
          %parallel_loop3A_181 = vector.broadcast %parallel_loop3A_180 : f32 to vector<16xf32>
          %parallel_loop3A_182 = arith.maximumf %parallel_loop3A_179, %parallel_loop3A_181 : vector<16xf32>
          %parallel_loop3A_183 = arith.index_cast %parallel_loop3A_143 : i32 to index
          %parallel_loop3A_184 = arith.constant 16 : index
          %parallel_loop3A_185 = tpu.vector_load %arg22[%parallel_loop3A_183, %parallel_loop3A_184] {strides = array<i32>} : memref<128x64xf32, #tpu.memory_space<vmem>>, vector<1x16xf32>,
          %parallel_loop3A_186 = vector.shape_cast %parallel_loop3A_185 : vector<1x16xf32> to vector<16xf32>
          %parallel_loop3A_187 = vector.shape_cast %parallel_loop3A_182 : vector<16xf32> to vector<1x16xf32>
          tpu.vector_store %arg22[%parallel_loop3A_183, %parallel_loop3A_184], %parallel_loop3A_187 {strides = array<i32>} : memref<128x64xf32, #tpu.memory_space<vmem>>, vector<1x16xf32>,
          %parallel_loop3A_188 = arith.index_cast %parallel_loop3A_143 : i32 to index
          %parallel_loop3A_189 = arith.constant 32 : index
          %parallel_loop3A_190 = tpu.vector_load %arg16[%parallel_loop3A_188, %parallel_loop3A_189] {strides = array<i32>} : memref<128x64xf32, #tpu.memory_space<vmem>>, vector<1x16xf32>,
          %parallel_loop3A_191 = vector.shape_cast %parallel_loop3A_190 : vector<1x16xf32> to vector<16xf32>
          %parallel_loop3A_192 = arith.index_cast %parallel_loop3A_143 : i32 to index
          %parallel_loop3A_193 = arith.constant 32 : index
          %parallel_loop3A_194 = tpu.vector_load %arg18[%parallel_loop3A_192, %parallel_loop3A_193] {strides = array<i32>} : memref<128x64xf32, #tpu.memory_space<vmem>>, vector<1x16xf32>,
          %parallel_loop3A_195 = vector.shape_cast %parallel_loop3A_194 : vector<1x16xf32> to vector<16xf32>
          %parallel_loop3A_196 = arith.addf %parallel_loop3A_191, %parallel_loop3A_195 : vector<16xf32>
          %parallel_loop3A_197 = arith.index_cast %parallel_loop3A_143 : i32 to index
          %parallel_loop3A_198 = arith.constant 32 : index
          %parallel_loop3A_199 = tpu.vector_load %arg20[%parallel_loop3A_197, %parallel_loop3A_198] {strides = array<i32>} : memref<128x64xf32, #tpu.memory_space<vmem>>, vector<1x16xf32>,
          %parallel_loop3A_200 = vector.shape_cast %parallel_loop3A_199 : vector<1x16xf32> to vector<16xf32>
          %parallel_loop3A_201 = arith.addf %parallel_loop3A_196, %parallel_loop3A_200 : vector<16xf32>
          %parallel_loop3A_202 = arith.constant 0.000000e+00 : f32
          %parallel_loop3A_203 = vector.broadcast %parallel_loop3A_202 : f32 to vector<16xf32>
          %parallel_loop3A_204 = arith.maximumf %parallel_loop3A_201, %parallel_loop3A_203 : vector<16xf32>
          %parallel_loop3A_205 = arith.index_cast %parallel_loop3A_143 : i32 to index
          %parallel_loop3A_206 = arith.constant 32 : index
          %parallel_loop3A_207 = tpu.vector_load %arg22[%parallel_loop3A_205, %parallel_loop3A_206] {strides = array<i32>} : memref<128x64xf32, #tpu.memory_space<vmem>>, vector<1x16xf32>,
          %parallel_loop3A_208 = vector.shape_cast %parallel_loop3A_207 : vector<1x16xf32> to vector<16xf32>
          %parallel_loop3A_209 = vector.shape_cast %parallel_loop3A_204 : vector<16xf32> to vector<1x16xf32>
          tpu.vector_store %arg22[%parallel_loop3A_205, %parallel_loop3A_206], %parallel_loop3A_209 {strides = array<i32>} : memref<128x64xf32, #tpu.memory_space<vmem>>, vector<1x16xf32>,
          %parallel_loop3A_210 = arith.index_cast %parallel_loop3A_143 : i32 to index
          %parallel_loop3A_211 = arith.constant 48 : index
          %parallel_loop3A_212 = tpu.vector_load %arg16[%parallel_loop3A_210, %parallel_loop3A_211] {strides = array<i32>} : memref<128x64xf32, #tpu.memory_space<vmem>>, vector<1x16xf32>,
          %parallel_loop3A_213 = vector.shape_cast %parallel_loop3A_212 : vector<1x16xf32> to vector<16xf32>
          %parallel_loop3A_214 = arith.index_cast %parallel_loop3A_143 : i32 to index
          %parallel_loop3A_215 = arith.constant 48 : index
          %parallel_loop3A_216 = tpu.vector_load %arg18[%parallel_loop3A_214, %parallel_loop3A_215] {strides = array<i32>} : memref<128x64xf32, #tpu.memory_space<vmem>>, vector<1x16xf32>,
          %parallel_loop3A_217 = vector.shape_cast %parallel_loop3A_216 : vector<1x16xf32> to vector<16xf32>
          %parallel_loop3A_218 = arith.addf %parallel_loop3A_213, %parallel_loop3A_217 : vector<16xf32>
          %parallel_loop3A_219 = arith.index_cast %parallel_loop3A_143 : i32 to index
          %parallel_loop3A_220 = arith.constant 48 : index
          %parallel_loop3A_221 = tpu.vector_load %arg20[%parallel_loop3A_219, %parallel_loop3A_220] {strides = array<i32>} : memref<128x64xf32, #tpu.memory_space<vmem>>, vector<1x16xf32>,
          %parallel_loop3A_222 = vector.shape_cast %parallel_loop3A_221 : vector<1x16xf32> to vector<16xf32>
          %parallel_loop3A_223 = arith.addf %parallel_loop3A_218, %parallel_loop3A_222 : vector<16xf32>
          %parallel_loop3A_224 = arith.constant 0.000000e+00 : f32
          %parallel_loop3A_225 = vector.broadcast %parallel_loop3A_224 : f32 to vector<16xf32>
          %parallel_loop3A_226 = arith.maximumf %parallel_loop3A_223, %parallel_loop3A_225 : vector<16xf32>
          %parallel_loop3A_227 = arith.index_cast %parallel_loop3A_143 : i32 to index
          %parallel_loop3A_228 = arith.constant 48 : index
          %parallel_loop3A_229 = tpu.vector_load %arg22[%parallel_loop3A_227, %parallel_loop3A_228] {strides = array<i32>} : memref<128x64xf32, #tpu.memory_space<vmem>>, vector<1x16xf32>,
          %parallel_loop3A_230 = vector.shape_cast %parallel_loop3A_229 : vector<1x16xf32> to vector<16xf32>
          %parallel_loop3A_231 = vector.shape_cast %parallel_loop3A_226 : vector<16xf32> to vector<1x16xf32>
          tpu.vector_store %arg22[%parallel_loop3A_227, %parallel_loop3A_228], %parallel_loop3A_231 {strides = array<i32>} : memref<128x64xf32, #tpu.memory_space<vmem>>, vector<1x16xf32>,
        } {sc.loop_unroll_factor = 4 : i64, sc.parallel_access}
        %dma_start3A_140 = arith.constant 0 : i32
        %dma_start3A_141 = arith.constant 0 : i32
        %dma_start3A_142 = tpu.memref_slice %arg29[%dma_start3A_140, %dma_start3A_141] : memref<10240x64xf32, #tpu.memory_space<vmem_shared>> -> memref<10240x64xf32, #tpu.memory_space<vmem_shared>>
        tpu.enqueue_indirect_dma source(%arg22 : memref<128x64xf32, #tpu.memory_space<vmem>>) target(%dma_start3A_142 : memref<10240x64xf32, #tpu.memory_space<vmem_shared>>) offsets(%arg14 : memref<128xi32, #tpu.memory_space<vmem>>) semaphore(%arg28 : memref<!tpu.dma_semaphore, #tpu.memory_space<semaphore_mem>>) {add = true}
      } else {
      }
      %add3A_43 = arith.constant 1 : i32
      %add3A_44 = arith.addi %mul3A_28, %add3A_43 : i32
      %lt3A_45 = arith.constant 80 : i32
      %lt3A_46 = arith.cmpi slt, %add3A_44, %lt3A_45 : i32
      %convert_element_type3A_47 = arith.extui %lt3A_46 : i1 to i32
      %cond3A_48 = arith.constant 0 : i32
      %cond3A_49 = arith.cmpi ne, %convert_element_type3A_47, %cond3A_48 : i32
      scf.if %cond3A_49 {
        %add3A_78 = arith.constant 1 : i32
        %add3A_79 = arith.addi %mul3A_28, %add3A_78 : i32
        %mul3A_80 = arith.constant 128 : i32
        %mul3A_81 = arith.muli %add3A_79, %mul3A_80 : i32
        %add3A_82 = arith.addi %mul3A_2, %mul3A_81 : i32
        %dma_start3A_83 = tpu.memref_slice %arg5[%add3A_82] : memref<327680xi32, #tpu.memory_space<hbm>> -> memref<128xi32, #tpu.memory_space<hbm>>
        %dma_start3A_84 = tpu.memref_slice %arg5[%add3A_82] : memref<327680xi32, #tpu.memory_space<hbm>> -> memref<128xi32, #tpu.memory_space<hbm>>
        tpu.enqueue_dma source(%dma_start3A_84 : memref<128xi32, #tpu.memory_space<hbm>>) target(%arg10 : memref<128xi32, #tpu.memory_space<vmem>>) target_semaphore(%arg24 : memref<!tpu.dma_semaphore, #tpu.memory_space<semaphore_mem>>)
        %dma_start3A_85 = tpu.memref_slice %arg6[%add3A_82] : memref<327680xi32, #tpu.memory_space<hbm>> -> memref<128xi32, #tpu.memory_space<hbm>>
        %dma_start3A_86 = tpu.memref_slice %arg6[%add3A_82] : memref<327680xi32, #tpu.memory_space<hbm>> -> memref<128xi32, #tpu.memory_space<hbm>>
        tpu.enqueue_dma source(%dma_start3A_86 : memref<128xi32, #tpu.memory_space<hbm>>) target(%arg12 : memref<128xi32, #tpu.memory_space<vmem>>) target_semaphore(%arg24 : memref<!tpu.dma_semaphore, #tpu.memory_space<semaphore_mem>>)
        %dma_start3A_87 = arith.constant 0 : i32
        %dma_start3A_88 = tpu.memref_slice %arg4[%add3A_82, %dma_start3A_87] : memref<327680x64xf32, #tpu.memory_space<hbm>> -> memref<128x64xf32, #tpu.memory_space<hbm>>
        %dma_start3A_89 = arith.constant 0 : i32
        %dma_start3A_90 = tpu.memref_slice %arg4[%add3A_82, %dma_start3A_89] : memref<327680x64xf32, #tpu.memory_space<hbm>> -> memref<128x64xf32, #tpu.memory_space<hbm>>
        tpu.enqueue_dma source(%dma_start3A_90 : memref<128x64xf32, #tpu.memory_space<hbm>>) target(%arg20 : memref<128x64xf32, #tpu.memory_space<vmem>>) target_semaphore(%arg24 : memref<!tpu.dma_semaphore, #tpu.memory_space<semaphore_mem>>)
      } else {
      }
      %add3A_50 = arith.constant 1 : i32
      %add3A_51 = arith.addi %mul3A_28, %add3A_50 : i32
      %ge3A_52 = arith.constant 3 : i32
      %ge3A_53 = arith.cmpi sge, %add3A_51, %ge3A_52 : i32
      %convert_element_type3A_54 = arith.extui %ge3A_53 : i1 to i32
      %cond3A_55 = arith.constant 0 : i32
      %cond3A_56 = arith.cmpi ne, %convert_element_type3A_54, %cond3A_55 : i32
      scf.if %cond3A_56 {
        %dma_wait3A_78 = arith.constant 0 : i32
        %dma_wait3A_79 = arith.constant 0 : i32
        %dma_wait3A_80 = tpu.memref_slice %arg29[%dma_wait3A_78, %dma_wait3A_79] : memref<10240x64xf32, #tpu.memory_space<vmem_shared>> -> memref<10240x64xf32, #tpu.memory_space<vmem_shared>>
        tpu.wait_indirect_dma semaphore(%arg27 : memref<!tpu.dma_semaphore, #tpu.memory_space<semaphore_mem>>) src(%arg21 : memref<128x64xf32, #tpu.memory_space<vmem>>) dst(%dma_wait3A_80 : memref<10240x64xf32, #tpu.memory_space<vmem_shared>>)
      } else {
      }
      %lt3A_57 = arith.constant 80 : i32
      %lt3A_58 = arith.cmpi slt, %add3A_51, %lt3A_57 : i32
      %convert_element_type3A_59 = arith.extui %lt3A_58 : i1 to i32
      %cond3A_60 = arith.constant 0 : i32
      %cond3A_61 = arith.cmpi ne, %convert_element_type3A_59, %cond3A_60 : i32
      scf.if %cond3A_61 {
        %dma_wait3A_78 = arith.constant 0 : i32
        %dma_wait3A_79 = tpu.memref_slice %arg5[%dma_wait3A_78] : memref<327680xi32, #tpu.memory_space<hbm>> -> memref<128xi32, #tpu.memory_space<hbm>>
        %dma_wait3A_80 = arith.constant 0 : i32
        %dma_wait3A_81 = tpu.memref_slice %arg5[%dma_wait3A_80] : memref<327680xi32, #tpu.memory_space<hbm>> -> memref<128xi32, #tpu.memory_space<hbm>>
        tpu.wait_dma2 semaphore(%arg24 : memref<!tpu.dma_semaphore, #tpu.memory_space<semaphore_mem>>) src(%dma_wait3A_81 : memref<128xi32, #tpu.memory_space<hbm>>) dst(%arg10 : memref<128xi32, #tpu.memory_space<vmem>>)
        %dma_wait3A_82 = arith.constant 0 : i32
        %dma_wait3A_83 = tpu.memref_slice %arg6[%dma_wait3A_82] : memref<327680xi32, #tpu.memory_space<hbm>> -> memref<128xi32, #tpu.memory_space<hbm>>
        %dma_wait3A_84 = arith.constant 0 : i32
        %dma_wait3A_85 = tpu.memref_slice %arg6[%dma_wait3A_84] : memref<327680xi32, #tpu.memory_space<hbm>> -> memref<128xi32, #tpu.memory_space<hbm>>
        tpu.wait_dma2 semaphore(%arg24 : memref<!tpu.dma_semaphore, #tpu.memory_space<semaphore_mem>>) src(%dma_wait3A_85 : memref<128xi32, #tpu.memory_space<hbm>>) dst(%arg12 : memref<128xi32, #tpu.memory_space<vmem>>)
        %dma_wait3A_86 = arith.constant 0 : i32
        %dma_wait3A_87 = arith.constant 0 : i32
        %dma_wait3A_88 = tpu.memref_slice %arg4[%dma_wait3A_86, %dma_wait3A_87] : memref<327680x64xf32, #tpu.memory_space<hbm>> -> memref<128x64xf32, #tpu.memory_space<hbm>>
        %dma_wait3A_89 = arith.constant 0 : i32
        %dma_wait3A_90 = arith.constant 0 : i32
        %dma_wait3A_91 = tpu.memref_slice %arg4[%dma_wait3A_89, %dma_wait3A_90] : memref<327680x64xf32, #tpu.memory_space<hbm>> -> memref<128x64xf32, #tpu.memory_space<hbm>>
        tpu.wait_dma2 semaphore(%arg24 : memref<!tpu.dma_semaphore, #tpu.memory_space<semaphore_mem>>) src(%dma_wait3A_91 : memref<128x64xf32, #tpu.memory_space<hbm>>) dst(%arg20 : memref<128x64xf32, #tpu.memory_space<vmem>>)
        %dma_start3A_92 = arith.constant 0 : i32
        %dma_start3A_93 = arith.constant 0 : i32
        %dma_start3A_94 = tpu.memref_slice %arg2[%dma_start3A_92, %dma_start3A_93] : memref<10240x64xf32, #tpu.memory_space<hbm>> -> memref<10240x64xf32, #tpu.memory_space<hbm>>
        tpu.enqueue_indirect_dma source(%dma_start3A_94 : memref<10240x64xf32, #tpu.memory_space<hbm>>) target(%arg16 : memref<128x64xf32, #tpu.memory_space<vmem>>) offsets(%arg10 : memref<128xi32, #tpu.memory_space<vmem>>) semaphore(%arg26 : memref<!tpu.dma_semaphore, #tpu.memory_space<semaphore_mem>>)
        %dma_start3A_95 = arith.constant 0 : i32
        %dma_start3A_96 = arith.constant 0 : i32
        %dma_start3A_97 = tpu.memref_slice %arg3[%dma_start3A_95, %dma_start3A_96] : memref<10240x64xf32, #tpu.memory_space<hbm>> -> memref<10240x64xf32, #tpu.memory_space<hbm>>
        tpu.enqueue_indirect_dma source(%dma_start3A_97 : memref<10240x64xf32, #tpu.memory_space<hbm>>) target(%arg18 : memref<128x64xf32, #tpu.memory_space<vmem>>) offsets(%arg12 : memref<128xi32, #tpu.memory_space<vmem>>) semaphore(%arg26 : memref<!tpu.dma_semaphore, #tpu.memory_space<semaphore_mem>>)
      } else {
      }
      %ge3A_62 = arith.constant 1 : i32
      %ge3A_63 = arith.cmpi sge, %add3A_51, %ge3A_62 : i32
      %le3A_64 = arith.constant 80 : i32
      %le3A_65 = arith.cmpi sle, %add3A_51, %le3A_64 : i32
      %and3A_66 = arith.andi %ge3A_63, %le3A_65 : i1
      %convert_element_type3A_67 = arith.extui %and3A_66 : i1 to i32
      %cond3A_68 = arith.constant 0 : i32
      %cond3A_69 = arith.cmpi ne, %convert_element_type3A_67, %cond3A_68 : i32
      scf.if %cond3A_69 {
        %dma_wait3A_78 = arith.constant 0 : i32
        %dma_wait3A_79 = arith.constant 0 : i32
        %dma_wait3A_80 = tpu.memref_slice %arg2[%dma_wait3A_78, %dma_wait3A_79] : memref<10240x64xf32, #tpu.memory_space<hbm>> -> memref<10240x64xf32, #tpu.memory_space<hbm>>
        tpu.wait_indirect_dma semaphore(%arg25 : memref<!tpu.dma_semaphore, #tpu.memory_space<semaphore_mem>>) src(%dma_wait3A_80 : memref<10240x64xf32, #tpu.memory_space<hbm>>) dst(%arg15 : memref<128x64xf32, #tpu.memory_space<vmem>>)
        %dma_wait3A_81 = arith.constant 0 : i32
        %dma_wait3A_82 = arith.constant 0 : i32
        %dma_wait3A_83 = tpu.memref_slice %arg3[%dma_wait3A_81, %dma_wait3A_82] : memref<10240x64xf32, #tpu.memory_space<hbm>> -> memref<10240x64xf32, #tpu.memory_space<hbm>>
        tpu.wait_indirect_dma semaphore(%arg25 : memref<!tpu.dma_semaphore, #tpu.memory_space<semaphore_mem>>) src(%dma_wait3A_83 : memref<10240x64xf32, #tpu.memory_space<hbm>>) dst(%arg17 : memref<128x64xf32, #tpu.memory_space<vmem>>)
        %get3A = arith.constant 0 : index
        %get3A_84 = tpu.vector_load %arg11[%get3A] {strides = array<i32>} : memref<128xi32, #tpu.memory_space<vmem>>, vector<16xi32>,
        %get3A_85 = vector.shape_cast %get3A_84 : vector<16xi32> to vector<16xi32>
        %swap3A = arith.constant 0 : index
        %swap3A_86 = tpu.vector_load %arg13[%swap3A] {strides = array<i32>} : memref<128xi32, #tpu.memory_space<vmem>>, vector<16xi32>,
        %swap3A_87 = vector.shape_cast %swap3A_86 : vector<16xi32> to vector<16xi32>
        %swap3A_88 = vector.shape_cast %get3A_85 : vector<16xi32> to vector<16xi32>
        tpu.vector_store %arg13[%swap3A], %swap3A_88 {strides = array<i32>} : memref<128xi32, #tpu.memory_space<vmem>>, vector<16xi32>,
        %get3A_89 = arith.constant 16 : index
        %get3A_90 = tpu.vector_load %arg11[%get3A_89] {strides = array<i32>} : memref<128xi32, #tpu.memory_space<vmem>>, vector<16xi32>,
        %get3A_91 = vector.shape_cast %get3A_90 : vector<16xi32> to vector<16xi32>
        %swap3A_92 = arith.constant 16 : index
        %swap3A_93 = tpu.vector_load %arg13[%swap3A_92] {strides = array<i32>} : memref<128xi32, #tpu.memory_space<vmem>>, vector<16xi32>,
        %swap3A_94 = vector.shape_cast %swap3A_93 : vector<16xi32> to vector<16xi32>
        %swap3A_95 = vector.shape_cast %get3A_91 : vector<16xi32> to vector<16xi32>
        tpu.vector_store %arg13[%swap3A_92], %swap3A_95 {strides = array<i32>} : memref<128xi32, #tpu.memory_space<vmem>>, vector<16xi32>,
        %get3A_96 = arith.constant 32 : index
        %get3A_97 = tpu.vector_load %arg11[%get3A_96] {strides = array<i32>} : memref<128xi32, #tpu.memory_space<vmem>>, vector<16xi32>,
        %get3A_98 = vector.shape_cast %get3A_97 : vector<16xi32> to vector<16xi32>
        %swap3A_99 = arith.constant 32 : index
        %swap3A_100 = tpu.vector_load %arg13[%swap3A_99] {strides = array<i32>} : memref<128xi32, #tpu.memory_space<vmem>>, vector<16xi32>,
        %swap3A_101 = vector.shape_cast %swap3A_100 : vector<16xi32> to vector<16xi32>
        %swap3A_102 = vector.shape_cast %get3A_98 : vector<16xi32> to vector<16xi32>
        tpu.vector_store %arg13[%swap3A_99], %swap3A_102 {strides = array<i32>} : memref<128xi32, #tpu.memory_space<vmem>>, vector<16xi32>,
        %get3A_103 = arith.constant 48 : index
        %get3A_104 = tpu.vector_load %arg11[%get3A_103] {strides = array<i32>} : memref<128xi32, #tpu.memory_space<vmem>>, vector<16xi32>,
        %get3A_105 = vector.shape_cast %get3A_104 : vector<16xi32> to vector<16xi32>
        %swap3A_106 = arith.constant 48 : index
        %swap3A_107 = tpu.vector_load %arg13[%swap3A_106] {strides = array<i32>} : memref<128xi32, #tpu.memory_space<vmem>>, vector<16xi32>,
        %swap3A_108 = vector.shape_cast %swap3A_107 : vector<16xi32> to vector<16xi32>
        %swap3A_109 = vector.shape_cast %get3A_105 : vector<16xi32> to vector<16xi32>
        tpu.vector_store %arg13[%swap3A_106], %swap3A_109 {strides = array<i32>} : memref<128xi32, #tpu.memory_space<vmem>>, vector<16xi32>,
        %get3A_110 = arith.constant 64 : index
        %get3A_111 = tpu.vector_load %arg11[%get3A_110] {strides = array<i32>} : memref<128xi32, #tpu.memory_space<vmem>>, vector<16xi32>,
        %get3A_112 = vector.shape_cast %get3A_111 : vector<16xi32> to vector<16xi32>
        %swap3A_113 = arith.constant 64 : index
        %swap3A_114 = tpu.vector_load %arg13[%swap3A_113] {strides = array<i32>} : memref<128xi32, #tpu.memory_space<vmem>>, vector<16xi32>,
        %swap3A_115 = vector.shape_cast %swap3A_114 : vector<16xi32> to vector<16xi32>
        %swap3A_116 = vector.shape_cast %get3A_112 : vector<16xi32> to vector<16xi32>
        tpu.vector_store %arg13[%swap3A_113], %swap3A_116 {strides = array<i32>} : memref<128xi32, #tpu.memory_space<vmem>>, vector<16xi32>,
        %get3A_117 = arith.constant 80 : index
        %get3A_118 = tpu.vector_load %arg11[%get3A_117] {strides = array<i32>} : memref<128xi32, #tpu.memory_space<vmem>>, vector<16xi32>,
        %get3A_119 = vector.shape_cast %get3A_118 : vector<16xi32> to vector<16xi32>
        %swap3A_120 = arith.constant 80 : index
        %swap3A_121 = tpu.vector_load %arg13[%swap3A_120] {strides = array<i32>} : memref<128xi32, #tpu.memory_space<vmem>>, vector<16xi32>,
        %swap3A_122 = vector.shape_cast %swap3A_121 : vector<16xi32> to vector<16xi32>
        %swap3A_123 = vector.shape_cast %get3A_119 : vector<16xi32> to vector<16xi32>
        tpu.vector_store %arg13[%swap3A_120], %swap3A_123 {strides = array<i32>} : memref<128xi32, #tpu.memory_space<vmem>>, vector<16xi32>,
        %get3A_124 = arith.constant 96 : index
        %get3A_125 = tpu.vector_load %arg11[%get3A_124] {strides = array<i32>} : memref<128xi32, #tpu.memory_space<vmem>>, vector<16xi32>,
        %get3A_126 = vector.shape_cast %get3A_125 : vector<16xi32> to vector<16xi32>
        %swap3A_127 = arith.constant 96 : index
        %swap3A_128 = tpu.vector_load %arg13[%swap3A_127] {strides = array<i32>} : memref<128xi32, #tpu.memory_space<vmem>>, vector<16xi32>,
        %swap3A_129 = vector.shape_cast %swap3A_128 : vector<16xi32> to vector<16xi32>
        %swap3A_130 = vector.shape_cast %get3A_126 : vector<16xi32> to vector<16xi32>
        tpu.vector_store %arg13[%swap3A_127], %swap3A_130 {strides = array<i32>} : memref<128xi32, #tpu.memory_space<vmem>>, vector<16xi32>,
        %get3A_131 = arith.constant 112 : index
        %get3A_132 = tpu.vector_load %arg11[%get3A_131] {strides = array<i32>} : memref<128xi32, #tpu.memory_space<vmem>>, vector<16xi32>,
        %get3A_133 = vector.shape_cast %get3A_132 : vector<16xi32> to vector<16xi32>
        %swap3A_134 = arith.constant 112 : index
        %swap3A_135 = tpu.vector_load %arg13[%swap3A_134] {strides = array<i32>} : memref<128xi32, #tpu.memory_space<vmem>>, vector<16xi32>,
        %swap3A_136 = vector.shape_cast %swap3A_135 : vector<16xi32> to vector<16xi32>
        %swap3A_137 = vector.shape_cast %get3A_133 : vector<16xi32> to vector<16xi32>
        tpu.vector_store %arg13[%swap3A_134], %swap3A_137 {strides = array<i32>} : memref<128xi32, #tpu.memory_space<vmem>>, vector<16xi32>,
        %parallel_loop3A = arith.constant 0 : i32
        %parallel_loop3A_138 = arith.constant 128 : i32
        %parallel_loop3A_139 = arith.constant 1 : i32
        scf.for %parallel_loop3A_143 = %parallel_loop3A to %parallel_loop3A_138 step %parallel_loop3A_139  : i32 {
          %parallel_loop3A_144 = arith.index_cast %parallel_loop3A_143 : i32 to index
          %parallel_loop3A_145 = arith.constant 0 : index
          %parallel_loop3A_146 = tpu.vector_load %arg15[%parallel_loop3A_144, %parallel_loop3A_145] {strides = array<i32>} : memref<128x64xf32, #tpu.memory_space<vmem>>, vector<1x16xf32>,
          %parallel_loop3A_147 = vector.shape_cast %parallel_loop3A_146 : vector<1x16xf32> to vector<16xf32>
          %parallel_loop3A_148 = arith.index_cast %parallel_loop3A_143 : i32 to index
          %parallel_loop3A_149 = arith.constant 0 : index
          %parallel_loop3A_150 = tpu.vector_load %arg17[%parallel_loop3A_148, %parallel_loop3A_149] {strides = array<i32>} : memref<128x64xf32, #tpu.memory_space<vmem>>, vector<1x16xf32>,
          %parallel_loop3A_151 = vector.shape_cast %parallel_loop3A_150 : vector<1x16xf32> to vector<16xf32>
          %parallel_loop3A_152 = arith.addf %parallel_loop3A_147, %parallel_loop3A_151 : vector<16xf32>
          %parallel_loop3A_153 = arith.index_cast %parallel_loop3A_143 : i32 to index
          %parallel_loop3A_154 = arith.constant 0 : index
          %parallel_loop3A_155 = tpu.vector_load %arg19[%parallel_loop3A_153, %parallel_loop3A_154] {strides = array<i32>} : memref<128x64xf32, #tpu.memory_space<vmem>>, vector<1x16xf32>,
          %parallel_loop3A_156 = vector.shape_cast %parallel_loop3A_155 : vector<1x16xf32> to vector<16xf32>
          %parallel_loop3A_157 = arith.addf %parallel_loop3A_152, %parallel_loop3A_156 : vector<16xf32>
          %parallel_loop3A_158 = arith.constant 0.000000e+00 : f32
          %parallel_loop3A_159 = vector.broadcast %parallel_loop3A_158 : f32 to vector<16xf32>
          %parallel_loop3A_160 = arith.maximumf %parallel_loop3A_157, %parallel_loop3A_159 : vector<16xf32>
          %parallel_loop3A_161 = arith.index_cast %parallel_loop3A_143 : i32 to index
          %parallel_loop3A_162 = arith.constant 0 : index
          %parallel_loop3A_163 = tpu.vector_load %arg21[%parallel_loop3A_161, %parallel_loop3A_162] {strides = array<i32>} : memref<128x64xf32, #tpu.memory_space<vmem>>, vector<1x16xf32>,
          %parallel_loop3A_164 = vector.shape_cast %parallel_loop3A_163 : vector<1x16xf32> to vector<16xf32>
          %parallel_loop3A_165 = vector.shape_cast %parallel_loop3A_160 : vector<16xf32> to vector<1x16xf32>
          tpu.vector_store %arg21[%parallel_loop3A_161, %parallel_loop3A_162], %parallel_loop3A_165 {strides = array<i32>} : memref<128x64xf32, #tpu.memory_space<vmem>>, vector<1x16xf32>,
          %parallel_loop3A_166 = arith.index_cast %parallel_loop3A_143 : i32 to index
          %parallel_loop3A_167 = arith.constant 16 : index
          %parallel_loop3A_168 = tpu.vector_load %arg15[%parallel_loop3A_166, %parallel_loop3A_167] {strides = array<i32>} : memref<128x64xf32, #tpu.memory_space<vmem>>, vector<1x16xf32>,
          %parallel_loop3A_169 = vector.shape_cast %parallel_loop3A_168 : vector<1x16xf32> to vector<16xf32>
          %parallel_loop3A_170 = arith.index_cast %parallel_loop3A_143 : i32 to index
          %parallel_loop3A_171 = arith.constant 16 : index
          %parallel_loop3A_172 = tpu.vector_load %arg17[%parallel_loop3A_170, %parallel_loop3A_171] {strides = array<i32>} : memref<128x64xf32, #tpu.memory_space<vmem>>, vector<1x16xf32>,
          %parallel_loop3A_173 = vector.shape_cast %parallel_loop3A_172 : vector<1x16xf32> to vector<16xf32>
          %parallel_loop3A_174 = arith.addf %parallel_loop3A_169, %parallel_loop3A_173 : vector<16xf32>
          %parallel_loop3A_175 = arith.index_cast %parallel_loop3A_143 : i32 to index
          %parallel_loop3A_176 = arith.constant 16 : index
          %parallel_loop3A_177 = tpu.vector_load %arg19[%parallel_loop3A_175, %parallel_loop3A_176] {strides = array<i32>} : memref<128x64xf32, #tpu.memory_space<vmem>>, vector<1x16xf32>,
          %parallel_loop3A_178 = vector.shape_cast %parallel_loop3A_177 : vector<1x16xf32> to vector<16xf32>
          %parallel_loop3A_179 = arith.addf %parallel_loop3A_174, %parallel_loop3A_178 : vector<16xf32>
          %parallel_loop3A_180 = arith.constant 0.000000e+00 : f32
          %parallel_loop3A_181 = vector.broadcast %parallel_loop3A_180 : f32 to vector<16xf32>
          %parallel_loop3A_182 = arith.maximumf %parallel_loop3A_179, %parallel_loop3A_181 : vector<16xf32>
          %parallel_loop3A_183 = arith.index_cast %parallel_loop3A_143 : i32 to index
          %parallel_loop3A_184 = arith.constant 16 : index
          %parallel_loop3A_185 = tpu.vector_load %arg21[%parallel_loop3A_183, %parallel_loop3A_184] {strides = array<i32>} : memref<128x64xf32, #tpu.memory_space<vmem>>, vector<1x16xf32>,
          %parallel_loop3A_186 = vector.shape_cast %parallel_loop3A_185 : vector<1x16xf32> to vector<16xf32>
          %parallel_loop3A_187 = vector.shape_cast %parallel_loop3A_182 : vector<16xf32> to vector<1x16xf32>
          tpu.vector_store %arg21[%parallel_loop3A_183, %parallel_loop3A_184], %parallel_loop3A_187 {strides = array<i32>} : memref<128x64xf32, #tpu.memory_space<vmem>>, vector<1x16xf32>,
          %parallel_loop3A_188 = arith.index_cast %parallel_loop3A_143 : i32 to index
          %parallel_loop3A_189 = arith.constant 32 : index
          %parallel_loop3A_190 = tpu.vector_load %arg15[%parallel_loop3A_188, %parallel_loop3A_189] {strides = array<i32>} : memref<128x64xf32, #tpu.memory_space<vmem>>, vector<1x16xf32>,
          %parallel_loop3A_191 = vector.shape_cast %parallel_loop3A_190 : vector<1x16xf32> to vector<16xf32>
          %parallel_loop3A_192 = arith.index_cast %parallel_loop3A_143 : i32 to index
          %parallel_loop3A_193 = arith.constant 32 : index
          %parallel_loop3A_194 = tpu.vector_load %arg17[%parallel_loop3A_192, %parallel_loop3A_193] {strides = array<i32>} : memref<128x64xf32, #tpu.memory_space<vmem>>, vector<1x16xf32>,
          %parallel_loop3A_195 = vector.shape_cast %parallel_loop3A_194 : vector<1x16xf32> to vector<16xf32>
          %parallel_loop3A_196 = arith.addf %parallel_loop3A_191, %parallel_loop3A_195 : vector<16xf32>
          %parallel_loop3A_197 = arith.index_cast %parallel_loop3A_143 : i32 to index
          %parallel_loop3A_198 = arith.constant 32 : index
          %parallel_loop3A_199 = tpu.vector_load %arg19[%parallel_loop3A_197, %parallel_loop3A_198] {strides = array<i32>} : memref<128x64xf32, #tpu.memory_space<vmem>>, vector<1x16xf32>,
          %parallel_loop3A_200 = vector.shape_cast %parallel_loop3A_199 : vector<1x16xf32> to vector<16xf32>
          %parallel_loop3A_201 = arith.addf %parallel_loop3A_196, %parallel_loop3A_200 : vector<16xf32>
          %parallel_loop3A_202 = arith.constant 0.000000e+00 : f32
          %parallel_loop3A_203 = vector.broadcast %parallel_loop3A_202 : f32 to vector<16xf32>
          %parallel_loop3A_204 = arith.maximumf %parallel_loop3A_201, %parallel_loop3A_203 : vector<16xf32>
          %parallel_loop3A_205 = arith.index_cast %parallel_loop3A_143 : i32 to index
          %parallel_loop3A_206 = arith.constant 32 : index
          %parallel_loop3A_207 = tpu.vector_load %arg21[%parallel_loop3A_205, %parallel_loop3A_206] {strides = array<i32>} : memref<128x64xf32, #tpu.memory_space<vmem>>, vector<1x16xf32>,
          %parallel_loop3A_208 = vector.shape_cast %parallel_loop3A_207 : vector<1x16xf32> to vector<16xf32>
          %parallel_loop3A_209 = vector.shape_cast %parallel_loop3A_204 : vector<16xf32> to vector<1x16xf32>
          tpu.vector_store %arg21[%parallel_loop3A_205, %parallel_loop3A_206], %parallel_loop3A_209 {strides = array<i32>} : memref<128x64xf32, #tpu.memory_space<vmem>>, vector<1x16xf32>,
          %parallel_loop3A_210 = arith.index_cast %parallel_loop3A_143 : i32 to index
          %parallel_loop3A_211 = arith.constant 48 : index
          %parallel_loop3A_212 = tpu.vector_load %arg15[%parallel_loop3A_210, %parallel_loop3A_211] {strides = array<i32>} : memref<128x64xf32, #tpu.memory_space<vmem>>, vector<1x16xf32>,
          %parallel_loop3A_213 = vector.shape_cast %parallel_loop3A_212 : vector<1x16xf32> to vector<16xf32>
          %parallel_loop3A_214 = arith.index_cast %parallel_loop3A_143 : i32 to index
          %parallel_loop3A_215 = arith.constant 48 : index
          %parallel_loop3A_216 = tpu.vector_load %arg17[%parallel_loop3A_214, %parallel_loop3A_215] {strides = array<i32>} : memref<128x64xf32, #tpu.memory_space<vmem>>, vector<1x16xf32>,
          %parallel_loop3A_217 = vector.shape_cast %parallel_loop3A_216 : vector<1x16xf32> to vector<16xf32>
          %parallel_loop3A_218 = arith.addf %parallel_loop3A_213, %parallel_loop3A_217 : vector<16xf32>
          %parallel_loop3A_219 = arith.index_cast %parallel_loop3A_143 : i32 to index
          %parallel_loop3A_220 = arith.constant 48 : index
          %parallel_loop3A_221 = tpu.vector_load %arg19[%parallel_loop3A_219, %parallel_loop3A_220] {strides = array<i32>} : memref<128x64xf32, #tpu.memory_space<vmem>>, vector<1x16xf32>,
          %parallel_loop3A_222 = vector.shape_cast %parallel_loop3A_221 : vector<1x16xf32> to vector<16xf32>
          %parallel_loop3A_223 = arith.addf %parallel_loop3A_218, %parallel_loop3A_222 : vector<16xf32>
          %parallel_loop3A_224 = arith.constant 0.000000e+00 : f32
          %parallel_loop3A_225 = vector.broadcast %parallel_loop3A_224 : f32 to vector<16xf32>
          %parallel_loop3A_226 = arith.maximumf %parallel_loop3A_223, %parallel_loop3A_225 : vector<16xf32>
          %parallel_loop3A_227 = arith.index_cast %parallel_loop3A_143 : i32 to index
          %parallel_loop3A_228 = arith.constant 48 : index
          %parallel_loop3A_229 = tpu.vector_load %arg21[%parallel_loop3A_227, %parallel_loop3A_228] {strides = array<i32>} : memref<128x64xf32, #tpu.memory_space<vmem>>, vector<1x16xf32>,
          %parallel_loop3A_230 = vector.shape_cast %parallel_loop3A_229 : vector<1x16xf32> to vector<16xf32>
          %parallel_loop3A_231 = vector.shape_cast %parallel_loop3A_226 : vector<16xf32> to vector<1x16xf32>
          tpu.vector_store %arg21[%parallel_loop3A_227, %parallel_loop3A_228], %parallel_loop3A_231 {strides = array<i32>} : memref<128x64xf32, #tpu.memory_space<vmem>>, vector<1x16xf32>,
        } {sc.loop_unroll_factor = 4 : i64, sc.parallel_access}
        %dma_start3A_140 = arith.constant 0 : i32
        %dma_start3A_141 = arith.constant 0 : i32
        %dma_start3A_142 = tpu.memref_slice %arg29[%dma_start3A_140, %dma_start3A_141] : memref<10240x64xf32, #tpu.memory_space<vmem_shared>> -> memref<10240x64xf32, #tpu.memory_space<vmem_shared>>
        tpu.enqueue_indirect_dma source(%arg21 : memref<128x64xf32, #tpu.memory_space<vmem>>) target(%dma_start3A_142 : memref<10240x64xf32, #tpu.memory_space<vmem_shared>>) offsets(%arg13 : memref<128xi32, #tpu.memory_space<vmem>>) semaphore(%arg27 : memref<!tpu.dma_semaphore, #tpu.memory_space<semaphore_mem>>) {add = true}
      } else {
      }
      %add3A_70 = arith.constant 1 : i32
      %add3A_71 = arith.addi %add3A_51, %add3A_70 : i32
      %lt3A_72 = arith.constant 80 : i32
      %lt3A_73 = arith.cmpi slt, %add3A_71, %lt3A_72 : i32
      %convert_element_type3A_74 = arith.extui %lt3A_73 : i1 to i32
      %cond3A_75 = arith.constant 0 : i32
      %cond3A_76 = arith.cmpi ne, %convert_element_type3A_74, %cond3A_75 : i32
      scf.if %cond3A_76 {
        %add3A_78 = arith.constant 1 : i32
        %add3A_79 = arith.addi %add3A_51, %add3A_78 : i32
        %mul3A_80 = arith.constant 128 : i32
        %mul3A_81 = arith.muli %add3A_79, %mul3A_80 : i32
        %add3A_82 = arith.addi %mul3A_2, %mul3A_81 : i32
        %dma_start3A_83 = tpu.memref_slice %arg5[%add3A_82] : memref<327680xi32, #tpu.memory_space<hbm>> -> memref<128xi32, #tpu.memory_space<hbm>>
        %dma_start3A_84 = tpu.memref_slice %arg5[%add3A_82] : memref<327680xi32, #tpu.memory_space<hbm>> -> memref<128xi32, #tpu.memory_space<hbm>>
        tpu.enqueue_dma source(%dma_start3A_84 : memref<128xi32, #tpu.memory_space<hbm>>) target(%arg9 : memref<128xi32, #tpu.memory_space<vmem>>) target_semaphore(%arg23 : memref<!tpu.dma_semaphore, #tpu.memory_space<semaphore_mem>>)
        %dma_start3A_85 = tpu.memref_slice %arg6[%add3A_82] : memref<327680xi32, #tpu.memory_space<hbm>> -> memref<128xi32, #tpu.memory_space<hbm>>
        %dma_start3A_86 = tpu.memref_slice %arg6[%add3A_82] : memref<327680xi32, #tpu.memory_space<hbm>> -> memref<128xi32, #tpu.memory_space<hbm>>
        tpu.enqueue_dma source(%dma_start3A_86 : memref<128xi32, #tpu.memory_space<hbm>>) target(%arg11 : memref<128xi32, #tpu.memory_space<vmem>>) target_semaphore(%arg23 : memref<!tpu.dma_semaphore, #tpu.memory_space<semaphore_mem>>)
        %dma_start3A_87 = arith.constant 0 : i32
        %dma_start3A_88 = tpu.memref_slice %arg4[%add3A_82, %dma_start3A_87] : memref<327680x64xf32, #tpu.memory_space<hbm>> -> memref<128x64xf32, #tpu.memory_space<hbm>>
        %dma_start3A_89 = arith.constant 0 : i32
        %dma_start3A_90 = tpu.memref_slice %arg4[%add3A_82, %dma_start3A_89] : memref<327680x64xf32, #tpu.memory_space<hbm>> -> memref<128x64xf32, #tpu.memory_space<hbm>>
        tpu.enqueue_dma source(%dma_start3A_90 : memref<128x64xf32, #tpu.memory_space<hbm>>) target(%arg19 : memref<128x64xf32, #tpu.memory_space<vmem>>) target_semaphore(%arg23 : memref<!tpu.dma_semaphore, #tpu.memory_space<semaphore_mem>>)
      } else {
      }
      %scan3A_77 = arith.constant 0 : i32
      scf.yield %scan3A_77 : i32
    }
    %scan3A_21 = arith.constant 41 : i32
    %dma_wait3A = arith.constant 0 : i32
    %dma_wait3A_22 = arith.constant 0 : i32
    %dma_wait3A_23 = tpu.memref_slice %arg29[%dma_wait3A, %dma_wait3A_22] : memref<10240x64xf32, #tpu.memory_space<vmem_shared>> -> memref<10240x64xf32, #tpu.memory_space<vmem_shared>>
    tpu.wait_indirect_dma semaphore(%arg28 : memref<!tpu.dma_semaphore, #tpu.memory_space<semaphore_mem>>) src(%arg22 : memref<128x64xf32, #tpu.memory_space<vmem>>) dst(%dma_wait3A_23 : memref<10240x64xf32, #tpu.memory_space<vmem_shared>>)
    %barrier3A_24 = arith.constant 0 : index
    tpu.barrier barrier_id(%barrier3A_24)
    "tpu.region"() ({
      %run_scoped3A = tpu.sem_alloc : memref<!tpu.dma_semaphore, #tpu.memory_space<semaphore_mem>>
      %dma_start3A_25 = arith.constant 0 : i32
      %dma_start3A_26 = tpu.memref_slice %arg8[%arg0, %mul3A_4, %dma_start3A_25] : memref<2x10240x64xf32, #tpu.memory_space<hbm>> -> memref<1x640x64xf32, #tpu.memory_space<hbm>>
      %dma_start3A_27 = tpu.memref_squeeze %dma_start3A_26 : memref<1x640x64xf32, #tpu.memory_space<hbm>> -> memref<640x64xf32, #tpu.memory_space<hbm>>
      %dma_start3A_28 = arith.constant 0 : i32
      %dma_start3A_29 = tpu.memref_slice %arg29[%mul3A_4, %dma_start3A_28] : memref<10240x64xf32, #tpu.memory_space<vmem_shared>> -> memref<640x64xf32, #tpu.memory_space<vmem_shared>>
      tpu.enqueue_dma source(%dma_start3A_29 : memref<640x64xf32, #tpu.memory_space<vmem_shared>>) target(%dma_start3A_27 : memref<640x64xf32, #tpu.memory_space<hbm>>) target_semaphore(%run_scoped3A : memref<!tpu.dma_semaphore, #tpu.memory_space<semaphore_mem>>)
      %dma_wait3A_30 = arith.constant 0 : i32
      %dma_wait3A_31 = tpu.memref_slice %arg8[%arg0, %mul3A_4, %dma_wait3A_30] : memref<2x10240x64xf32, #tpu.memory_space<hbm>> -> memref<1x640x64xf32, #tpu.memory_space<hbm>>
      %dma_wait3A_32 = tpu.memref_squeeze %dma_wait3A_31 : memref<1x640x64xf32, #tpu.memory_space<hbm>> -> memref<640x64xf32, #tpu.memory_space<hbm>>
      %dma_wait3A_33 = arith.constant 0 : i32
      %dma_wait3A_34 = tpu.memref_slice %arg29[%mul3A_4, %dma_wait3A_33] : memref<10240x64xf32, #tpu.memory_space<vmem_shared>> -> memref<640x64xf32, #tpu.memory_space<vmem_shared>>
      tpu.wait_dma2 semaphore(%run_scoped3A : memref<!tpu.dma_semaphore, #tpu.memory_space<semaphore_mem>>) src(%dma_wait3A_34 : memref<640x64xf32, #tpu.memory_space<vmem_shared>>) dst(%dma_wait3A_32 : memref<640x64xf32, #tpu.memory_space<hbm>>)
      tpu.yield
    }) : () -> ()
    return
  }
}

#map = affine_map<(d0, d1) -> (0, 0)>
#map1 = affine_map<(d0, d1) -> (0)>
#map2 = affine_map<(d0, d1) -> (0, 0, 0)>
module attributes {stable_mosaic.version = 14 : i64} {
  func.func @k(%arg0: i32, %arg1: i32, %arg2: memref<10240x64xf32, #tpu.memory_space<hbm>>, %arg3: memref<10240x64xf32, #tpu.memory_space<hbm>>, %arg4: memref<327680x64xf32, #tpu.memory_space<hbm>>, %arg5: memref<327680xi32, #tpu.memory_space<hbm>>, %arg6: memref<327680xi32, #tpu.memory_space<hbm>>, %arg7: memref<10240x64xf32, #tpu.memory_space<hbm>>, %arg8: memref<2x10240x64xf32, #tpu.memory_space<hbm>>, %arg9: memref<128xi32, #tpu.memory_space<vmem>>, %arg10: memref<128xi32, #tpu.memory_space<vmem>>, %arg11: memref<128xi32, #tpu.memory_space<vmem>>, %arg12: memref<128xi32, #tpu.memory_space<vmem>>, %arg13: memref<128xi32, #tpu.memory_space<vmem>>, %arg14: memref<128xi32, #tpu.memory_space<vmem>>, %arg15: memref<128x64xf32, #tpu.memory_space<vmem>>, %arg16: memref<128x64xf32, #tpu.memory_space<vmem>>, %arg17: memref<128x64xf32, #tpu.memory_space<vmem>>, %arg18: memref<128x64xf32, #tpu.memory_space<vmem>>, %arg19: memref<128x64xf32, #tpu.memory_space<vmem>>, %arg20: memref<128x64xf32, #tpu.memory_space<vmem>>, %arg21: memref<128x64xf32, #tpu.memory_space<vmem>>, %arg22: memref<128x64xf32, #tpu.memory_space<vmem>>, %arg23: memref<!tpu.dma_semaphore, #tpu.memory_space<semaphore_mem>>, %arg24: memref<!tpu.dma_semaphore, #tpu.memory_space<semaphore_mem>>, %arg25: memref<!tpu.dma_semaphore, #tpu.memory_space<semaphore_mem>>, %arg26: memref<!tpu.dma_semaphore, #tpu.memory_space<semaphore_mem>>, %arg27: memref<!tpu.dma_semaphore, #tpu.memory_space<semaphore_mem>>, %arg28: memref<!tpu.dma_semaphore, #tpu.memory_space<semaphore_mem>>, %arg29: memref<10240x64xf32, #tpu.memory_space<vmem_shared>>) attributes {dimension_semantics = [#tpu.dimension_semantics<core_parallel>, #tpu.dimension_semantics<subcore_parallel>], iteration_bounds = array<i64: 2, 16>, scalar_prefetch = 0 : i64, scratch_operands = 21 : i64, tpu.core_type = #tpu.core_type<sc_vector_subcore>, window_params = [{transform_indices = #map}, {transform_indices = #map}, {transform_indices = #map}, {transform_indices = #map1}, {transform_indices = #map1}, {transform_indices = #map}, {transform_indices = #map2}]} {
    %mul3A = arith.constant 2 : i32
    %mul3A_0 = arith.muli %arg1, %mul3A : i32
    %add3A = arith.addi %mul3A_0, %arg0 : i32
    %mul3A_1 = arith.constant 10240 : i32
    %mul3A_2 = arith.muli %add3A, %mul3A_1 : i32
    %mul3A_3 = arith.constant 640 : i32
    %mul3A_4 = arith.muli %arg1, %mul3A_3 : i32
    %eq3A = arith.constant 0 : i32
    %eq3A_5 = arith.cmpi eq, %arg1, %eq3A : i32
    %convert_element_type3A = arith.extui %eq3A_5 : i1 to i32
    %cond3A = arith.constant 0 : i32
    %cond3A_6 = arith.cmpi ne, %convert_element_type3A, %cond3A : i32
    scf.if %cond3A_6 {
      "tpu.region"() ({
        %run_scoped3A = tpu.sem_alloc : memref<!tpu.dma_semaphore, #tpu.memory_space<semaphore_mem>>
        tpu.enqueue_dma source(%arg7 : memref<10240x64xf32, #tpu.memory_space<hbm>>) target(%arg29 : memref<10240x64xf32, #tpu.memory_space<vmem_shared>>) target_semaphore(%run_scoped3A : memref<!tpu.dma_semaphore, #tpu.memory_space<semaphore_mem>>)
        tpu.wait_dma2 semaphore(%run_scoped3A : memref<!tpu.dma_semaphore, #tpu.memory_space<semaphore_mem>>) src(%arg7 : memref<10240x64xf32, #tpu.memory_space<hbm>>) dst(%arg29 : memref<10240x64xf32, #tpu.memory_space<vmem_shared>>)
        tpu.yield
      }) : () -> ()
    } else {
    }
    %barrier3A = arith.constant 0 : index
    tpu.barrier barrier_id(%barrier3A)
    %add3A_7 = arith.constant 0 : i32
    %add3A_8 = arith.addi %mul3A_2, %add3A_7 : i32
    %dma_start3A = tpu.memref_slice %arg5[%add3A_8] : memref<327680xi32, #tpu.memory_space<hbm>> -> memref<128xi32, #tpu.memory_space<hbm>>
    %dma_start3A_9 = tpu.memref_slice %arg5[%add3A_8] : memref<327680xi32, #tpu.memory_space<hbm>> -> memref<128xi32, #tpu.memory_space<hbm>>
    tpu.enqueue_dma source(%dma_start3A_9 : memref<128xi32, #tpu.memory_space<hbm>>) target(%arg9 : memref<128xi32, #tpu.memory_space<vmem>>) target_semaphore(%arg23 : memref<!tpu.dma_semaphore, #tpu.memory_space<semaphore_mem>>)
    %dma_start3A_10 = tpu.memref_slice %arg6[%add3A_8] : memref<327680xi32, #tpu.memory_space<hbm>> -> memref<128xi32, #tpu.memory_space<hbm>>
    %dma_start3A_11 = tpu.memref_slice %arg6[%add3A_8] : memref<327680xi32, #tpu.memory_space<hbm>> -> memref<128xi32, #tpu.memory_space<hbm>>
    tpu.enqueue_dma source(%dma_start3A_11 : memref<128xi32, #tpu.memory_space<hbm>>) target(%arg11 : memref<128xi32, #tpu.memory_space<vmem>>) target_semaphore(%arg23 : memref<!tpu.dma_semaphore, #tpu.memory_space<semaphore_mem>>)
    %dma_start3A_12 = arith.constant 0 : i32
    %dma_start3A_13 = tpu.memref_slice %arg4[%add3A_8, %dma_start3A_12] : memref<327680x64xf32, #tpu.memory_space<hbm>> -> memref<128x64xf32, #tpu.memory_space<hbm>>
    %dma_start3A_14 = arith.constant 0 : i32
    %dma_start3A_15 = tpu.memref_slice %arg4[%add3A_8, %dma_start3A_14] : memref<327680x64xf32, #tpu.memory_space<hbm>> -> memref<128x64xf32, #tpu.memory_space<hbm>>
    tpu.enqueue_dma source(%dma_start3A_15 : memref<128x64xf32, #tpu.memory_space<hbm>>) target(%arg19 : memref<128x64xf32, #tpu.memory_space<vmem>>) target_semaphore(%arg23 : memref<!tpu.dma_semaphore, #tpu.memory_space<semaphore_mem>>)
    %scan3A = arith.constant 0 : i32
    %scan3A_16 = arith.constant 0 : i32
    %scan3A_17 = arith.constant 41 : i32
    %scan3A_18 = arith.addi %scan3A_16, %scan3A_17 : i32
    %scan3A_19 = arith.constant 1 : i32
    %scan3A_20 = scf.for %scan3A_25 = %scan3A_16 to %scan3A_18 step %scan3A_19 iter_args(%scan3A_26 = %scan3A) -> (i32)  : i32 {
      %mul3A_27 = arith.constant 2 : i32
      %mul3A_28 = arith.muli %mul3A_27, %scan3A_25 : i32
      %ge3A = arith.constant 3 : i32
      %ge3A_29 = arith.cmpi sge, %mul3A_28, %ge3A : i32
      %convert_element_type3A_30 = arith.extui %ge3A_29 : i1 to i32
      %cond3A_31 = arith.constant 0 : i32
      %cond3A_32 = arith.cmpi ne, %convert_element_type3A_30, %cond3A_31 : i32
      scf.if %cond3A_32 {
        %dma_wait3A_78 = arith.constant 0 : i32
        %dma_wait3A_79 = arith.constant 0 : i32
        %dma_wait3A_80 = tpu.memref_slice %arg29[%dma_wait3A_78, %dma_wait3A_79] : memref<10240x64xf32, #tpu.memory_space<vmem_shared>> -> memref<10240x64xf32, #tpu.memory_space<vmem_shared>>
        tpu.wait_indirect_dma semaphore(%arg28 : memref<!tpu.dma_semaphore, #tpu.memory_space<semaphore_mem>>) src(%arg22 : memref<128x64xf32, #tpu.memory_space<vmem>>) dst(%dma_wait3A_80 : memref<10240x64xf32, #tpu.memory_space<vmem_shared>>)
      } else {
      }
      %lt3A = arith.constant 80 : i32
      %lt3A_33 = arith.cmpi slt, %mul3A_28, %lt3A : i32
      %convert_element_type3A_34 = arith.extui %lt3A_33 : i1 to i32
      %cond3A_35 = arith.constant 0 : i32
      %cond3A_36 = arith.cmpi ne, %convert_element_type3A_34, %cond3A_35 : i32
      scf.if %cond3A_36 {
        %dma_wait3A_78 = arith.constant 0 : i32
        %dma_wait3A_79 = tpu.memref_slice %arg5[%dma_wait3A_78] : memref<327680xi32, #tpu.memory_space<hbm>> -> memref<128xi32, #tpu.memory_space<hbm>>
        %dma_wait3A_80 = arith.constant 0 : i32
        %dma_wait3A_81 = tpu.memref_slice %arg5[%dma_wait3A_80] : memref<327680xi32, #tpu.memory_space<hbm>> -> memref<128xi32, #tpu.memory_space<hbm>>
        tpu.wait_dma2 semaphore(%arg23 : memref<!tpu.dma_semaphore, #tpu.memory_space<semaphore_mem>>) src(%dma_wait3A_81 : memref<128xi32, #tpu.memory_space<hbm>>) dst(%arg9 : memref<128xi32, #tpu.memory_space<vmem>>)
        %dma_wait3A_82 = arith.constant 0 : i32
        %dma_wait3A_83 = tpu.memref_slice %arg6[%dma_wait3A_82] : memref<327680xi32, #tpu.memory_space<hbm>> -> memref<128xi32, #tpu.memory_space<hbm>>
        %dma_wait3A_84 = arith.constant 0 : i32
        %dma_wait3A_85 = tpu.memref_slice %arg6[%dma_wait3A_84] : memref<327680xi32, #tpu.memory_space<hbm>> -> memref<128xi32, #tpu.memory_space<hbm>>
        tpu.wait_dma2 semaphore(%arg23 : memref<!tpu.dma_semaphore, #tpu.memory_space<semaphore_mem>>) src(%dma_wait3A_85 : memref<128xi32, #tpu.memory_space<hbm>>) dst(%arg11 : memref<128xi32, #tpu.memory_space<vmem>>)
        %dma_wait3A_86 = arith.constant 0 : i32
        %dma_wait3A_87 = arith.constant 0 : i32
        %dma_wait3A_88 = tpu.memref_slice %arg4[%dma_wait3A_86, %dma_wait3A_87] : memref<327680x64xf32, #tpu.memory_space<hbm>> -> memref<128x64xf32, #tpu.memory_space<hbm>>
        %dma_wait3A_89 = arith.constant 0 : i32
        %dma_wait3A_90 = arith.constant 0 : i32
        %dma_wait3A_91 = tpu.memref_slice %arg4[%dma_wait3A_89, %dma_wait3A_90] : memref<327680x64xf32, #tpu.memory_space<hbm>> -> memref<128x64xf32, #tpu.memory_space<hbm>>
        tpu.wait_dma2 semaphore(%arg23 : memref<!tpu.dma_semaphore, #tpu.memory_space<semaphore_mem>>) src(%dma_wait3A_91 : memref<128x64xf32, #tpu.memory_space<hbm>>) dst(%arg19 : memref<128x64xf32, #tpu.memory_space<vmem>>)
        %dma_start3A_92 = arith.constant 0 : i32
        %dma_start3A_93 = arith.constant 0 : i32
        %dma_start3A_94 = tpu.memref_slice %arg2[%dma_start3A_92, %dma_start3A_93] : memref<10240x64xf32, #tpu.memory_space<hbm>> -> memref<10240x64xf32, #tpu.memory_space<hbm>>
        tpu.enqueue_indirect_dma source(%dma_start3A_94 : memref<10240x64xf32, #tpu.memory_space<hbm>>) target(%arg15 : memref<128x64xf32, #tpu.memory_space<vmem>>) offsets(%arg9 : memref<128xi32, #tpu.memory_space<vmem>>) semaphore(%arg25 : memref<!tpu.dma_semaphore, #tpu.memory_space<semaphore_mem>>)
        %dma_start3A_95 = arith.constant 0 : i32
        %dma_start3A_96 = arith.constant 0 : i32
        %dma_start3A_97 = tpu.memref_slice %arg3[%dma_start3A_95, %dma_start3A_96] : memref<10240x64xf32, #tpu.memory_space<hbm>> -> memref<10240x64xf32, #tpu.memory_space<hbm>>
        tpu.enqueue_indirect_dma source(%dma_start3A_97 : memref<10240x64xf32, #tpu.memory_space<hbm>>) target(%arg17 : memref<128x64xf32, #tpu.memory_space<vmem>>) offsets(%arg11 : memref<128xi32, #tpu.memory_space<vmem>>) semaphore(%arg25 : memref<!tpu.dma_semaphore, #tpu.memory_space<semaphore_mem>>)
      } else {
      }
      %ge3A_37 = arith.constant 1 : i32
      %ge3A_38 = arith.cmpi sge, %mul3A_28, %ge3A_37 : i32
      %le3A = arith.constant 80 : i32
      %le3A_39 = arith.cmpi sle, %mul3A_28, %le3A : i32
      %and3A = arith.andi %ge3A_38, %le3A_39 : i1
      %convert_element_type3A_40 = arith.extui %and3A : i1 to i32
      %cond3A_41 = arith.constant 0 : i32
      %cond3A_42 = arith.cmpi ne, %convert_element_type3A_40, %cond3A_41 : i32
      scf.if %cond3A_42 {
        %dma_wait3A_78 = arith.constant 0 : i32
        %dma_wait3A_79 = arith.constant 0 : i32
        %dma_wait3A_80 = tpu.memref_slice %arg2[%dma_wait3A_78, %dma_wait3A_79] : memref<10240x64xf32, #tpu.memory_space<hbm>> -> memref<10240x64xf32, #tpu.memory_space<hbm>>
        tpu.wait_indirect_dma semaphore(%arg26 : memref<!tpu.dma_semaphore, #tpu.memory_space<semaphore_mem>>) src(%dma_wait3A_80 : memref<10240x64xf32, #tpu.memory_space<hbm>>) dst(%arg16 : memref<128x64xf32, #tpu.memory_space<vmem>>)
        %dma_wait3A_81 = arith.constant 0 : i32
        %dma_wait3A_82 = arith.constant 0 : i32
        %dma_wait3A_83 = tpu.memref_slice %arg3[%dma_wait3A_81, %dma_wait3A_82] : memref<10240x64xf32, #tpu.memory_space<hbm>> -> memref<10240x64xf32, #tpu.memory_space<hbm>>
        tpu.wait_indirect_dma semaphore(%arg26 : memref<!tpu.dma_semaphore, #tpu.memory_space<semaphore_mem>>) src(%dma_wait3A_83 : memref<10240x64xf32, #tpu.memory_space<hbm>>) dst(%arg18 : memref<128x64xf32, #tpu.memory_space<vmem>>)
        %get3A = arith.constant 0 : index
        %get3A_84 = tpu.vector_load %arg12[%get3A] {strides = array<i32>} : memref<128xi32, #tpu.memory_space<vmem>>, vector<16xi32>,
        %get3A_85 = vector.shape_cast %get3A_84 : vector<16xi32> to vector<16xi32>
        %swap3A = arith.constant 0 : index
        %swap3A_86 = tpu.vector_load %arg14[%swap3A] {strides = array<i32>} : memref<128xi32, #tpu.memory_space<vmem>>, vector<16xi32>,
        %swap3A_87 = vector.shape_cast %swap3A_86 : vector<16xi32> to vector<16xi32>
        %swap3A_88 = vector.shape_cast %get3A_85 : vector<16xi32> to vector<16xi32>
        tpu.vector_store %arg14[%swap3A], %swap3A_88 {strides = array<i32>} : memref<128xi32, #tpu.memory_space<vmem>>, vector<16xi32>,
        %get3A_89 = arith.constant 16 : index
        %get3A_90 = tpu.vector_load %arg12[%get3A_89] {strides = array<i32>} : memref<128xi32, #tpu.memory_space<vmem>>, vector<16xi32>,
        %get3A_91 = vector.shape_cast %get3A_90 : vector<16xi32> to vector<16xi32>
        %swap3A_92 = arith.constant 16 : index
        %swap3A_93 = tpu.vector_load %arg14[%swap3A_92] {strides = array<i32>} : memref<128xi32, #tpu.memory_space<vmem>>, vector<16xi32>,
        %swap3A_94 = vector.shape_cast %swap3A_93 : vector<16xi32> to vector<16xi32>
        %swap3A_95 = vector.shape_cast %get3A_91 : vector<16xi32> to vector<16xi32>
        tpu.vector_store %arg14[%swap3A_92], %swap3A_95 {strides = array<i32>} : memref<128xi32, #tpu.memory_space<vmem>>, vector<16xi32>,
        %get3A_96 = arith.constant 32 : index
        %get3A_97 = tpu.vector_load %arg12[%get3A_96] {strides = array<i32>} : memref<128xi32, #tpu.memory_space<vmem>>, vector<16xi32>,
        %get3A_98 = vector.shape_cast %get3A_97 : vector<16xi32> to vector<16xi32>
        %swap3A_99 = arith.constant 32 : index
        %swap3A_100 = tpu.vector_load %arg14[%swap3A_99] {strides = array<i32>} : memref<128xi32, #tpu.memory_space<vmem>>, vector<16xi32>,
        %swap3A_101 = vector.shape_cast %swap3A_100 : vector<16xi32> to vector<16xi32>
        %swap3A_102 = vector.shape_cast %get3A_98 : vector<16xi32> to vector<16xi32>
        tpu.vector_store %arg14[%swap3A_99], %swap3A_102 {strides = array<i32>} : memref<128xi32, #tpu.memory_space<vmem>>, vector<16xi32>,
        %get3A_103 = arith.constant 48 : index
        %get3A_104 = tpu.vector_load %arg12[%get3A_103] {strides = array<i32>} : memref<128xi32, #tpu.memory_space<vmem>>, vector<16xi32>,
        %get3A_105 = vector.shape_cast %get3A_104 : vector<16xi32> to vector<16xi32>
        %swap3A_106 = arith.constant 48 : index
        %swap3A_107 = tpu.vector_load %arg14[%swap3A_106] {strides = array<i32>} : memref<128xi32, #tpu.memory_space<vmem>>, vector<16xi32>,
        %swap3A_108 = vector.shape_cast %swap3A_107 : vector<16xi32> to vector<16xi32>
        %swap3A_109 = vector.shape_cast %get3A_105 : vector<16xi32> to vector<16xi32>
        tpu.vector_store %arg14[%swap3A_106], %swap3A_109 {strides = array<i32>} : memref<128xi32, #tpu.memory_space<vmem>>, vector<16xi32>,
        %get3A_110 = arith.constant 64 : index
        %get3A_111 = tpu.vector_load %arg12[%get3A_110] {strides = array<i32>} : memref<128xi32, #tpu.memory_space<vmem>>, vector<16xi32>,
        %get3A_112 = vector.shape_cast %get3A_111 : vector<16xi32> to vector<16xi32>
        %swap3A_113 = arith.constant 64 : index
        %swap3A_114 = tpu.vector_load %arg14[%swap3A_113] {strides = array<i32>} : memref<128xi32, #tpu.memory_space<vmem>>, vector<16xi32>,
        %swap3A_115 = vector.shape_cast %swap3A_114 : vector<16xi32> to vector<16xi32>
        %swap3A_116 = vector.shape_cast %get3A_112 : vector<16xi32> to vector<16xi32>
        tpu.vector_store %arg14[%swap3A_113], %swap3A_116 {strides = array<i32>} : memref<128xi32, #tpu.memory_space<vmem>>, vector<16xi32>,
        %get3A_117 = arith.constant 80 : index
        %get3A_118 = tpu.vector_load %arg12[%get3A_117] {strides = array<i32>} : memref<128xi32, #tpu.memory_space<vmem>>, vector<16xi32>,
        %get3A_119 = vector.shape_cast %get3A_118 : vector<16xi32> to vector<16xi32>
        %swap3A_120 = arith.constant 80 : index
        %swap3A_121 = tpu.vector_load %arg14[%swap3A_120] {strides = array<i32>} : memref<128xi32, #tpu.memory_space<vmem>>, vector<16xi32>,
        %swap3A_122 = vector.shape_cast %swap3A_121 : vector<16xi32> to vector<16xi32>
        %swap3A_123 = vector.shape_cast %get3A_119 : vector<16xi32> to vector<16xi32>
        tpu.vector_store %arg14[%swap3A_120], %swap3A_123 {strides = array<i32>} : memref<128xi32, #tpu.memory_space<vmem>>, vector<16xi32>,
        %get3A_124 = arith.constant 96 : index
        %get3A_125 = tpu.vector_load %arg12[%get3A_124] {strides = array<i32>} : memref<128xi32, #tpu.memory_space<vmem>>, vector<16xi32>,
        %get3A_126 = vector.shape_cast %get3A_125 : vector<16xi32> to vector<16xi32>
        %swap3A_127 = arith.constant 96 : index
        %swap3A_128 = tpu.vector_load %arg14[%swap3A_127] {strides = array<i32>} : memref<128xi32, #tpu.memory_space<vmem>>, vector<16xi32>,
        %swap3A_129 = vector.shape_cast %swap3A_128 : vector<16xi32> to vector<16xi32>
        %swap3A_130 = vector.shape_cast %get3A_126 : vector<16xi32> to vector<16xi32>
        tpu.vector_store %arg14[%swap3A_127], %swap3A_130 {strides = array<i32>} : memref<128xi32, #tpu.memory_space<vmem>>, vector<16xi32>,
        %get3A_131 = arith.constant 112 : index
        %get3A_132 = tpu.vector_load %arg12[%get3A_131] {strides = array<i32>} : memref<128xi32, #tpu.memory_space<vmem>>, vector<16xi32>,
        %get3A_133 = vector.shape_cast %get3A_132 : vector<16xi32> to vector<16xi32>
        %swap3A_134 = arith.constant 112 : index
        %swap3A_135 = tpu.vector_load %arg14[%swap3A_134] {strides = array<i32>} : memref<128xi32, #tpu.memory_space<vmem>>, vector<16xi32>,
        %swap3A_136 = vector.shape_cast %swap3A_135 : vector<16xi32> to vector<16xi32>
        %swap3A_137 = vector.shape_cast %get3A_133 : vector<16xi32> to vector<16xi32>
        tpu.vector_store %arg14[%swap3A_134], %swap3A_137 {strides = array<i32>} : memref<128xi32, #tpu.memory_space<vmem>>, vector<16xi32>,
        %parallel_loop3A = arith.constant 0 : i32
        %parallel_loop3A_138 = arith.constant 128 : i32
        %parallel_loop3A_139 = arith.constant 1 : i32
        scf.for %parallel_loop3A_143 = %parallel_loop3A to %parallel_loop3A_138 step %parallel_loop3A_139  : i32 {
          %parallel_loop3A_144 = arith.index_cast %parallel_loop3A_143 : i32 to index
          %parallel_loop3A_145 = arith.constant 0 : index
          %parallel_loop3A_146 = tpu.vector_load %arg16[%parallel_loop3A_144, %parallel_loop3A_145] {strides = array<i32>} : memref<128x64xf32, #tpu.memory_space<vmem>>, vector<1x16xf32>,
          %parallel_loop3A_147 = vector.shape_cast %parallel_loop3A_146 : vector<1x16xf32> to vector<16xf32>
          %parallel_loop3A_148 = arith.index_cast %parallel_loop3A_143 : i32 to index
          %parallel_loop3A_149 = arith.constant 0 : index
          %parallel_loop3A_150 = tpu.vector_load %arg18[%parallel_loop3A_148, %parallel_loop3A_149] {strides = array<i32>} : memref<128x64xf32, #tpu.memory_space<vmem>>, vector<1x16xf32>,
          %parallel_loop3A_151 = vector.shape_cast %parallel_loop3A_150 : vector<1x16xf32> to vector<16xf32>
          %parallel_loop3A_152 = arith.addf %parallel_loop3A_147, %parallel_loop3A_151 : vector<16xf32>
          %parallel_loop3A_153 = arith.index_cast %parallel_loop3A_143 : i32 to index
          %parallel_loop3A_154 = arith.constant 0 : index
          %parallel_loop3A_155 = tpu.vector_load %arg20[%parallel_loop3A_153, %parallel_loop3A_154] {strides = array<i32>} : memref<128x64xf32, #tpu.memory_space<vmem>>, vector<1x16xf32>,
          %parallel_loop3A_156 = vector.shape_cast %parallel_loop3A_155 : vector<1x16xf32> to vector<16xf32>
          %parallel_loop3A_157 = arith.addf %parallel_loop3A_152, %parallel_loop3A_156 : vector<16xf32>
          %parallel_loop3A_158 = arith.constant 0.000000e+00 : f32
          %parallel_loop3A_159 = vector.broadcast %parallel_loop3A_158 : f32 to vector<16xf32>
          %parallel_loop3A_160 = arith.maximumf %parallel_loop3A_157, %parallel_loop3A_159 : vector<16xf32>
          %parallel_loop3A_161 = arith.index_cast %parallel_loop3A_143 : i32 to index
          %parallel_loop3A_162 = arith.constant 0 : index
          %parallel_loop3A_163 = tpu.vector_load %arg22[%parallel_loop3A_161, %parallel_loop3A_162] {strides = array<i32>} : memref<128x64xf32, #tpu.memory_space<vmem>>, vector<1x16xf32>,
          %parallel_loop3A_164 = vector.shape_cast %parallel_loop3A_163 : vector<1x16xf32> to vector<16xf32>
          %parallel_loop3A_165 = vector.shape_cast %parallel_loop3A_160 : vector<16xf32> to vector<1x16xf32>
          tpu.vector_store %arg22[%parallel_loop3A_161, %parallel_loop3A_162], %parallel_loop3A_165 {strides = array<i32>} : memref<128x64xf32, #tpu.memory_space<vmem>>, vector<1x16xf32>,
          %parallel_loop3A_166 = arith.index_cast %parallel_loop3A_143 : i32 to index
          %parallel_loop3A_167 = arith.constant 16 : index
          %parallel_loop3A_168 = tpu.vector_load %arg16[%parallel_loop3A_166, %parallel_loop3A_167] {strides = array<i32>} : memref<128x64xf32, #tpu.memory_space<vmem>>, vector<1x16xf32>,
          %parallel_loop3A_169 = vector.shape_cast %parallel_loop3A_168 : vector<1x16xf32> to vector<16xf32>
          %parallel_loop3A_170 = arith.index_cast %parallel_loop3A_143 : i32 to index
          %parallel_loop3A_171 = arith.constant 16 : index
          %parallel_loop3A_172 = tpu.vector_load %arg18[%parallel_loop3A_170, %parallel_loop3A_171] {strides = array<i32>} : memref<128x64xf32, #tpu.memory_space<vmem>>, vector<1x16xf32>,
          %parallel_loop3A_173 = vector.shape_cast %parallel_loop3A_172 : vector<1x16xf32> to vector<16xf32>
          %parallel_loop3A_174 = arith.addf %parallel_loop3A_169, %parallel_loop3A_173 : vector<16xf32>
          %parallel_loop3A_175 = arith.index_cast %parallel_loop3A_143 : i32 to index
          %parallel_loop3A_176 = arith.constant 16 : index
          %parallel_loop3A_177 = tpu.vector_load %arg20[%parallel_loop3A_175, %parallel_loop3A_176] {strides = array<i32>} : memref<128x64xf32, #tpu.memory_space<vmem>>, vector<1x16xf32>,
          %parallel_loop3A_178 = vector.shape_cast %parallel_loop3A_177 : vector<1x16xf32> to vector<16xf32>
          %parallel_loop3A_179 = arith.addf %parallel_loop3A_174, %parallel_loop3A_178 : vector<16xf32>
          %parallel_loop3A_180 = arith.constant 0.000000e+00 : f32
          %parallel_loop3A_181 = vector.broadcast %parallel_loop3A_180 : f32 to vector<16xf32>
          %parallel_loop3A_182 = arith.maximumf %parallel_loop3A_179, %parallel_loop3A_181 : vector<16xf32>
          %parallel_loop3A_183 = arith.index_cast %parallel_loop3A_143 : i32 to index
          %parallel_loop3A_184 = arith.constant 16 : index
          %parallel_loop3A_185 = tpu.vector_load %arg22[%parallel_loop3A_183, %parallel_loop3A_184] {strides = array<i32>} : memref<128x64xf32, #tpu.memory_space<vmem>>, vector<1x16xf32>,
          %parallel_loop3A_186 = vector.shape_cast %parallel_loop3A_185 : vector<1x16xf32> to vector<16xf32>
          %parallel_loop3A_187 = vector.shape_cast %parallel_loop3A_182 : vector<16xf32> to vector<1x16xf32>
          tpu.vector_store %arg22[%parallel_loop3A_183, %parallel_loop3A_184], %parallel_loop3A_187 {strides = array<i32>} : memref<128x64xf32, #tpu.memory_space<vmem>>, vector<1x16xf32>,
          %parallel_loop3A_188 = arith.index_cast %parallel_loop3A_143 : i32 to index
          %parallel_loop3A_189 = arith.constant 32 : index
          %parallel_loop3A_190 = tpu.vector_load %arg16[%parallel_loop3A_188, %parallel_loop3A_189] {strides = array<i32>} : memref<128x64xf32, #tpu.memory_space<vmem>>, vector<1x16xf32>,
          %parallel_loop3A_191 = vector.shape_cast %parallel_loop3A_190 : vector<1x16xf32> to vector<16xf32>
          %parallel_loop3A_192 = arith.index_cast %parallel_loop3A_143 : i32 to index
          %parallel_loop3A_193 = arith.constant 32 : index
          %parallel_loop3A_194 = tpu.vector_load %arg18[%parallel_loop3A_192, %parallel_loop3A_193] {strides = array<i32>} : memref<128x64xf32, #tpu.memory_space<vmem>>, vector<1x16xf32>,
          %parallel_loop3A_195 = vector.shape_cast %parallel_loop3A_194 : vector<1x16xf32> to vector<16xf32>
          %parallel_loop3A_196 = arith.addf %parallel_loop3A_191, %parallel_loop3A_195 : vector<16xf32>
          %parallel_loop3A_197 = arith.index_cast %parallel_loop3A_143 : i32 to index
          %parallel_loop3A_198 = arith.constant 32 : index
          %parallel_loop3A_199 = tpu.vector_load %arg20[%parallel_loop3A_197, %parallel_loop3A_198] {strides = array<i32>} : memref<128x64xf32, #tpu.memory_space<vmem>>, vector<1x16xf32>,
          %parallel_loop3A_200 = vector.shape_cast %parallel_loop3A_199 : vector<1x16xf32> to vector<16xf32>
          %parallel_loop3A_201 = arith.addf %parallel_loop3A_196, %parallel_loop3A_200 : vector<16xf32>
          %parallel_loop3A_202 = arith.constant 0.000000e+00 : f32
          %parallel_loop3A_203 = vector.broadcast %parallel_loop3A_202 : f32 to vector<16xf32>
          %parallel_loop3A_204 = arith.maximumf %parallel_loop3A_201, %parallel_loop3A_203 : vector<16xf32>
          %parallel_loop3A_205 = arith.index_cast %parallel_loop3A_143 : i32 to index
          %parallel_loop3A_206 = arith.constant 32 : index
          %parallel_loop3A_207 = tpu.vector_load %arg22[%parallel_loop3A_205, %parallel_loop3A_206] {strides = array<i32>} : memref<128x64xf32, #tpu.memory_space<vmem>>, vector<1x16xf32>,
          %parallel_loop3A_208 = vector.shape_cast %parallel_loop3A_207 : vector<1x16xf32> to vector<16xf32>
          %parallel_loop3A_209 = vector.shape_cast %parallel_loop3A_204 : vector<16xf32> to vector<1x16xf32>
          tpu.vector_store %arg22[%parallel_loop3A_205, %parallel_loop3A_206], %parallel_loop3A_209 {strides = array<i32>} : memref<128x64xf32, #tpu.memory_space<vmem>>, vector<1x16xf32>,
          %parallel_loop3A_210 = arith.index_cast %parallel_loop3A_143 : i32 to index
          %parallel_loop3A_211 = arith.constant 48 : index
          %parallel_loop3A_212 = tpu.vector_load %arg16[%parallel_loop3A_210, %parallel_loop3A_211] {strides = array<i32>} : memref<128x64xf32, #tpu.memory_space<vmem>>, vector<1x16xf32>,
          %parallel_loop3A_213 = vector.shape_cast %parallel_loop3A_212 : vector<1x16xf32> to vector<16xf32>
          %parallel_loop3A_214 = arith.index_cast %parallel_loop3A_143 : i32 to index
          %parallel_loop3A_215 = arith.constant 48 : index
          %parallel_loop3A_216 = tpu.vector_load %arg18[%parallel_loop3A_214, %parallel_loop3A_215] {strides = array<i32>} : memref<128x64xf32, #tpu.memory_space<vmem>>, vector<1x16xf32>,
          %parallel_loop3A_217 = vector.shape_cast %parallel_loop3A_216 : vector<1x16xf32> to vector<16xf32>
          %parallel_loop3A_218 = arith.addf %parallel_loop3A_213, %parallel_loop3A_217 : vector<16xf32>
          %parallel_loop3A_219 = arith.index_cast %parallel_loop3A_143 : i32 to index
          %parallel_loop3A_220 = arith.constant 48 : index
          %parallel_loop3A_221 = tpu.vector_load %arg20[%parallel_loop3A_219, %parallel_loop3A_220] {strides = array<i32>} : memref<128x64xf32, #tpu.memory_space<vmem>>, vector<1x16xf32>,
          %parallel_loop3A_222 = vector.shape_cast %parallel_loop3A_221 : vector<1x16xf32> to vector<16xf32>
          %parallel_loop3A_223 = arith.addf %parallel_loop3A_218, %parallel_loop3A_222 : vector<16xf32>
          %parallel_loop3A_224 = arith.constant 0.000000e+00 : f32
          %parallel_loop3A_225 = vector.broadcast %parallel_loop3A_224 : f32 to vector<16xf32>
          %parallel_loop3A_226 = arith.maximumf %parallel_loop3A_223, %parallel_loop3A_225 : vector<16xf32>
          %parallel_loop3A_227 = arith.index_cast %parallel_loop3A_143 : i32 to index
          %parallel_loop3A_228 = arith.constant 48 : index
          %parallel_loop3A_229 = tpu.vector_load %arg22[%parallel_loop3A_227, %parallel_loop3A_228] {strides = array<i32>} : memref<128x64xf32, #tpu.memory_space<vmem>>, vector<1x16xf32>,
          %parallel_loop3A_230 = vector.shape_cast %parallel_loop3A_229 : vector<1x16xf32> to vector<16xf32>
          %parallel_loop3A_231 = vector.shape_cast %parallel_loop3A_226 : vector<16xf32> to vector<1x16xf32>
          tpu.vector_store %arg22[%parallel_loop3A_227, %parallel_loop3A_228], %parallel_loop3A_231 {strides = array<i32>} : memref<128x64xf32, #tpu.memory_space<vmem>>, vector<1x16xf32>,
        } {sc.loop_unroll_factor = 4 : i64, sc.parallel_access}
        %dma_start3A_140 = arith.constant 0 : i32
        %dma_start3A_141 = arith.constant 0 : i32
        %dma_start3A_142 = tpu.memref_slice %arg29[%dma_start3A_140, %dma_start3A_141] : memref<10240x64xf32, #tpu.memory_space<vmem_shared>> -> memref<10240x64xf32, #tpu.memory_space<vmem_shared>>
        tpu.enqueue_indirect_dma source(%arg22 : memref<128x64xf32, #tpu.memory_space<vmem>>) target(%dma_start3A_142 : memref<10240x64xf32, #tpu.memory_space<vmem_shared>>) offsets(%arg14 : memref<128xi32, #tpu.memory_space<vmem>>) semaphore(%arg28 : memref<!tpu.dma_semaphore, #tpu.memory_space<semaphore_mem>>) {add = true}
      } else {
      }
      %add3A_43 = arith.constant 1 : i32
      %add3A_44 = arith.addi %mul3A_28, %add3A_43 : i32
      %lt3A_45 = arith.constant 80 : i32
      %lt3A_46 = arith.cmpi slt, %add3A_44, %lt3A_45 : i32
      %convert_element_type3A_47 = arith.extui %lt3A_46 : i1 to i32
      %cond3A_48 = arith.constant 0 : i32
      %cond3A_49 = arith.cmpi ne, %convert_element_type3A_47, %cond3A_48 : i32
      scf.if %cond3A_49 {
        %add3A_78 = arith.constant 1 : i32
        %add3A_79 = arith.addi %mul3A_28, %add3A_78 : i32
        %mul3A_80 = arith.constant 128 : i32
        %mul3A_81 = arith.muli %add3A_79, %mul3A_80 : i32
        %add3A_82 = arith.addi %mul3A_2, %mul3A_81 : i32
        %dma_start3A_83 = tpu.memref_slice %arg5[%add3A_82] : memref<327680xi32, #tpu.memory_space<hbm>> -> memref<128xi32, #tpu.memory_space<hbm>>
        %dma_start3A_84 = tpu.memref_slice %arg5[%add3A_82] : memref<327680xi32, #tpu.memory_space<hbm>> -> memref<128xi32, #tpu.memory_space<hbm>>
        tpu.enqueue_dma source(%dma_start3A_84 : memref<128xi32, #tpu.memory_space<hbm>>) target(%arg10 : memref<128xi32, #tpu.memory_space<vmem>>) target_semaphore(%arg24 : memref<!tpu.dma_semaphore, #tpu.memory_space<semaphore_mem>>)
        %dma_start3A_85 = tpu.memref_slice %arg6[%add3A_82] : memref<327680xi32, #tpu.memory_space<hbm>> -> memref<128xi32, #tpu.memory_space<hbm>>
        %dma_start3A_86 = tpu.memref_slice %arg6[%add3A_82] : memref<327680xi32, #tpu.memory_space<hbm>> -> memref<128xi32, #tpu.memory_space<hbm>>
        tpu.enqueue_dma source(%dma_start3A_86 : memref<128xi32, #tpu.memory_space<hbm>>) target(%arg12 : memref<128xi32, #tpu.memory_space<vmem>>) target_semaphore(%arg24 : memref<!tpu.dma_semaphore, #tpu.memory_space<semaphore_mem>>)
        %dma_start3A_87 = arith.constant 0 : i32
        %dma_start3A_88 = tpu.memref_slice %arg4[%add3A_82, %dma_start3A_87] : memref<327680x64xf32, #tpu.memory_space<hbm>> -> memref<128x64xf32, #tpu.memory_space<hbm>>
        %dma_start3A_89 = arith.constant 0 : i32
        %dma_start3A_90 = tpu.memref_slice %arg4[%add3A_82, %dma_start3A_89] : memref<327680x64xf32, #tpu.memory_space<hbm>> -> memref<128x64xf32, #tpu.memory_space<hbm>>
        tpu.enqueue_dma source(%dma_start3A_90 : memref<128x64xf32, #tpu.memory_space<hbm>>) target(%arg20 : memref<128x64xf32, #tpu.memory_space<vmem>>) target_semaphore(%arg24 : memref<!tpu.dma_semaphore, #tpu.memory_space<semaphore_mem>>)
      } else {
      }
      %add3A_50 = arith.constant 1 : i32
      %add3A_51 = arith.addi %mul3A_28, %add3A_50 : i32
      %ge3A_52 = arith.constant 3 : i32
      %ge3A_53 = arith.cmpi sge, %add3A_51, %ge3A_52 : i32
      %convert_element_type3A_54 = arith.extui %ge3A_53 : i1 to i32
      %cond3A_55 = arith.constant 0 : i32
      %cond3A_56 = arith.cmpi ne, %convert_element_type3A_54, %cond3A_55 : i32
      scf.if %cond3A_56 {
        %dma_wait3A_78 = arith.constant 0 : i32
        %dma_wait3A_79 = arith.constant 0 : i32
        %dma_wait3A_80 = tpu.memref_slice %arg29[%dma_wait3A_78, %dma_wait3A_79] : memref<10240x64xf32, #tpu.memory_space<vmem_shared>> -> memref<10240x64xf32, #tpu.memory_space<vmem_shared>>
        tpu.wait_indirect_dma semaphore(%arg27 : memref<!tpu.dma_semaphore, #tpu.memory_space<semaphore_mem>>) src(%arg21 : memref<128x64xf32, #tpu.memory_space<vmem>>) dst(%dma_wait3A_80 : memref<10240x64xf32, #tpu.memory_space<vmem_shared>>)
      } else {
      }
      %lt3A_57 = arith.constant 80 : i32
      %lt3A_58 = arith.cmpi slt, %add3A_51, %lt3A_57 : i32
      %convert_element_type3A_59 = arith.extui %lt3A_58 : i1 to i32
      %cond3A_60 = arith.constant 0 : i32
      %cond3A_61 = arith.cmpi ne, %convert_element_type3A_59, %cond3A_60 : i32
      scf.if %cond3A_61 {
        %dma_wait3A_78 = arith.constant 0 : i32
        %dma_wait3A_79 = tpu.memref_slice %arg5[%dma_wait3A_78] : memref<327680xi32, #tpu.memory_space<hbm>> -> memref<128xi32, #tpu.memory_space<hbm>>
        %dma_wait3A_80 = arith.constant 0 : i32
        %dma_wait3A_81 = tpu.memref_slice %arg5[%dma_wait3A_80] : memref<327680xi32, #tpu.memory_space<hbm>> -> memref<128xi32, #tpu.memory_space<hbm>>
        tpu.wait_dma2 semaphore(%arg24 : memref<!tpu.dma_semaphore, #tpu.memory_space<semaphore_mem>>) src(%dma_wait3A_81 : memref<128xi32, #tpu.memory_space<hbm>>) dst(%arg10 : memref<128xi32, #tpu.memory_space<vmem>>)
        %dma_wait3A_82 = arith.constant 0 : i32
        %dma_wait3A_83 = tpu.memref_slice %arg6[%dma_wait3A_82] : memref<327680xi32, #tpu.memory_space<hbm>> -> memref<128xi32, #tpu.memory_space<hbm>>
        %dma_wait3A_84 = arith.constant 0 : i32
        %dma_wait3A_85 = tpu.memref_slice %arg6[%dma_wait3A_84] : memref<327680xi32, #tpu.memory_space<hbm>> -> memref<128xi32, #tpu.memory_space<hbm>>
        tpu.wait_dma2 semaphore(%arg24 : memref<!tpu.dma_semaphore, #tpu.memory_space<semaphore_mem>>) src(%dma_wait3A_85 : memref<128xi32, #tpu.memory_space<hbm>>) dst(%arg12 : memref<128xi32, #tpu.memory_space<vmem>>)
        %dma_wait3A_86 = arith.constant 0 : i32
        %dma_wait3A_87 = arith.constant 0 : i32
        %dma_wait3A_88 = tpu.memref_slice %arg4[%dma_wait3A_86, %dma_wait3A_87] : memref<327680x64xf32, #tpu.memory_space<hbm>> -> memref<128x64xf32, #tpu.memory_space<hbm>>
        %dma_wait3A_89 = arith.constant 0 : i32
        %dma_wait3A_90 = arith.constant 0 : i32
        %dma_wait3A_91 = tpu.memref_slice %arg4[%dma_wait3A_89, %dma_wait3A_90] : memref<327680x64xf32, #tpu.memory_space<hbm>> -> memref<128x64xf32, #tpu.memory_space<hbm>>
        tpu.wait_dma2 semaphore(%arg24 : memref<!tpu.dma_semaphore, #tpu.memory_space<semaphore_mem>>) src(%dma_wait3A_91 : memref<128x64xf32, #tpu.memory_space<hbm>>) dst(%arg20 : memref<128x64xf32, #tpu.memory_space<vmem>>)
        %dma_start3A_92 = arith.constant 0 : i32
        %dma_start3A_93 = arith.constant 0 : i32
        %dma_start3A_94 = tpu.memref_slice %arg2[%dma_start3A_92, %dma_start3A_93] : memref<10240x64xf32, #tpu.memory_space<hbm>> -> memref<10240x64xf32, #tpu.memory_space<hbm>>
        tpu.enqueue_indirect_dma source(%dma_start3A_94 : memref<10240x64xf32, #tpu.memory_space<hbm>>) target(%arg16 : memref<128x64xf32, #tpu.memory_space<vmem>>) offsets(%arg10 : memref<128xi32, #tpu.memory_space<vmem>>) semaphore(%arg26 : memref<!tpu.dma_semaphore, #tpu.memory_space<semaphore_mem>>)
        %dma_start3A_95 = arith.constant 0 : i32
        %dma_start3A_96 = arith.constant 0 : i32
        %dma_start3A_97 = tpu.memref_slice %arg3[%dma_start3A_95, %dma_start3A_96] : memref<10240x64xf32, #tpu.memory_space<hbm>> -> memref<10240x64xf32, #tpu.memory_space<hbm>>
        tpu.enqueue_indirect_dma source(%dma_start3A_97 : memref<10240x64xf32, #tpu.memory_space<hbm>>) target(%arg18 : memref<128x64xf32, #tpu.memory_space<vmem>>) offsets(%arg12 : memref<128xi32, #tpu.memory_space<vmem>>) semaphore(%arg26 : memref<!tpu.dma_semaphore, #tpu.memory_space<semaphore_mem>>)
      } else {
      }
      %ge3A_62 = arith.constant 1 : i32
      %ge3A_63 = arith.cmpi sge, %add3A_51, %ge3A_62 : i32
      %le3A_64 = arith.constant 80 : i32
      %le3A_65 = arith.cmpi sle, %add3A_51, %le3A_64 : i32
      %and3A_66 = arith.andi %ge3A_63, %le3A_65 : i1
      %convert_element_type3A_67 = arith.extui %and3A_66 : i1 to i32
      %cond3A_68 = arith.constant 0 : i32
      %cond3A_69 = arith.cmpi ne, %convert_element_type3A_67, %cond3A_68 : i32
      scf.if %cond3A_69 {
        %dma_wait3A_78 = arith.constant 0 : i32
        %dma_wait3A_79 = arith.constant 0 : i32
        %dma_wait3A_80 = tpu.memref_slice %arg2[%dma_wait3A_78, %dma_wait3A_79] : memref<10240x64xf32, #tpu.memory_space<hbm>> -> memref<10240x64xf32, #tpu.memory_space<hbm>>
        tpu.wait_indirect_dma semaphore(%arg25 : memref<!tpu.dma_semaphore, #tpu.memory_space<semaphore_mem>>) src(%dma_wait3A_80 : memref<10240x64xf32, #tpu.memory_space<hbm>>) dst(%arg15 : memref<128x64xf32, #tpu.memory_space<vmem>>)
        %dma_wait3A_81 = arith.constant 0 : i32
        %dma_wait3A_82 = arith.constant 0 : i32
        %dma_wait3A_83 = tpu.memref_slice %arg3[%dma_wait3A_81, %dma_wait3A_82] : memref<10240x64xf32, #tpu.memory_space<hbm>> -> memref<10240x64xf32, #tpu.memory_space<hbm>>
        tpu.wait_indirect_dma semaphore(%arg25 : memref<!tpu.dma_semaphore, #tpu.memory_space<semaphore_mem>>) src(%dma_wait3A_83 : memref<10240x64xf32, #tpu.memory_space<hbm>>) dst(%arg17 : memref<128x64xf32, #tpu.memory_space<vmem>>)
        %get3A = arith.constant 0 : index
        %get3A_84 = tpu.vector_load %arg11[%get3A] {strides = array<i32>} : memref<128xi32, #tpu.memory_space<vmem>>, vector<16xi32>,
        %get3A_85 = vector.shape_cast %get3A_84 : vector<16xi32> to vector<16xi32>
        %swap3A = arith.constant 0 : index
        %swap3A_86 = tpu.vector_load %arg13[%swap3A] {strides = array<i32>} : memref<128xi32, #tpu.memory_space<vmem>>, vector<16xi32>,
        %swap3A_87 = vector.shape_cast %swap3A_86 : vector<16xi32> to vector<16xi32>
        %swap3A_88 = vector.shape_cast %get3A_85 : vector<16xi32> to vector<16xi32>
        tpu.vector_store %arg13[%swap3A], %swap3A_88 {strides = array<i32>} : memref<128xi32, #tpu.memory_space<vmem>>, vector<16xi32>,
        %get3A_89 = arith.constant 16 : index
        %get3A_90 = tpu.vector_load %arg11[%get3A_89] {strides = array<i32>} : memref<128xi32, #tpu.memory_space<vmem>>, vector<16xi32>,
        %get3A_91 = vector.shape_cast %get3A_90 : vector<16xi32> to vector<16xi32>
        %swap3A_92 = arith.constant 16 : index
        %swap3A_93 = tpu.vector_load %arg13[%swap3A_92] {strides = array<i32>} : memref<128xi32, #tpu.memory_space<vmem>>, vector<16xi32>,
        %swap3A_94 = vector.shape_cast %swap3A_93 : vector<16xi32> to vector<16xi32>
        %swap3A_95 = vector.shape_cast %get3A_91 : vector<16xi32> to vector<16xi32>
        tpu.vector_store %arg13[%swap3A_92], %swap3A_95 {strides = array<i32>} : memref<128xi32, #tpu.memory_space<vmem>>, vector<16xi32>,
        %get3A_96 = arith.constant 32 : index
        %get3A_97 = tpu.vector_load %arg11[%get3A_96] {strides = array<i32>} : memref<128xi32, #tpu.memory_space<vmem>>, vector<16xi32>,
        %get3A_98 = vector.shape_cast %get3A_97 : vector<16xi32> to vector<16xi32>
        %swap3A_99 = arith.constant 32 : index
        %swap3A_100 = tpu.vector_load %arg13[%swap3A_99] {strides = array<i32>} : memref<128xi32, #tpu.memory_space<vmem>>, vector<16xi32>,
        %swap3A_101 = vector.shape_cast %swap3A_100 : vector<16xi32> to vector<16xi32>
        %swap3A_102 = vector.shape_cast %get3A_98 : vector<16xi32> to vector<16xi32>
        tpu.vector_store %arg13[%swap3A_99], %swap3A_102 {strides = array<i32>} : memref<128xi32, #tpu.memory_space<vmem>>, vector<16xi32>,
        %get3A_103 = arith.constant 48 : index
        %get3A_104 = tpu.vector_load %arg11[%get3A_103] {strides = array<i32>} : memref<128xi32, #tpu.memory_space<vmem>>, vector<16xi32>,
        %get3A_105 = vector.shape_cast %get3A_104 : vector<16xi32> to vector<16xi32>
        %swap3A_106 = arith.constant 48 : index
        %swap3A_107 = tpu.vector_load %arg13[%swap3A_106] {strides = array<i32>} : memref<128xi32, #tpu.memory_space<vmem>>, vector<16xi32>,
        %swap3A_108 = vector.shape_cast %swap3A_107 : vector<16xi32> to vector<16xi32>
        %swap3A_109 = vector.shape_cast %get3A_105 : vector<16xi32> to vector<16xi32>
        tpu.vector_store %arg13[%swap3A_106], %swap3A_109 {strides = array<i32>} : memref<128xi32, #tpu.memory_space<vmem>>, vector<16xi32>,
        %get3A_110 = arith.constant 64 : index
        %get3A_111 = tpu.vector_load %arg11[%get3A_110] {strides = array<i32>} : memref<128xi32, #tpu.memory_space<vmem>>, vector<16xi32>,
        %get3A_112 = vector.shape_cast %get3A_111 : vector<16xi32> to vector<16xi32>
        %swap3A_113 = arith.constant 64 : index
        %swap3A_114 = tpu.vector_load %arg13[%swap3A_113] {strides = array<i32>} : memref<128xi32, #tpu.memory_space<vmem>>, vector<16xi32>,
        %swap3A_115 = vector.shape_cast %swap3A_114 : vector<16xi32> to vector<16xi32>
        %swap3A_116 = vector.shape_cast %get3A_112 : vector<16xi32> to vector<16xi32>
        tpu.vector_store %arg13[%swap3A_113], %swap3A_116 {strides = array<i32>} : memref<128xi32, #tpu.memory_space<vmem>>, vector<16xi32>,
        %get3A_117 = arith.constant 80 : index
        %get3A_118 = tpu.vector_load %arg11[%get3A_117] {strides = array<i32>} : memref<128xi32, #tpu.memory_space<vmem>>, vector<16xi32>,
        %get3A_119 = vector.shape_cast %get3A_118 : vector<16xi32> to vector<16xi32>
        %swap3A_120 = arith.constant 80 : index
        %swap3A_121 = tpu.vector_load %arg13[%swap3A_120] {strides = array<i32>} : memref<128xi32, #tpu.memory_space<vmem>>, vector<16xi32>,
        %swap3A_122 = vector.shape_cast %swap3A_121 : vector<16xi32> to vector<16xi32>
        %swap3A_123 = vector.shape_cast %get3A_119 : vector<16xi32> to vector<16xi32>
        tpu.vector_store %arg13[%swap3A_120], %swap3A_123 {strides = array<i32>} : memref<128xi32, #tpu.memory_space<vmem>>, vector<16xi32>,
        %get3A_124 = arith.constant 96 : index
        %get3A_125 = tpu.vector_load %arg11[%get3A_124] {strides = array<i32>} : memref<128xi32, #tpu.memory_space<vmem>>, vector<16xi32>,
        %get3A_126 = vector.shape_cast %get3A_125 : vector<16xi32> to vector<16xi32>
        %swap3A_127 = arith.constant 96 : index
        %swap3A_128 = tpu.vector_load %arg13[%swap3A_127] {strides = array<i32>} : memref<128xi32, #tpu.memory_space<vmem>>, vector<16xi32>,
        %swap3A_129 = vector.shape_cast %swap3A_128 : vector<16xi32> to vector<16xi32>
        %swap3A_130 = vector.shape_cast %get3A_126 : vector<16xi32> to vector<16xi32>
        tpu.vector_store %arg13[%swap3A_127], %swap3A_130 {strides = array<i32>} : memref<128xi32, #tpu.memory_space<vmem>>, vector<16xi32>,
        %get3A_131 = arith.constant 112 : index
        %get3A_132 = tpu.vector_load %arg11[%get3A_131] {strides = array<i32>} : memref<128xi32, #tpu.memory_space<vmem>>, vector<16xi32>,
        %get3A_133 = vector.shape_cast %get3A_132 : vector<16xi32> to vector<16xi32>
        %swap3A_134 = arith.constant 112 : index
        %swap3A_135 = tpu.vector_load %arg13[%swap3A_134] {strides = array<i32>} : memref<128xi32, #tpu.memory_space<vmem>>, vector<16xi32>,
        %swap3A_136 = vector.shape_cast %swap3A_135 : vector<16xi32> to vector<16xi32>
        %swap3A_137 = vector.shape_cast %get3A_133 : vector<16xi32> to vector<16xi32>
        tpu.vector_store %arg13[%swap3A_134], %swap3A_137 {strides = array<i32>} : memref<128xi32, #tpu.memory_space<vmem>>, vector<16xi32>,
        %parallel_loop3A = arith.constant 0 : i32
        %parallel_loop3A_138 = arith.constant 128 : i32
        %parallel_loop3A_139 = arith.constant 1 : i32
        scf.for %parallel_loop3A_143 = %parallel_loop3A to %parallel_loop3A_138 step %parallel_loop3A_139  : i32 {
          %parallel_loop3A_144 = arith.index_cast %parallel_loop3A_143 : i32 to index
          %parallel_loop3A_145 = arith.constant 0 : index
          %parallel_loop3A_146 = tpu.vector_load %arg15[%parallel_loop3A_144, %parallel_loop3A_145] {strides = array<i32>} : memref<128x64xf32, #tpu.memory_space<vmem>>, vector<1x16xf32>,
          %parallel_loop3A_147 = vector.shape_cast %parallel_loop3A_146 : vector<1x16xf32> to vector<16xf32>
          %parallel_loop3A_148 = arith.index_cast %parallel_loop3A_143 : i32 to index
          %parallel_loop3A_149 = arith.constant 0 : index
          %parallel_loop3A_150 = tpu.vector_load %arg17[%parallel_loop3A_148, %parallel_loop3A_149] {strides = array<i32>} : memref<128x64xf32, #tpu.memory_space<vmem>>, vector<1x16xf32>,
          %parallel_loop3A_151 = vector.shape_cast %parallel_loop3A_150 : vector<1x16xf32> to vector<16xf32>
          %parallel_loop3A_152 = arith.addf %parallel_loop3A_147, %parallel_loop3A_151 : vector<16xf32>
          %parallel_loop3A_153 = arith.index_cast %parallel_loop3A_143 : i32 to index
          %parallel_loop3A_154 = arith.constant 0 : index
          %parallel_loop3A_155 = tpu.vector_load %arg19[%parallel_loop3A_153, %parallel_loop3A_154] {strides = array<i32>} : memref<128x64xf32, #tpu.memory_space<vmem>>, vector<1x16xf32>,
          %parallel_loop3A_156 = vector.shape_cast %parallel_loop3A_155 : vector<1x16xf32> to vector<16xf32>
          %parallel_loop3A_157 = arith.addf %parallel_loop3A_152, %parallel_loop3A_156 : vector<16xf32>
          %parallel_loop3A_158 = arith.constant 0.000000e+00 : f32
          %parallel_loop3A_159 = vector.broadcast %parallel_loop3A_158 : f32 to vector<16xf32>
          %parallel_loop3A_160 = arith.maximumf %parallel_loop3A_157, %parallel_loop3A_159 : vector<16xf32>
          %parallel_loop3A_161 = arith.index_cast %parallel_loop3A_143 : i32 to index
          %parallel_loop3A_162 = arith.constant 0 : index
          %parallel_loop3A_163 = tpu.vector_load %arg21[%parallel_loop3A_161, %parallel_loop3A_162] {strides = array<i32>} : memref<128x64xf32, #tpu.memory_space<vmem>>, vector<1x16xf32>,
          %parallel_loop3A_164 = vector.shape_cast %parallel_loop3A_163 : vector<1x16xf32> to vector<16xf32>
          %parallel_loop3A_165 = vector.shape_cast %parallel_loop3A_160 : vector<16xf32> to vector<1x16xf32>
          tpu.vector_store %arg21[%parallel_loop3A_161, %parallel_loop3A_162], %parallel_loop3A_165 {strides = array<i32>} : memref<128x64xf32, #tpu.memory_space<vmem>>, vector<1x16xf32>,
          %parallel_loop3A_166 = arith.index_cast %parallel_loop3A_143 : i32 to index
          %parallel_loop3A_167 = arith.constant 16 : index
          %parallel_loop3A_168 = tpu.vector_load %arg15[%parallel_loop3A_166, %parallel_loop3A_167] {strides = array<i32>} : memref<128x64xf32, #tpu.memory_space<vmem>>, vector<1x16xf32>,
          %parallel_loop3A_169 = vector.shape_cast %parallel_loop3A_168 : vector<1x16xf32> to vector<16xf32>
          %parallel_loop3A_170 = arith.index_cast %parallel_loop3A_143 : i32 to index
          %parallel_loop3A_171 = arith.constant 16 : index
          %parallel_loop3A_172 = tpu.vector_load %arg17[%parallel_loop3A_170, %parallel_loop3A_171] {strides = array<i32>} : memref<128x64xf32, #tpu.memory_space<vmem>>, vector<1x16xf32>,
          %parallel_loop3A_173 = vector.shape_cast %parallel_loop3A_172 : vector<1x16xf32> to vector<16xf32>
          %parallel_loop3A_174 = arith.addf %parallel_loop3A_169, %parallel_loop3A_173 : vector<16xf32>
          %parallel_loop3A_175 = arith.index_cast %parallel_loop3A_143 : i32 to index
          %parallel_loop3A_176 = arith.constant 16 : index
          %parallel_loop3A_177 = tpu.vector_load %arg19[%parallel_loop3A_175, %parallel_loop3A_176] {strides = array<i32>} : memref<128x64xf32, #tpu.memory_space<vmem>>, vector<1x16xf32>,
          %parallel_loop3A_178 = vector.shape_cast %parallel_loop3A_177 : vector<1x16xf32> to vector<16xf32>
          %parallel_loop3A_179 = arith.addf %parallel_loop3A_174, %parallel_loop3A_178 : vector<16xf32>
          %parallel_loop3A_180 = arith.constant 0.000000e+00 : f32
          %parallel_loop3A_181 = vector.broadcast %parallel_loop3A_180 : f32 to vector<16xf32>
          %parallel_loop3A_182 = arith.maximumf %parallel_loop3A_179, %parallel_loop3A_181 : vector<16xf32>
          %parallel_loop3A_183 = arith.index_cast %parallel_loop3A_143 : i32 to index
          %parallel_loop3A_184 = arith.constant 16 : index
          %parallel_loop3A_185 = tpu.vector_load %arg21[%parallel_loop3A_183, %parallel_loop3A_184] {strides = array<i32>} : memref<128x64xf32, #tpu.memory_space<vmem>>, vector<1x16xf32>,
          %parallel_loop3A_186 = vector.shape_cast %parallel_loop3A_185 : vector<1x16xf32> to vector<16xf32>
          %parallel_loop3A_187 = vector.shape_cast %parallel_loop3A_182 : vector<16xf32> to vector<1x16xf32>
          tpu.vector_store %arg21[%parallel_loop3A_183, %parallel_loop3A_184], %parallel_loop3A_187 {strides = array<i32>} : memref<128x64xf32, #tpu.memory_space<vmem>>, vector<1x16xf32>,
          %parallel_loop3A_188 = arith.index_cast %parallel_loop3A_143 : i32 to index
          %parallel_loop3A_189 = arith.constant 32 : index
          %parallel_loop3A_190 = tpu.vector_load %arg15[%parallel_loop3A_188, %parallel_loop3A_189] {strides = array<i32>} : memref<128x64xf32, #tpu.memory_space<vmem>>, vector<1x16xf32>,
          %parallel_loop3A_191 = vector.shape_cast %parallel_loop3A_190 : vector<1x16xf32> to vector<16xf32>
          %parallel_loop3A_192 = arith.index_cast %parallel_loop3A_143 : i32 to index
          %parallel_loop3A_193 = arith.constant 32 : index
          %parallel_loop3A_194 = tpu.vector_load %arg17[%parallel_loop3A_192, %parallel_loop3A_193] {strides = array<i32>} : memref<128x64xf32, #tpu.memory_space<vmem>>, vector<1x16xf32>,
          %parallel_loop3A_195 = vector.shape_cast %parallel_loop3A_194 : vector<1x16xf32> to vector<16xf32>
          %parallel_loop3A_196 = arith.addf %parallel_loop3A_191, %parallel_loop3A_195 : vector<16xf32>
          %parallel_loop3A_197 = arith.index_cast %parallel_loop3A_143 : i32 to index
          %parallel_loop3A_198 = arith.constant 32 : index
          %parallel_loop3A_199 = tpu.vector_load %arg19[%parallel_loop3A_197, %parallel_loop3A_198] {strides = array<i32>} : memref<128x64xf32, #tpu.memory_space<vmem>>, vector<1x16xf32>,
          %parallel_loop3A_200 = vector.shape_cast %parallel_loop3A_199 : vector<1x16xf32> to vector<16xf32>
          %parallel_loop3A_201 = arith.addf %parallel_loop3A_196, %parallel_loop3A_200 : vector<16xf32>
          %parallel_loop3A_202 = arith.constant 0.000000e+00 : f32
          %parallel_loop3A_203 = vector.broadcast %parallel_loop3A_202 : f32 to vector<16xf32>
          %parallel_loop3A_204 = arith.maximumf %parallel_loop3A_201, %parallel_loop3A_203 : vector<16xf32>
          %parallel_loop3A_205 = arith.index_cast %parallel_loop3A_143 : i32 to index
          %parallel_loop3A_206 = arith.constant 32 : index
          %parallel_loop3A_207 = tpu.vector_load %arg21[%parallel_loop3A_205, %parallel_loop3A_206] {strides = array<i32>} : memref<128x64xf32, #tpu.memory_space<vmem>>, vector<1x16xf32>,
          %parallel_loop3A_208 = vector.shape_cast %parallel_loop3A_207 : vector<1x16xf32> to vector<16xf32>
          %parallel_loop3A_209 = vector.shape_cast %parallel_loop3A_204 : vector<16xf32> to vector<1x16xf32>
          tpu.vector_store %arg21[%parallel_loop3A_205, %parallel_loop3A_206], %parallel_loop3A_209 {strides = array<i32>} : memref<128x64xf32, #tpu.memory_space<vmem>>, vector<1x16xf32>,
          %parallel_loop3A_210 = arith.index_cast %parallel_loop3A_143 : i32 to index
          %parallel_loop3A_211 = arith.constant 48 : index
          %parallel_loop3A_212 = tpu.vector_load %arg15[%parallel_loop3A_210, %parallel_loop3A_211] {strides = array<i32>} : memref<128x64xf32, #tpu.memory_space<vmem>>, vector<1x16xf32>,
          %parallel_loop3A_213 = vector.shape_cast %parallel_loop3A_212 : vector<1x16xf32> to vector<16xf32>
          %parallel_loop3A_214 = arith.index_cast %parallel_loop3A_143 : i32 to index
          %parallel_loop3A_215 = arith.constant 48 : index
          %parallel_loop3A_216 = tpu.vector_load %arg17[%parallel_loop3A_214, %parallel_loop3A_215] {strides = array<i32>} : memref<128x64xf32, #tpu.memory_space<vmem>>, vector<1x16xf32>,
          %parallel_loop3A_217 = vector.shape_cast %parallel_loop3A_216 : vector<1x16xf32> to vector<16xf32>
          %parallel_loop3A_218 = arith.addf %parallel_loop3A_213, %parallel_loop3A_217 : vector<16xf32>
          %parallel_loop3A_219 = arith.index_cast %parallel_loop3A_143 : i32 to index
          %parallel_loop3A_220 = arith.constant 48 : index
          %parallel_loop3A_221 = tpu.vector_load %arg19[%parallel_loop3A_219, %parallel_loop3A_220] {strides = array<i32>} : memref<128x64xf32, #tpu.memory_space<vmem>>, vector<1x16xf32>,
          %parallel_loop3A_222 = vector.shape_cast %parallel_loop3A_221 : vector<1x16xf32> to vector<16xf32>
          %parallel_loop3A_223 = arith.addf %parallel_loop3A_218, %parallel_loop3A_222 : vector<16xf32>
          %parallel_loop3A_224 = arith.constant 0.000000e+00 : f32
          %parallel_loop3A_225 = vector.broadcast %parallel_loop3A_224 : f32 to vector<16xf32>
          %parallel_loop3A_226 = arith.maximumf %parallel_loop3A_223, %parallel_loop3A_225 : vector<16xf32>
          %parallel_loop3A_227 = arith.index_cast %parallel_loop3A_143 : i32 to index
          %parallel_loop3A_228 = arith.constant 48 : index
          %parallel_loop3A_229 = tpu.vector_load %arg21[%parallel_loop3A_227, %parallel_loop3A_228] {strides = array<i32>} : memref<128x64xf32, #tpu.memory_space<vmem>>, vector<1x16xf32>,
          %parallel_loop3A_230 = vector.shape_cast %parallel_loop3A_229 : vector<1x16xf32> to vector<16xf32>
          %parallel_loop3A_231 = vector.shape_cast %parallel_loop3A_226 : vector<16xf32> to vector<1x16xf32>
          tpu.vector_store %arg21[%parallel_loop3A_227, %parallel_loop3A_228], %parallel_loop3A_231 {strides = array<i32>} : memref<128x64xf32, #tpu.memory_space<vmem>>, vector<1x16xf32>,
        } {sc.loop_unroll_factor = 4 : i64, sc.parallel_access}
        %dma_start3A_140 = arith.constant 0 : i32
        %dma_start3A_141 = arith.constant 0 : i32
        %dma_start3A_142 = tpu.memref_slice %arg29[%dma_start3A_140, %dma_start3A_141] : memref<10240x64xf32, #tpu.memory_space<vmem_shared>> -> memref<10240x64xf32, #tpu.memory_space<vmem_shared>>
        tpu.enqueue_indirect_dma source(%arg21 : memref<128x64xf32, #tpu.memory_space<vmem>>) target(%dma_start3A_142 : memref<10240x64xf32, #tpu.memory_space<vmem_shared>>) offsets(%arg13 : memref<128xi32, #tpu.memory_space<vmem>>) semaphore(%arg27 : memref<!tpu.dma_semaphore, #tpu.memory_space<semaphore_mem>>) {add = true}
      } else {
      }
      %add3A_70 = arith.constant 1 : i32
      %add3A_71 = arith.addi %add3A_51, %add3A_70 : i32
      %lt3A_72 = arith.constant 80 : i32
      %lt3A_73 = arith.cmpi slt, %add3A_71, %lt3A_72 : i32
      %convert_element_type3A_74 = arith.extui %lt3A_73 : i1 to i32
      %cond3A_75 = arith.constant 0 : i32
      %cond3A_76 = arith.cmpi ne, %convert_element_type3A_74, %cond3A_75 : i32
      scf.if %cond3A_76 {
        %add3A_78 = arith.constant 1 : i32
        %add3A_79 = arith.addi %add3A_51, %add3A_78 : i32
        %mul3A_80 = arith.constant 128 : i32
        %mul3A_81 = arith.muli %add3A_79, %mul3A_80 : i32
        %add3A_82 = arith.addi %mul3A_2, %mul3A_81 : i32
        %dma_start3A_83 = tpu.memref_slice %arg5[%add3A_82] : memref<327680xi32, #tpu.memory_space<hbm>> -> memref<128xi32, #tpu.memory_space<hbm>>
        %dma_start3A_84 = tpu.memref_slice %arg5[%add3A_82] : memref<327680xi32, #tpu.memory_space<hbm>> -> memref<128xi32, #tpu.memory_space<hbm>>
        tpu.enqueue_dma source(%dma_start3A_84 : memref<128xi32, #tpu.memory_space<hbm>>) target(%arg9 : memref<128xi32, #tpu.memory_space<vmem>>) target_semaphore(%arg23 : memref<!tpu.dma_semaphore, #tpu.memory_space<semaphore_mem>>)
        %dma_start3A_85 = tpu.memref_slice %arg6[%add3A_82] : memref<327680xi32, #tpu.memory_space<hbm>> -> memref<128xi32, #tpu.memory_space<hbm>>
        %dma_start3A_86 = tpu.memref_slice %arg6[%add3A_82] : memref<327680xi32, #tpu.memory_space<hbm>> -> memref<128xi32, #tpu.memory_space<hbm>>
        tpu.enqueue_dma source(%dma_start3A_86 : memref<128xi32, #tpu.memory_space<hbm>>) target(%arg11 : memref<128xi32, #tpu.memory_space<vmem>>) target_semaphore(%arg23 : memref<!tpu.dma_semaphore, #tpu.memory_space<semaphore_mem>>)
        %dma_start3A_87 = arith.constant 0 : i32
        %dma_start3A_88 = tpu.memref_slice %arg4[%add3A_82, %dma_start3A_87] : memref<327680x64xf32, #tpu.memory_space<hbm>> -> memref<128x64xf32, #tpu.memory_space<hbm>>
        %dma_start3A_89 = arith.constant 0 : i32
        %dma_start3A_90 = tpu.memref_slice %arg4[%add3A_82, %dma_start3A_89] : memref<327680x64xf32, #tpu.memory_space<hbm>> -> memref<128x64xf32, #tpu.memory_space<hbm>>
        tpu.enqueue_dma source(%dma_start3A_90 : memref<128x64xf32, #tpu.memory_space<hbm>>) target(%arg19 : memref<128x64xf32, #tpu.memory_space<vmem>>) target_semaphore(%arg23 : memref<!tpu.dma_semaphore, #tpu.memory_space<semaphore_mem>>)
      } else {
      }
      %scan3A_77 = arith.constant 0 : i32
      scf.yield %scan3A_77 : i32
    }
    %scan3A_21 = arith.constant 41 : i32
    %dma_wait3A = arith.constant 0 : i32
    %dma_wait3A_22 = arith.constant 0 : i32
    %dma_wait3A_23 = tpu.memref_slice %arg29[%dma_wait3A, %dma_wait3A_22] : memref<10240x64xf32, #tpu.memory_space<vmem_shared>> -> memref<10240x64xf32, #tpu.memory_space<vmem_shared>>
    tpu.wait_indirect_dma semaphore(%arg28 : memref<!tpu.dma_semaphore, #tpu.memory_space<semaphore_mem>>) src(%arg22 : memref<128x64xf32, #tpu.memory_space<vmem>>) dst(%dma_wait3A_23 : memref<10240x64xf32, #tpu.memory_space<vmem_shared>>)
    %barrier3A_24 = arith.constant 0 : index
    tpu.barrier barrier_id(%barrier3A_24)
    "tpu.region"() ({
      %run_scoped3A = tpu.sem_alloc : memref<!tpu.dma_semaphore, #tpu.memory_space<semaphore_mem>>
      %dma_start3A_25 = arith.constant 0 : i32
      %dma_start3A_26 = tpu.memref_slice %arg8[%arg0, %mul3A_4, %dma_start3A_25] : memref<2x10240x64xf32, #tpu.memory_space<hbm>> -> memref<1x640x64xf32, #tpu.memory_space<hbm>>
      %dma_start3A_27 = tpu.memref_squeeze %dma_start3A_26 : memref<1x640x64xf32, #tpu.memory_space<hbm>> -> memref<640x64xf32, #tpu.memory_space<hbm>>
      %dma_start3A_28 = arith.constant 0 : i32
      %dma_start3A_29 = tpu.memref_slice %arg29[%mul3A_4, %dma_start3A_28] : memref<10240x64xf32, #tpu.memory_space<vmem_shared>> -> memref<640x64xf32, #tpu.memory_space<vmem_shared>>
      tpu.enqueue_dma source(%dma_start3A_29 : memref<640x64xf32, #tpu.memory_space<vmem_shared>>) target(%dma_start3A_27 : memref<640x64xf32, #tpu.memory_space<hbm>>) target_semaphore(%run_scoped3A : memref<!tpu.dma_semaphore, #tpu.memory_space<semaphore_mem>>)
      %dma_wait3A_30 = arith.constant 0 : i32
      %dma_wait3A_31 = tpu.memref_slice %arg8[%arg0, %mul3A_4, %dma_wait3A_30] : memref<2x10240x64xf32, #tpu.memory_space<hbm>> -> memref<1x640x64xf32, #tpu.memory_space<hbm>>
      %dma_wait3A_32 = tpu.memref_squeeze %dma_wait3A_31 : memref<1x640x64xf32, #tpu.memory_space<hbm>> -> memref<640x64xf32, #tpu.memory_space<hbm>>
      %dma_wait3A_33 = arith.constant 0 : i32
      %dma_wait3A_34 = tpu.memref_slice %arg29[%mul3A_4, %dma_wait3A_33] : memref<10240x64xf32, #tpu.memory_space<vmem_shared>> -> memref<640x64xf32, #tpu.memory_space<vmem_shared>>
      tpu.wait_dma2 semaphore(%run_scoped3A : memref<!tpu.dma_semaphore, #tpu.memory_space<semaphore_mem>>) src(%dma_wait3A_34 : memref<640x64xf32, #tpu.memory_space<vmem_shared>>) dst(%dma_wait3A_32 : memref<640x64xf32, #tpu.memory_space<hbm>>)
      tpu.yield
    }) : () -> ()
    return
  }
}

#map = affine_map<(d0, d1) -> (0, 0)>
#map1 = affine_map<(d0, d1) -> (0)>
#map2 = affine_map<(d0, d1) -> (0, 0, 0)>
module attributes {stable_mosaic.version = 14 : i64} {
  func.func @k(%arg0: i32, %arg1: i32, %arg2: memref<10240x64xf32, #tpu.memory_space<hbm>>, %arg3: memref<10240x64xf32, #tpu.memory_space<hbm>>, %arg4: memref<327680x64xf32, #tpu.memory_space<hbm>>, %arg5: memref<327680xi32, #tpu.memory_space<hbm>>, %arg6: memref<327680xi32, #tpu.memory_space<hbm>>, %arg7: memref<10240x64xf32, #tpu.memory_space<hbm>>, %arg8: memref<2x10240x64xf32, #tpu.memory_space<hbm>>, %arg9: memref<128xi32, #tpu.memory_space<vmem>>, %arg10: memref<128xi32, #tpu.memory_space<vmem>>, %arg11: memref<128xi32, #tpu.memory_space<vmem>>, %arg12: memref<128xi32, #tpu.memory_space<vmem>>, %arg13: memref<128xi32, #tpu.memory_space<vmem>>, %arg14: memref<128xi32, #tpu.memory_space<vmem>>, %arg15: memref<128x64xf32, #tpu.memory_space<vmem>>, %arg16: memref<128x64xf32, #tpu.memory_space<vmem>>, %arg17: memref<128x64xf32, #tpu.memory_space<vmem>>, %arg18: memref<128x64xf32, #tpu.memory_space<vmem>>, %arg19: memref<128x64xf32, #tpu.memory_space<vmem>>, %arg20: memref<128x64xf32, #tpu.memory_space<vmem>>, %arg21: memref<128x64xf32, #tpu.memory_space<vmem>>, %arg22: memref<128x64xf32, #tpu.memory_space<vmem>>, %arg23: memref<!tpu.dma_semaphore, #tpu.memory_space<semaphore_mem>>, %arg24: memref<!tpu.dma_semaphore, #tpu.memory_space<semaphore_mem>>, %arg25: memref<!tpu.dma_semaphore, #tpu.memory_space<semaphore_mem>>, %arg26: memref<!tpu.dma_semaphore, #tpu.memory_space<semaphore_mem>>, %arg27: memref<!tpu.dma_semaphore, #tpu.memory_space<semaphore_mem>>, %arg28: memref<!tpu.dma_semaphore, #tpu.memory_space<semaphore_mem>>, %arg29: memref<10240x64xf32, #tpu.memory_space<vmem_shared>>) attributes {dimension_semantics = [#tpu.dimension_semantics<core_parallel>, #tpu.dimension_semantics<subcore_parallel>], iteration_bounds = array<i64: 2, 16>, scalar_prefetch = 0 : i64, scratch_operands = 21 : i64, tpu.core_type = #tpu.core_type<sc_vector_subcore>, window_params = [{transform_indices = #map}, {transform_indices = #map}, {transform_indices = #map}, {transform_indices = #map1}, {transform_indices = #map1}, {transform_indices = #map}, {transform_indices = #map2}]} {
    %mul3A = arith.constant 2 : i32
    %mul3A_0 = arith.muli %arg1, %mul3A : i32
    %add3A = arith.addi %mul3A_0, %arg0 : i32
    %mul3A_1 = arith.constant 10240 : i32
    %mul3A_2 = arith.muli %add3A, %mul3A_1 : i32
    %mul3A_3 = arith.constant 640 : i32
    %mul3A_4 = arith.muli %arg1, %mul3A_3 : i32
    %eq3A = arith.constant 0 : i32
    %eq3A_5 = arith.cmpi eq, %arg1, %eq3A : i32
    %convert_element_type3A = arith.extui %eq3A_5 : i1 to i32
    %cond3A = arith.constant 0 : i32
    %cond3A_6 = arith.cmpi ne, %convert_element_type3A, %cond3A : i32
    scf.if %cond3A_6 {
      "tpu.region"() ({
        %run_scoped3A = tpu.sem_alloc : memref<!tpu.dma_semaphore, #tpu.memory_space<semaphore_mem>>
        tpu.enqueue_dma source(%arg7 : memref<10240x64xf32, #tpu.memory_space<hbm>>) target(%arg29 : memref<10240x64xf32, #tpu.memory_space<vmem_shared>>) target_semaphore(%run_scoped3A : memref<!tpu.dma_semaphore, #tpu.memory_space<semaphore_mem>>)
        tpu.wait_dma2 semaphore(%run_scoped3A : memref<!tpu.dma_semaphore, #tpu.memory_space<semaphore_mem>>) src(%arg7 : memref<10240x64xf32, #tpu.memory_space<hbm>>) dst(%arg29 : memref<10240x64xf32, #tpu.memory_space<vmem_shared>>)
        tpu.yield
      }) : () -> ()
    } else {
    }
    %barrier3A = arith.constant 0 : index
    tpu.barrier barrier_id(%barrier3A)
    %add3A_7 = arith.constant 0 : i32
    %add3A_8 = arith.addi %mul3A_2, %add3A_7 : i32
    %dma_start3A = tpu.memref_slice %arg5[%add3A_8] : memref<327680xi32, #tpu.memory_space<hbm>> -> memref<128xi32, #tpu.memory_space<hbm>>
    %dma_start3A_9 = tpu.memref_slice %arg5[%add3A_8] : memref<327680xi32, #tpu.memory_space<hbm>> -> memref<128xi32, #tpu.memory_space<hbm>>
    tpu.enqueue_dma source(%dma_start3A_9 : memref<128xi32, #tpu.memory_space<hbm>>) target(%arg9 : memref<128xi32, #tpu.memory_space<vmem>>) target_semaphore(%arg23 : memref<!tpu.dma_semaphore, #tpu.memory_space<semaphore_mem>>)
    %dma_start3A_10 = tpu.memref_slice %arg6[%add3A_8] : memref<327680xi32, #tpu.memory_space<hbm>> -> memref<128xi32, #tpu.memory_space<hbm>>
    %dma_start3A_11 = tpu.memref_slice %arg6[%add3A_8] : memref<327680xi32, #tpu.memory_space<hbm>> -> memref<128xi32, #tpu.memory_space<hbm>>
    tpu.enqueue_dma source(%dma_start3A_11 : memref<128xi32, #tpu.memory_space<hbm>>) target(%arg11 : memref<128xi32, #tpu.memory_space<vmem>>) target_semaphore(%arg23 : memref<!tpu.dma_semaphore, #tpu.memory_space<semaphore_mem>>)
    %dma_start3A_12 = arith.constant 0 : i32
    %dma_start3A_13 = tpu.memref_slice %arg4[%add3A_8, %dma_start3A_12] : memref<327680x64xf32, #tpu.memory_space<hbm>> -> memref<128x64xf32, #tpu.memory_space<hbm>>
    %dma_start3A_14 = arith.constant 0 : i32
    %dma_start3A_15 = tpu.memref_slice %arg4[%add3A_8, %dma_start3A_14] : memref<327680x64xf32, #tpu.memory_space<hbm>> -> memref<128x64xf32, #tpu.memory_space<hbm>>
    tpu.enqueue_dma source(%dma_start3A_15 : memref<128x64xf32, #tpu.memory_space<hbm>>) target(%arg19 : memref<128x64xf32, #tpu.memory_space<vmem>>) target_semaphore(%arg23 : memref<!tpu.dma_semaphore, #tpu.memory_space<semaphore_mem>>)
    %scan3A = arith.constant 0 : i32
    %scan3A_16 = arith.constant 0 : i32
    %scan3A_17 = arith.constant 41 : i32
    %scan3A_18 = arith.addi %scan3A_16, %scan3A_17 : i32
    %scan3A_19 = arith.constant 1 : i32
    %scan3A_20 = scf.for %scan3A_25 = %scan3A_16 to %scan3A_18 step %scan3A_19 iter_args(%scan3A_26 = %scan3A) -> (i32)  : i32 {
      %mul3A_27 = arith.constant 2 : i32
      %mul3A_28 = arith.muli %mul3A_27, %scan3A_25 : i32
      %ge3A = arith.constant 3 : i32
      %ge3A_29 = arith.cmpi sge, %mul3A_28, %ge3A : i32
      %convert_element_type3A_30 = arith.extui %ge3A_29 : i1 to i32
      %cond3A_31 = arith.constant 0 : i32
      %cond3A_32 = arith.cmpi ne, %convert_element_type3A_30, %cond3A_31 : i32
      scf.if %cond3A_32 {
        %dma_wait3A_78 = arith.constant 0 : i32
        %dma_wait3A_79 = arith.constant 0 : i32
        %dma_wait3A_80 = tpu.memref_slice %arg29[%dma_wait3A_78, %dma_wait3A_79] : memref<10240x64xf32, #tpu.memory_space<vmem_shared>> -> memref<10240x64xf32, #tpu.memory_space<vmem_shared>>
        tpu.wait_indirect_dma semaphore(%arg28 : memref<!tpu.dma_semaphore, #tpu.memory_space<semaphore_mem>>) src(%arg22 : memref<128x64xf32, #tpu.memory_space<vmem>>) dst(%dma_wait3A_80 : memref<10240x64xf32, #tpu.memory_space<vmem_shared>>)
      } else {
      }
      %lt3A = arith.constant 80 : i32
      %lt3A_33 = arith.cmpi slt, %mul3A_28, %lt3A : i32
      %convert_element_type3A_34 = arith.extui %lt3A_33 : i1 to i32
      %cond3A_35 = arith.constant 0 : i32
      %cond3A_36 = arith.cmpi ne, %convert_element_type3A_34, %cond3A_35 : i32
      scf.if %cond3A_36 {
        %dma_wait3A_78 = arith.constant 0 : i32
        %dma_wait3A_79 = tpu.memref_slice %arg5[%dma_wait3A_78] : memref<327680xi32, #tpu.memory_space<hbm>> -> memref<128xi32, #tpu.memory_space<hbm>>
        %dma_wait3A_80 = arith.constant 0 : i32
        %dma_wait3A_81 = tpu.memref_slice %arg5[%dma_wait3A_80] : memref<327680xi32, #tpu.memory_space<hbm>> -> memref<128xi32, #tpu.memory_space<hbm>>
        tpu.wait_dma2 semaphore(%arg23 : memref<!tpu.dma_semaphore, #tpu.memory_space<semaphore_mem>>) src(%dma_wait3A_81 : memref<128xi32, #tpu.memory_space<hbm>>) dst(%arg9 : memref<128xi32, #tpu.memory_space<vmem>>)
        %dma_wait3A_82 = arith.constant 0 : i32
        %dma_wait3A_83 = tpu.memref_slice %arg6[%dma_wait3A_82] : memref<327680xi32, #tpu.memory_space<hbm>> -> memref<128xi32, #tpu.memory_space<hbm>>
        %dma_wait3A_84 = arith.constant 0 : i32
        %dma_wait3A_85 = tpu.memref_slice %arg6[%dma_wait3A_84] : memref<327680xi32, #tpu.memory_space<hbm>> -> memref<128xi32, #tpu.memory_space<hbm>>
        tpu.wait_dma2 semaphore(%arg23 : memref<!tpu.dma_semaphore, #tpu.memory_space<semaphore_mem>>) src(%dma_wait3A_85 : memref<128xi32, #tpu.memory_space<hbm>>) dst(%arg11 : memref<128xi32, #tpu.memory_space<vmem>>)
        %dma_wait3A_86 = arith.constant 0 : i32
        %dma_wait3A_87 = arith.constant 0 : i32
        %dma_wait3A_88 = tpu.memref_slice %arg4[%dma_wait3A_86, %dma_wait3A_87] : memref<327680x64xf32, #tpu.memory_space<hbm>> -> memref<128x64xf32, #tpu.memory_space<hbm>>
        %dma_wait3A_89 = arith.constant 0 : i32
        %dma_wait3A_90 = arith.constant 0 : i32
        %dma_wait3A_91 = tpu.memref_slice %arg4[%dma_wait3A_89, %dma_wait3A_90] : memref<327680x64xf32, #tpu.memory_space<hbm>> -> memref<128x64xf32, #tpu.memory_space<hbm>>
        tpu.wait_dma2 semaphore(%arg23 : memref<!tpu.dma_semaphore, #tpu.memory_space<semaphore_mem>>) src(%dma_wait3A_91 : memref<128x64xf32, #tpu.memory_space<hbm>>) dst(%arg19 : memref<128x64xf32, #tpu.memory_space<vmem>>)
        %dma_start3A_92 = arith.constant 0 : i32
        %dma_start3A_93 = arith.constant 0 : i32
        %dma_start3A_94 = tpu.memref_slice %arg2[%dma_start3A_92, %dma_start3A_93] : memref<10240x64xf32, #tpu.memory_space<hbm>> -> memref<10240x64xf32, #tpu.memory_space<hbm>>
        tpu.enqueue_indirect_dma source(%dma_start3A_94 : memref<10240x64xf32, #tpu.memory_space<hbm>>) target(%arg15 : memref<128x64xf32, #tpu.memory_space<vmem>>) offsets(%arg9 : memref<128xi32, #tpu.memory_space<vmem>>) semaphore(%arg25 : memref<!tpu.dma_semaphore, #tpu.memory_space<semaphore_mem>>)
        %dma_start3A_95 = arith.constant 0 : i32
        %dma_start3A_96 = arith.constant 0 : i32
        %dma_start3A_97 = tpu.memref_slice %arg3[%dma_start3A_95, %dma_start3A_96] : memref<10240x64xf32, #tpu.memory_space<hbm>> -> memref<10240x64xf32, #tpu.memory_space<hbm>>
        tpu.enqueue_indirect_dma source(%dma_start3A_97 : memref<10240x64xf32, #tpu.memory_space<hbm>>) target(%arg17 : memref<128x64xf32, #tpu.memory_space<vmem>>) offsets(%arg11 : memref<128xi32, #tpu.memory_space<vmem>>) semaphore(%arg25 : memref<!tpu.dma_semaphore, #tpu.memory_space<semaphore_mem>>)
      } else {
      }
      %ge3A_37 = arith.constant 1 : i32
      %ge3A_38 = arith.cmpi sge, %mul3A_28, %ge3A_37 : i32
      %le3A = arith.constant 80 : i32
      %le3A_39 = arith.cmpi sle, %mul3A_28, %le3A : i32
      %and3A = arith.andi %ge3A_38, %le3A_39 : i1
      %convert_element_type3A_40 = arith.extui %and3A : i1 to i32
      %cond3A_41 = arith.constant 0 : i32
      %cond3A_42 = arith.cmpi ne, %convert_element_type3A_40, %cond3A_41 : i32
      scf.if %cond3A_42 {
        %dma_wait3A_78 = arith.constant 0 : i32
        %dma_wait3A_79 = arith.constant 0 : i32
        %dma_wait3A_80 = tpu.memref_slice %arg2[%dma_wait3A_78, %dma_wait3A_79] : memref<10240x64xf32, #tpu.memory_space<hbm>> -> memref<10240x64xf32, #tpu.memory_space<hbm>>
        tpu.wait_indirect_dma semaphore(%arg26 : memref<!tpu.dma_semaphore, #tpu.memory_space<semaphore_mem>>) src(%dma_wait3A_80 : memref<10240x64xf32, #tpu.memory_space<hbm>>) dst(%arg16 : memref<128x64xf32, #tpu.memory_space<vmem>>)
        %dma_wait3A_81 = arith.constant 0 : i32
        %dma_wait3A_82 = arith.constant 0 : i32
        %dma_wait3A_83 = tpu.memref_slice %arg3[%dma_wait3A_81, %dma_wait3A_82] : memref<10240x64xf32, #tpu.memory_space<hbm>> -> memref<10240x64xf32, #tpu.memory_space<hbm>>
        tpu.wait_indirect_dma semaphore(%arg26 : memref<!tpu.dma_semaphore, #tpu.memory_space<semaphore_mem>>) src(%dma_wait3A_83 : memref<10240x64xf32, #tpu.memory_space<hbm>>) dst(%arg18 : memref<128x64xf32, #tpu.memory_space<vmem>>)
        %get3A = arith.constant 0 : index
        %get3A_84 = tpu.vector_load %arg12[%get3A] {strides = array<i32>} : memref<128xi32, #tpu.memory_space<vmem>>, vector<16xi32>,
        %get3A_85 = vector.shape_cast %get3A_84 : vector<16xi32> to vector<16xi32>
        %swap3A = arith.constant 0 : index
        %swap3A_86 = tpu.vector_load %arg14[%swap3A] {strides = array<i32>} : memref<128xi32, #tpu.memory_space<vmem>>, vector<16xi32>,
        %swap3A_87 = vector.shape_cast %swap3A_86 : vector<16xi32> to vector<16xi32>
        %swap3A_88 = vector.shape_cast %get3A_85 : vector<16xi32> to vector<16xi32>
        tpu.vector_store %arg14[%swap3A], %swap3A_88 {strides = array<i32>} : memref<128xi32, #tpu.memory_space<vmem>>, vector<16xi32>,
        %get3A_89 = arith.constant 16 : index
        %get3A_90 = tpu.vector_load %arg12[%get3A_89] {strides = array<i32>} : memref<128xi32, #tpu.memory_space<vmem>>, vector<16xi32>,
        %get3A_91 = vector.shape_cast %get3A_90 : vector<16xi32> to vector<16xi32>
        %swap3A_92 = arith.constant 16 : index
        %swap3A_93 = tpu.vector_load %arg14[%swap3A_92] {strides = array<i32>} : memref<128xi32, #tpu.memory_space<vmem>>, vector<16xi32>,
        %swap3A_94 = vector.shape_cast %swap3A_93 : vector<16xi32> to vector<16xi32>
        %swap3A_95 = vector.shape_cast %get3A_91 : vector<16xi32> to vector<16xi32>
        tpu.vector_store %arg14[%swap3A_92], %swap3A_95 {strides = array<i32>} : memref<128xi32, #tpu.memory_space<vmem>>, vector<16xi32>,
        %get3A_96 = arith.constant 32 : index
        %get3A_97 = tpu.vector_load %arg12[%get3A_96] {strides = array<i32>} : memref<128xi32, #tpu.memory_space<vmem>>, vector<16xi32>,
        %get3A_98 = vector.shape_cast %get3A_97 : vector<16xi32> to vector<16xi32>
        %swap3A_99 = arith.constant 32 : index
        %swap3A_100 = tpu.vector_load %arg14[%swap3A_99] {strides = array<i32>} : memref<128xi32, #tpu.memory_space<vmem>>, vector<16xi32>,
        %swap3A_101 = vector.shape_cast %swap3A_100 : vector<16xi32> to vector<16xi32>
        %swap3A_102 = vector.shape_cast %get3A_98 : vector<16xi32> to vector<16xi32>
        tpu.vector_store %arg14[%swap3A_99], %swap3A_102 {strides = array<i32>} : memref<128xi32, #tpu.memory_space<vmem>>, vector<16xi32>,
        %get3A_103 = arith.constant 48 : index
        %get3A_104 = tpu.vector_load %arg12[%get3A_103] {strides = array<i32>} : memref<128xi32, #tpu.memory_space<vmem>>, vector<16xi32>,
        %get3A_105 = vector.shape_cast %get3A_104 : vector<16xi32> to vector<16xi32>
        %swap3A_106 = arith.constant 48 : index
        %swap3A_107 = tpu.vector_load %arg14[%swap3A_106] {strides = array<i32>} : memref<128xi32, #tpu.memory_space<vmem>>, vector<16xi32>,
        %swap3A_108 = vector.shape_cast %swap3A_107 : vector<16xi32> to vector<16xi32>
        %swap3A_109 = vector.shape_cast %get3A_105 : vector<16xi32> to vector<16xi32>
        tpu.vector_store %arg14[%swap3A_106], %swap3A_109 {strides = array<i32>} : memref<128xi32, #tpu.memory_space<vmem>>, vector<16xi32>,
        %get3A_110 = arith.constant 64 : index
        %get3A_111 = tpu.vector_load %arg12[%get3A_110] {strides = array<i32>} : memref<128xi32, #tpu.memory_space<vmem>>, vector<16xi32>,
        %get3A_112 = vector.shape_cast %get3A_111 : vector<16xi32> to vector<16xi32>
        %swap3A_113 = arith.constant 64 : index
        %swap3A_114 = tpu.vector_load %arg14[%swap3A_113] {strides = array<i32>} : memref<128xi32, #tpu.memory_space<vmem>>, vector<16xi32>,
        %swap3A_115 = vector.shape_cast %swap3A_114 : vector<16xi32> to vector<16xi32>
        %swap3A_116 = vector.shape_cast %get3A_112 : vector<16xi32> to vector<16xi32>
        tpu.vector_store %arg14[%swap3A_113], %swap3A_116 {strides = array<i32>} : memref<128xi32, #tpu.memory_space<vmem>>, vector<16xi32>,
        %get3A_117 = arith.constant 80 : index
        %get3A_118 = tpu.vector_load %arg12[%get3A_117] {strides = array<i32>} : memref<128xi32, #tpu.memory_space<vmem>>, vector<16xi32>,
        %get3A_119 = vector.shape_cast %get3A_118 : vector<16xi32> to vector<16xi32>
        %swap3A_120 = arith.constant 80 : index
        %swap3A_121 = tpu.vector_load %arg14[%swap3A_120] {strides = array<i32>} : memref<128xi32, #tpu.memory_space<vmem>>, vector<16xi32>,
        %swap3A_122 = vector.shape_cast %swap3A_121 : vector<16xi32> to vector<16xi32>
        %swap3A_123 = vector.shape_cast %get3A_119 : vector<16xi32> to vector<16xi32>
        tpu.vector_store %arg14[%swap3A_120], %swap3A_123 {strides = array<i32>} : memref<128xi32, #tpu.memory_space<vmem>>, vector<16xi32>,
        %get3A_124 = arith.constant 96 : index
        %get3A_125 = tpu.vector_load %arg12[%get3A_124] {strides = array<i32>} : memref<128xi32, #tpu.memory_space<vmem>>, vector<16xi32>,
        %get3A_126 = vector.shape_cast %get3A_125 : vector<16xi32> to vector<16xi32>
        %swap3A_127 = arith.constant 96 : index
        %swap3A_128 = tpu.vector_load %arg14[%swap3A_127] {strides = array<i32>} : memref<128xi32, #tpu.memory_space<vmem>>, vector<16xi32>,
        %swap3A_129 = vector.shape_cast %swap3A_128 : vector<16xi32> to vector<16xi32>
        %swap3A_130 = vector.shape_cast %get3A_126 : vector<16xi32> to vector<16xi32>
        tpu.vector_store %arg14[%swap3A_127], %swap3A_130 {strides = array<i32>} : memref<128xi32, #tpu.memory_space<vmem>>, vector<16xi32>,
        %get3A_131 = arith.constant 112 : index
        %get3A_132 = tpu.vector_load %arg12[%get3A_131] {strides = array<i32>} : memref<128xi32, #tpu.memory_space<vmem>>, vector<16xi32>,
        %get3A_133 = vector.shape_cast %get3A_132 : vector<16xi32> to vector<16xi32>
        %swap3A_134 = arith.constant 112 : index
        %swap3A_135 = tpu.vector_load %arg14[%swap3A_134] {strides = array<i32>} : memref<128xi32, #tpu.memory_space<vmem>>, vector<16xi32>,
        %swap3A_136 = vector.shape_cast %swap3A_135 : vector<16xi32> to vector<16xi32>
        %swap3A_137 = vector.shape_cast %get3A_133 : vector<16xi32> to vector<16xi32>
        tpu.vector_store %arg14[%swap3A_134], %swap3A_137 {strides = array<i32>} : memref<128xi32, #tpu.memory_space<vmem>>, vector<16xi32>,
        %parallel_loop3A = arith.constant 0 : i32
        %parallel_loop3A_138 = arith.constant 128 : i32
        %parallel_loop3A_139 = arith.constant 1 : i32
        scf.for %parallel_loop3A_143 = %parallel_loop3A to %parallel_loop3A_138 step %parallel_loop3A_139  : i32 {
          %parallel_loop3A_144 = arith.index_cast %parallel_loop3A_143 : i32 to index
          %parallel_loop3A_145 = arith.constant 0 : index
          %parallel_loop3A_146 = tpu.vector_load %arg16[%parallel_loop3A_144, %parallel_loop3A_145] {strides = array<i32>} : memref<128x64xf32, #tpu.memory_space<vmem>>, vector<1x16xf32>,
          %parallel_loop3A_147 = vector.shape_cast %parallel_loop3A_146 : vector<1x16xf32> to vector<16xf32>
          %parallel_loop3A_148 = arith.index_cast %parallel_loop3A_143 : i32 to index
          %parallel_loop3A_149 = arith.constant 0 : index
          %parallel_loop3A_150 = tpu.vector_load %arg18[%parallel_loop3A_148, %parallel_loop3A_149] {strides = array<i32>} : memref<128x64xf32, #tpu.memory_space<vmem>>, vector<1x16xf32>,
          %parallel_loop3A_151 = vector.shape_cast %parallel_loop3A_150 : vector<1x16xf32> to vector<16xf32>
          %parallel_loop3A_152 = arith.addf %parallel_loop3A_147, %parallel_loop3A_151 : vector<16xf32>
          %parallel_loop3A_153 = arith.index_cast %parallel_loop3A_143 : i32 to index
          %parallel_loop3A_154 = arith.constant 0 : index
          %parallel_loop3A_155 = tpu.vector_load %arg20[%parallel_loop3A_153, %parallel_loop3A_154] {strides = array<i32>} : memref<128x64xf32, #tpu.memory_space<vmem>>, vector<1x16xf32>,
          %parallel_loop3A_156 = vector.shape_cast %parallel_loop3A_155 : vector<1x16xf32> to vector<16xf32>
          %parallel_loop3A_157 = arith.addf %parallel_loop3A_152, %parallel_loop3A_156 : vector<16xf32>
          %parallel_loop3A_158 = arith.constant 0.000000e+00 : f32
          %parallel_loop3A_159 = vector.broadcast %parallel_loop3A_158 : f32 to vector<16xf32>
          %parallel_loop3A_160 = arith.maximumf %parallel_loop3A_157, %parallel_loop3A_159 : vector<16xf32>
          %parallel_loop3A_161 = arith.index_cast %parallel_loop3A_143 : i32 to index
          %parallel_loop3A_162 = arith.constant 0 : index
          %parallel_loop3A_163 = tpu.vector_load %arg22[%parallel_loop3A_161, %parallel_loop3A_162] {strides = array<i32>} : memref<128x64xf32, #tpu.memory_space<vmem>>, vector<1x16xf32>,
          %parallel_loop3A_164 = vector.shape_cast %parallel_loop3A_163 : vector<1x16xf32> to vector<16xf32>
          %parallel_loop3A_165 = vector.shape_cast %parallel_loop3A_160 : vector<16xf32> to vector<1x16xf32>
          tpu.vector_store %arg22[%parallel_loop3A_161, %parallel_loop3A_162], %parallel_loop3A_165 {strides = array<i32>} : memref<128x64xf32, #tpu.memory_space<vmem>>, vector<1x16xf32>,
          %parallel_loop3A_166 = arith.index_cast %parallel_loop3A_143 : i32 to index
          %parallel_loop3A_167 = arith.constant 16 : index
          %parallel_loop3A_168 = tpu.vector_load %arg16[%parallel_loop3A_166, %parallel_loop3A_167] {strides = array<i32>} : memref<128x64xf32, #tpu.memory_space<vmem>>, vector<1x16xf32>,
          %parallel_loop3A_169 = vector.shape_cast %parallel_loop3A_168 : vector<1x16xf32> to vector<16xf32>
          %parallel_loop3A_170 = arith.index_cast %parallel_loop3A_143 : i32 to index
          %parallel_loop3A_171 = arith.constant 16 : index
          %parallel_loop3A_172 = tpu.vector_load %arg18[%parallel_loop3A_170, %parallel_loop3A_171] {strides = array<i32>} : memref<128x64xf32, #tpu.memory_space<vmem>>, vector<1x16xf32>,
          %parallel_loop3A_173 = vector.shape_cast %parallel_loop3A_172 : vector<1x16xf32> to vector<16xf32>
          %parallel_loop3A_174 = arith.addf %parallel_loop3A_169, %parallel_loop3A_173 : vector<16xf32>
          %parallel_loop3A_175 = arith.index_cast %parallel_loop3A_143 : i32 to index
          %parallel_loop3A_176 = arith.constant 16 : index
          %parallel_loop3A_177 = tpu.vector_load %arg20[%parallel_loop3A_175, %parallel_loop3A_176] {strides = array<i32>} : memref<128x64xf32, #tpu.memory_space<vmem>>, vector<1x16xf32>,
          %parallel_loop3A_178 = vector.shape_cast %parallel_loop3A_177 : vector<1x16xf32> to vector<16xf32>
          %parallel_loop3A_179 = arith.addf %parallel_loop3A_174, %parallel_loop3A_178 : vector<16xf32>
          %parallel_loop3A_180 = arith.constant 0.000000e+00 : f32
          %parallel_loop3A_181 = vector.broadcast %parallel_loop3A_180 : f32 to vector<16xf32>
          %parallel_loop3A_182 = arith.maximumf %parallel_loop3A_179, %parallel_loop3A_181 : vector<16xf32>
          %parallel_loop3A_183 = arith.index_cast %parallel_loop3A_143 : i32 to index
          %parallel_loop3A_184 = arith.constant 16 : index
          %parallel_loop3A_185 = tpu.vector_load %arg22[%parallel_loop3A_183, %parallel_loop3A_184] {strides = array<i32>} : memref<128x64xf32, #tpu.memory_space<vmem>>, vector<1x16xf32>,
          %parallel_loop3A_186 = vector.shape_cast %parallel_loop3A_185 : vector<1x16xf32> to vector<16xf32>
          %parallel_loop3A_187 = vector.shape_cast %parallel_loop3A_182 : vector<16xf32> to vector<1x16xf32>
          tpu.vector_store %arg22[%parallel_loop3A_183, %parallel_loop3A_184], %parallel_loop3A_187 {strides = array<i32>} : memref<128x64xf32, #tpu.memory_space<vmem>>, vector<1x16xf32>,
          %parallel_loop3A_188 = arith.index_cast %parallel_loop3A_143 : i32 to index
          %parallel_loop3A_189 = arith.constant 32 : index
          %parallel_loop3A_190 = tpu.vector_load %arg16[%parallel_loop3A_188, %parallel_loop3A_189] {strides = array<i32>} : memref<128x64xf32, #tpu.memory_space<vmem>>, vector<1x16xf32>,
          %parallel_loop3A_191 = vector.shape_cast %parallel_loop3A_190 : vector<1x16xf32> to vector<16xf32>
          %parallel_loop3A_192 = arith.index_cast %parallel_loop3A_143 : i32 to index
          %parallel_loop3A_193 = arith.constant 32 : index
          %parallel_loop3A_194 = tpu.vector_load %arg18[%parallel_loop3A_192, %parallel_loop3A_193] {strides = array<i32>} : memref<128x64xf32, #tpu.memory_space<vmem>>, vector<1x16xf32>,
          %parallel_loop3A_195 = vector.shape_cast %parallel_loop3A_194 : vector<1x16xf32> to vector<16xf32>
          %parallel_loop3A_196 = arith.addf %parallel_loop3A_191, %parallel_loop3A_195 : vector<16xf32>
          %parallel_loop3A_197 = arith.index_cast %parallel_loop3A_143 : i32 to index
          %parallel_loop3A_198 = arith.constant 32 : index
          %parallel_loop3A_199 = tpu.vector_load %arg20[%parallel_loop3A_197, %parallel_loop3A_198] {strides = array<i32>} : memref<128x64xf32, #tpu.memory_space<vmem>>, vector<1x16xf32>,
          %parallel_loop3A_200 = vector.shape_cast %parallel_loop3A_199 : vector<1x16xf32> to vector<16xf32>
          %parallel_loop3A_201 = arith.addf %parallel_loop3A_196, %parallel_loop3A_200 : vector<16xf32>
          %parallel_loop3A_202 = arith.constant 0.000000e+00 : f32
          %parallel_loop3A_203 = vector.broadcast %parallel_loop3A_202 : f32 to vector<16xf32>
          %parallel_loop3A_204 = arith.maximumf %parallel_loop3A_201, %parallel_loop3A_203 : vector<16xf32>
          %parallel_loop3A_205 = arith.index_cast %parallel_loop3A_143 : i32 to index
          %parallel_loop3A_206 = arith.constant 32 : index
          %parallel_loop3A_207 = tpu.vector_load %arg22[%parallel_loop3A_205, %parallel_loop3A_206] {strides = array<i32>} : memref<128x64xf32, #tpu.memory_space<vmem>>, vector<1x16xf32>,
          %parallel_loop3A_208 = vector.shape_cast %parallel_loop3A_207 : vector<1x16xf32> to vector<16xf32>
          %parallel_loop3A_209 = vector.shape_cast %parallel_loop3A_204 : vector<16xf32> to vector<1x16xf32>
          tpu.vector_store %arg22[%parallel_loop3A_205, %parallel_loop3A_206], %parallel_loop3A_209 {strides = array<i32>} : memref<128x64xf32, #tpu.memory_space<vmem>>, vector<1x16xf32>,
          %parallel_loop3A_210 = arith.index_cast %parallel_loop3A_143 : i32 to index
          %parallel_loop3A_211 = arith.constant 48 : index
          %parallel_loop3A_212 = tpu.vector_load %arg16[%parallel_loop3A_210, %parallel_loop3A_211] {strides = array<i32>} : memref<128x64xf32, #tpu.memory_space<vmem>>, vector<1x16xf32>,
          %parallel_loop3A_213 = vector.shape_cast %parallel_loop3A_212 : vector<1x16xf32> to vector<16xf32>
          %parallel_loop3A_214 = arith.index_cast %parallel_loop3A_143 : i32 to index
          %parallel_loop3A_215 = arith.constant 48 : index
          %parallel_loop3A_216 = tpu.vector_load %arg18[%parallel_loop3A_214, %parallel_loop3A_215] {strides = array<i32>} : memref<128x64xf32, #tpu.memory_space<vmem>>, vector<1x16xf32>,
          %parallel_loop3A_217 = vector.shape_cast %parallel_loop3A_216 : vector<1x16xf32> to vector<16xf32>
          %parallel_loop3A_218 = arith.addf %parallel_loop3A_213, %parallel_loop3A_217 : vector<16xf32>
          %parallel_loop3A_219 = arith.index_cast %parallel_loop3A_143 : i32 to index
          %parallel_loop3A_220 = arith.constant 48 : index
          %parallel_loop3A_221 = tpu.vector_load %arg20[%parallel_loop3A_219, %parallel_loop3A_220] {strides = array<i32>} : memref<128x64xf32, #tpu.memory_space<vmem>>, vector<1x16xf32>,
          %parallel_loop3A_222 = vector.shape_cast %parallel_loop3A_221 : vector<1x16xf32> to vector<16xf32>
          %parallel_loop3A_223 = arith.addf %parallel_loop3A_218, %parallel_loop3A_222 : vector<16xf32>
          %parallel_loop3A_224 = arith.constant 0.000000e+00 : f32
          %parallel_loop3A_225 = vector.broadcast %parallel_loop3A_224 : f32 to vector<16xf32>
          %parallel_loop3A_226 = arith.maximumf %parallel_loop3A_223, %parallel_loop3A_225 : vector<16xf32>
          %parallel_loop3A_227 = arith.index_cast %parallel_loop3A_143 : i32 to index
          %parallel_loop3A_228 = arith.constant 48 : index
          %parallel_loop3A_229 = tpu.vector_load %arg22[%parallel_loop3A_227, %parallel_loop3A_228] {strides = array<i32>} : memref<128x64xf32, #tpu.memory_space<vmem>>, vector<1x16xf32>,
          %parallel_loop3A_230 = vector.shape_cast %parallel_loop3A_229 : vector<1x16xf32> to vector<16xf32>
          %parallel_loop3A_231 = vector.shape_cast %parallel_loop3A_226 : vector<16xf32> to vector<1x16xf32>
          tpu.vector_store %arg22[%parallel_loop3A_227, %parallel_loop3A_228], %parallel_loop3A_231 {strides = array<i32>} : memref<128x64xf32, #tpu.memory_space<vmem>>, vector<1x16xf32>,
        } {sc.loop_unroll_factor = 4 : i64, sc.parallel_access}
        %dma_start3A_140 = arith.constant 0 : i32
        %dma_start3A_141 = arith.constant 0 : i32
        %dma_start3A_142 = tpu.memref_slice %arg29[%dma_start3A_140, %dma_start3A_141] : memref<10240x64xf32, #tpu.memory_space<vmem_shared>> -> memref<10240x64xf32, #tpu.memory_space<vmem_shared>>
        tpu.enqueue_indirect_dma source(%arg22 : memref<128x64xf32, #tpu.memory_space<vmem>>) target(%dma_start3A_142 : memref<10240x64xf32, #tpu.memory_space<vmem_shared>>) offsets(%arg14 : memref<128xi32, #tpu.memory_space<vmem>>) semaphore(%arg28 : memref<!tpu.dma_semaphore, #tpu.memory_space<semaphore_mem>>) {add = true}
      } else {
      }
      %add3A_43 = arith.constant 1 : i32
      %add3A_44 = arith.addi %mul3A_28, %add3A_43 : i32
      %lt3A_45 = arith.constant 80 : i32
      %lt3A_46 = arith.cmpi slt, %add3A_44, %lt3A_45 : i32
      %convert_element_type3A_47 = arith.extui %lt3A_46 : i1 to i32
      %cond3A_48 = arith.constant 0 : i32
      %cond3A_49 = arith.cmpi ne, %convert_element_type3A_47, %cond3A_48 : i32
      scf.if %cond3A_49 {
        %add3A_78 = arith.constant 1 : i32
        %add3A_79 = arith.addi %mul3A_28, %add3A_78 : i32
        %mul3A_80 = arith.constant 128 : i32
        %mul3A_81 = arith.muli %add3A_79, %mul3A_80 : i32
        %add3A_82 = arith.addi %mul3A_2, %mul3A_81 : i32
        %dma_start3A_83 = tpu.memref_slice %arg5[%add3A_82] : memref<327680xi32, #tpu.memory_space<hbm>> -> memref<128xi32, #tpu.memory_space<hbm>>
        %dma_start3A_84 = tpu.memref_slice %arg5[%add3A_82] : memref<327680xi32, #tpu.memory_space<hbm>> -> memref<128xi32, #tpu.memory_space<hbm>>
        tpu.enqueue_dma source(%dma_start3A_84 : memref<128xi32, #tpu.memory_space<hbm>>) target(%arg10 : memref<128xi32, #tpu.memory_space<vmem>>) target_semaphore(%arg24 : memref<!tpu.dma_semaphore, #tpu.memory_space<semaphore_mem>>)
        %dma_start3A_85 = tpu.memref_slice %arg6[%add3A_82] : memref<327680xi32, #tpu.memory_space<hbm>> -> memref<128xi32, #tpu.memory_space<hbm>>
        %dma_start3A_86 = tpu.memref_slice %arg6[%add3A_82] : memref<327680xi32, #tpu.memory_space<hbm>> -> memref<128xi32, #tpu.memory_space<hbm>>
        tpu.enqueue_dma source(%dma_start3A_86 : memref<128xi32, #tpu.memory_space<hbm>>) target(%arg12 : memref<128xi32, #tpu.memory_space<vmem>>) target_semaphore(%arg24 : memref<!tpu.dma_semaphore, #tpu.memory_space<semaphore_mem>>)
        %dma_start3A_87 = arith.constant 0 : i32
        %dma_start3A_88 = tpu.memref_slice %arg4[%add3A_82, %dma_start3A_87] : memref<327680x64xf32, #tpu.memory_space<hbm>> -> memref<128x64xf32, #tpu.memory_space<hbm>>
        %dma_start3A_89 = arith.constant 0 : i32
        %dma_start3A_90 = tpu.memref_slice %arg4[%add3A_82, %dma_start3A_89] : memref<327680x64xf32, #tpu.memory_space<hbm>> -> memref<128x64xf32, #tpu.memory_space<hbm>>
        tpu.enqueue_dma source(%dma_start3A_90 : memref<128x64xf32, #tpu.memory_space<hbm>>) target(%arg20 : memref<128x64xf32, #tpu.memory_space<vmem>>) target_semaphore(%arg24 : memref<!tpu.dma_semaphore, #tpu.memory_space<semaphore_mem>>)
      } else {
      }
      %add3A_50 = arith.constant 1 : i32
      %add3A_51 = arith.addi %mul3A_28, %add3A_50 : i32
      %ge3A_52 = arith.constant 3 : i32
      %ge3A_53 = arith.cmpi sge, %add3A_51, %ge3A_52 : i32
      %convert_element_type3A_54 = arith.extui %ge3A_53 : i1 to i32
      %cond3A_55 = arith.constant 0 : i32
      %cond3A_56 = arith.cmpi ne, %convert_element_type3A_54, %cond3A_55 : i32
      scf.if %cond3A_56 {
        %dma_wait3A_78 = arith.constant 0 : i32
        %dma_wait3A_79 = arith.constant 0 : i32
        %dma_wait3A_80 = tpu.memref_slice %arg29[%dma_wait3A_78, %dma_wait3A_79] : memref<10240x64xf32, #tpu.memory_space<vmem_shared>> -> memref<10240x64xf32, #tpu.memory_space<vmem_shared>>
        tpu.wait_indirect_dma semaphore(%arg27 : memref<!tpu.dma_semaphore, #tpu.memory_space<semaphore_mem>>) src(%arg21 : memref<128x64xf32, #tpu.memory_space<vmem>>) dst(%dma_wait3A_80 : memref<10240x64xf32, #tpu.memory_space<vmem_shared>>)
      } else {
      }
      %lt3A_57 = arith.constant 80 : i32
      %lt3A_58 = arith.cmpi slt, %add3A_51, %lt3A_57 : i32
      %convert_element_type3A_59 = arith.extui %lt3A_58 : i1 to i32
      %cond3A_60 = arith.constant 0 : i32
      %cond3A_61 = arith.cmpi ne, %convert_element_type3A_59, %cond3A_60 : i32
      scf.if %cond3A_61 {
        %dma_wait3A_78 = arith.constant 0 : i32
        %dma_wait3A_79 = tpu.memref_slice %arg5[%dma_wait3A_78] : memref<327680xi32, #tpu.memory_space<hbm>> -> memref<128xi32, #tpu.memory_space<hbm>>
        %dma_wait3A_80 = arith.constant 0 : i32
        %dma_wait3A_81 = tpu.memref_slice %arg5[%dma_wait3A_80] : memref<327680xi32, #tpu.memory_space<hbm>> -> memref<128xi32, #tpu.memory_space<hbm>>
        tpu.wait_dma2 semaphore(%arg24 : memref<!tpu.dma_semaphore, #tpu.memory_space<semaphore_mem>>) src(%dma_wait3A_81 : memref<128xi32, #tpu.memory_space<hbm>>) dst(%arg10 : memref<128xi32, #tpu.memory_space<vmem>>)
        %dma_wait3A_82 = arith.constant 0 : i32
        %dma_wait3A_83 = tpu.memref_slice %arg6[%dma_wait3A_82] : memref<327680xi32, #tpu.memory_space<hbm>> -> memref<128xi32, #tpu.memory_space<hbm>>
        %dma_wait3A_84 = arith.constant 0 : i32
        %dma_wait3A_85 = tpu.memref_slice %arg6[%dma_wait3A_84] : memref<327680xi32, #tpu.memory_space<hbm>> -> memref<128xi32, #tpu.memory_space<hbm>>
        tpu.wait_dma2 semaphore(%arg24 : memref<!tpu.dma_semaphore, #tpu.memory_space<semaphore_mem>>) src(%dma_wait3A_85 : memref<128xi32, #tpu.memory_space<hbm>>) dst(%arg12 : memref<128xi32, #tpu.memory_space<vmem>>)
        %dma_wait3A_86 = arith.constant 0 : i32
        %dma_wait3A_87 = arith.constant 0 : i32
        %dma_wait3A_88 = tpu.memref_slice %arg4[%dma_wait3A_86, %dma_wait3A_87] : memref<327680x64xf32, #tpu.memory_space<hbm>> -> memref<128x64xf32, #tpu.memory_space<hbm>>
        %dma_wait3A_89 = arith.constant 0 : i32
        %dma_wait3A_90 = arith.constant 0 : i32
        %dma_wait3A_91 = tpu.memref_slice %arg4[%dma_wait3A_89, %dma_wait3A_90] : memref<327680x64xf32, #tpu.memory_space<hbm>> -> memref<128x64xf32, #tpu.memory_space<hbm>>
        tpu.wait_dma2 semaphore(%arg24 : memref<!tpu.dma_semaphore, #tpu.memory_space<semaphore_mem>>) src(%dma_wait3A_91 : memref<128x64xf32, #tpu.memory_space<hbm>>) dst(%arg20 : memref<128x64xf32, #tpu.memory_space<vmem>>)
        %dma_start3A_92 = arith.constant 0 : i32
        %dma_start3A_93 = arith.constant 0 : i32
        %dma_start3A_94 = tpu.memref_slice %arg2[%dma_start3A_92, %dma_start3A_93] : memref<10240x64xf32, #tpu.memory_space<hbm>> -> memref<10240x64xf32, #tpu.memory_space<hbm>>
        tpu.enqueue_indirect_dma source(%dma_start3A_94 : memref<10240x64xf32, #tpu.memory_space<hbm>>) target(%arg16 : memref<128x64xf32, #tpu.memory_space<vmem>>) offsets(%arg10 : memref<128xi32, #tpu.memory_space<vmem>>) semaphore(%arg26 : memref<!tpu.dma_semaphore, #tpu.memory_space<semaphore_mem>>)
        %dma_start3A_95 = arith.constant 0 : i32
        %dma_start3A_96 = arith.constant 0 : i32
        %dma_start3A_97 = tpu.memref_slice %arg3[%dma_start3A_95, %dma_start3A_96] : memref<10240x64xf32, #tpu.memory_space<hbm>> -> memref<10240x64xf32, #tpu.memory_space<hbm>>
        tpu.enqueue_indirect_dma source(%dma_start3A_97 : memref<10240x64xf32, #tpu.memory_space<hbm>>) target(%arg18 : memref<128x64xf32, #tpu.memory_space<vmem>>) offsets(%arg12 : memref<128xi32, #tpu.memory_space<vmem>>) semaphore(%arg26 : memref<!tpu.dma_semaphore, #tpu.memory_space<semaphore_mem>>)
      } else {
      }
      %ge3A_62 = arith.constant 1 : i32
      %ge3A_63 = arith.cmpi sge, %add3A_51, %ge3A_62 : i32
      %le3A_64 = arith.constant 80 : i32
      %le3A_65 = arith.cmpi sle, %add3A_51, %le3A_64 : i32
      %and3A_66 = arith.andi %ge3A_63, %le3A_65 : i1
      %convert_element_type3A_67 = arith.extui %and3A_66 : i1 to i32
      %cond3A_68 = arith.constant 0 : i32
      %cond3A_69 = arith.cmpi ne, %convert_element_type3A_67, %cond3A_68 : i32
      scf.if %cond3A_69 {
        %dma_wait3A_78 = arith.constant 0 : i32
        %dma_wait3A_79 = arith.constant 0 : i32
        %dma_wait3A_80 = tpu.memref_slice %arg2[%dma_wait3A_78, %dma_wait3A_79] : memref<10240x64xf32, #tpu.memory_space<hbm>> -> memref<10240x64xf32, #tpu.memory_space<hbm>>
        tpu.wait_indirect_dma semaphore(%arg25 : memref<!tpu.dma_semaphore, #tpu.memory_space<semaphore_mem>>) src(%dma_wait3A_80 : memref<10240x64xf32, #tpu.memory_space<hbm>>) dst(%arg15 : memref<128x64xf32, #tpu.memory_space<vmem>>)
        %dma_wait3A_81 = arith.constant 0 : i32
        %dma_wait3A_82 = arith.constant 0 : i32
        %dma_wait3A_83 = tpu.memref_slice %arg3[%dma_wait3A_81, %dma_wait3A_82] : memref<10240x64xf32, #tpu.memory_space<hbm>> -> memref<10240x64xf32, #tpu.memory_space<hbm>>
        tpu.wait_indirect_dma semaphore(%arg25 : memref<!tpu.dma_semaphore, #tpu.memory_space<semaphore_mem>>) src(%dma_wait3A_83 : memref<10240x64xf32, #tpu.memory_space<hbm>>) dst(%arg17 : memref<128x64xf32, #tpu.memory_space<vmem>>)
        %get3A = arith.constant 0 : index
        %get3A_84 = tpu.vector_load %arg11[%get3A] {strides = array<i32>} : memref<128xi32, #tpu.memory_space<vmem>>, vector<16xi32>,
        %get3A_85 = vector.shape_cast %get3A_84 : vector<16xi32> to vector<16xi32>
        %swap3A = arith.constant 0 : index
        %swap3A_86 = tpu.vector_load %arg13[%swap3A] {strides = array<i32>} : memref<128xi32, #tpu.memory_space<vmem>>, vector<16xi32>,
        %swap3A_87 = vector.shape_cast %swap3A_86 : vector<16xi32> to vector<16xi32>
        %swap3A_88 = vector.shape_cast %get3A_85 : vector<16xi32> to vector<16xi32>
        tpu.vector_store %arg13[%swap3A], %swap3A_88 {strides = array<i32>} : memref<128xi32, #tpu.memory_space<vmem>>, vector<16xi32>,
        %get3A_89 = arith.constant 16 : index
        %get3A_90 = tpu.vector_load %arg11[%get3A_89] {strides = array<i32>} : memref<128xi32, #tpu.memory_space<vmem>>, vector<16xi32>,
        %get3A_91 = vector.shape_cast %get3A_90 : vector<16xi32> to vector<16xi32>
        %swap3A_92 = arith.constant 16 : index
        %swap3A_93 = tpu.vector_load %arg13[%swap3A_92] {strides = array<i32>} : memref<128xi32, #tpu.memory_space<vmem>>, vector<16xi32>,
        %swap3A_94 = vector.shape_cast %swap3A_93 : vector<16xi32> to vector<16xi32>
        %swap3A_95 = vector.shape_cast %get3A_91 : vector<16xi32> to vector<16xi32>
        tpu.vector_store %arg13[%swap3A_92], %swap3A_95 {strides = array<i32>} : memref<128xi32, #tpu.memory_space<vmem>>, vector<16xi32>,
        %get3A_96 = arith.constant 32 : index
        %get3A_97 = tpu.vector_load %arg11[%get3A_96] {strides = array<i32>} : memref<128xi32, #tpu.memory_space<vmem>>, vector<16xi32>,
        %get3A_98 = vector.shape_cast %get3A_97 : vector<16xi32> to vector<16xi32>
        %swap3A_99 = arith.constant 32 : index
        %swap3A_100 = tpu.vector_load %arg13[%swap3A_99] {strides = array<i32>} : memref<128xi32, #tpu.memory_space<vmem>>, vector<16xi32>,
        %swap3A_101 = vector.shape_cast %swap3A_100 : vector<16xi32> to vector<16xi32>
        %swap3A_102 = vector.shape_cast %get3A_98 : vector<16xi32> to vector<16xi32>
        tpu.vector_store %arg13[%swap3A_99], %swap3A_102 {strides = array<i32>} : memref<128xi32, #tpu.memory_space<vmem>>, vector<16xi32>,
        %get3A_103 = arith.constant 48 : index
        %get3A_104 = tpu.vector_load %arg11[%get3A_103] {strides = array<i32>} : memref<128xi32, #tpu.memory_space<vmem>>, vector<16xi32>,
        %get3A_105 = vector.shape_cast %get3A_104 : vector<16xi32> to vector<16xi32>
        %swap3A_106 = arith.constant 48 : index
        %swap3A_107 = tpu.vector_load %arg13[%swap3A_106] {strides = array<i32>} : memref<128xi32, #tpu.memory_space<vmem>>, vector<16xi32>,
        %swap3A_108 = vector.shape_cast %swap3A_107 : vector<16xi32> to vector<16xi32>
        %swap3A_109 = vector.shape_cast %get3A_105 : vector<16xi32> to vector<16xi32>
        tpu.vector_store %arg13[%swap3A_106], %swap3A_109 {strides = array<i32>} : memref<128xi32, #tpu.memory_space<vmem>>, vector<16xi32>,
        %get3A_110 = arith.constant 64 : index
        %get3A_111 = tpu.vector_load %arg11[%get3A_110] {strides = array<i32>} : memref<128xi32, #tpu.memory_space<vmem>>, vector<16xi32>,
        %get3A_112 = vector.shape_cast %get3A_111 : vector<16xi32> to vector<16xi32>
        %swap3A_113 = arith.constant 64 : index
        %swap3A_114 = tpu.vector_load %arg13[%swap3A_113] {strides = array<i32>} : memref<128xi32, #tpu.memory_space<vmem>>, vector<16xi32>,
        %swap3A_115 = vector.shape_cast %swap3A_114 : vector<16xi32> to vector<16xi32>
        %swap3A_116 = vector.shape_cast %get3A_112 : vector<16xi32> to vector<16xi32>
        tpu.vector_store %arg13[%swap3A_113], %swap3A_116 {strides = array<i32>} : memref<128xi32, #tpu.memory_space<vmem>>, vector<16xi32>,
        %get3A_117 = arith.constant 80 : index
        %get3A_118 = tpu.vector_load %arg11[%get3A_117] {strides = array<i32>} : memref<128xi32, #tpu.memory_space<vmem>>, vector<16xi32>,
        %get3A_119 = vector.shape_cast %get3A_118 : vector<16xi32> to vector<16xi32>
        %swap3A_120 = arith.constant 80 : index
        %swap3A_121 = tpu.vector_load %arg13[%swap3A_120] {strides = array<i32>} : memref<128xi32, #tpu.memory_space<vmem>>, vector<16xi32>,
        %swap3A_122 = vector.shape_cast %swap3A_121 : vector<16xi32> to vector<16xi32>
        %swap3A_123 = vector.shape_cast %get3A_119 : vector<16xi32> to vector<16xi32>
        tpu.vector_store %arg13[%swap3A_120], %swap3A_123 {strides = array<i32>} : memref<128xi32, #tpu.memory_space<vmem>>, vector<16xi32>,
        %get3A_124 = arith.constant 96 : index
        %get3A_125 = tpu.vector_load %arg11[%get3A_124] {strides = array<i32>} : memref<128xi32, #tpu.memory_space<vmem>>, vector<16xi32>,
        %get3A_126 = vector.shape_cast %get3A_125 : vector<16xi32> to vector<16xi32>
        %swap3A_127 = arith.constant 96 : index
        %swap3A_128 = tpu.vector_load %arg13[%swap3A_127] {strides = array<i32>} : memref<128xi32, #tpu.memory_space<vmem>>, vector<16xi32>,
        %swap3A_129 = vector.shape_cast %swap3A_128 : vector<16xi32> to vector<16xi32>
        %swap3A_130 = vector.shape_cast %get3A_126 : vector<16xi32> to vector<16xi32>
        tpu.vector_store %arg13[%swap3A_127], %swap3A_130 {strides = array<i32>} : memref<128xi32, #tpu.memory_space<vmem>>, vector<16xi32>,
        %get3A_131 = arith.constant 112 : index
        %get3A_132 = tpu.vector_load %arg11[%get3A_131] {strides = array<i32>} : memref<128xi32, #tpu.memory_space<vmem>>, vector<16xi32>,
        %get3A_133 = vector.shape_cast %get3A_132 : vector<16xi32> to vector<16xi32>
        %swap3A_134 = arith.constant 112 : index
        %swap3A_135 = tpu.vector_load %arg13[%swap3A_134] {strides = array<i32>} : memref<128xi32, #tpu.memory_space<vmem>>, vector<16xi32>,
        %swap3A_136 = vector.shape_cast %swap3A_135 : vector<16xi32> to vector<16xi32>
        %swap3A_137 = vector.shape_cast %get3A_133 : vector<16xi32> to vector<16xi32>
        tpu.vector_store %arg13[%swap3A_134], %swap3A_137 {strides = array<i32>} : memref<128xi32, #tpu.memory_space<vmem>>, vector<16xi32>,
        %parallel_loop3A = arith.constant 0 : i32
        %parallel_loop3A_138 = arith.constant 128 : i32
        %parallel_loop3A_139 = arith.constant 1 : i32
        scf.for %parallel_loop3A_143 = %parallel_loop3A to %parallel_loop3A_138 step %parallel_loop3A_139  : i32 {
          %parallel_loop3A_144 = arith.index_cast %parallel_loop3A_143 : i32 to index
          %parallel_loop3A_145 = arith.constant 0 : index
          %parallel_loop3A_146 = tpu.vector_load %arg15[%parallel_loop3A_144, %parallel_loop3A_145] {strides = array<i32>} : memref<128x64xf32, #tpu.memory_space<vmem>>, vector<1x16xf32>,
          %parallel_loop3A_147 = vector.shape_cast %parallel_loop3A_146 : vector<1x16xf32> to vector<16xf32>
          %parallel_loop3A_148 = arith.index_cast %parallel_loop3A_143 : i32 to index
          %parallel_loop3A_149 = arith.constant 0 : index
          %parallel_loop3A_150 = tpu.vector_load %arg17[%parallel_loop3A_148, %parallel_loop3A_149] {strides = array<i32>} : memref<128x64xf32, #tpu.memory_space<vmem>>, vector<1x16xf32>,
          %parallel_loop3A_151 = vector.shape_cast %parallel_loop3A_150 : vector<1x16xf32> to vector<16xf32>
          %parallel_loop3A_152 = arith.addf %parallel_loop3A_147, %parallel_loop3A_151 : vector<16xf32>
          %parallel_loop3A_153 = arith.index_cast %parallel_loop3A_143 : i32 to index
          %parallel_loop3A_154 = arith.constant 0 : index
          %parallel_loop3A_155 = tpu.vector_load %arg19[%parallel_loop3A_153, %parallel_loop3A_154] {strides = array<i32>} : memref<128x64xf32, #tpu.memory_space<vmem>>, vector<1x16xf32>,
          %parallel_loop3A_156 = vector.shape_cast %parallel_loop3A_155 : vector<1x16xf32> to vector<16xf32>
          %parallel_loop3A_157 = arith.addf %parallel_loop3A_152, %parallel_loop3A_156 : vector<16xf32>
          %parallel_loop3A_158 = arith.constant 0.000000e+00 : f32
          %parallel_loop3A_159 = vector.broadcast %parallel_loop3A_158 : f32 to vector<16xf32>
          %parallel_loop3A_160 = arith.maximumf %parallel_loop3A_157, %parallel_loop3A_159 : vector<16xf32>
          %parallel_loop3A_161 = arith.index_cast %parallel_loop3A_143 : i32 to index
          %parallel_loop3A_162 = arith.constant 0 : index
          %parallel_loop3A_163 = tpu.vector_load %arg21[%parallel_loop3A_161, %parallel_loop3A_162] {strides = array<i32>} : memref<128x64xf32, #tpu.memory_space<vmem>>, vector<1x16xf32>,
          %parallel_loop3A_164 = vector.shape_cast %parallel_loop3A_163 : vector<1x16xf32> to vector<16xf32>
          %parallel_loop3A_165 = vector.shape_cast %parallel_loop3A_160 : vector<16xf32> to vector<1x16xf32>
          tpu.vector_store %arg21[%parallel_loop3A_161, %parallel_loop3A_162], %parallel_loop3A_165 {strides = array<i32>} : memref<128x64xf32, #tpu.memory_space<vmem>>, vector<1x16xf32>,
          %parallel_loop3A_166 = arith.index_cast %parallel_loop3A_143 : i32 to index
          %parallel_loop3A_167 = arith.constant 16 : index
          %parallel_loop3A_168 = tpu.vector_load %arg15[%parallel_loop3A_166, %parallel_loop3A_167] {strides = array<i32>} : memref<128x64xf32, #tpu.memory_space<vmem>>, vector<1x16xf32>,
          %parallel_loop3A_169 = vector.shape_cast %parallel_loop3A_168 : vector<1x16xf32> to vector<16xf32>
          %parallel_loop3A_170 = arith.index_cast %parallel_loop3A_143 : i32 to index
          %parallel_loop3A_171 = arith.constant 16 : index
          %parallel_loop3A_172 = tpu.vector_load %arg17[%parallel_loop3A_170, %parallel_loop3A_171] {strides = array<i32>} : memref<128x64xf32, #tpu.memory_space<vmem>>, vector<1x16xf32>,
          %parallel_loop3A_173 = vector.shape_cast %parallel_loop3A_172 : vector<1x16xf32> to vector<16xf32>
          %parallel_loop3A_174 = arith.addf %parallel_loop3A_169, %parallel_loop3A_173 : vector<16xf32>
          %parallel_loop3A_175 = arith.index_cast %parallel_loop3A_143 : i32 to index
          %parallel_loop3A_176 = arith.constant 16 : index
          %parallel_loop3A_177 = tpu.vector_load %arg19[%parallel_loop3A_175, %parallel_loop3A_176] {strides = array<i32>} : memref<128x64xf32, #tpu.memory_space<vmem>>, vector<1x16xf32>,
          %parallel_loop3A_178 = vector.shape_cast %parallel_loop3A_177 : vector<1x16xf32> to vector<16xf32>
          %parallel_loop3A_179 = arith.addf %parallel_loop3A_174, %parallel_loop3A_178 : vector<16xf32>
          %parallel_loop3A_180 = arith.constant 0.000000e+00 : f32
          %parallel_loop3A_181 = vector.broadcast %parallel_loop3A_180 : f32 to vector<16xf32>
          %parallel_loop3A_182 = arith.maximumf %parallel_loop3A_179, %parallel_loop3A_181 : vector<16xf32>
          %parallel_loop3A_183 = arith.index_cast %parallel_loop3A_143 : i32 to index
          %parallel_loop3A_184 = arith.constant 16 : index
          %parallel_loop3A_185 = tpu.vector_load %arg21[%parallel_loop3A_183, %parallel_loop3A_184] {strides = array<i32>} : memref<128x64xf32, #tpu.memory_space<vmem>>, vector<1x16xf32>,
          %parallel_loop3A_186 = vector.shape_cast %parallel_loop3A_185 : vector<1x16xf32> to vector<16xf32>
          %parallel_loop3A_187 = vector.shape_cast %parallel_loop3A_182 : vector<16xf32> to vector<1x16xf32>
          tpu.vector_store %arg21[%parallel_loop3A_183, %parallel_loop3A_184], %parallel_loop3A_187 {strides = array<i32>} : memref<128x64xf32, #tpu.memory_space<vmem>>, vector<1x16xf32>,
          %parallel_loop3A_188 = arith.index_cast %parallel_loop3A_143 : i32 to index
          %parallel_loop3A_189 = arith.constant 32 : index
          %parallel_loop3A_190 = tpu.vector_load %arg15[%parallel_loop3A_188, %parallel_loop3A_189] {strides = array<i32>} : memref<128x64xf32, #tpu.memory_space<vmem>>, vector<1x16xf32>,
          %parallel_loop3A_191 = vector.shape_cast %parallel_loop3A_190 : vector<1x16xf32> to vector<16xf32>
          %parallel_loop3A_192 = arith.index_cast %parallel_loop3A_143 : i32 to index
          %parallel_loop3A_193 = arith.constant 32 : index
          %parallel_loop3A_194 = tpu.vector_load %arg17[%parallel_loop3A_192, %parallel_loop3A_193] {strides = array<i32>} : memref<128x64xf32, #tpu.memory_space<vmem>>, vector<1x16xf32>,
          %parallel_loop3A_195 = vector.shape_cast %parallel_loop3A_194 : vector<1x16xf32> to vector<16xf32>
          %parallel_loop3A_196 = arith.addf %parallel_loop3A_191, %parallel_loop3A_195 : vector<16xf32>
          %parallel_loop3A_197 = arith.index_cast %parallel_loop3A_143 : i32 to index
          %parallel_loop3A_198 = arith.constant 32 : index
          %parallel_loop3A_199 = tpu.vector_load %arg19[%parallel_loop3A_197, %parallel_loop3A_198] {strides = array<i32>} : memref<128x64xf32, #tpu.memory_space<vmem>>, vector<1x16xf32>,
          %parallel_loop3A_200 = vector.shape_cast %parallel_loop3A_199 : vector<1x16xf32> to vector<16xf32>
          %parallel_loop3A_201 = arith.addf %parallel_loop3A_196, %parallel_loop3A_200 : vector<16xf32>
          %parallel_loop3A_202 = arith.constant 0.000000e+00 : f32
          %parallel_loop3A_203 = vector.broadcast %parallel_loop3A_202 : f32 to vector<16xf32>
          %parallel_loop3A_204 = arith.maximumf %parallel_loop3A_201, %parallel_loop3A_203 : vector<16xf32>
          %parallel_loop3A_205 = arith.index_cast %parallel_loop3A_143 : i32 to index
          %parallel_loop3A_206 = arith.constant 32 : index
          %parallel_loop3A_207 = tpu.vector_load %arg21[%parallel_loop3A_205, %parallel_loop3A_206] {strides = array<i32>} : memref<128x64xf32, #tpu.memory_space<vmem>>, vector<1x16xf32>,
          %parallel_loop3A_208 = vector.shape_cast %parallel_loop3A_207 : vector<1x16xf32> to vector<16xf32>
          %parallel_loop3A_209 = vector.shape_cast %parallel_loop3A_204 : vector<16xf32> to vector<1x16xf32>
          tpu.vector_store %arg21[%parallel_loop3A_205, %parallel_loop3A_206], %parallel_loop3A_209 {strides = array<i32>} : memref<128x64xf32, #tpu.memory_space<vmem>>, vector<1x16xf32>,
          %parallel_loop3A_210 = arith.index_cast %parallel_loop3A_143 : i32 to index
          %parallel_loop3A_211 = arith.constant 48 : index
          %parallel_loop3A_212 = tpu.vector_load %arg15[%parallel_loop3A_210, %parallel_loop3A_211] {strides = array<i32>} : memref<128x64xf32, #tpu.memory_space<vmem>>, vector<1x16xf32>,
          %parallel_loop3A_213 = vector.shape_cast %parallel_loop3A_212 : vector<1x16xf32> to vector<16xf32>
          %parallel_loop3A_214 = arith.index_cast %parallel_loop3A_143 : i32 to index
          %parallel_loop3A_215 = arith.constant 48 : index
          %parallel_loop3A_216 = tpu.vector_load %arg17[%parallel_loop3A_214, %parallel_loop3A_215] {strides = array<i32>} : memref<128x64xf32, #tpu.memory_space<vmem>>, vector<1x16xf32>,
          %parallel_loop3A_217 = vector.shape_cast %parallel_loop3A_216 : vector<1x16xf32> to vector<16xf32>
          %parallel_loop3A_218 = arith.addf %parallel_loop3A_213, %parallel_loop3A_217 : vector<16xf32>
          %parallel_loop3A_219 = arith.index_cast %parallel_loop3A_143 : i32 to index
          %parallel_loop3A_220 = arith.constant 48 : index
          %parallel_loop3A_221 = tpu.vector_load %arg19[%parallel_loop3A_219, %parallel_loop3A_220] {strides = array<i32>} : memref<128x64xf32, #tpu.memory_space<vmem>>, vector<1x16xf32>,
          %parallel_loop3A_222 = vector.shape_cast %parallel_loop3A_221 : vector<1x16xf32> to vector<16xf32>
          %parallel_loop3A_223 = arith.addf %parallel_loop3A_218, %parallel_loop3A_222 : vector<16xf32>
          %parallel_loop3A_224 = arith.constant 0.000000e+00 : f32
          %parallel_loop3A_225 = vector.broadcast %parallel_loop3A_224 : f32 to vector<16xf32>
          %parallel_loop3A_226 = arith.maximumf %parallel_loop3A_223, %parallel_loop3A_225 : vector<16xf32>
          %parallel_loop3A_227 = arith.index_cast %parallel_loop3A_143 : i32 to index
          %parallel_loop3A_228 = arith.constant 48 : index
          %parallel_loop3A_229 = tpu.vector_load %arg21[%parallel_loop3A_227, %parallel_loop3A_228] {strides = array<i32>} : memref<128x64xf32, #tpu.memory_space<vmem>>, vector<1x16xf32>,
          %parallel_loop3A_230 = vector.shape_cast %parallel_loop3A_229 : vector<1x16xf32> to vector<16xf32>
          %parallel_loop3A_231 = vector.shape_cast %parallel_loop3A_226 : vector<16xf32> to vector<1x16xf32>
          tpu.vector_store %arg21[%parallel_loop3A_227, %parallel_loop3A_228], %parallel_loop3A_231 {strides = array<i32>} : memref<128x64xf32, #tpu.memory_space<vmem>>, vector<1x16xf32>,
        } {sc.loop_unroll_factor = 4 : i64, sc.parallel_access}
        %dma_start3A_140 = arith.constant 0 : i32
        %dma_start3A_141 = arith.constant 0 : i32
        %dma_start3A_142 = tpu.memref_slice %arg29[%dma_start3A_140, %dma_start3A_141] : memref<10240x64xf32, #tpu.memory_space<vmem_shared>> -> memref<10240x64xf32, #tpu.memory_space<vmem_shared>>
        tpu.enqueue_indirect_dma source(%arg21 : memref<128x64xf32, #tpu.memory_space<vmem>>) target(%dma_start3A_142 : memref<10240x64xf32, #tpu.memory_space<vmem_shared>>) offsets(%arg13 : memref<128xi32, #tpu.memory_space<vmem>>) semaphore(%arg27 : memref<!tpu.dma_semaphore, #tpu.memory_space<semaphore_mem>>) {add = true}
      } else {
      }
      %add3A_70 = arith.constant 1 : i32
      %add3A_71 = arith.addi %add3A_51, %add3A_70 : i32
      %lt3A_72 = arith.constant 80 : i32
      %lt3A_73 = arith.cmpi slt, %add3A_71, %lt3A_72 : i32
      %convert_element_type3A_74 = arith.extui %lt3A_73 : i1 to i32
      %cond3A_75 = arith.constant 0 : i32
      %cond3A_76 = arith.cmpi ne, %convert_element_type3A_74, %cond3A_75 : i32
      scf.if %cond3A_76 {
        %add3A_78 = arith.constant 1 : i32
        %add3A_79 = arith.addi %add3A_51, %add3A_78 : i32
        %mul3A_80 = arith.constant 128 : i32
        %mul3A_81 = arith.muli %add3A_79, %mul3A_80 : i32
        %add3A_82 = arith.addi %mul3A_2, %mul3A_81 : i32
        %dma_start3A_83 = tpu.memref_slice %arg5[%add3A_82] : memref<327680xi32, #tpu.memory_space<hbm>> -> memref<128xi32, #tpu.memory_space<hbm>>
        %dma_start3A_84 = tpu.memref_slice %arg5[%add3A_82] : memref<327680xi32, #tpu.memory_space<hbm>> -> memref<128xi32, #tpu.memory_space<hbm>>
        tpu.enqueue_dma source(%dma_start3A_84 : memref<128xi32, #tpu.memory_space<hbm>>) target(%arg9 : memref<128xi32, #tpu.memory_space<vmem>>) target_semaphore(%arg23 : memref<!tpu.dma_semaphore, #tpu.memory_space<semaphore_mem>>)
        %dma_start3A_85 = tpu.memref_slice %arg6[%add3A_82] : memref<327680xi32, #tpu.memory_space<hbm>> -> memref<128xi32, #tpu.memory_space<hbm>>
        %dma_start3A_86 = tpu.memref_slice %arg6[%add3A_82] : memref<327680xi32, #tpu.memory_space<hbm>> -> memref<128xi32, #tpu.memory_space<hbm>>
        tpu.enqueue_dma source(%dma_start3A_86 : memref<128xi32, #tpu.memory_space<hbm>>) target(%arg11 : memref<128xi32, #tpu.memory_space<vmem>>) target_semaphore(%arg23 : memref<!tpu.dma_semaphore, #tpu.memory_space<semaphore_mem>>)
        %dma_start3A_87 = arith.constant 0 : i32
        %dma_start3A_88 = tpu.memref_slice %arg4[%add3A_82, %dma_start3A_87] : memref<327680x64xf32, #tpu.memory_space<hbm>> -> memref<128x64xf32, #tpu.memory_space<hbm>>
        %dma_start3A_89 = arith.constant 0 : i32
        %dma_start3A_90 = tpu.memref_slice %arg4[%add3A_82, %dma_start3A_89] : memref<327680x64xf32, #tpu.memory_space<hbm>> -> memref<128x64xf32, #tpu.memory_space<hbm>>
        tpu.enqueue_dma source(%dma_start3A_90 : memref<128x64xf32, #tpu.memory_space<hbm>>) target(%arg19 : memref<128x64xf32, #tpu.memory_space<vmem>>) target_semaphore(%arg23 : memref<!tpu.dma_semaphore, #tpu.memory_space<semaphore_mem>>)
      } else {
      }
      %scan3A_77 = arith.constant 0 : i32
      scf.yield %scan3A_77 : i32
    }
    %scan3A_21 = arith.constant 41 : i32
    %dma_wait3A = arith.constant 0 : i32
    %dma_wait3A_22 = arith.constant 0 : i32
    %dma_wait3A_23 = tpu.memref_slice %arg29[%dma_wait3A, %dma_wait3A_22] : memref<10240x64xf32, #tpu.memory_space<vmem_shared>> -> memref<10240x64xf32, #tpu.memory_space<vmem_shared>>
    tpu.wait_indirect_dma semaphore(%arg28 : memref<!tpu.dma_semaphore, #tpu.memory_space<semaphore_mem>>) src(%arg22 : memref<128x64xf32, #tpu.memory_space<vmem>>) dst(%dma_wait3A_23 : memref<10240x64xf32, #tpu.memory_space<vmem_shared>>)
    %barrier3A_24 = arith.constant 0 : index
    tpu.barrier barrier_id(%barrier3A_24)
    "tpu.region"() ({
      %run_scoped3A = tpu.sem_alloc : memref<!tpu.dma_semaphore, #tpu.memory_space<semaphore_mem>>
      %dma_start3A_25 = arith.constant 0 : i32
      %dma_start3A_26 = tpu.memref_slice %arg8[%arg0, %mul3A_4, %dma_start3A_25] : memref<2x10240x64xf32, #tpu.memory_space<hbm>> -> memref<1x640x64xf32, #tpu.memory_space<hbm>>
      %dma_start3A_27 = tpu.memref_squeeze %dma_start3A_26 : memref<1x640x64xf32, #tpu.memory_space<hbm>> -> memref<640x64xf32, #tpu.memory_space<hbm>>
      %dma_start3A_28 = arith.constant 0 : i32
      %dma_start3A_29 = tpu.memref_slice %arg29[%mul3A_4, %dma_start3A_28] : memref<10240x64xf32, #tpu.memory_space<vmem_shared>> -> memref<640x64xf32, #tpu.memory_space<vmem_shared>>
      tpu.enqueue_dma source(%dma_start3A_29 : memref<640x64xf32, #tpu.memory_space<vmem_shared>>) target(%dma_start3A_27 : memref<640x64xf32, #tpu.memory_space<hbm>>) target_semaphore(%run_scoped3A : memref<!tpu.dma_semaphore, #tpu.memory_space<semaphore_mem>>)
      %dma_wait3A_30 = arith.constant 0 : i32
      %dma_wait3A_31 = tpu.memref_slice %arg8[%arg0, %mul3A_4, %dma_wait3A_30] : memref<2x10240x64xf32, #tpu.memory_space<hbm>> -> memref<1x640x64xf32, #tpu.memory_space<hbm>>
      %dma_wait3A_32 = tpu.memref_squeeze %dma_wait3A_31 : memref<1x640x64xf32, #tpu.memory_space<hbm>> -> memref<640x64xf32, #tpu.memory_space<hbm>>
      %dma_wait3A_33 = arith.constant 0 : i32
      %dma_wait3A_34 = tpu.memref_slice %arg29[%mul3A_4, %dma_wait3A_33] : memref<10240x64xf32, #tpu.memory_space<vmem_shared>> -> memref<640x64xf32, #tpu.memory_space<vmem_shared>>
      tpu.wait_dma2 semaphore(%run_scoped3A : memref<!tpu.dma_semaphore, #tpu.memory_space<semaphore_mem>>) src(%dma_wait3A_34 : memref<640x64xf32, #tpu.memory_space<vmem_shared>>) dst(%dma_wait3A_32 : memref<640x64xf32, #tpu.memory_space<hbm>>)
      tpu.yield
    }) : () -> ()
    return
  }
}

module attributes {stable_mosaic.version = 14 : i64} {
  func.func @_encedge_body(%arg0: i32, %arg1: memref<2048x16xf32, #tpu.memory_space<vmem>>, %arg2: memref<16x64xf32, #tpu.memory_space<vmem>>, %arg3: memref<1x64xf32, #tpu.memory_space<vmem>>, %arg4: memref<64x64xf32, #tpu.memory_space<vmem>>, %arg5: memref<1x64xf32, #tpu.memory_space<vmem>>, %arg6: memref<64x256xf32, #tpu.memory_space<vmem>>, %arg7: memref<1x256xf32, #tpu.memory_space<vmem>>, %arg8: memref<2048x64xf32, #tpu.memory_space<vmem>>, %arg9: memref<2048x64xf32, #tpu.memory_space<vmem>>, %arg10: memref<2048x64xf32, #tpu.memory_space<vmem>>, %arg11: memref<2048x64xf32, #tpu.memory_space<vmem>>) attributes {dimension_semantics = [#tpu.dimension_semantics<arbitrary>], iteration_bounds = array<i64: 160>, scalar_prefetch = 0 : i64, scratch_operands = 0 : i64, tpu.core_type = #tpu.core_type<tc>, window_params = [{transform_indices = @transform_0, window_bounds = array<i64: 2048, 16>}, {pipeline_mode = #tpu.pipeline_mode<synchronous>, transform_indices = @transform_1, window_bounds = array<i64: 16, 64>}, {pipeline_mode = #tpu.pipeline_mode<synchronous>, transform_indices = @transform_2, window_bounds = array<i64: 1, 64>}, {pipeline_mode = #tpu.pipeline_mode<synchronous>, transform_indices = @transform_3, window_bounds = array<i64: 64, 64>}, {pipeline_mode = #tpu.pipeline_mode<synchronous>, transform_indices = @transform_4, window_bounds = array<i64: 1, 64>}, {pipeline_mode = #tpu.pipeline_mode<synchronous>, transform_indices = @transform_5, window_bounds = array<i64: 64, 256>}, {pipeline_mode = #tpu.pipeline_mode<synchronous>, transform_indices = @transform_6, window_bounds = array<i64: 1, 256>}, {transform_indices = @transform_7, window_bounds = array<i64: 2048, 64>}, {transform_indices = @transform_8, window_bounds = array<i64: 2048, 64>}, {transform_indices = @transform_9, window_bounds = array<i64: 2048, 64>}, {transform_indices = @transform_10, window_bounds = array<i64: 2048, 64>}]} {
    %get3A = arith.constant 0 : index
    %get3A_0 = arith.constant 0 : index
    %get3A_1 = vector.load %arg1[%get3A, %get3A_0] : memref<2048x16xf32, #tpu.memory_space<vmem>>, vector<2048x16xf32>
    %get3A_2 = arith.constant 0 : index
    %get3A_3 = arith.constant 0 : index
    %get3A_4 = vector.load %arg2[%get3A_2, %get3A_3] : memref<16x64xf32, #tpu.memory_space<vmem>>, vector<16x64xf32>
    %dot_general3A = arith.constant dense<0.000000e+00> : vector<2048x64xf32>
    %dot_general3A_5 = tpu.matmul %get3A_1, %get3A_4, %dot_general3A {dimension_numbers = #tpu.dot_dimension_numbers<[1], [0], [0], [1], [0, 0, 1, 1], [], []>, transpose_lhs_hint = false} : vector<2048x16xf32>, vector<16x64xf32>, vector<2048x64xf32> -> vector<2048x64xf32>
    %get3A_6 = arith.constant 0 : index
    %get3A_7 = arith.constant 0 : index
    %get3A_8 = vector.load %arg3[%get3A_6, %get3A_7] : memref<1x64xf32, #tpu.memory_space<vmem>>, vector<1x64xf32>
    %add3A = vector.broadcast %get3A_8 : vector<1x64xf32> to vector<2048x64xf32>
    %add3A_9 = arith.addf %dot_general3A_5, %add3A : vector<2048x64xf32>
    %max3A = arith.constant 0.000000e+00 : f32
    %max3A_10 = vector.broadcast %max3A : f32 to vector<2048x64xf32>
    %max3A_11 = arith.maximumf %add3A_9, %max3A_10 : vector<2048x64xf32>
    %get3A_12 = arith.constant 0 : index
    %get3A_13 = arith.constant 0 : index
    %get3A_14 = vector.load %arg4[%get3A_12, %get3A_13] : memref<64x64xf32, #tpu.memory_space<vmem>>, vector<64x64xf32>
    %dot_general3A_15 = arith.constant dense<0.000000e+00> : vector<2048x64xf32>
    %dot_general3A_16 = tpu.matmul %max3A_11, %get3A_14, %dot_general3A_15 {dimension_numbers = #tpu.dot_dimension_numbers<[1], [0], [0], [1], [0, 0, 1, 1], [], []>, transpose_lhs_hint = false} : vector<2048x64xf32>, vector<64x64xf32>, vector<2048x64xf32> -> vector<2048x64xf32>
    %get3A_17 = arith.constant 0 : index
    %get3A_18 = arith.constant 0 : index
    %get3A_19 = vector.load %arg5[%get3A_17, %get3A_18] : memref<1x64xf32, #tpu.memory_space<vmem>>, vector<1x64xf32>
    %add3A_20 = vector.broadcast %get3A_19 : vector<1x64xf32> to vector<2048x64xf32>
    %add3A_21 = arith.addf %dot_general3A_16, %add3A_20 : vector<2048x64xf32>
    %get3A_22 = arith.constant 0 : index
    %get3A_23 = arith.constant 0 : index
    %get3A_24 = vector.load %arg6[%get3A_22, %get3A_23] : memref<64x256xf32, #tpu.memory_space<vmem>>, vector<64x256xf32>
    %dot_general3A_25 = arith.constant dense<0.000000e+00> : vector<2048x256xf32>
    %dot_general3A_26 = tpu.matmul %add3A_21, %get3A_24, %dot_general3A_25 {dimension_numbers = #tpu.dot_dimension_numbers<[1], [0], [0], [1], [0, 0, 1, 1], [], []>, transpose_lhs_hint = false} : vector<2048x64xf32>, vector<64x256xf32>, vector<2048x256xf32> -> vector<2048x256xf32>
    %get3A_27 = arith.constant 0 : index
    %get3A_28 = arith.constant 0 : index
    %get3A_29 = vector.load %arg7[%get3A_27, %get3A_28] : memref<1x256xf32, #tpu.memory_space<vmem>>, vector<1x256xf32>
    %add3A_30 = vector.broadcast %get3A_29 : vector<1x256xf32> to vector<2048x256xf32>
    %add3A_31 = arith.addf %dot_general3A_26, %add3A_30 : vector<2048x256xf32>
    %slice3A = vector.extract_strided_slice %add3A_31 {offsets = [0, 0], sizes = [2048, 64], strides = [1, 1]} : vector<2048x256xf32> to vector<2048x64xf32>
    %swap3A = arith.constant 0 : index
    %swap3A_32 = arith.constant 0 : index
    %swap3A_33 = vector.load %arg8[%swap3A, %swap3A_32] : memref<2048x64xf32, #tpu.memory_space<vmem>>, vector<2048x64xf32>
    tpu.vector_store %arg8[%swap3A, %swap3A_32], %slice3A {strides = array<i32>} : memref<2048x64xf32, #tpu.memory_space<vmem>>, vector<2048x64xf32>,
    %slice3A_34 = vector.extract_strided_slice %add3A_31 {offsets = [0, 64], sizes = [2048, 64], strides = [1, 1]} : vector<2048x256xf32> to vector<2048x64xf32>
    %swap3A_35 = arith.constant 0 : index
    %swap3A_36 = arith.constant 0 : index
    %swap3A_37 = vector.load %arg9[%swap3A_35, %swap3A_36] : memref<2048x64xf32, #tpu.memory_space<vmem>>, vector<2048x64xf32>
    tpu.vector_store %arg9[%swap3A_35, %swap3A_36], %slice3A_34 {strides = array<i32>} : memref<2048x64xf32, #tpu.memory_space<vmem>>, vector<2048x64xf32>,
    %slice3A_38 = vector.extract_strided_slice %add3A_31 {offsets = [0, 128], sizes = [2048, 64], strides = [1, 1]} : vector<2048x256xf32> to vector<2048x64xf32>
    %swap3A_39 = arith.constant 0 : index
    %swap3A_40 = arith.constant 0 : index
    %swap3A_41 = vector.load %arg10[%swap3A_39, %swap3A_40] : memref<2048x64xf32, #tpu.memory_space<vmem>>, vector<2048x64xf32>
    tpu.vector_store %arg10[%swap3A_39, %swap3A_40], %slice3A_38 {strides = array<i32>} : memref<2048x64xf32, #tpu.memory_space<vmem>>, vector<2048x64xf32>,
    %slice3A_42 = vector.extract_strided_slice %add3A_31 {offsets = [0, 192], sizes = [2048, 64], strides = [1, 1]} : vector<2048x256xf32> to vector<2048x64xf32>
    %swap3A_43 = arith.constant 0 : index
    %swap3A_44 = arith.constant 0 : index
    %swap3A_45 = vector.load %arg11[%swap3A_43, %swap3A_44] : memref<2048x64xf32, #tpu.memory_space<vmem>>, vector<2048x64xf32>
    tpu.vector_store %arg11[%swap3A_43, %swap3A_44], %slice3A_42 {strides = array<i32>} : memref<2048x64xf32, #tpu.memory_space<vmem>>, vector<2048x64xf32>,
    return
  }
  func.func @transform_0(%arg0: i32) -> (i32, i32) {
    %c0_i32 = arith.constant 0 : i32
    %c0_i32_0 = arith.constant 0 : i32
    return %arg0, %c0_i32 : i32, i32
  }
  func.func @transform_1(%arg0: i32) -> (i32, i32) {
    %c0_i32 = arith.constant 0 : i32
    %c0_i32_0 = arith.constant 0 : i32
    %c0_i32_1 = arith.constant 0 : i32
    return %c0_i32, %c0_i32_0 : i32, i32
  }
  func.func @transform_2(%arg0: i32) -> (i32, i32) {
    %c0_i32 = arith.constant 0 : i32
    %c0_i32_0 = arith.constant 0 : i32
    %c0_i32_1 = arith.constant 0 : i32
    return %c0_i32, %c0_i32_0 : i32, i32
  }
  func.func @transform_3(%arg0: i32) -> (i32, i32) {
    %c0_i32 = arith.constant 0 : i32
    %c0_i32_0 = arith.constant 0 : i32
    %c0_i32_1 = arith.constant 0 : i32
    return %c0_i32, %c0_i32_0 : i32, i32
  }
  func.func @transform_4(%arg0: i32) -> (i32, i32) {
    %c0_i32 = arith.constant 0 : i32
    %c0_i32_0 = arith.constant 0 : i32
    %c0_i32_1 = arith.constant 0 : i32
    return %c0_i32, %c0_i32_0 : i32, i32
  }
  func.func @transform_5(%arg0: i32) -> (i32, i32) {
    %c0_i32 = arith.constant 0 : i32
    %c0_i32_0 = arith.constant 0 : i32
    %c0_i32_1 = arith.constant 0 : i32
    return %c0_i32, %c0_i32_0 : i32, i32
  }
  func.func @transform_6(%arg0: i32) -> (i32, i32) {
    %c0_i32 = arith.constant 0 : i32
    %c0_i32_0 = arith.constant 0 : i32
    %c0_i32_1 = arith.constant 0 : i32
    return %c0_i32, %c0_i32_0 : i32, i32
  }
  func.func @transform_7(%arg0: i32) -> (i32, i32) {
    %c0_i32 = arith.constant 0 : i32
    %c0_i32_0 = arith.constant 0 : i32
    return %arg0, %c0_i32 : i32, i32
  }
  func.func @transform_8(%arg0: i32) -> (i32, i32) {
    %c0_i32 = arith.constant 0 : i32
    %c0_i32_0 = arith.constant 0 : i32
    return %arg0, %c0_i32 : i32, i32
  }
  func.func @transform_9(%arg0: i32) -> (i32, i32) {
    %c0_i32 = arith.constant 0 : i32
    %c0_i32_0 = arith.constant 0 : i32
    return %arg0, %c0_i32 : i32, i32
  }
  func.func @transform_10(%arg0: i32) -> (i32, i32) {
    %c0_i32 = arith.constant 0 : i32
    %c0_i32_0 = arith.constant 0 : i32
    return %arg0, %c0_i32 : i32, i32
  }
}

module attributes {stable_mosaic.version = 14 : i64} {
  func.func @_mlp_body(%arg0: i32, %arg1: memref<1024x128xf32, #tpu.memory_space<vmem>>, %arg2: memref<128x64xf32, #tpu.memory_space<vmem>>, %arg3: memref<1x64xf32, #tpu.memory_space<vmem>>, %arg4: memref<64x64xf32, #tpu.memory_space<vmem>>, %arg5: memref<1x64xf32, #tpu.memory_space<vmem>>, %arg6: memref<1024x64xf32, #tpu.memory_space<vmem>>) attributes {dimension_semantics = [#tpu.dimension_semantics<arbitrary>], iteration_bounds = array<i64: 10>, scalar_prefetch = 0 : i64, scratch_operands = 0 : i64, tpu.core_type = #tpu.core_type<tc>, window_params = [{transform_indices = @transform_0, window_bounds = array<i64: 1024, 128>}, {pipeline_mode = #tpu.pipeline_mode<synchronous>, transform_indices = @transform_1, window_bounds = array<i64: 128, 64>}, {pipeline_mode = #tpu.pipeline_mode<synchronous>, transform_indices = @transform_2, window_bounds = array<i64: 1, 64>}, {pipeline_mode = #tpu.pipeline_mode<synchronous>, transform_indices = @transform_3, window_bounds = array<i64: 64, 64>}, {pipeline_mode = #tpu.pipeline_mode<synchronous>, transform_indices = @transform_4, window_bounds = array<i64: 1, 64>}, {transform_indices = @transform_5, window_bounds = array<i64: 1024, 64>}]} {
    %get3A = arith.constant 0 : index
    %get3A_0 = arith.constant 0 : index
    %get3A_1 = vector.load %arg1[%get3A, %get3A_0] : memref<1024x128xf32, #tpu.memory_space<vmem>>, vector<1024x128xf32>
    %get3A_2 = arith.constant 0 : index
    %get3A_3 = arith.constant 0 : index
    %get3A_4 = vector.load %arg2[%get3A_2, %get3A_3] : memref<128x64xf32, #tpu.memory_space<vmem>>, vector<128x64xf32>
    %dot_general3A = arith.constant dense<0.000000e+00> : vector<1024x64xf32>
    %dot_general3A_5 = tpu.matmul %get3A_1, %get3A_4, %dot_general3A {dimension_numbers = #tpu.dot_dimension_numbers<[1], [0], [0], [1], [0, 0, 1, 1], [], []>, transpose_lhs_hint = false} : vector<1024x128xf32>, vector<128x64xf32>, vector<1024x64xf32> -> vector<1024x64xf32>
    %get3A_6 = arith.constant 0 : index
    %get3A_7 = arith.constant 0 : index
    %get3A_8 = vector.load %arg3[%get3A_6, %get3A_7] : memref<1x64xf32, #tpu.memory_space<vmem>>, vector<1x64xf32>
    %add3A = vector.broadcast %get3A_8 : vector<1x64xf32> to vector<1024x64xf32>
    %add3A_9 = arith.addf %dot_general3A_5, %add3A : vector<1024x64xf32>
    %max3A = arith.constant 0.000000e+00 : f32
    %max3A_10 = vector.broadcast %max3A : f32 to vector<1024x64xf32>
    %max3A_11 = arith.maximumf %add3A_9, %max3A_10 : vector<1024x64xf32>
    %get3A_12 = arith.constant 0 : index
    %get3A_13 = arith.constant 0 : index
    %get3A_14 = vector.load %arg4[%get3A_12, %get3A_13] : memref<64x64xf32, #tpu.memory_space<vmem>>, vector<64x64xf32>
    %dot_general3A_15 = arith.constant dense<0.000000e+00> : vector<1024x64xf32>
    %dot_general3A_16 = tpu.matmul %max3A_11, %get3A_14, %dot_general3A_15 {dimension_numbers = #tpu.dot_dimension_numbers<[1], [0], [0], [1], [0, 0, 1, 1], [], []>, transpose_lhs_hint = false} : vector<1024x64xf32>, vector<64x64xf32>, vector<1024x64xf32> -> vector<1024x64xf32>
    %get3A_17 = arith.constant 0 : index
    %get3A_18 = arith.constant 0 : index
    %get3A_19 = vector.load %arg5[%get3A_17, %get3A_18] : memref<1x64xf32, #tpu.memory_space<vmem>>, vector<1x64xf32>
    %add3A_20 = vector.broadcast %get3A_19 : vector<1x64xf32> to vector<1024x64xf32>
    %add3A_21 = arith.addf %dot_general3A_16, %add3A_20 : vector<1024x64xf32>
    %swap3A = arith.constant 0 : index
    %swap3A_22 = arith.constant 0 : index
    %swap3A_23 = vector.load %arg6[%swap3A, %swap3A_22] : memref<1024x64xf32, #tpu.memory_space<vmem>>, vector<1024x64xf32>
    tpu.vector_store %arg6[%swap3A, %swap3A_22], %add3A_21 {strides = array<i32>} : memref<1024x64xf32, #tpu.memory_space<vmem>>, vector<1024x64xf32>,
    return
  }
  func.func @transform_0(%arg0: i32) -> (i32, i32) {
    %c0_i32 = arith.constant 0 : i32
    %c0_i32_0 = arith.constant 0 : i32
    return %arg0, %c0_i32 : i32, i32
  }
  func.func @transform_1(%arg0: i32) -> (i32, i32) {
    %c0_i32 = arith.constant 0 : i32
    %c0_i32_0 = arith.constant 0 : i32
    %c0_i32_1 = arith.constant 0 : i32
    return %c0_i32, %c0_i32_0 : i32, i32
  }
  func.func @transform_2(%arg0: i32) -> (i32, i32) {
    %c0_i32 = arith.constant 0 : i32
    %c0_i32_0 = arith.constant 0 : i32
    %c0_i32_1 = arith.constant 0 : i32
    return %c0_i32, %c0_i32_0 : i32, i32
  }
  func.func @transform_3(%arg0: i32) -> (i32, i32) {
    %c0_i32 = arith.constant 0 : i32
    %c0_i32_0 = arith.constant 0 : i32
    %c0_i32_1 = arith.constant 0 : i32
    return %c0_i32, %c0_i32_0 : i32, i32
  }
  func.func @transform_4(%arg0: i32) -> (i32, i32) {
    %c0_i32 = arith.constant 0 : i32
    %c0_i32_0 = arith.constant 0 : i32
    %c0_i32_1 = arith.constant 0 : i32
    return %c0_i32, %c0_i32_0 : i32, i32
  }
  func.func @transform_5(%arg0: i32) -> (i32, i32) {
    %c0_i32 = arith.constant 0 : i32
    %c0_i32_0 = arith.constant 0 : i32
    return %arg0, %c0_i32 : i32, i32
  }
}

module attributes {stable_mosaic.version = 14 : i64} {
  func.func @_ab_body(%arg0: i32, %arg1: memref<1024x64xf32, #tpu.memory_space<vmem>>, %arg2: memref<64x128xf32, #tpu.memory_space<vmem>>, %arg3: memref<1024x64xf32, #tpu.memory_space<vmem>>, %arg4: memref<1024x64xf32, #tpu.memory_space<vmem>>) attributes {dimension_semantics = [#tpu.dimension_semantics<arbitrary>], iteration_bounds = array<i64: 10>, scalar_prefetch = 0 : i64, scratch_operands = 0 : i64, tpu.core_type = #tpu.core_type<tc>, window_params = [{transform_indices = @transform_0, window_bounds = array<i64: 1024, 64>}, {pipeline_mode = #tpu.pipeline_mode<synchronous>, transform_indices = @transform_1, window_bounds = array<i64: 64, 128>}, {transform_indices = @transform_2, window_bounds = array<i64: 1024, 64>}, {transform_indices = @transform_3, window_bounds = array<i64: 1024, 64>}]} {
    %get3A = arith.constant 0 : index
    %get3A_0 = arith.constant 0 : index
    %get3A_1 = vector.load %arg1[%get3A, %get3A_0] : memref<1024x64xf32, #tpu.memory_space<vmem>>, vector<1024x64xf32>
    %get3A_2 = arith.constant 0 : index
    %get3A_3 = arith.constant 0 : index
    %get3A_4 = vector.load %arg2[%get3A_2, %get3A_3] : memref<64x128xf32, #tpu.memory_space<vmem>>, vector<64x128xf32>
    %dot_general3A = arith.constant dense<0.000000e+00> : vector<1024x128xf32>
    %dot_general3A_5 = tpu.matmul %get3A_1, %get3A_4, %dot_general3A {dimension_numbers = #tpu.dot_dimension_numbers<[1], [0], [0], [1], [0, 0, 1, 1], [], []>, transpose_lhs_hint = false} : vector<1024x64xf32>, vector<64x128xf32>, vector<1024x128xf32> -> vector<1024x128xf32>
    %slice3A = vector.extract_strided_slice %dot_general3A_5 {offsets = [0, 0], sizes = [1024, 64], strides = [1, 1]} : vector<1024x128xf32> to vector<1024x64xf32>
    %swap3A = arith.constant 0 : index
    %swap3A_6 = arith.constant 0 : index
    %swap3A_7 = vector.load %arg3[%swap3A, %swap3A_6] : memref<1024x64xf32, #tpu.memory_space<vmem>>, vector<1024x64xf32>
    tpu.vector_store %arg3[%swap3A, %swap3A_6], %slice3A {strides = array<i32>} : memref<1024x64xf32, #tpu.memory_space<vmem>>, vector<1024x64xf32>,
    %slice3A_8 = vector.extract_strided_slice %dot_general3A_5 {offsets = [0, 64], sizes = [1024, 64], strides = [1, 1]} : vector<1024x128xf32> to vector<1024x64xf32>
    %swap3A_9 = arith.constant 0 : index
    %swap3A_10 = arith.constant 0 : index
    %swap3A_11 = vector.load %arg4[%swap3A_9, %swap3A_10] : memref<1024x64xf32, #tpu.memory_space<vmem>>, vector<1024x64xf32>
    tpu.vector_store %arg4[%swap3A_9, %swap3A_10], %slice3A_8 {strides = array<i32>} : memref<1024x64xf32, #tpu.memory_space<vmem>>, vector<1024x64xf32>,
    return
  }
  func.func @transform_0(%arg0: i32) -> (i32, i32) {
    %c0_i32 = arith.constant 0 : i32
    %c0_i32_0 = arith.constant 0 : i32
    return %arg0, %c0_i32 : i32, i32
  }
  func.func @transform_1(%arg0: i32) -> (i32, i32) {
    %c0_i32 = arith.constant 0 : i32
    %c0_i32_0 = arith.constant 0 : i32
    %c0_i32_1 = arith.constant 0 : i32
    return %c0_i32, %c0_i32_0 : i32, i32
  }
  func.func @transform_2(%arg0: i32) -> (i32, i32) {
    %c0_i32 = arith.constant 0 : i32
    %c0_i32_0 = arith.constant 0 : i32
    return %arg0, %c0_i32 : i32, i32
  }
  func.func @transform_3(%arg0: i32) -> (i32, i32) {
    %c0_i32 = arith.constant 0 : i32
    %c0_i32_0 = arith.constant 0 : i32
    return %arg0, %c0_i32 : i32, i32
  }
}

module attributes {stable_mosaic.version = 14 : i64} {
  func.func @_update_body(%arg0: i32, %arg1: memref<1024x64xf32, #tpu.memory_space<vmem>>, %arg2: memref<1024x64xf32, #tpu.memory_space<vmem>>, %arg3: memref<1024x16xf32, #tpu.memory_space<vmem>>, %arg4: memref<1024x16xf32, #tpu.memory_space<vmem>>, %arg5: memref<1024x64xf32, #tpu.memory_space<vmem>>, %arg6: memref<64x64xf32, #tpu.memory_space<vmem>>, %arg7: memref<1x64xf32, #tpu.memory_space<vmem>>, %arg8: memref<64x64xf32, #tpu.memory_space<vmem>>, %arg9: memref<64x64xf32, #tpu.memory_space<vmem>>, %arg10: memref<1x64xf32, #tpu.memory_space<vmem>>, %arg11: memref<64x64xf32, #tpu.memory_space<vmem>>, %arg12: memref<1x64xf32, #tpu.memory_space<vmem>>, %arg13: memref<1024x64xf32, #tpu.memory_space<vmem>>) attributes {dimension_semantics = [#tpu.dimension_semantics<arbitrary>], iteration_bounds = array<i64: 10>, scalar_prefetch = 0 : i64, scratch_operands = 0 : i64, tpu.core_type = #tpu.core_type<tc>, window_params = [{transform_indices = @transform_0, window_bounds = array<i64: 1024, 64>}, {transform_indices = @transform_1, window_bounds = array<i64: 1024, 64>}, {transform_indices = @transform_2, window_bounds = array<i64: 1024, 16>}, {transform_indices = @transform_3, window_bounds = array<i64: 1024, 16>}, {transform_indices = @transform_4, window_bounds = array<i64: 1024, 64>}, {pipeline_mode = #tpu.pipeline_mode<synchronous>, transform_indices = @transform_5, window_bounds = array<i64: 64, 64>}, {pipeline_mode = #tpu.pipeline_mode<synchronous>, transform_indices = @transform_6, window_bounds = array<i64: 1, 64>}, {pipeline_mode = #tpu.pipeline_mode<synchronous>, transform_indices = @transform_7, window_bounds = array<i64: 64, 64>}, {pipeline_mode = #tpu.pipeline_mode<synchronous>, transform_indices = @transform_8, window_bounds = array<i64: 64, 64>}, {pipeline_mode = #tpu.pipeline_mode<synchronous>, transform_indices = @transform_9, window_bounds = array<i64: 1, 64>}, {pipeline_mode = #tpu.pipeline_mode<synchronous>, transform_indices = @transform_10, window_bounds = array<i64: 64, 64>}, {pipeline_mode = #tpu.pipeline_mode<synchronous>, transform_indices = @transform_11, window_bounds = array<i64: 1, 64>}, {transform_indices = @transform_12, window_bounds = array<i64: 1024, 64>}]} {
    %get3A = arith.constant 0 : index
    %get3A_0 = arith.constant 0 : index
    %get3A_1 = vector.load %arg3[%get3A, %get3A_0] : memref<1024x16xf32, #tpu.memory_space<vmem>>, vector<1024x1xf32>
    %get3A_2 = arith.constant 0 : index
    %get3A_3 = arith.constant 0 : index
    %get3A_4 = vector.load %arg4[%get3A_2, %get3A_3] : memref<1024x16xf32, #tpu.memory_space<vmem>>, vector<1024x1xf32>
    %add3A = arith.addf %get3A_1, %get3A_4 : vector<1024x1xf32>
    %get3A_5 = arith.constant 0 : index
    %get3A_6 = arith.constant 0 : index
    %get3A_7 = vector.load %arg1[%get3A_5, %get3A_6] : memref<1024x64xf32, #tpu.memory_space<vmem>>, vector<1024x64xf32>
    %get3A_8 = arith.constant 0 : index
    %get3A_9 = arith.constant 0 : index
    %get3A_10 = vector.load %arg2[%get3A_8, %get3A_9] : memref<1024x64xf32, #tpu.memory_space<vmem>>, vector<1024x64xf32>
    %add3A_11 = arith.addf %get3A_7, %get3A_10 : vector<1024x64xf32>
    %get3A_12 = arith.constant 0 : index
    %get3A_13 = arith.constant 0 : index
    %get3A_14 = vector.load %arg6[%get3A_12, %get3A_13] : memref<64x64xf32, #tpu.memory_space<vmem>>, vector<64x64xf32>
    %dot_general3A = arith.constant dense<0.000000e+00> : vector<1024x64xf32>
    %dot_general3A_15 = tpu.matmul %add3A_11, %get3A_14, %dot_general3A {dimension_numbers = #tpu.dot_dimension_numbers<[1], [0], [0], [1], [0, 0, 1, 1], [], []>, transpose_lhs_hint = false} : vector<1024x64xf32>, vector<64x64xf32>, vector<1024x64xf32> -> vector<1024x64xf32>
    %get3A_16 = arith.constant 0 : index
    %get3A_17 = arith.constant 0 : index
    %get3A_18 = vector.load %arg7[%get3A_16, %get3A_17] : memref<1x64xf32, #tpu.memory_space<vmem>>, vector<1x64xf32>
    %mul3A = vector.broadcast %add3A : vector<1024x1xf32> to vector<1024x64xf32>
    %mul3A_19 = vector.broadcast %get3A_18 : vector<1x64xf32> to vector<1024x64xf32>
    %mul3A_20 = arith.mulf %mul3A, %mul3A_19 : vector<1024x64xf32>
    %add3A_21 = arith.addf %dot_general3A_15, %mul3A_20 : vector<1024x64xf32>
    %jit3A = arith.constant 1.000000e+00 : f32
    %max3A = vector.broadcast %jit3A : f32 to vector<1024x1xf32>
    %max3A_22 = arith.maximumf %max3A, %add3A : vector<1024x1xf32>
    %div3A = vector.broadcast %max3A_22 : vector<1024x1xf32> to vector<1024x64xf32>
    %div3A_23 = arith.divf %add3A_21, %div3A : vector<1024x64xf32>
    %get3A_24 = arith.constant 0 : index
    %get3A_25 = arith.constant 0 : index
    %get3A_26 = vector.load %arg5[%get3A_24, %get3A_25] : memref<1024x64xf32, #tpu.memory_space<vmem>>, vector<1024x64xf32>
    %get3A_27 = arith.constant 0 : index
    %get3A_28 = arith.constant 0 : index
    %get3A_29 = vector.load %arg8[%get3A_27, %get3A_28] : memref<64x64xf32, #tpu.memory_space<vmem>>, vector<64x64xf32>
    %dot_general3A_30 = arith.constant dense<0.000000e+00> : vector<1024x64xf32>
    %dot_general3A_31 = tpu.matmul %get3A_26, %get3A_29, %dot_general3A_30 {dimension_numbers = #tpu.dot_dimension_numbers<[1], [0], [0], [1], [0, 0, 1, 1], [], []>, transpose_lhs_hint = false} : vector<1024x64xf32>, vector<64x64xf32>, vector<1024x64xf32> -> vector<1024x64xf32>
    %get3A_32 = arith.constant 0 : index
    %get3A_33 = arith.constant 0 : index
    %get3A_34 = vector.load %arg9[%get3A_32, %get3A_33] : memref<64x64xf32, #tpu.memory_space<vmem>>, vector<64x64xf32>
    %dot_general3A_35 = arith.constant dense<0.000000e+00> : vector<1024x64xf32>
    %dot_general3A_36 = tpu.matmul %div3A_23, %get3A_34, %dot_general3A_35 {dimension_numbers = #tpu.dot_dimension_numbers<[1], [0], [0], [1], [0, 0, 1, 1], [], []>, transpose_lhs_hint = false} : vector<1024x64xf32>, vector<64x64xf32>, vector<1024x64xf32> -> vector<1024x64xf32>
    %add3A_37 = arith.addf %dot_general3A_31, %dot_general3A_36 : vector<1024x64xf32>
    %get3A_38 = arith.constant 0 : index
    %get3A_39 = arith.constant 0 : index
    %get3A_40 = vector.load %arg10[%get3A_38, %get3A_39] : memref<1x64xf32, #tpu.memory_space<vmem>>, vector<1x64xf32>
    %add3A_41 = vector.broadcast %get3A_40 : vector<1x64xf32> to vector<1024x64xf32>
    %add3A_42 = arith.addf %add3A_37, %add3A_41 : vector<1024x64xf32>
    %max3A_43 = arith.constant 0.000000e+00 : f32
    %max3A_44 = vector.broadcast %max3A_43 : f32 to vector<1024x64xf32>
    %max3A_45 = arith.maximumf %add3A_42, %max3A_44 : vector<1024x64xf32>
    %get3A_46 = arith.constant 0 : index
    %get3A_47 = arith.constant 0 : index
    %get3A_48 = vector.load %arg11[%get3A_46, %get3A_47] : memref<64x64xf32, #tpu.memory_space<vmem>>, vector<64x64xf32>
    %dot_general3A_49 = arith.constant dense<0.000000e+00> : vector<1024x64xf32>
    %dot_general3A_50 = tpu.matmul %max3A_45, %get3A_48, %dot_general3A_49 {dimension_numbers = #tpu.dot_dimension_numbers<[1], [0], [0], [1], [0, 0, 1, 1], [], []>, transpose_lhs_hint = false} : vector<1024x64xf32>, vector<64x64xf32>, vector<1024x64xf32> -> vector<1024x64xf32>
    %get3A_51 = arith.constant 0 : index
    %get3A_52 = arith.constant 0 : index
    %get3A_53 = vector.load %arg12[%get3A_51, %get3A_52] : memref<1x64xf32, #tpu.memory_space<vmem>>, vector<1x64xf32>
    %add3A_54 = vector.broadcast %get3A_53 : vector<1x64xf32> to vector<1024x64xf32>
    %add3A_55 = arith.addf %dot_general3A_50, %add3A_54 : vector<1024x64xf32>
    %swap3A = arith.constant 0 : index
    %swap3A_56 = arith.constant 0 : index
    %swap3A_57 = vector.load %arg13[%swap3A, %swap3A_56] : memref<1024x64xf32, #tpu.memory_space<vmem>>, vector<1024x64xf32>
    tpu.vector_store %arg13[%swap3A, %swap3A_56], %add3A_55 {strides = array<i32>} : memref<1024x64xf32, #tpu.memory_space<vmem>>, vector<1024x64xf32>,
    return
  }
  func.func @transform_0(%arg0: i32) -> (i32, i32) {
    %c0_i32 = arith.constant 0 : i32
    %c0_i32_0 = arith.constant 0 : i32
    return %arg0, %c0_i32 : i32, i32
  }
  func.func @transform_1(%arg0: i32) -> (i32, i32) {
    %c0_i32 = arith.constant 0 : i32
    %c0_i32_0 = arith.constant 0 : i32
    return %arg0, %c0_i32 : i32, i32
  }
  func.func @transform_2(%arg0: i32) -> (i32, i32) {
    %c0_i32 = arith.constant 0 : i32
    %c0_i32_0 = arith.constant 0 : i32
    return %arg0, %c0_i32 : i32, i32
  }
  func.func @transform_3(%arg0: i32) -> (i32, i32) {
    %c0_i32 = arith.constant 0 : i32
    %c0_i32_0 = arith.constant 0 : i32
    return %arg0, %c0_i32 : i32, i32
  }
  func.func @transform_4(%arg0: i32) -> (i32, i32) {
    %c0_i32 = arith.constant 0 : i32
    %c0_i32_0 = arith.constant 0 : i32
    return %arg0, %c0_i32 : i32, i32
  }
  func.func @transform_5(%arg0: i32) -> (i32, i32) {
    %c0_i32 = arith.constant 0 : i32
    %c0_i32_0 = arith.constant 0 : i32
    %c0_i32_1 = arith.constant 0 : i32
    return %c0_i32, %c0_i32_0 : i32, i32
  }
  func.func @transform_6(%arg0: i32) -> (i32, i32) {
    %c0_i32 = arith.constant 0 : i32
    %c0_i32_0 = arith.constant 0 : i32
    %c0_i32_1 = arith.constant 0 : i32
    return %c0_i32, %c0_i32_0 : i32, i32
  }
  func.func @transform_7(%arg0: i32) -> (i32, i32) {
    %c0_i32 = arith.constant 0 : i32
    %c0_i32_0 = arith.constant 0 : i32
    %c0_i32_1 = arith.constant 0 : i32
    return %c0_i32, %c0_i32_0 : i32, i32
  }
  func.func @transform_8(%arg0: i32) -> (i32, i32) {
    %c0_i32 = arith.constant 0 : i32
    %c0_i32_0 = arith.constant 0 : i32
    %c0_i32_1 = arith.constant 0 : i32
    return %c0_i32, %c0_i32_0 : i32, i32
  }
  func.func @transform_9(%arg0: i32) -> (i32, i32) {
    %c0_i32 = arith.constant 0 : i32
    %c0_i32_0 = arith.constant 0 : i32
    %c0_i32_1 = arith.constant 0 : i32
    return %c0_i32, %c0_i32_0 : i32, i32
  }
  func.func @transform_10(%arg0: i32) -> (i32, i32) {
    %c0_i32 = arith.constant 0 : i32
    %c0_i32_0 = arith.constant 0 : i32
    %c0_i32_1 = arith.constant 0 : i32
    return %c0_i32, %c0_i32_0 : i32, i32
  }
  func.func @transform_11(%arg0: i32) -> (i32, i32) {
    %c0_i32 = arith.constant 0 : i32
    %c0_i32_0 = arith.constant 0 : i32
    %c0_i32_1 = arith.constant 0 : i32
    return %c0_i32, %c0_i32_0 : i32, i32
  }
  func.func @transform_12(%arg0: i32) -> (i32, i32) {
    %c0_i32 = arith.constant 0 : i32
    %c0_i32_0 = arith.constant 0 : i32
    return %arg0, %c0_i32 : i32, i32
  }
}

module attributes {stable_mosaic.version = 14 : i64} {
  func.func @_mlp_body(%arg0: i32, %arg1: memref<1024x64xf32, #tpu.memory_space<vmem>>, %arg2: memref<64x64xf32, #tpu.memory_space<vmem>>, %arg3: memref<1x64xf32, #tpu.memory_space<vmem>>, %arg4: memref<64x3xf32, #tpu.memory_space<vmem>>, %arg5: memref<1x3xf32, #tpu.memory_space<vmem>>, %arg6: memref<1024x3xf32, #tpu.memory_space<vmem>>) attributes {dimension_semantics = [#tpu.dimension_semantics<arbitrary>], iteration_bounds = array<i64: 10>, scalar_prefetch = 0 : i64, scratch_operands = 0 : i64, tpu.core_type = #tpu.core_type<tc>, window_params = [{transform_indices = @transform_0, window_bounds = array<i64: 1024, 64>}, {pipeline_mode = #tpu.pipeline_mode<synchronous>, transform_indices = @transform_1, window_bounds = array<i64: 64, 64>}, {pipeline_mode = #tpu.pipeline_mode<synchronous>, transform_indices = @transform_2, window_bounds = array<i64: 1, 64>}, {pipeline_mode = #tpu.pipeline_mode<synchronous>, transform_indices = @transform_3, window_bounds = array<i64: 64, 3>}, {pipeline_mode = #tpu.pipeline_mode<synchronous>, transform_indices = @transform_4, window_bounds = array<i64: 1, 3>}, {transform_indices = @transform_5, window_bounds = array<i64: 1024, 3>}]} {
    %get3A = arith.constant 0 : index
    %get3A_0 = arith.constant 0 : index
    %get3A_1 = vector.load %arg1[%get3A, %get3A_0] : memref<1024x64xf32, #tpu.memory_space<vmem>>, vector<1024x64xf32>
    %get3A_2 = arith.constant 0 : index
    %get3A_3 = arith.constant 0 : index
    %get3A_4 = vector.load %arg2[%get3A_2, %get3A_3] : memref<64x64xf32, #tpu.memory_space<vmem>>, vector<64x64xf32>
    %dot_general3A = arith.constant dense<0.000000e+00> : vector<1024x64xf32>
    %dot_general3A_5 = tpu.matmul %get3A_1, %get3A_4, %dot_general3A {dimension_numbers = #tpu.dot_dimension_numbers<[1], [0], [0], [1], [0, 0, 1, 1], [], []>, transpose_lhs_hint = false} : vector<1024x64xf32>, vector<64x64xf32>, vector<1024x64xf32> -> vector<1024x64xf32>
    %get3A_6 = arith.constant 0 : index
    %get3A_7 = arith.constant 0 : index
    %get3A_8 = vector.load %arg3[%get3A_6, %get3A_7] : memref<1x64xf32, #tpu.memory_space<vmem>>, vector<1x64xf32>
    %add3A = vector.broadcast %get3A_8 : vector<1x64xf32> to vector<1024x64xf32>
    %add3A_9 = arith.addf %dot_general3A_5, %add3A : vector<1024x64xf32>
    %max3A = arith.constant 0.000000e+00 : f32
    %max3A_10 = vector.broadcast %max3A : f32 to vector<1024x64xf32>
    %max3A_11 = arith.maximumf %add3A_9, %max3A_10 : vector<1024x64xf32>
    %get3A_12 = arith.constant 0 : index
    %get3A_13 = arith.constant 0 : index
    %get3A_14 = vector.load %arg4[%get3A_12, %get3A_13] : memref<64x3xf32, #tpu.memory_space<vmem>>, vector<64x3xf32>
    %dot_general3A_15 = arith.constant dense<0.000000e+00> : vector<1024x3xf32>
    %dot_general3A_16 = tpu.matmul %max3A_11, %get3A_14, %dot_general3A_15 {dimension_numbers = #tpu.dot_dimension_numbers<[1], [0], [0], [1], [0, 0, 1, 1], [], []>, transpose_lhs_hint = false} : vector<1024x64xf32>, vector<64x3xf32>, vector<1024x3xf32> -> vector<1024x3xf32>
    %get3A_17 = arith.constant 0 : index
    %get3A_18 = arith.constant 0 : index
    %get3A_19 = vector.load %arg5[%get3A_17, %get3A_18] : memref<1x3xf32, #tpu.memory_space<vmem>>, vector<1x3xf32>
    %add3A_20 = vector.broadcast %get3A_19 : vector<1x3xf32> to vector<1024x3xf32>
    %add3A_21 = arith.addf %dot_general3A_16, %add3A_20 : vector<1024x3xf32>
    %swap3A = arith.constant 0 : index
    %swap3A_22 = arith.constant 0 : index
    %swap3A_23 = vector.load %arg6[%swap3A, %swap3A_22] : memref<1024x3xf32, #tpu.memory_space<vmem>>, vector<1024x3xf32>
    tpu.vector_store %arg6[%swap3A, %swap3A_22], %add3A_21 {strides = array<i32>} : memref<1024x3xf32, #tpu.memory_space<vmem>>, vector<1024x3xf32>,
    return
  }
  func.func @transform_0(%arg0: i32) -> (i32, i32) {
    %c0_i32 = arith.constant 0 : i32
    %c0_i32_0 = arith.constant 0 : i32
    return %arg0, %c0_i32 : i32, i32
  }
  func.func @transform_1(%arg0: i32) -> (i32, i32) {
    %c0_i32 = arith.constant 0 : i32
    %c0_i32_0 = arith.constant 0 : i32
    %c0_i32_1 = arith.constant 0 : i32
    return %c0_i32, %c0_i32_0 : i32, i32
  }
  func.func @transform_2(%arg0: i32) -> (i32, i32) {
    %c0_i32 = arith.constant 0 : i32
    %c0_i32_0 = arith.constant 0 : i32
    %c0_i32_1 = arith.constant 0 : i32
    return %c0_i32, %c0_i32_0 : i32, i32
  }
  func.func @transform_3(%arg0: i32) -> (i32, i32) {
    %c0_i32 = arith.constant 0 : i32
    %c0_i32_0 = arith.constant 0 : i32
    %c0_i32_1 = arith.constant 0 : i32
    return %c0_i32, %c0_i32_0 : i32, i32
  }
  func.func @transform_4(%arg0: i32) -> (i32, i32) {
    %c0_i32 = arith.constant 0 : i32
    %c0_i32_0 = arith.constant 0 : i32
    %c0_i32_1 = arith.constant 0 : i32
    return %c0_i32, %c0_i32_0 : i32, i32
  }
  func.func @transform_5(%arg0: i32) -> (i32, i32) {
    %c0_i32 = arith.constant 0 : i32
    %c0_i32_0 = arith.constant 0 : i32
    return %arg0, %c0_i32 : i32, i32
  }
}

module attributes {stable_mosaic.version = 14 : i64} {
  func.func @_readout_body(%arg0: i32, %arg1: memref<1024x64xf32, #tpu.memory_space<vmem>>, %arg2: memref<1024x1xf32, #tpu.memory_space<vmem>>, %arg3: memref<64x64xf32, #tpu.memory_space<vmem>>, %arg4: memref<1x64xf32, #tpu.memory_space<vmem>>, %arg5: memref<64x1xf32, #tpu.memory_space<vmem>>, %arg6: memref<1x1xf32, #tpu.memory_space<vmem>>, %arg7: memref<16x1xf32, #tpu.memory_space<vmem>>, %arg8: memref<16x64xf32, #tpu.memory_space<vmem>>, %arg9: memref<16x1xf32, #tpu.memory_space<vmem>>) attributes {dimension_semantics = [#tpu.dimension_semantics<arbitrary>], iteration_bounds = array<i64: 10>, scalar_prefetch = 0 : i64, scratch_operands = 2 : i64, tpu.core_type = #tpu.core_type<tc>, window_params = [{transform_indices = @transform_0, window_bounds = array<i64: 1024, 64>}, {transform_indices = @transform_1, window_bounds = array<i64: 1024, 1>}, {pipeline_mode = #tpu.pipeline_mode<synchronous>, transform_indices = @transform_2, window_bounds = array<i64: 64, 64>}, {pipeline_mode = #tpu.pipeline_mode<synchronous>, transform_indices = @transform_3, window_bounds = array<i64: 1, 64>}, {pipeline_mode = #tpu.pipeline_mode<synchronous>, transform_indices = @transform_4, window_bounds = array<i64: 64, 1>}, {pipeline_mode = #tpu.pipeline_mode<synchronous>, transform_indices = @transform_5, window_bounds = array<i64: 1, 1>}, {pipeline_mode = #tpu.pipeline_mode<synchronous>, transform_indices = @transform_6, window_bounds = array<i64: 16, 1>}]} {
    %eq3A = arith.constant 0 : i32
    %eq3A_0 = arith.cmpi eq, %arg0, %eq3A : i32
    %convert_element_type3A = arith.extui %eq3A_0 : i1 to i32
    %cond3A = arith.constant 0 : i32
    %cond3A_1 = arith.cmpi ne, %convert_element_type3A, %cond3A : i32
    scf.if %cond3A_1 {
      %broadcast_in_dim3A_34 = arith.constant 0.000000e+00 : f32
      %broadcast_in_dim3A_35 = vector.broadcast %broadcast_in_dim3A_34 : f32 to vector<16x64xf32>
      %swap3A_36 = arith.constant 0 : index
      %swap3A_37 = arith.constant 0 : index
      %swap3A_38 = vector.load %arg8[%swap3A_36, %swap3A_37] : memref<16x64xf32, #tpu.memory_space<vmem>>, vector<16x64xf32>
      tpu.vector_store %arg8[%swap3A_36, %swap3A_37], %broadcast_in_dim3A_35 {strides = array<i32>} : memref<16x64xf32, #tpu.memory_space<vmem>>, vector<16x64xf32>,
      %broadcast_in_dim3A_39 = arith.constant 0.000000e+00 : f32
      %broadcast_in_dim3A_40 = vector.broadcast %broadcast_in_dim3A_39 : f32 to vector<16x1xf32>
      %swap3A_41 = arith.constant 0 : index
      %swap3A_42 = arith.constant 0 : index
      %swap3A_43 = vector.load %arg9[%swap3A_41, %swap3A_42] : memref<16x1xf32, #tpu.memory_space<vmem>>, vector<16x1xf32>
      tpu.vector_store %arg9[%swap3A_41, %swap3A_42], %broadcast_in_dim3A_40 {strides = array<i32>} : memref<16x1xf32, #tpu.memory_space<vmem>>, vector<16x1xf32>,
    } else {
    }
    %iota3A = tpu.iota {dimensions = array<i32: 1>} : vector<1x16xi32>
    %convert_element_type3A_2 = arith.sitofp %iota3A : vector<1x16xi32> to vector<1x16xf32>
    %get3A = arith.constant 0 : index
    %get3A_3 = arith.constant 0 : index
    %get3A_4 = vector.load %arg2[%get3A, %get3A_3] : memref<1024x1xf32, #tpu.memory_space<vmem>>, vector<1024x1xf32>
    %eq3A_5 = vector.broadcast %get3A_4 : vector<1024x1xf32> to vector<1024x16xf32>
    %eq3A_6 = vector.broadcast %convert_element_type3A_2 : vector<1x16xf32> to vector<1024x16xf32>
    %eq3A_7 = arith.cmpf oeq, %eq3A_5, %eq3A_6 : vector<1024x16xf32>
    %convert_element_type3A_8 = arith.extui %eq3A_7 : vector<1024x16xi1> to vector<1024x16xi32>
    %convert_element_type3A_9 = arith.sitofp %convert_element_type3A_8 : vector<1024x16xi32> to vector<1024x16xf32>
    %get3A_10 = arith.constant 0 : index
    %get3A_11 = arith.constant 0 : index
    %get3A_12 = vector.load %arg8[%get3A_10, %get3A_11] : memref<16x64xf32, #tpu.memory_space<vmem>>, vector<16x64xf32>
    %get3A_13 = arith.constant 0 : index
    %get3A_14 = arith.constant 0 : index
    %get3A_15 = vector.load %arg1[%get3A_13, %get3A_14] : memref<1024x64xf32, #tpu.memory_space<vmem>>, vector<1024x64xf32>
    %dot_general3A = arith.constant dense<0.000000e+00> : vector<16x64xf32>
    %dot_general3A_16 = tpu.matmul %convert_element_type3A_9, %get3A_15, %dot_general3A {dimension_numbers = #tpu.dot_dimension_numbers<[0], [0], [1], [1], [0, 1, 1, 1], [], []>, transpose_lhs_hint = false} : vector<1024x16xf32>, vector<1024x64xf32>, vector<16x64xf32> -> vector<16x64xf32>
    %add3A = arith.addf %get3A_12, %dot_general3A_16 : vector<16x64xf32>
    %swap3A = arith.constant 0 : index
    %swap3A_17 = arith.constant 0 : index
    %swap3A_18 = vector.load %arg8[%swap3A, %swap3A_17] : memref<16x64xf32, #tpu.memory_space<vmem>>, vector<16x64xf32>
    tpu.vector_store %arg8[%swap3A, %swap3A_17], %add3A {strides = array<i32>} : memref<16x64xf32, #tpu.memory_space<vmem>>, vector<16x64xf32>,
    %get3A_19 = arith.constant 0 : index
    %get3A_20 = arith.constant 0 : index
    %get3A_21 = vector.load %arg9[%get3A_19, %get3A_20] : memref<16x1xf32, #tpu.memory_space<vmem>>, vector<16x1xf32>
    %broadcast_in_dim3A = arith.constant 1.000000e+00 : f32
    %broadcast_in_dim3A_22 = vector.broadcast %broadcast_in_dim3A : f32 to vector<1024x1xf32>
    %dot_general3A_23 = arith.constant dense<0.000000e+00> : vector<16x1xf32>
    %dot_general3A_24 = tpu.matmul %convert_element_type3A_9, %broadcast_in_dim3A_22, %dot_general3A_23 {dimension_numbers = #tpu.dot_dimension_numbers<[0], [0], [1], [1], [0, 1, 1, 1], [], []>, transpose_lhs_hint = false} : vector<1024x16xf32>, vector<1024x1xf32>, vector<16x1xf32> -> vector<16x1xf32>
    %add3A_25 = arith.addf %get3A_21, %dot_general3A_24 : vector<16x1xf32>
    %swap3A_26 = arith.constant 0 : index
    %swap3A_27 = arith.constant 0 : index
    %swap3A_28 = vector.load %arg9[%swap3A_26, %swap3A_27] : memref<16x1xf32, #tpu.memory_space<vmem>>, vector<16x1xf32>
    tpu.vector_store %arg9[%swap3A_26, %swap3A_27], %add3A_25 {strides = array<i32>} : memref<16x1xf32, #tpu.memory_space<vmem>>, vector<16x1xf32>,
    %eq3A_29 = arith.constant 9 : i32
    %eq3A_30 = arith.cmpi eq, %arg0, %eq3A_29 : i32
    %convert_element_type3A_31 = arith.extui %eq3A_30 : i1 to i32
    %cond3A_32 = arith.constant 0 : i32
    %cond3A_33 = arith.cmpi ne, %convert_element_type3A_31, %cond3A_32 : i32
    scf.if %cond3A_33 {
      %get3A_34 = arith.constant 0 : index
      %get3A_35 = arith.constant 0 : index
      %get3A_36 = vector.load %arg8[%get3A_34, %get3A_35] : memref<16x64xf32, #tpu.memory_space<vmem>>, vector<16x64xf32>
      %get3A_37 = arith.constant 0 : index
      %get3A_38 = arith.constant 0 : index
      %get3A_39 = vector.load %arg9[%get3A_37, %get3A_38] : memref<16x1xf32, #tpu.memory_space<vmem>>, vector<16x1xf32>
      %jit3A = arith.constant 1.000000e+00 : f32
      %max3A = vector.broadcast %jit3A : f32 to vector<16x1xf32>
      %max3A_40 = arith.maximumf %max3A, %get3A_39 : vector<16x1xf32>
      %div3A = vector.broadcast %max3A_40 : vector<16x1xf32> to vector<16x64xf32>
      %div3A_41 = arith.divf %get3A_36, %div3A : vector<16x64xf32>
      %get3A_42 = arith.constant 0 : index
      %get3A_43 = arith.constant 0 : index
      %get3A_44 = vector.load %arg3[%get3A_42, %get3A_43] : memref<64x64xf32, #tpu.memory_space<vmem>>, vector<64x64xf32>
      %dot_general3A_45 = arith.constant dense<0.000000e+00> : vector<16x64xf32>
      %dot_general3A_46 = tpu.matmul %div3A_41, %get3A_44, %dot_general3A_45 {dimension_numbers = #tpu.dot_dimension_numbers<[1], [0], [0], [1], [0, 0, 1, 1], [], []>, transpose_lhs_hint = false} : vector<16x64xf32>, vector<64x64xf32>, vector<16x64xf32> -> vector<16x64xf32>
      %get3A_47 = arith.constant 0 : index
      %get3A_48 = arith.constant 0 : index
      %get3A_49 = vector.load %arg4[%get3A_47, %get3A_48] : memref<1x64xf32, #tpu.memory_space<vmem>>, vector<1x64xf32>
      %add3A_50 = vector.broadcast %get3A_49 : vector<1x64xf32> to vector<16x64xf32>
      %add3A_51 = arith.addf %dot_general3A_46, %add3A_50 : vector<16x64xf32>
      %max3A_52 = arith.constant 0.000000e+00 : f32
      %max3A_53 = vector.broadcast %max3A_52 : f32 to vector<16x64xf32>
      %max3A_54 = arith.maximumf %add3A_51, %max3A_53 : vector<16x64xf32>
      %get3A_55 = arith.constant 0 : index
      %get3A_56 = arith.constant 0 : index
      %get3A_57 = vector.load %arg5[%get3A_55, %get3A_56] : memref<64x1xf32, #tpu.memory_space<vmem>>, vector<64x1xf32>
      %dot_general3A_58 = arith.constant dense<0.000000e+00> : vector<16x1xf32>
      %dot_general3A_59 = tpu.matmul %max3A_54, %get3A_57, %dot_general3A_58 {dimension_numbers = #tpu.dot_dimension_numbers<[1], [0], [0], [1], [0, 0, 1, 1], [], []>, transpose_lhs_hint = false} : vector<16x64xf32>, vector<64x1xf32>, vector<16x1xf32> -> vector<16x1xf32>
      %get3A_60 = arith.constant 0 : index
      %get3A_61 = arith.constant 0 : index
      %get3A_62 = vector.load %arg6[%get3A_60, %get3A_61] : memref<1x1xf32, #tpu.memory_space<vmem>>, vector<1x1xf32>
      %add3A_63 = vector.broadcast %get3A_62 : vector<1x1xf32> to vector<16x1xf32>
      %add3A_64 = arith.addf %dot_general3A_59, %add3A_63 : vector<16x1xf32>
      %swap3A_65 = arith.constant 0 : index
      %swap3A_66 = arith.constant 0 : index
      %swap3A_67 = vector.load %arg7[%swap3A_65, %swap3A_66] : memref<16x1xf32, #tpu.memory_space<vmem>>, vector<16x1xf32>
      tpu.vector_store %arg7[%swap3A_65, %swap3A_66], %add3A_64 {strides = array<i32>} : memref<16x1xf32, #tpu.memory_space<vmem>>, vector<16x1xf32>,
    } else {
    }
    return
  }
  func.func @transform_0(%arg0: i32) -> (i32, i32) {
    %c0_i32 = arith.constant 0 : i32
    %c0_i32_0 = arith.constant 0 : i32
    return %arg0, %c0_i32 : i32, i32
  }
  func.func @transform_1(%arg0: i32) -> (i32, i32) {
    %c0_i32 = arith.constant 0 : i32
    %c0_i32_0 = arith.constant 0 : i32
    return %arg0, %c0_i32 : i32, i32
  }
  func.func @transform_2(%arg0: i32) -> (i32, i32) {
    %c0_i32 = arith.constant 0 : i32
    %c0_i32_0 = arith.constant 0 : i32
    %c0_i32_1 = arith.constant 0 : i32
    return %c0_i32, %c0_i32_0 : i32, i32
  }
  func.func @transform_3(%arg0: i32) -> (i32, i32) {
    %c0_i32 = arith.constant 0 : i32
    %c0_i32_0 = arith.constant 0 : i32
    %c0_i32_1 = arith.constant 0 : i32
    return %c0_i32, %c0_i32_0 : i32, i32
  }
  func.func @transform_4(%arg0: i32) -> (i32, i32) {
    %c0_i32 = arith.constant 0 : i32
    %c0_i32_0 = arith.constant 0 : i32
    %c0_i32_1 = arith.constant 0 : i32
    return %c0_i32, %c0_i32_0 : i32, i32
  }
  func.func @transform_5(%arg0: i32) -> (i32, i32) {
    %c0_i32 = arith.constant 0 : i32
    %c0_i32_0 = arith.constant 0 : i32
    %c0_i32_1 = arith.constant 0 : i32
    return %c0_i32, %c0_i32_0 : i32, i32
  }
  func.func @transform_6(%arg0: i32) -> (i32, i32) {
    %c0_i32 = arith.constant 0 : i32
    %c0_i32_0 = arith.constant 0 : i32
    %c0_i32_1 = arith.constant 0 : i32
    return %c0_i32, %c0_i32_0 : i32, i32
  }
}

</mosaic_0001>

<sc_bundles>
// kernel: kernel.19.cloned.1.call-start
scs
__scs_entry_jumppad:
0x0: {  	(pc) =	sbr.rel $0x88, $3  }
0x1: {  	(tag) =	ssettag $0x0;
	lr =	simm.s32 $0x1  }
0x2: {  	[smem:$0x3F6D] =	sst lr;
	_ =	strace $0xD0000000  }
0x3: {  	_ = 	snop  }
0x4: {  	_ = 	snop  }
0x5: {  	_ = 	snop  }
0x6: {  	_ = 	snop  }
0x7: {  	_ = 	snop  }
__scs_overlays_trampoline_lowered:
0x8: {  	[smem:$0x3F7C] =	sst s0  }
0x9: {  	[smem:$0x3F7D] =	sst s1  }
0xa: {  	[smem:$0x3F7E] =	sst s2  }
0xb: {  	[smem:$0x3F7F] =	sst s3  }
0xc: {  	[smem:$0x3F80] =	sst s4  }
0xd: {  	[smem:$0x3F81] =	sst s5  }
0xe: {  	[smem:$0x3F82] =	sst s6  }
0xf: {  	[smem:$0x3F83] =	sst s7  }
0x10: {  	[smem:$0x3F84] =	sst s8  }
0x11: {  	[smem:$0x3F85] =	sst s9;
	s0 =	simm.s32 @!p0 $0x0  }
0x12: {  	s1 =	sld [smem:$0x3F6B];
	s0 =	simm.s32 @p0 $0x1  }
0x13: {  	[smem:$0x3F86] =	sst s0;
	s0 =	simm.s32 @!p1 $0x0  }
0x14: {  	s2 =	sld [smem:$0x3F6A];
	s0 =	simm.s32 @p1 $0x1  }
0x15: {  	[smem:$0x3F87] =	sst s0;
	s0 =	simm.s32 @!p2 $0x0  }
0x16: {  	s3 =	sld [smem:$0x3FDB];
	s0 =	simm.s32 @p2 $0x1  }
0x17: {  	s4 =	simm.s32 $0x1BF5;
	[smem:$0x3F89] =	sst s0  }
0x18: {  	s0 =	sld [smem:$0x3F6C];
	_ =	swait.ge [sflag:s4], $0x0  }
0x19: {  	s7 =	sld [smem:$0x3F6D]  }
0x1a: {  	s8 =	sadd.s32 $0xFFFFE003, lr  }
0x1b: {  	s9 =	sadd.s32 $0xFFFFFEF7, lr;
	s5 =	simm.s32 $0xFFFFFFFF;
	p2 =	slt.u32 s8, $0xFFFFF086  }
0x1c: {  	p1 =	slt.u32 s9, $0xF7A;
	s5 =	simm.s32 @!p2 $0x0  }
0x1d: {  	s5 =	simm.s32 @p1 $0x1;
	p0 =	seq.s32 s7, s2  }
0x1e: {  	s7 =	smul.u32 @!p0 $0xF7A, s2;
	p2 =	seq.s32 @!p0 s5, $0x0  }
0x1f: {  	s9 =	smul.u32 $0xF7A, s1;
	s8 =	simm.s32 @!p0 $0x1BF5;
	p2 =	por !p2, p0  }
0x20: {  	[sflag:s8] =	ssyncset.s32 @!p0 $0xFFFFF086;
	s6 =	sadd.s32 @!p0 s3, s7;
	s7 =	simm.s32 @!p0 $0x108  }
0x21: {  	s3 =	sadd.s32 s3, s9;
	s6 =	sadd.s32 @!p0 $0x88, s6;
	s7 =	simm.s32 @p2 $0x1082  }
0x22: {  	[simem:s7], [sflag:s8] =	dma.local @!p0 [hbm:s6], $0xF7A  }
0x23: {  	s9 =	sor.u32 $0xD0000000, s2;
	s6 =	simm.s32 $0x108;
	_ =	swait.ge @!p0 [sflag:s8], $0x0  }
0x24: {  	s3 =	sadd.s32 $0x88, s3;
	s6 =	simm.s32 @!p1 $0x1082;
	[sflag:s4] =	ssyncset.s32 $0xFFFFF086  }
0x25: {  	[simem:s6], [sflag:s4] =	dma.local [hbm:s3], $0xF7A  }
0x26: {  	[smem:$0x3F6D] =	sst s1;
	(tag) =	ssettag s2;
	_ =	strace s9  }
0x27: {  	s1 =	sld [smem:$0x3F7D]  }
0x28: {  	s2 =	sld [smem:$0x3F7E]  }
0x29: {  	s4 =	sld [smem:$0x3F80]  }
0x2a: {  	p0 =	seq.s32 s5, $0x0;
	s5 =	sld [smem:$0x3F81]  }
0x2b: {  	s6 =	sld [smem:$0x3F82]  }
0x2c: {  	s7 =	sld [smem:$0x3F83]  }
0x2d: {  	s3 =	simm.s32 $0x108;
	s8 =	sld [smem:$0x3F84]  }
0x2e: {  	s3 =	simm.s32 @!p0 $0x1082;
	s9 =	sld [smem:$0x3F85]  }
0x2f: {  	lr =	sadd.s32 s0, s3;
	s0 =	sld [smem:$0x3F7C]  }
0x30: {  	s3 =	sld [smem:$0x3F7F]  }
0x31: {  	[smem:$0x3F88] =	sst s10  }
0x32: {  	s10 =	sld [smem:$0x3F86];
	_ =	sdelay $0x3  }
0x33: {  	p0 =	seq.s32 s10, $0x1;
	s10 =	sld [smem:$0x3F88];
	_ =	sdelay $0x3  }
0x34: {  	[smem:$0x3F88] =	sst s10  }
0x35: {  	s10 =	sld [smem:$0x3F87];
	_ =	sdelay $0x3  }
0x36: {  	p1 =	seq.s32 s10, $0x1;
	s10 =	sld [smem:$0x3F88];
	_ =	sdelay $0x3  }
0x37: {  	[smem:$0x3F88] =	sst s10  }
0x38: {  	s10 =	sld [smem:$0x3F89]  }
0x39: {  	_ = 	snop;
	(pc) =	sbr.ind lr, $3  }
0x3a: {  	_ = 	snop  }
0x3b: {  	_ = 	snop  }
0x3c: {  	p2 =	seq.s32 s10, $0x1;
	s10 =	sld [smem:$0x3F88]  }
0x3d: {  	_ =	shalt  }
0x3e: {  	_ =	shalt  }
0x3f: {  	_ =	shalt  }
0x40: {  	_ =	shalt  }
0x41: {  	_ =	shalt  }
0x42: {  	_ =	shalt  }
0x43: {  	_ =	shalt  }
0x44: {  	_ =	shalt  }
0x45: {  	_ =	shalt  }
0x46: {  	_ =	shalt  }
0x47: {  	_ =	shalt  }
0x48: {  	_ =	shalt  }
0x49: {  	_ =	shalt  }
0x4a: {  	_ =	shalt  }
0x4b: {  	_ =	shalt  }
0x4c: {  	_ =	shalt  }
0x4d: {  	_ =	shalt  }
0x4e: {  	_ =	shalt  }
0x4f: {  	_ =	shalt  }
0x50: {  	_ =	shalt  }
0x51: {  	_ =	shalt  }
0x52: {  	_ =	shalt  }
0x53: {  	_ =	shalt  }
0x54: {  	_ =	shalt  }
0x55: {  	_ =	shalt  }
0x56: {  	_ =	shalt  }
0x57: {  	_ =	shalt  }
0x58: {  	_ =	shalt  }
0x59: {  	_ =	shalt  }
0x5a: {  	_ =	shalt  }
0x5b: {  	_ =	shalt  }
0x5c: {  	_ =	shalt  }
0x5d: {  	_ =	shalt  }
0x5e: {  	_ =	shalt  }
0x5f: {  	_ =	shalt  }
0x60: {  	_ =	shalt  }
0x61: {  	_ =	shalt  }
0x62: {  	_ =	shalt  }
0x63: {  	_ =	shalt  }
0x64: {  	_ =	shalt  }
0x65: {  	_ =	shalt  }
0x66: {  	_ =	shalt  }
0x67: {  	_ =	shalt  }
0x68: {  	_ =	shalt  }
0x69: {  	_ =	shalt  }
0x6a: {  	_ =	shalt  }
0x6b: {  	_ =	shalt  }
0x6c: {  	_ =	shalt  }
0x6d: {  	_ =	shalt  }
0x6e: {  	_ =	shalt  }
0x6f: {  	_ =	shalt  }
0x70: {  	_ =	shalt  }
0x71: {  	_ =	shalt  }
0x72: {  	_ =	shalt  }
0x73: {  	_ =	shalt  }
0x74: {  	_ =	shalt  }
0x75: {  	_ =	shalt  }
0x76: {  	_ =	shalt  }
0x77: {  	_ =	shalt  }
0x78: {  	_ =	shalt  }
0x79: {  	_ =	shalt  }
0x7a: {  	_ =	shalt  }
0x7b: {  	_ =	shalt  }
0x7c: {  	_ =	shalt  }
0x7d: {  	_ =	shalt  }
0x7e: {  	_ =	shalt  }
0x7f: {  	_ =	shalt  }
0x80: {  	_ =	shalt  }
0x81: {  	_ =	shalt  }
0x82: {  	_ =	shalt  }
0x83: {  	_ =	shalt  }
0x84: {  	_ =	shalt  }
0x85: {  	_ =	shalt  }
0x86: {  	_ =	shalt  }
0x87: {  	_ =	shalt  }
.Lfunc_end0:
.L_simem_size_0:
called_computation_lowered:
.L_overlay_start_0:
0x88: {  	s2 =	sld [smem:$0x3FD9]  }
0x89: {  	s3 =	sld [smem:$0x3FFE];
	_ =	sdelay $0x1  }
0x8a: {  	s1 =	srdreg.scid  }
0x8b: {  	s0 =	sand.u32 $0x1, s1  }
0x8c: {  	s15 =	sshll.u32 s0, $0xA;
	s2 =	sadd.s32 s3, s2  }
0x8d: {  	s2 =	sadd.s32 s2, s15  }
0x8e: {  	[smem:$0x3F94] =	sst s2  }
0x8f: {  	_ = 	snop  }
0x90: {  	s2 =	sld [smem:$0x3FD0];
	_ =	sdelay $0x2  }
0x91: {  	s16 =	simm.s32 $0xB;
	s4 =	simm.s32 $0x10  }
0x92: {  	[smem:s4], [sflag:s16] =	dma.local [hbm:s2], $0x1  }
0x93: {  	_ =	swait.eq [sflag:s16], $0x1  }
0x94: {  	[sflag:s16] =	ssyncset.done $0x0  }
0x95: {  	[sflag:s16] =	ssyncadd.s32 $0xFFFFFFFF  }
0x96: {  	s17 =	sld [smem:$0x10];
	(tm) =	ssettm $0x1  }
0x97: {  	s18 =	sld [smem:$0x3FFB];
	_ =	sdelay $0x3  }
0x98: {  	_ =	strace s18  }
0x99: {  	s2 =	sld [smem:$0x3FFC];
	_ =	sdelay $0x3  }
0x9a: {  	_ =	strace s2  }
0x9b: {  	s2 =	sld [smem:$0x3FFD];
	_ =	sdelay $0x3  }
0x9c: {  	_ =	strace s2  }
0x9d: {  	_ =	strace $0x8FFFFFFF  }
0x9e: {  	s19 =	sld [smem:$0x3FDB];
	_ =	sdelay $0x1  }
0x9f: {  	s20 =	simm.s32 $_scs_section_size  }
0xa0: {  	s5 =	simm.s32 $_size__tile_overlayer_lowered;
	s6 =	simm.s32 $_tile_overlayer_lowered  }
0xa1: {  	s7 =	simm.s32 $0x1BFF;
	s21 =	sshll.u32 s6, $0x1;
	s4 =	sadd.s32 s20, s19  }
0xa2: {  	s22 =	simm.s32 $0x0;
	s5 =	sshll.u32 s5, $0x1;
	s6 =	sadd.s32 s21, s4  }
0xa3: {  	[timem:s22], [sflag:s7] =	dma.local [hbm:s6], s5  }
0xa4: {  	_ =	swait.ge [sflag:s7], s5  }
0xa5: {  	s5 =	ssub.s32 $0x0, s5;
	[sflag:s7] =	ssyncset.done $0x0  }
0xa6: {  	[sflag:s7] =	ssyncadd.s32 s5;
	_ =	sdelay $0x1  }
0xa7: {  	s23 =	simm.s32 $0x1B8B  }
0xa8: {  	_ =	swait.ge [sflag:s23], $0x1  }
0xa9: {  	[sflag:s23] =	ssyncset.done $0x0  }
0xaa: {  	[sflag:s23] =	ssyncadd.s32 $0xFFFFFFFF  }
0xab: {  	s5 =	sld [smem:$0x0]  }
0xac: {  	s6 =	sand.u32 $0xFFFFFFFE, s1  }
0xad: {  	p0 =	sne.s32 s1, s6  }
0xae: {  	s6 =	sshll.u32 @p0 s6, $0xE  }
0xaf: {  	s6 =	sadd.s32 @p0 $0x11B8D, s6;
	s7 =	sshll.u32 @p0 s5, $0x11  }
0xb0: {  	s6 =	sor.u32 @p0 s7, s6  }
0xb1: {  	[sflag:s6] =	ssyncadd.remote.s32 @p0 $0x1;
	_ =	sdelay $0x1  }
0xb2: {  	s6 =	simm.s32 @p0 $0x1B8D  }
0xb3: {  	_ =	swait.eq @p0 [sflag:s6], $0x1  }
0xb4: {  	[sflag:s6] =	ssyncadd.s32 @p0 $0xFFFFFFFF  }
0xb5: {  	s7 =	sshll.u32 @!p0 s1, $0xE  }
0xb6: {  	s7 =	sor.u32 @!p0 $0x4000, s7;
	s6 =	simm.s32 @!p0 $0x1B8D  }
0xb7: {  	s5 =	sshll.u32 @!p0 s5, $0x11;
	s7 =	sadd.s32 @!p0 $0x11B8D, s7;
	_ =	swait.eq @!p0 [sflag:s6], $0x1  }
0xb8: {  	s5 =	sor.u32 @!p0 s5, s7;
	[sflag:s6] =	ssyncadd.s32 @!p0 $0xFFFFFFFF  }
0xb9: {  	s25 =	simm.s32 $0x1B8E;
	s24 =	sld [smem:$0x3FFE];
	[sflag:s5] =	ssyncadd.remote.s32 @!p0 $0x1  }
0xba: {  	s26 =	simm.s32 $execute0_lowered;
	[smem:$0x3FD2] =	sst s25  }
0xbb: {  	s6 =	sshll.u32 s26, $0x1;
	_ =	strace $0x80000049;
	[dreg:$0x1] =	wrdreg $0xFFFFFFFF  }
0xbc: {  	s28 =	simm.s32 $_size_execute0_lowered;
	s4 =	sadd.s32 s4, s6;
	[dreg:$0x0] =	wrdreg $0x0  }
0xbd: {  	s6 =	sshll.u32 s28, $0x1;
	[dreg:$0x2] =	wrdreg s4  }
0xbe: {  	[dreg:$0x3] =	wrdreg s6  }
0xbf: {  	[dreg:$0x4] =	wrdreg $0xC0  }
0xc0: {  	_ =	task [dreg:s22], $0x5FFFF  }
0xc1: {  	[dreg:$0x1] =	wrdreg $0xFFFFFFFF  }
0xc2: {  	[dreg:$0x0] =	wrdreg $0x60  }
0xc3: {  	[dreg:$0x2] =	wrdreg s24  }
0xc4: {  	[dreg:$0x3] =	wrdreg s17  }
0xc5: {  	[dreg:$0x4] =	wrdreg $0x11000  }
0xc6: {  	[dreg:$0x5] =	wrdreg $0x9  }
0xc7: {  	_ =	task.clear_ibuf [dreg:s22], $0x6FFFF;
	_ =	strace $0x90000049  }
0xc8: {  	s29 =	simm.s32 $0x9;
	_ =	strace $0x8000004B  }
0xc9: {  	_ =	swait.ge [sflag:s29], $0x1  }
0xca: {  	[sflag:s29] =	ssyncadd.s32 $0xFFFFFFFF  }
0xcb: {  	_ =	strace $0x9000004B  }
0xcc: {  	_ =	sfence  }
0xcd: {  	s30 =	sld [smem:$0x0];
	_ =	sdelay $0x2  }
0xce: {  	s31 =	sshll.u32 s1, $0xD;
	s1 =	sshrl.u32 s1, $0x2  }
0xcf: {  	s4 =	sand.u32 $0x4000, s31;
	s1 =	sadd.s32 s1, s30  }
0xd0: {  	s0 =	sor.u32 s4, s0;
	s1 =	sshll.u32 s1, $0x11  }
0xd1: {  	s0 =	sor.u32 s1, s0  }
0xd2: {  	s0 =	sadd.s32 $0x8F2B, s0  }
0xd3: {  	[sflag:s0] =	ssyncadd.remote.s32 $0x1  }
0xd4: {  	_ =	sfence.sel $0xFFFF  }
0xd5: {  	[dreg:$0x0] =	wrdreg $0xFFFFFFFF;
	(pc) =	sbr.abs _section_cstart, $3  }
0xd6: {  	[dreg:$0x1] =	wrdreg $0xFFFFFFFF  }
0xd7: {  	_ =	task.clear_ibuf [dreg:s22], $0x2FFFF;
	_ =	strace $0x9FFFFFFF  }
0xd8: {  	(tm) =	ssettm $0x7FFFFFFF  }
0xd9: {  	_ =	shalt  }
tec
execute0_lowered:
.L_overlay_start_1:
0x0: {  	(tag) =	ssettag $0x1  }
0x1: {  	s5 =	rddreg [dreg:$0x0]  }
0x2: {  	s0 =	srdreg.scid;
	s1 =	rddreg [dreg:$0x1]  }
0x3: {  	s11 =	stileid.u32;
	s2 =	rddreg [dreg:$0x2];
	s3 =	simm.s32 $0x0  }
0x4: {  	s4 =	sand.u32 $0x1, s0;
	s6 =	smul.u32 $0x5000, s11;
	s0 =	rddreg [dreg:$0x3]  }
0x5: {  	s13 =	simm.s32 $0x0;
	[smem:$0x7FF] =	sst s3;
	s9 =	smul.u32 $0x2800, s11  }
0x6: {  	p0 =	sne.s32 s11, $0x0;
	s11 =	sshll.u32 s11, $0x6;
	s7 =	smul.u32 $0x2800, s4  }
0x7: {  	s8 =	smul.u32 $0x28000, s4;
	_ =	strace $0x8000004A;
	s28 =	ssub.s32 $0x2, s4  }
0x8: {  	s4 =	sadd.s32 $0x32D200, s5;
	s11 =	sor.u32 $0x1C01, s11;
	s30 =	sshrl.u32 s28, $0x1  }
0x9: {  	s12 =	sadd.s32 s9, s2;
	s6 =	sadd.s32 s7, s6;
	s26 =	sadd.s32 s9, s8  }
0xa: {  	s31 =	ssub.s32 s28, s30;
	s8 =	sshrl.u32 @!p0 s2, $0x3;
	s9 =	simm.s32 $0x100  }
0xb: {  	s12 =	sshrl.u32 s12, $0x3;
	s6 =	sshrl.u32 s6, $0x3;
	s29 =	sshrl.u32 s26, $0x3  }
0xc: {  	s10 =	sadd.s32 s6, s5;
	s5 =	sadd.s32 s29, s5;
	s6 =	smax.u32 s31, $0x1  }
0xd: {  	s5 =	sadd.s32 $0x332200, s5;
	s7 =	sadd.s32 $0x2DD200, s10;
	s10 =	simm.s32 $0x1  }
.LBB2_1:
0xe: {  	s14 =	simm.s32 @!p0 $0x1C01  }
0xf: {  	[spmem:s8], [sflag:s14] =	dma.local @!p0 [hbm:s4], $0x5000  }
0x10: {  	s14 =	simm.s32 @!p0 $0x1  }
0x11: {  	_ =	swait.ge @!p0 [sflag:s14], $0x5000  }
0x12: {  	[sflag:s14] =	ssyncset.done @!p0 $0x0  }
0x13: {  	[sflag:s14] =	ssyncadd.s32 @!p0 $0xFFFFB000  }
0x14: {  	[tilespmem:s9], [sflag:$0x1] =	stream.linear.gather [hbm4b:s1+s3], $0x1000, $0x38;
	[tilespmem:$0x3900] =	vst v63  }
0x15: {  	_ =	swait.ge [sflag:s10], $0x1000  }
0x16: {  	[sflag:s10] =	ssyncset.done $0x0  }
0x17: {  	[sflag:s10] =	ssyncadd.s32 $0xFFFFF000  }
0x18: {  	s31 =	sadd.s32 $0x0, s7;
	[bflag:$0x0] =	sbarrier.arrive $0xFFFF  }
0x19: {  	[tilespmem:s3], [sflag:$0x1] =	stream.linear.gather [hbm4b:s31+s3], $0x100, $0x38;
	[tilespmem:$0x3900] =	vst v63  }
0x1a: {  	_ =	swait.ge [sflag:s10], $0x100  }
0x1b: {  	[sflag:s10] =	ssyncset.done $0x0  }
0x1c: {  	[sflag:s10] =	ssyncadd.s32 $0xFFFFFF00  }
0x1d: {  	[spmem:s2] =	stream.indirect.scatter.add.f32 [tilespmem:s9], [sflag:$0x1], $0x10, s3, s9, $0xb8;
	[tilespmem:$0x3900] =	vst v63  }
0x1e: {  	_ =	swait.ge [sflag:s10], $0x1000  }
0x1f: {  	s15 =	simm.s32 $0x40;
	s14 =	simm.s32 $0x20;
	[sflag:s10] =	ssyncset.done $0x0  }
.LBB2_2:
0x20: {  	s16 =	sadd.s32 s14, s7  }
0x21: {  	[sflag:s10] =	ssyncadd.s32 $0xFFFFF000;
	s14 =	smov.u32 s15;
	s17 =	sadd.s32 $0x20, s15  }
0x22: {  	[tilespmem:s3], [sflag:$0x1] =	stream.linear.gather [hbm4b:s16+s3], $0x100, $0x38;
	[tilespmem:$0x3900] =	vst v63  }
0x23: {  	p1 =	sne.s32 s15, $0x4E0;
	_ =	swait.ge [sflag:s10], $0x100  }
.Ltmp0:
0x24: {  	[sflag:s10] =	ssyncset.done $0x0;
	(pc) =	sbr.rel @p1 .LBB2_2-.Ltmp0, $4  }
0x25: {  	[sflag:s10] =	ssyncadd.s32 $0xFFFFFF00  }
0x26: {  	[spmem:s2] =	stream.indirect.scatter.add.f32 [tilespmem:s9], [sflag:$0x1], $0x10, s3, s9, $0xb8;
	[tilespmem:$0x3900] =	vst v63  }
0x27: {  	_ =	swait.ge [sflag:s10], $0x1000  }
0x28: {  	s15 =	smov.u32 s17;
	[sflag:s10] =	ssyncset.done $0x0  }
0x29: {  	s14 =	sadd.s32 s14, s7;
	[sflag:s10] =	ssyncadd.s32 $0xFFFFF000  }
0x2a: {  	[tilespmem:s3], [sflag:$0x1] =	stream.linear.gather [hbm4b:s14+s3], $0x100, $0x38;
	[tilespmem:$0x3900] =	vst v63  }
0x2b: {  	_ =	swait.ge [sflag:s10], $0x100  }
0x2c: {  	[sflag:s10] =	ssyncset.done $0x0  }
0x2d: {  	[sflag:s10] =	ssyncadd.s32 $0xFFFFFF00  }
0x2e: {  	[spmem:s2] =	stream.indirect.scatter.add.f32 [tilespmem:s9], [sflag:$0x1], $0x10, s3, s9, $0xb8;
	[tilespmem:$0x3900] =	vst v63  }
0x2f: {  	_ =	swait.ge [sflag:s10], $0x1000  }
0x30: {  	s13 =	sadd.s32 $0x1, s13;
	[sflag:s10] =	ssyncset.done $0x0  }
0x31: {  	p1 =	sne.s32 s13, s6;
	[sflag:s10] =	ssyncadd.s32 $0xFFFFF000  }
.Ltmp1:
0x32: {  	[bflag:$0x0] =	sbarrier.arrive $0xFFFF;
	(pc) =	sbr.rel @p1 .LBB2_1-.Ltmp1, $4  }
0x33: {  	[hbm:s5], [sflag:s11] =	dma.local [spmem:s12], $0x500  }
0x34: {  	_ =	swait.ge [sflag:s10], $0x500  }
0x35: {  	[sflag:s10] =	ssyncset.done $0x0  }
0x36: {  	[sflag:s10] =	ssyncadd.s32 $0xFFFFFB00  }
0x37: {  	_ =	sfence.sel $0x180000  }
0x38: {  	[bflag:$0x0] =	sbarrier.arrive $0xFFFF  }
0x39: {  	_ =	strace $0x9000004A  }
0x3a: {  	s0 =	sadd.s32 @!p0 $0x100000, s0;
	[bflag:$0x2] =	sbarrier.arrive $0xFFFF  }
0x3b: {  	[sflag:s0] =	ssyncadd.tile.s32 @!p0 $0x1;
	_ =	shalt  }
.Lfunc_end2:
_tile_overlayer_lowered:
.L_overlay_start_2:
0x3c: {  	(tag) =	ssettag $0x2  }
0x3d: {  	s0 =	rddreg [dreg:$0x0];
	s2 =	stileid.u32  }
0x3e: {  	s1 =	rddreg [dreg:$0x1];
	p0 =	sne.s32 s2, $0x0  }
0x3f: {  	s3 =	rddreg [dreg:$0x2];
	[bflag:$0x3] =	sbarrier.arrive $0xFFFF;
	s2 =	simm.s32 @!p0 $0x1C01  }
0x40: {  	[timem:s3], [sflag:s2] =	dma.local @!p0 [hbm:s0], s1  }
0x41: {  	s0 =	simm.s32 @!p0 $0x1  }
0x42: {  	_ =	swait.ge @!p0 [sflag:s0], s1  }
0x43: {  	s1 =	ssub.s32 @!p0 $0x0, s1;
	[sflag:s0] =	ssyncset.done @!p0 $0x0  }
0x44: {  	[sflag:s0] =	ssyncadd.s32 @!p0 s1  }
0x45: {  	[bflag:$0x3] =	sbarrier.arrive $0xFFFF  }
0x46: {  	_ =	shalt  }

// kernel: kernel.22.cloned.1.call-start
scs
__scs_entry_jumppad:
0x0: {  	(pc) =	sbr.rel $0x88, $3  }
0x1: {  	(tag) =	ssettag $0x0;
	lr =	simm.s32 $0x1  }
0x2: {  	[smem:$0x3F6D] =	sst lr;
	_ =	strace $0xD0000000  }
0x3: {  	_ = 	snop  }
0x4: {  	_ = 	snop  }
0x5: {  	_ = 	snop  }
0x6: {  	_ = 	snop  }
0x7: {  	_ = 	snop  }
__scs_overlays_trampoline_lowered:
0x8: {  	[smem:$0x3F7C] =	sst s0  }
0x9: {  	[smem:$0x3F7D] =	sst s1  }
0xa: {  	[smem:$0x3F7E] =	sst s2  }
0xb: {  	[smem:$0x3F7F] =	sst s3  }
0xc: {  	[smem:$0x3F80] =	sst s4  }
0xd: {  	[smem:$0x3F81] =	sst s5  }
0xe: {  	[smem:$0x3F82] =	sst s6  }
0xf: {  	[smem:$0x3F83] =	sst s7  }
0x10: {  	[smem:$0x3F84] =	sst s8  }
0x11: {  	[smem:$0x3F85] =	sst s9;
	s0 =	simm.s32 @!p0 $0x0  }
0x12: {  	s1 =	sld [smem:$0x3F6B];
	s0 =	simm.s32 @p0 $0x1  }
0x13: {  	[smem:$0x3F86] =	sst s0;
	s0 =	simm.s32 @!p1 $0x0  }
0x14: {  	s2 =	sld [smem:$0x3F6A];
	s0 =	simm.s32 @p1 $0x1  }
0x15: {  	[smem:$0x3F87] =	sst s0;
	s0 =	simm.s32 @!p2 $0x0  }
0x16: {  	s3 =	sld [smem:$0x3FDB];
	s0 =	simm.s32 @p2 $0x1  }
0x17: {  	s4 =	simm.s32 $0x1BF5;
	[smem:$0x3F89] =	sst s0  }
0x18: {  	s0 =	sld [smem:$0x3F6C];
	_ =	swait.ge [sflag:s4], $0x0  }
0x19: {  	s7 =	sld [smem:$0x3F6D]  }
0x1a: {  	s8 =	sadd.s32 $0xFFFFE003, lr  }
0x1b: {  	s9 =	sadd.s32 $0xFFFFFEF7, lr;
	s5 =	simm.s32 $0xFFFFFFFF;
	p2 =	slt.u32 s8, $0xFFFFF086  }
0x1c: {  	p1 =	slt.u32 s9, $0xF7A;
	s5 =	simm.s32 @!p2 $0x0  }
0x1d: {  	s5 =	simm.s32 @p1 $0x1;
	p0 =	seq.s32 s7, s2  }
0x1e: {  	s7 =	smul.u32 @!p0 $0xF7A, s2;
	p2 =	seq.s32 @!p0 s5, $0x0  }
0x1f: {  	s9 =	smul.u32 $0xF7A, s1;
	s8 =	simm.s32 @!p0 $0x1BF5;
	p2 =	por !p2, p0  }
0x20: {  	[sflag:s8] =	ssyncset.s32 @!p0 $0xFFFFF086;
	s6 =	sadd.s32 @!p0 s3, s7;
	s7 =	simm.s32 @!p0 $0x108  }
0x21: {  	s3 =	sadd.s32 s3, s9;
	s6 =	sadd.s32 @!p0 $0x88, s6;
	s7 =	simm.s32 @p2 $0x1082  }
0x22: {  	[simem:s7], [sflag:s8] =	dma.local @!p0 [hbm:s6], $0xF7A  }
0x23: {  	s9 =	sor.u32 $0xD0000000, s2;
	s6 =	simm.s32 $0x108;
	_ =	swait.ge @!p0 [sflag:s8], $0x0  }
0x24: {  	s3 =	sadd.s32 $0x88, s3;
	s6 =	simm.s32 @!p1 $0x1082;
	[sflag:s4] =	ssyncset.s32 $0xFFFFF086  }
0x25: {  	[simem:s6], [sflag:s4] =	dma.local [hbm:s3], $0xF7A  }
0x26: {  	[smem:$0x3F6D] =	sst s1;
	(tag) =	ssettag s2;
	_ =	strace s9  }
0x27: {  	s1 =	sld [smem:$0x3F7D]  }
0x28: {  	s2 =	sld [smem:$0x3F7E]  }
0x29: {  	s4 =	sld [smem:$0x3F80]  }
0x2a: {  	p0 =	seq.s32 s5, $0x0;
	s5 =	sld [smem:$0x3F81]  }
0x2b: {  	s6 =	sld [smem:$0x3F82]  }
0x2c: {  	s7 =	sld [smem:$0x3F83]  }
0x2d: {  	s3 =	simm.s32 $0x108;
	s8 =	sld [smem:$0x3F84]  }
0x2e: {  	s3 =	simm.s32 @!p0 $0x1082;
	s9 =	sld [smem:$0x3F85]  }
0x2f: {  	lr =	sadd.s32 s0, s3;
	s0 =	sld [smem:$0x3F7C]  }
0x30: {  	s3 =	sld [smem:$0x3F7F]  }
0x31: {  	[smem:$0x3F88] =	sst s10  }
0x32: {  	s10 =	sld [smem:$0x3F86];
	_ =	sdelay $0x3  }
0x33: {  	p0 =	seq.s32 s10, $0x1;
	s10 =	sld [smem:$0x3F88];
	_ =	sdelay $0x3  }
0x34: {  	[smem:$0x3F88] =	sst s10  }
0x35: {  	s10 =	sld [smem:$0x3F87];
	_ =	sdelay $0x3  }
0x36: {  	p1 =	seq.s32 s10, $0x1;
	s10 =	sld [smem:$0x3F88];
	_ =	sdelay $0x3  }
0x37: {  	[smem:$0x3F88] =	sst s10  }
0x38: {  	s10 =	sld [smem:$0x3F89]  }
0x39: {  	_ = 	snop;
	(pc) =	sbr.ind lr, $3  }
0x3a: {  	_ = 	snop  }
0x3b: {  	_ = 	snop  }
0x3c: {  	p2 =	seq.s32 s10, $0x1;
	s10 =	sld [smem:$0x3F88]  }
0x3d: {  	_ =	shalt  }
0x3e: {  	_ =	shalt  }
0x3f: {  	_ =	shalt  }
0x40: {  	_ =	shalt  }
0x41: {  	_ =	shalt  }
0x42: {  	_ =	shalt  }
0x43: {  	_ =	shalt  }
0x44: {  	_ =	shalt  }
0x45: {  	_ =	shalt  }
0x46: {  	_ =	shalt  }
0x47: {  	_ =	shalt  }
0x48: {  	_ =	shalt  }
0x49: {  	_ =	shalt  }
0x4a: {  	_ =	shalt  }
0x4b: {  	_ =	shalt  }
0x4c: {  	_ =	shalt  }
0x4d: {  	_ =	shalt  }
0x4e: {  	_ =	shalt  }
0x4f: {  	_ =	shalt  }
0x50: {  	_ =	shalt  }
0x51: {  	_ =	shalt  }
0x52: {  	_ =	shalt  }
0x53: {  	_ =	shalt  }
0x54: {  	_ =	shalt  }
0x55: {  	_ =	shalt  }
0x56: {  	_ =	shalt  }
0x57: {  	_ =	shalt  }
0x58: {  	_ =	shalt  }
0x59: {  	_ =	shalt  }
0x5a: {  	_ =	shalt  }
0x5b: {  	_ =	shalt  }
0x5c: {  	_ =	shalt  }
0x5d: {  	_ =	shalt  }
0x5e: {  	_ =	shalt  }
0x5f: {  	_ =	shalt  }
0x60: {  	_ =	shalt  }
0x61: {  	_ =	shalt  }
0x62: {  	_ =	shalt  }
0x63: {  	_ =	shalt  }
0x64: {  	_ =	shalt  }
0x65: {  	_ =	shalt  }
0x66: {  	_ =	shalt  }
0x67: {  	_ =	shalt  }
0x68: {  	_ =	shalt  }
0x69: {  	_ =	shalt  }
0x6a: {  	_ =	shalt  }
0x6b: {  	_ =	shalt  }
0x6c: {  	_ =	shalt  }
0x6d: {  	_ =	shalt  }
0x6e: {  	_ =	shalt  }
0x6f: {  	_ =	shalt  }
0x70: {  	_ =	shalt  }
0x71: {  	_ =	shalt  }
0x72: {  	_ =	shalt  }
0x73: {  	_ =	shalt  }
0x74: {  	_ =	shalt  }
0x75: {  	_ =	shalt  }
0x76: {  	_ =	shalt  }
0x77: {  	_ =	shalt  }
0x78: {  	_ =	shalt  }
0x79: {  	_ =	shalt  }
0x7a: {  	_ =	shalt  }
0x7b: {  	_ =	shalt  }
0x7c: {  	_ =	shalt  }
0x7d: {  	_ =	shalt  }
0x7e: {  	_ =	shalt  }
0x7f: {  	_ =	shalt  }
0x80: {  	_ =	shalt  }
0x81: {  	_ =	shalt  }
0x82: {  	_ =	shalt  }
0x83: {  	_ =	shalt  }
0x84: {  	_ =	shalt  }
0x85: {  	_ =	shalt  }
0x86: {  	_ =	shalt  }
0x87: {  	_ =	shalt  }
.Lfunc_end0:
.L_simem_size_0:
called_computation.1_lowered:
.L_overlay_start_0:
0x88: {  	s2 =	sld [smem:$0x3FD9]  }
0x89: {  	s3 =	sld [smem:$0x3FFE];
	_ =	sdelay $0x1  }
0x8a: {  	s1 =	srdreg.scid  }
0x8b: {  	s0 =	sand.u32 $0x1, s1  }
0x8c: {  	s16 =	sshll.u32 s0, $0xA;
	s2 =	sadd.s32 s3, s2  }
0x8d: {  	s2 =	sadd.s32 s2, s16  }
0x8e: {  	[smem:$0x3F94] =	sst s2  }
0x8f: {  	_ = 	snop  }
0x90: {  	(tm) =	ssettm $0x1  }
0x91: {  	s17 =	sld [smem:$0x3FFB];
	_ =	sdelay $0x3  }
0x92: {  	_ =	strace s17  }
0x93: {  	s2 =	sld [smem:$0x3FFC];
	_ =	sdelay $0x3  }
0x94: {  	_ =	strace s2  }
0x95: {  	s2 =	sld [smem:$0x3FFD];
	_ =	sdelay $0x3  }
0x96: {  	_ =	strace s2  }
0x97: {  	_ =	strace $0x8FFFFFFF  }
0x98: {  	s18 =	sld [smem:$0x3FDB];
	_ =	sdelay $0x1  }
0x99: {  	s19 =	simm.s32 $_scs_section_size  }
0x9a: {  	s4 =	simm.s32 $_size__tile_overlayer_lowered;
	s5 =	simm.s32 $_tile_overlayer_lowered  }
0x9b: {  	s22 =	simm.s32 $0x1BFF;
	s21 =	sshll.u32 s5, $0x1;
	s2 =	sadd.s32 s19, s18  }
0x9c: {  	s6 =	simm.s32 $0x0;
	s20 =	sshll.u32 s4, $0x1;
	s4 =	sadd.s32 s21, s2  }
0x9d: {  	[timem:s6], [sflag:s22] =	dma.local [hbm:s4], s20  }
0x9e: {  	_ =	swait.ge [sflag:s22], s20  }
0x9f: {  	s3 =	ssub.s32 $0x0, s20;
	[sflag:s22] =	ssyncset.done $0x0  }
0xa0: {  	[sflag:s22] =	ssyncadd.s32 s3;
	_ =	sdelay $0x1  }
0xa1: {  	s23 =	simm.s32 $0x1B8B  }
0xa2: {  	_ =	swait.ge [sflag:s23], $0x1  }
0xa3: {  	[sflag:s23] =	ssyncset.done $0x0  }
0xa4: {  	s25 =	simm.s32 $0x1B8E;
	s24 =	sld [smem:$0x3FFE];
	[sflag:s23] =	ssyncadd.s32 $0xFFFFFFFF  }
0xa5: {  	s26 =	simm.s32 $execute0_lowered;
	[smem:$0x3FD2] =	sst s25  }
0xa6: {  	s4 =	sshll.u32 s26, $0x1;
	_ =	strace $0x80000046;
	[dreg:$0x1] =	wrdreg $0xFFFFFFFF  }
0xa7: {  	s28 =	simm.s32 $_size_execute0_lowered;
	s2 =	sadd.s32 s2, s4;
	[dreg:$0x0] =	wrdreg $0x0  }
0xa8: {  	s4 =	sshll.u32 s28, $0x1;
	[dreg:$0x2] =	wrdreg s2  }
0xa9: {  	[dreg:$0x3] =	wrdreg s4  }
0xaa: {  	[dreg:$0x4] =	wrdreg $0xC0  }
0xab: {  	_ =	task [dreg:s6], $0x5FFFF  }
0xac: {  	[dreg:$0x1] =	wrdreg $0xFFFFFFFF  }
0xad: {  	[dreg:$0x0] =	wrdreg $0x60  }
0xae: {  	[dreg:$0x2] =	wrdreg s24  }
0xaf: {  	[dreg:$0x3] =	wrdreg $0x103000  }
0xb0: {  	[dreg:$0x4] =	wrdreg $0xA  }
0xb1: {  	_ =	task.clear_ibuf [dreg:s6], $0x5FFFF;
	_ =	strace $0x90000046  }
0xb2: {  	s29 =	simm.s32 $0xA;
	_ =	strace $0x80000048  }
0xb3: {  	_ =	swait.ge [sflag:s29], $0x1  }
0xb4: {  	[sflag:s29] =	ssyncadd.s32 $0xFFFFFFFF  }
0xb5: {  	_ =	strace $0x90000048  }
0xb6: {  	_ =	sfence  }
0xb7: {  	s30 =	sld [smem:$0x0];
	_ =	sdelay $0x2  }
0xb8: {  	s31 =	sshll.u32 s1, $0xD;
	s1 =	sshrl.u32 s1, $0x2  }
0xb9: {  	s3 =	sand.u32 $0x4000, s31;
	s1 =	sadd.s32 s1, s30  }
0xba: {  	s0 =	sor.u32 s3, s0;
	s1 =	sshll.u32 s1, $0x11  }
0xbb: {  	s0 =	sor.u32 s1, s0  }
0xbc: {  	s0 =	sadd.s32 $0x8F2B, s0  }
0xbd: {  	[sflag:s0] =	ssyncadd.remote.s32 $0x1  }
0xbe: {  	_ =	sfence.sel $0xFFFF  }
0xbf: {  	[dreg:$0x0] =	wrdreg $0xFFFFFFFF;
	(pc) =	sbr.abs _section_cstart, $3  }
0xc0: {  	[dreg:$0x1] =	wrdreg $0xFFFFFFFF  }
0xc1: {  	_ =	task.clear_ibuf [dreg:s6], $0x2FFFF;
	_ =	strace $0x9FFFFFFF  }
0xc2: {  	(tm) =	ssettm $0x7FFFFFFF  }
0xc3: {  	_ =	shalt  }
tec
execute0_lowered:
.L_overlay_start_1:
0x0: {  	(tag) =	ssettag $0x1  }
0x1: {  	s0 =	rddreg [dreg:$0x0]  }
0x2: {  	s1 =	rddreg [dreg:$0x1];
	s2 =	simm.s32 $0x0  }
0x3: {  	s5 =	srdreg.scid;
	s15 =	stileid.u32;
	s20 =	simm.s32 $0x4  }
0x4: {  	s21 =	simm.s32 $0x80;
	s22 =	simm.s32 $0x280;
	s28 =	simm.s32 $0xC300  }
0x5: {  	s30 =	simm.s32 $0x7;
	s31 =	simm.s32 $0x180;
	[smem:$0x7FF] =	sst s2  }
0x6: {  	s18 =	simm.s32 $0x0;
	s3 =	sadd.s32 $0x2C9200, s0;
	s4 =	sadd.s32 $0x2B5200, s0  }
0x7: {  	s6 =	sand.u32 $0x1, s5;
	s5 =	sadd.s32 $0xD200, s0;
	s7 =	sadd.s32 $0x2E7200, s0  }
0x8: {  	s11 =	smul.u32 $0xA000, s15;
	s10 =	sshll.u32 s15, $0x1;
	s8 =	sadd.s32 $0x2DD200, s0  }
0x9: {  	s12 =	sadd.s32 $0x2F1200, s0;
	s9 =	smul.u32 $0xA0000, s6;
	s23 =	sor.u32 s6, s10  }
0xa: {  	p0 =	sne.s32 s15, $0x0;
	_ =	strace $0x80000047;
	s10 =	smul.u32 $0x2800, s23  }
0xb: {  	[dreg:$0x3] =	wrdreg s12;
	s6 =	ssub.s32 $0x2, s6;
	s12 =	smul.u32 $0x14000, s23  }
0xc: {  	s13 =	sshrl.u32 s6, $0x1;
	s29 =	sadd.s32 s11, s1;
	s9 =	sadd.s32 s11, s9  }
0xd: {  	s6 =	ssub.s32 s6, s13;
	s9 =	sshrl.u32 s9, $0x3;
	s26 =	sadd.s32 s5, s12  }
0xe: {  	s24 =	sshrl.u32 s10, $0x3;
	s6 =	smax.u32 s6, $0x1;
	[dreg:$0x6] =	wrdreg s26  }
0xf: {  	s0 =	sadd.s32 s9, s0;
	s25 =	sadd.s32 s7, s24;
	[dreg:$0x8] =	wrdreg s6  }
.Ltmp0:
0x10: {  	s9 =	sadd.s32 s8, s24;
	[dreg:$0x4] =	wrdreg s25;
	(pc) =	sbr.rel .LBB2_1-.Ltmp0, $4  }
0x11: {  	s23 =	simm.s32 $0xE300;
	s6 =	sshrl.u32 @!p0 s1, $0x3;
	[dreg:$0x5] =	wrdreg s9  }
0x12: {  	s14 =	sor.u32 $0x100, s10;
	s0 =	sadd.s32 $0x305200, s0;
	[dreg:$0x9] =	wrdreg s6  }
0x13: {  	s24 =	simm.s32 $0x3;
	[dreg:$0x7] =	wrdreg s0;
	s0 =	sshrl.u32 s29, $0x3  }
0x14: {  	s26 =	simm.s32 $0x200;
	[dreg:$0xa] =	wrdreg s0;
	s0 =	simm.s32 $0xA300  }
.LBB2_12:
0x15: {  	s6 =	simm.s32 $0x6  }
0x16: {  	_ =	swait.ge [sflag:s6], $0x2000  }
0x17: {  	[sflag:s6] =	ssyncset.done $0x0  }
0x18: {  	[sflag:s6] =	ssyncadd.s32 $0xFFFFE000  }
0x19: {  	s25 =	stileid.u32;
	[bflag:$0x0] =	sbarrier.arrive $0xFFFF  }
0x1a: {  	s6 =	sshll.u32 s25, $0x6;
	s9 =	rddreg [dreg:$0x7]  }
0x1b: {  	s6 =	sor.u32 $0x1C07, s6;
	s11 =	rddreg [dreg:$0xa]  }
0x1c: {  	[hbm:s9], [sflag:s6] =	dma.local [spmem:s11], $0x1400  }
0x1d: {  	_ =	swait.ge [sflag:s30], $0x1400  }
0x1e: {  	s18 =	sadd.s32 $0x1, s18;
	s29 =	rddreg [dreg:$0x8]  }
0x1f: {  	p1 =	sne.s32 s18, s29  }
.Ltmp1:
0x20: {  	_ = 	snop;
	(pc) =	sbr.rel @!p1 .LBB2_13-.Ltmp1, $3  }
0x21: {  	_ =	sdelay $0x1  }
0x22: {  	[sflag:s30] =	ssyncset.done $0x0  }
0x23: {  	[sflag:s30] =	ssyncadd.s32 $0xFFFFEC00  }
.LBB2_1:
0x24: {  	s9 =	rddreg [dreg:$0x3]  }
0x25: {  	s6 =	simm.s32 @!p0 $0x1C07;
	s11 =	rddreg [dreg:$0x9]  }
0x26: {  	[spmem:s11], [sflag:s6] =	dma.local @!p0 [hbm:s9], $0x14000  }
0x27: {  	s6 =	simm.s32 @!p0 $0x7  }
0x28: {  	_ =	swait.ge @!p0 [sflag:s6], $0x14000  }
0x29: {  	[sflag:s6] =	ssyncset.done @!p0 $0x0  }
0x2a: {  	[sflag:s6] =	ssyncadd.s32 @!p0 $0xFFFEC000  }
0x2b: {  	[bflag:$0x0] =	sbarrier.arrive $0xFFFF  }
0x2c: {  	s16 =	rddreg [dreg:$0x4]  }
0x2d: {  	[tilespmem:s2], [sflag:$0x1] =	stream.linear.gather [hbm4b:s16+s2], $0x80, $0x38;
	[tilespmem:$0x1A300] =	vst v63  }
.Ltmp2:
0x2e: {  	_ = 	snop;
	(pc) =	sbr.rel .LBB2_2-.Ltmp2, $4  }
0x2f: {  	s19 =	simm.s32 $0x100;
	s17 =	rddreg [dreg:$0x5]  }
0x30: {  	[tilespmem:s19], [sflag:$0x1] =	stream.linear.gather [hbm4b:s17+s2], $0x80, $0x38;
	[tilespmem:$0x1A300] =	vst v63  }
0x31: {  	s29 =	simm.s32 $0x8300;
	s25 =	rddreg [dreg:$0x6];
	s19 =	simm.s32 $0x0  }
0x32: {  	[tilespmem:s29], [sflag:$0x1] =	stream.linear.gather [hbm4b:s25+s2], $0x2000, $0x38;
	[tilespmem:$0x1A300] =	vst v63  }
.LBB2_11:
0x33: {  	p1 =	sgt.u32 s19, $0x26  }
0x34: {  	s6 =	sshll.u32 @!p1 s19, $0x8  }
0x35: {  	s6 =	sadd.s32 @!p1 s6, s14  }
0x36: {  	s9 =	sshrl.u32 @!p1 s6, $0x3  }
0x37: {  	s12 =	simm.s32 @!p1 $0x0;
	s6 =	sshll.u32 @!p1 s6, $0x3;
	s11 =	sadd.s32 @!p1 s7, s9  }
0x38: {  	[tilespmem:s12], [sflag:$0x1] =	stream.linear.gather @!p1 [hbm4b:s11+s12], $0x80, $0x38;
	[tilespmem:$0x1A300] =	vst v63  }
0x39: {  	s9 =	sadd.s32 @!p1 s8, s9;
	s6 =	sand.u32 @!p1 $0x1FFFF800, s6;
	s11 =	simm.s32 @!p1 $0x100  }
0x3a: {  	[tilespmem:s11], [sflag:$0x1] =	stream.linear.gather @!p1 [hbm4b:s9+s12], $0x80, $0x38;
	[tilespmem:$0x1A300] =	vst v63  }
0x3b: {  	s19 =	sadd.s32 $0x1, s19;
	s6 =	sadd.s32 @!p1 s5, s6;
	s9 =	simm.s32 @!p1 $0x8300  }
0x3c: {  	[tilespmem:s9], [sflag:$0x1] =	stream.linear.gather @!p1 [hbm4b:s6+s12], $0x2000, $0x38;
	[tilespmem:$0x1A300] =	vst v63  }
0x3d: {  	p1 =	sne.s32 s19, $0x29  }
.Ltmp3:
0x3e: {  	_ = 	snop;
	(pc) =	sbr.rel @!p1 .LBB2_12-.Ltmp3, $1  }
0x3f: {  	_ =	sdelay $0x3  }
.LBB2_2:
0x40: {  	p1 =	slt.u32 s19, $0x2  }
0x41: {  	s6 =	simm.s32 @!p1 $0x6  }
0x42: {  	p2 =	seq.s32 @!p1 s19, $0x28;
	_ =	swait.ge @!p1 [sflag:s6], $0x2000  }
0x43: {  	p2 =	por p1, !p2;
	[sflag:s6] =	ssyncset.done @!p1 $0x0  }
0x44: {  	s9 =	simm.s32 @p2 $0x1;
	[sflag:s6] =	ssyncadd.s32 @!p1 $0xFFFFE000  }
0x45: {  	_ =	swait.ge @p2 [sflag:s9], $0x80  }
0x46: {  	[sflag:s9] =	ssyncset.done @p2 $0x0  }
0x47: {  	[sflag:s9] =	ssyncadd.s32 @p2 $0xFFFFFF80  }
0x48: {  	_ =	swait.ge @p2 [sflag:s9], $0x80  }
0x49: {  	[sflag:s9] =	ssyncset.done @p2 $0x0  }
0x4a: {  	[sflag:s9] =	ssyncadd.s32 @p2 $0xFFFFFF80  }
0x4b: {  	_ =	swait.ge @p2 [sflag:s9], $0x2000  }
0x4c: {  	s11 =	simm.s32 @p2 $0x80;
	[sflag:s9] =	ssyncset.done @p2 $0x0  }
0x4d: {  	s12 =	simm.s32 @p2 $0x300;
	s6 =	simm.s32 @p2 $0x0;
	[sflag:s9] =	ssyncadd.s32 @p2 $0xFFFFE000  }
0x4e: {  	[tilespmem:s12], [sflag:$0x3] =	stream.indirect.gather @p2 [hbm4b:s3+s11], $0x40, s6, s11, $0xb8;
	[tilespmem:$0x1A300] =	vst v63  }
0x4f: {  	s13 =	simm.s32 @p2 $0x4300;
	s6 =	sshll.u32 s19, $0x1;
	s12 =	simm.s32 @p2 $0x100  }
0x50: {  	[tilespmem:s13], [sflag:$0x3] =	stream.indirect.gather @p2 [hbm4b:s4+s11], $0x40, s12, s11, $0xb8;
	[tilespmem:$0x1A300] =	vst v63  }
0x51: {  	s11 =	sadd.s32 @p2 $0xFFFFFFFE, s6  }
0x52: {  	p3 =	sgt.u32 @p2 s11, $0x4F  }
0x53: {  	p3 =	por !p2, !p3  }
.Ltmp4:
0x54: {  	_ = 	snop;
	(pc) =	sbr.rel @!p3 .LBB2_6-.Ltmp4, $1  }
0x55: {  	_ =	sdelay $0x3  }
0x56: {  	_ =	swait.ge [sflag:s20], $0x2000  }
0x57: {  	[sflag:s20] =	ssyncset.done $0x0  }
0x58: {  	[sflag:s20] =	ssyncadd.s32 $0xFFFFE000  }
0x59: {  	_ =	swait.ge [sflag:s20], $0x2000  }
0x5a: {  	[sflag:s20] =	ssyncset.done $0x0  }
0x5b: {  	[sflag:s20] =	ssyncadd.s32 $0xFFFFE000  }
0x5c: {  	v0 =	vld [tilespmem:$0x180]  }
0x5d: {  	v1 =	vld [tilespmem:$0x190]  }
0x5e: {  	v2 =	vld [tilespmem:$0x1A0]  }
0x5f: {  	v3 =	vld [tilespmem:$0x1B0]  }
0x60: {  	v4 =	vld [tilespmem:$0x1C0]  }
0x61: {  	[tilespmem:$0x280] =	vst v0;
	v0 =	vld [tilespmem:$0x1D0]  }
0x62: {  	[tilespmem:$0x290] =	vst v1;
	v1 =	vld [tilespmem:$0x1E0]  }
0x63: {  	[tilespmem:$0x2A0] =	vst v2;
	v2 =	vld [tilespmem:$0x1F0]  }
0x64: {  	[tilespmem:$0x2B0] =	vst v3  }
0x65: {  	[tilespmem:$0x2C0] =	vst v4  }
0x66: {  	[tilespmem:$0x2D0] =	vst v0  }
0x67: {  	[tilespmem:$0x2E0] =	vst v1  }
0x68: {  	s9 =	simm.s32 $0x2380;
	[tilespmem:$0x2F0] =	vst v2  }
0x69: {  	s12 =	simm.s32 $0x6380;
	v0 =	vld [tilespmem:s9+$0x40]  }
0x6a: {  	v1 =	vld [tilespmem:s12+$0x40]  }
0x6b: {  	s13 =	simm.s32 $0xA380  }
0x6c: {  	v2 =	vld [tilespmem:s13+$0x40];
	_ =	sdelay $0x2  }
0x6d: {  	v0 =	vadd.f32 v1, v0;
	_ =	sdelay $0x1  }
0x6e: {  	v3 =	vld [tilespmem:s9+$0xFFFFFF80];
	v0 =	vadd.f32 v2, v0  }
0x6f: {  	v4 =	vld [tilespmem:s13+$0xFFFFFF80]  }
0x70: {  	s11 =	simm.s32 $0xE380;
	v6 =	vld [tilespmem:s12+$0xFFFFFFC0];
	v0 =	vmax.f32 v0, $0.0e+00  }
0x71: {  	v1 =	vld [tilespmem:s12+$0xFFFFFF80];
	[tilespmem:s11+$0x40] =	vst v0  }
0x72: {  	v0 =	vld [tilespmem:s9+$0x50]  }
0x73: {  	v5 =	vld [tilespmem:s12+$0x50]  }
0x74: {  	v2 =	vld [tilespmem:s9+$0xFFFFFFC0]  }
0x75: {  	v7 =	vld [tilespmem:s13+$0x50]  }
0x76: {  	v1 =	vadd.f32 v1, v3  }
0x77: {  	v3 =	vld [tilespmem:s13+$0xFFFFFFC0]  }
0x78: {  	v8 =	vld [tilespmem:s9+$0x0];
	v1 =	vadd.f32 v4, v1;
	v0 =	vadd.f32 v5, v0  }
0x79: {  	v4 =	vld [tilespmem:s12+$0x0]  }
0x7a: {  	v2 =	vadd.f32 v6, v2;
	v1 =	vmax.f32 v1, $0.0e+00;
	v0 =	vadd.f32 v7, v0  }
0x7b: {  	[tilespmem:s11+$0xFFFFFF80] =	vst v1;
	v5 =	vld [tilespmem:s13+$0x0]  }
0x7c: {  	v1 =	vadd.f32 v3, v2;
	v2 =	vld [tilespmem:s9+$0xFFFFFF90];
	v0 =	vmax.f32 v0, $0.0e+00  }
0x7d: {  	v3 =	vld [tilespmem:s12+$0xFFFFFF90];
	[tilespmem:s11+$0x50] =	vst v0  }
0x7e: {  	v1 =	vmax.f32 v1, $0.0e+00;
	v0 =	vadd.f32 v4, v8;
	v4 =	vld [tilespmem:s9+$0x60]  }
0x7f: {  	[tilespmem:s11+$0xFFFFFFC0] =	vst v1;
	v1 =	vld [tilespmem:s12+$0x60]  }
0x80: {  	v7 =	vld [tilespmem:s12+$0xFFFFFFD0];
	v0 =	vadd.f32 v5, v0  }
0x81: {  	v6 =	vld [tilespmem:s13+$0x60]  }
0x82: {  	v5 =	vld [tilespmem:s9+$0xFFFFFFD0];
	v0 =	vmax.f32 v0, $0.0e+00  }
0x83: {  	[tilespmem:s11+$0x0] =	vst v0;
	v0 =	vld [tilespmem:s13+$0xFFFFFF90]  }
0x84: {  	v8 =	vld [tilespmem:s9+$0x10];
	v1 =	vadd.f32 v1, v4  }
0x85: {  	v4 =	vld [tilespmem:s12+$0x10]  }
0x86: {  	v2 =	vadd.f32 v3, v2;
	v3 =	vld [tilespmem:s13+$0xFFFFFFD0];
	v1 =	vadd.f32 v6, v1  }
0x87: {  	v6 =	vld [tilespmem:s13+$0x10]  }
0x88: {  	v0 =	vadd.f32 v0, v2;
	v1 =	vmax.f32 v1, $0.0e+00  }
0x89: {  	v2 =	vadd.f32 v7, v5;
	[tilespmem:s11+$0x60] =	vst v1  }
0x8a: {  	v4 =	vadd.f32 v4, v8;
	v0 =	vmax.f32 v0, $0.0e+00;
	v1 =	vld [tilespmem:s9+$0x70]  }
0x8b: {  	v2 =	vadd.f32 v3, v2;
	[tilespmem:s11+$0xFFFFFF90] =	vst v0;
	v0 =	vld [tilespmem:s12+$0x70]  }
0x8c: {  	v3 =	vadd.f32 v6, v4;
	v4 =	vld [tilespmem:s13+$0x70]  }
0x8d: {  	v5 =	vld [tilespmem:s9+$0xFFFFFFA0];
	v2 =	vmax.f32 v2, $0.0e+00  }
0x8e: {  	v6 =	vld [tilespmem:s12+$0xFFFFFFA0];
	[tilespmem:s11+$0xFFFFFFD0] =	vst v2  }
0x8f: {  	v2 =	vmax.f32 v3, $0.0e+00;
	v7 =	vld [tilespmem:s9+$0xFFFFFFE0]  }
0x90: {  	[tilespmem:s11+$0x10] =	vst v2;
	v8 =	vld [tilespmem:s12+$0xFFFFFFE0];
	v2 =	vadd.f32 v0, v1  }
0x91: {  	v0 =	vld [tilespmem:s9+$0x20]  }
0x92: {  	v1 =	vld [tilespmem:s12+$0x20];
	v4 =	vadd.f32 v4, v2  }
0x93: {  	p3 =	por @!p1 $0x1, $0x1;
	p1 =	por @p2 $0x0, $0x0;
	v3 =	vld [tilespmem:s13+$0xFFFFFFA0]  }
0x94: {  	s25 =	simm.s32 $0x0;
	s29 =	simm.s32 $0x2480;
	s17 =	simm.s32 $0x6380;
	v2 =	vld [tilespmem:s13+$0xFFFFFFE0];
	v9 =	vmax.f32 v4, $0.0e+00  }
0x95: {  	s16 =	simm.s32 $0xA380;
	s15 =	simm.s32 $0xE380;
	p1 =	por @!p2 p3, p3;
	v5 =	vadd.f32 v6, v5;
	v6 =	vadd.f32 v8, v7;
	v4 =	vld [tilespmem:s13+$0x20];
	[tilespmem:s11+$0x70] =	vst v9  }
.LBB2_4:
0x96: {  	v7 =	vld [tilespmem:s29+$0x40];
	s12 =	sadd.s32 $0x100, s12  }
0x97: {  	v8 =	vld [tilespmem:s12+$0x40];
	v0 =	vadd.f32 v1, v0  }
0x98: {  	s13 =	sadd.s32 $0x100, s13;
	v1 =	vld [tilespmem:s12+$0xFFFFFF80];
	v3 =	vadd.f32 v3, v5  }
0x99: {  	v5 =	vld [tilespmem:s13+$0x40];
	v2 =	vadd.f32 v2, v6  }
0x9a: {  	s25 =	sadd.s32 $0x4, s25;
	v6 =	vld [tilespmem:s29+$0xFFFFFFC0];
	v3 =	vmax.f32 v3, $0.0e+00;
	v0 =	vadd.f32 v4, v0  }
0x9b: {  	p2 =	slt.u32 s25, $0x7C;
	v4 =	vld [tilespmem:s12+$0xFFFFFFC0];
	[tilespmem:s11+$0xFFFFFFA0] =	vst v3;
	v2 =	vmax.f32 v2, $0.0e+00  }
0x9c: {  	v3 =	vld [tilespmem:s29+$0x0];
	v7 =	vadd.f32 v8, v7;
	[tilespmem:s11+$0xFFFFFFE0] =	vst v2;
	v0 =	vmax.f32 v0, $0.0e+00  }
0x9d: {  	v2 =	vld [tilespmem:s12+$0x0];
	[tilespmem:s11+$0x20] =	vst v0  }
0x9e: {  	v0 =	vld [tilespmem:s29+$0xFFFFFF80];
	v5 =	vadd.f32 v5, v7  }
0x9f: {  	v7 =	vld [tilespmem:s13+$0xFFFFFF80]  }
0xa0: {  	s11 =	sadd.s32 $0x100, s11;
	v4 =	vadd.f32 v4, v6;
	v6 =	vld [tilespmem:s13+$0xFFFFFFC0];
	v5 =	vmax.f32 v5, $0.0e+00  }
0xa1: {  	v8 =	vld [tilespmem:s13+$0x0];
	[tilespmem:s11+$0x40] =	vst v5  }
0xa2: {  	v2 =	vadd.f32 v2, v3;
	v3 =	vld [tilespmem:s29+$0x50]  }
0xa3: {  	v0 =	vadd.f32 v1, v0;
	v1 =	vld [tilespmem:s12+$0x50]  }
0xa4: {  	v5 =	vld [tilespmem:s9+$0xFFFFFFB0]  }
0xa5: {  	v0 =	vadd.f32 v7, v0;
	v4 =	vadd.f32 v6, v4;
	v6 =	vld [tilespmem:s13+$0x50]  }
0xa6: {  	v2 =	vadd.f32 v8, v2;
	v7 =	vld [tilespmem:s17+$0xFFFFFFB0]  }
0xa7: {  	v0 =	vmax.f32 v0, $0.0e+00;
	v4 =	vmax.f32 v4, $0.0e+00;
	v8 =	vld [tilespmem:s9+$0xFFFFFFF0]  }
0xa8: {  	[tilespmem:s11+$0xFFFFFF80] =	vst v0;
	v0 =	vmax.f32 v2, $0.0e+00;
	v1 =	vadd.f32 v1, v3;
	v2 =	vld [tilespmem:s17+$0xFFFFFFF0]  }
0xa9: {  	v3 =	vld [tilespmem:s29+$0xFFFFFF90];
	[tilespmem:s11+$0xFFFFFFC0] =	vst v4  }
0xaa: {  	v4 =	vld [tilespmem:s12+$0xFFFFFF90];
	[tilespmem:s11+$0x0] =	vst v0;
	v0 =	vadd.f32 v6, v1  }
0xab: {  	v1 =	vld [tilespmem:s29+$0xFFFFFFD0];
	v5 =	vadd.f32 v7, v5  }
0xac: {  	v6 =	vld [tilespmem:s12+$0xFFFFFFD0];
	v0 =	vmax.f32 v0, $0.0e+00  }
0xad: {  	v7 =	vld [tilespmem:s29+$0x10];
	[tilespmem:s11+$0x50] =	vst v0;
	v0 =	vadd.f32 v2, v8  }
0xae: {  	v2 =	vld [tilespmem:s29+$0x60]  }
0xaf: {  	v3 =	vadd.f32 v4, v3;
	v4 =	vld [tilespmem:s12+$0x60]  }
0xb0: {  	v8 =	vld [tilespmem:s12+$0x10]  }
0xb1: {  	v1 =	vadd.f32 v6, v1;
	v6 =	vld [tilespmem:s13+$0x60]  }
0xb2: {  	v9 =	vld [tilespmem:s13+$0xFFFFFF90]  }
0xb3: {  	v10 =	vld [tilespmem:s13+$0xFFFFFFD0]  }
0xb4: {  	v11 =	vld [tilespmem:s13+$0x10];
	v2 =	vadd.f32 v4, v2  }
0xb5: {  	v4 =	vadd.f32 v8, v7;
	v7 =	vld [tilespmem:s9+$0x30];
	s9 =	smov.u32 s29  }
0xb6: {  	v2 =	vadd.f32 v6, v2;
	v6 =	vld [tilespmem:s17+$0x30];
	s17 =	smov.u32 s12  }
0xb7: {  	v3 =	vadd.f32 v9, v3;
	v8 =	vld [tilespmem:s16+$0xFFFFFFB0]  }
0xb8: {  	v1 =	vadd.f32 v10, v1;
	v2 =	vmax.f32 v2, $0.0e+00;
	v9 =	vld [tilespmem:s16+$0xFFFFFFF0]  }
0xb9: {  	v3 =	vmax.f32 v3, $0.0e+00;
	v4 =	vadd.f32 v11, v4;
	[tilespmem:s11+$0x60] =	vst v2;
	v2 =	vld [tilespmem:s16+$0x30];
	s16 =	smov.u32 s13  }
0xba: {  	[tilespmem:s11+$0xFFFFFF90] =	vst v3;
	v1 =	vmax.f32 v1, $0.0e+00;
	v3 =	vld [tilespmem:s29+$0x70]  }
0xbb: {  	[tilespmem:s11+$0xFFFFFFD0] =	vst v1;
	v1 =	vmax.f32 v4, $0.0e+00;
	v4 =	vld [tilespmem:s12+$0x70];
	v6 =	vadd.f32 v6, v7  }
0xbc: {  	v7 =	vld [tilespmem:s29+$0xFFFFFFA0];
	[tilespmem:s11+$0x10] =	vst v1;
	v1 =	vadd.f32 v8, v5  }
0xbd: {  	v5 =	vld [tilespmem:s13+$0x70];
	v0 =	vadd.f32 v9, v0  }
0xbe: {  	v8 =	vld [tilespmem:s12+$0xFFFFFFA0];
	v1 =	vmax.f32 v1, $0.0e+00;
	v2 =	vadd.f32 v2, v6  }
0xbf: {  	v6 =	vld [tilespmem:s29+$0xFFFFFFE0];
	[tilespmem:s15+$0xFFFFFFB0] =	vst v1;
	v0 =	vmax.f32 v0, $0.0e+00  }
0xc0: {  	v9 =	vld [tilespmem:s12+$0xFFFFFFE0];
	v3 =	vadd.f32 v4, v3;
	[tilespmem:s15+$0xFFFFFFF0] =	vst v0;
	v1 =	vmax.f32 v2, $0.0e+00  }
.Ltmp5:
0xc1: {  	v0 =	vld [tilespmem:s29+$0x20];
	[tilespmem:s15+$0x30] =	vst v1;
	s15 =	smov.u32 s11;
	(pc) =	sbr.rel @p2 .LBB2_4-.Ltmp5, $4  }
0xc2: {  	v1 =	vld [tilespmem:s12+$0x20];
	v4 =	vadd.f32 v5, v3  }
0xc3: {  	v5 =	vadd.f32 v8, v7;
	v3 =	vld [tilespmem:s13+$0xFFFFFFA0]  }
0xc4: {  	v2 =	vld [tilespmem:s13+$0xFFFFFFE0];
	v7 =	vmax.f32 v4, $0.0e+00  }
0xc5: {  	s29 =	sadd.s32 $0x100, s29;
	v6 =	vadd.f32 v9, v6;
	v4 =	vld [tilespmem:s13+$0x20];
	[tilespmem:s11+$0x70] =	vst v7  }
0xc6: {  	_ =	sdelay $0x1  }
0xc7: {  	v3 =	vadd.f32 v3, v5;
	_ =	sdelay $0x1  }
0xc8: {  	v55 =	vmax.f32 v3, $0.0e+00  }
0xc9: {  	v0 =	vadd.f32 v1, v0;
	v54 =	vadd.f32 v2, v6;
	[tilespmem:s11+$0xFFFFFFA0] =	vst v55  }
0xca: {  	v2 =	vld [tilespmem:s9+$0xFFFFFFB0]  }
0xcb: {  	v0 =	vadd.f32 v4, v0;
	v1 =	vmax.f32 v54, $0.0e+00;
	v56 =	vld [tilespmem:s17+$0xFFFFFFB0]  }
0xcc: {  	[tilespmem:s11+$0xFFFFFFE0] =	vst v1;
	v61 =	vld [tilespmem:s16+$0xFFFFFFB0]  }
0xcd: {  	v0 =	vmax.f32 v0, $0.0e+00;
	v57 =	vld [tilespmem:s9+$0xFFFFFFF0]  }
0xce: {  	[tilespmem:s11+$0x20] =	vst v0;
	v58 =	vld [tilespmem:s17+$0xFFFFFFF0]  }
0xcf: {  	v59 =	vld [tilespmem:s9+$0x30]  }
0xd0: {  	v60 =	vld [tilespmem:s17+$0x30]  }
0xd1: {  	v7 =	vld [tilespmem:s16+$0xFFFFFFF0]  }
0xd2: {  	v8 =	vld [tilespmem:s16+$0x30]  }
0xd3: {  	v1 =	vadd.f32 v56, v2  }
0xd4: {  	v0 =	vadd.f32 v58, v57  }
0xd5: {  	v62 =	vadd.f32 v60, v59;
	v1 =	vadd.f32 v61, v1  }
0xd6: {  	v0 =	vadd.f32 v7, v0  }
.Ltmp6:
0xd7: {  	v1 =	vmax.f32 v1, $0.0e+00;
	v2 =	vadd.f32 v8, v62;
	(pc) =	sbr.rel @p1 .LBB2_7-.Ltmp6, $4  }
0xd8: {  	[tilespmem:s15+$0xFFFFFFB0] =	vst v1;
	v0 =	vmax.f32 v0, $0.0e+00  }
0xd9: {  	[tilespmem:s15+$0xFFFFFFF0] =	vst v0;
	v63 =	vmax.f32 v2, $0.0e+00  }
0xda: {  	p2 =	por $0x1, $0x1;
	s9 =	sor.u32 $0x1, s6;
	[tilespmem:s15+$0x30] =	vst v63  }
0xdb: {  	[spmem:s1] =	stream.indirect.scatter.add.f32 [tilespmem:s23], [sflag:$0x6], $0x40, s22, s21, $0xb8;
	[tilespmem:$0x1A300] =	vst v63  }
.LBB2_6:
0xdc: {  	s6 =	sshll.u32 s9, $0x7  }
0xdd: {  	s6 =	sadd.s32 s10, s6  }
0xde: {  	s11 =	sshrl.u32 s6, $0x3  }
0xdf: {  	s6 =	sshll.u32 s6, $0x3;
	s12 =	sadd.s32 s7, s11  }
0xe0: {  	[tilespmem:s21], [sflag:$0x2] =	stream.linear.gather [hbm4b:s12+s2], $0x80, $0x38;
	[tilespmem:$0x1A300] =	vst v63  }
0xe1: {  	s11 =	sadd.s32 s8, s11;
	s6 =	sand.u32 $0x1FFFFC00, s6  }
0xe2: {  	[tilespmem:s31], [sflag:$0x2] =	stream.linear.gather [hbm4b:s11+s2], $0x80, $0x38;
	[tilespmem:$0x1A300] =	vst v63  }
0xe3: {  	p2 =	por $0x0, $0x0;
	s6 =	sadd.s32 s5, s6  }
0xe4: {  	[tilespmem:s0], [sflag:$0x2] =	stream.linear.gather [hbm4b:s6+s2], $0x2000, $0x38;
	[tilespmem:$0x1A300] =	vst v63  }
.LBB2_7:
0xe5: {  	p1 =	seq.s32 s19, $0x0  }
0xe6: {  	s6 =	simm.s32 @!p1 $0x5  }
0xe7: {  	_ =	swait.ge @!p1 [sflag:s6], $0x2000  }
0xe8: {  	[sflag:s6] =	ssyncset.done @!p1 $0x0  }
0xe9: {  	[sflag:s6] =	ssyncadd.s32 @!p1 $0xFFFFE000;
	s6 =	simm.s32 @!p2 $0x2  }
0xea: {  	_ =	swait.ge @!p2 [sflag:s6], $0x80  }
0xeb: {  	[sflag:s6] =	ssyncset.done @!p2 $0x0  }
0xec: {  	[sflag:s6] =	ssyncadd.s32 @!p2 $0xFFFFFF80  }
0xed: {  	_ =	swait.ge @!p2 [sflag:s6], $0x80  }
0xee: {  	[sflag:s6] =	ssyncset.done @!p2 $0x0  }
0xef: {  	[sflag:s6] =	ssyncadd.s32 @!p2 $0xFFFFFF80  }
0xf0: {  	p1 =	sgt.u32 s9, $0x50;
	_ =	swait.ge @!p2 [sflag:s6], $0x2000  }
.Ltmp7:
0xf1: {  	[sflag:s6] =	ssyncset.done @!p2 $0x0;
	(pc) =	sbr.rel @p1 .LBB2_11-.Ltmp7, $4  }
0xf2: {  	s11 =	simm.s32 @!p2 $0x2300;
	[sflag:s6] =	ssyncadd.s32 @!p2 $0xFFFFE000;
	s6 =	simm.s32 @!p2 $0x80  }
0xf3: {  	[tilespmem:s11], [sflag:$0x4] =	stream.indirect.gather @!p2 [hbm4b:s3+s6], $0x40, s6, s6, $0xb8;
	[tilespmem:$0x1A300] =	vst v63  }
0xf4: {  	s12 =	simm.s32 @!p2 $0x6300;
	s11 =	simm.s32 @!p2 $0x180  }
0xf5: {  	[tilespmem:s12], [sflag:$0x4] =	stream.indirect.gather @!p2 [hbm4b:s4+s6], $0x40, s11, s6, $0xb8;
	[tilespmem:$0x1A300] =	vst v63  }
0xf6: {  	_ =	swait.ge [sflag:s24], $0x2000  }
0xf7: {  	[sflag:s24] =	ssyncset.done $0x0  }
0xf8: {  	[sflag:s24] =	ssyncadd.s32 $0xFFFFE000  }
0xf9: {  	_ =	swait.ge [sflag:s24], $0x2000  }
0xfa: {  	[sflag:s24] =	ssyncset.done $0x0  }
0xfb: {  	[sflag:s24] =	ssyncadd.s32 $0xFFFFE000  }
0xfc: {  	v0 =	vld [tilespmem:$0x100]  }
0xfd: {  	v1 =	vld [tilespmem:$0x110]  }
0xfe: {  	v2 =	vld [tilespmem:$0x120]  }
0xff: {  	v3 =	vld [tilespmem:$0x130]  }
0x100: {  	v4 =	vld [tilespmem:$0x140]  }
0x101: {  	[tilespmem:$0x200] =	vst v0;
	v0 =	vld [tilespmem:$0x150]  }
0x102: {  	[tilespmem:$0x210] =	vst v1;
	v1 =	vld [tilespmem:$0x160]  }
0x103: {  	[tilespmem:$0x220] =	vst v2;
	v2 =	vld [tilespmem:$0x170]  }
0x104: {  	[tilespmem:$0x230] =	vst v3  }
0x105: {  	[tilespmem:$0x240] =	vst v4  }
0x106: {  	[tilespmem:$0x250] =	vst v0  }
0x107: {  	[tilespmem:$0x260] =	vst v1  }
0x108: {  	s6 =	simm.s32 $0x380;
	[tilespmem:$0x270] =	vst v2  }
0x109: {  	s11 =	simm.s32 $0x4380;
	v0 =	vld [tilespmem:s6+$0x40]  }
0x10a: {  	v1 =	vld [tilespmem:s11+$0x40]  }
0x10b: {  	s12 =	simm.s32 $0x8380  }
0x10c: {  	v2 =	vld [tilespmem:s12+$0x40];
	_ =	sdelay $0x2  }
0x10d: {  	v0 =	vadd.f32 v1, v0;
	_ =	sdelay $0x1  }
0x10e: {  	v3 =	vld [tilespmem:s6+$0xFFFFFF80];
	v0 =	vadd.f32 v2, v0  }
0x10f: {  	v4 =	vld [tilespmem:s12+$0xFFFFFF80]  }
0x110: {  	s9 =	simm.s32 $0xC380;
	v6 =	vld [tilespmem:s11+$0xFFFFFFC0];
	v0 =	vmax.f32 v0, $0.0e+00  }
0x111: {  	v1 =	vld [tilespmem:s11+$0xFFFFFF80];
	[tilespmem:s9+$0x40] =	vst v0  }
0x112: {  	v0 =	vld [tilespmem:s6+$0x50]  }
0x113: {  	v5 =	vld [tilespmem:s11+$0x50]  }
0x114: {  	v2 =	vld [tilespmem:s6+$0xFFFFFFC0]  }
0x115: {  	v7 =	vld [tilespmem:s12+$0x50]  }
0x116: {  	v1 =	vadd.f32 v1, v3  }
0x117: {  	v3 =	vld [tilespmem:s12+$0xFFFFFFC0]  }
0x118: {  	v8 =	vld [tilespmem:s6+$0x0];
	v1 =	vadd.f32 v4, v1;
	v0 =	vadd.f32 v5, v0  }
0x119: {  	v4 =	vld [tilespmem:s11+$0x0]  }
0x11a: {  	v2 =	vadd.f32 v6, v2;
	v1 =	vmax.f32 v1, $0.0e+00;
	v0 =	vadd.f32 v7, v0  }
0x11b: {  	[tilespmem:s9+$0xFFFFFF80] =	vst v1;
	v5 =	vld [tilespmem:s12+$0x0]  }
0x11c: {  	v1 =	vadd.f32 v3, v2;
	v2 =	vld [tilespmem:s6+$0xFFFFFF90];
	v0 =	vmax.f32 v0, $0.0e+00  }
0x11d: {  	v3 =	vld [tilespmem:s11+$0xFFFFFF90];
	[tilespmem:s9+$0x50] =	vst v0  }
0x11e: {  	v1 =	vmax.f32 v1, $0.0e+00;
	v0 =	vadd.f32 v4, v8;
	v4 =	vld [tilespmem:s6+$0x60]  }
0x11f: {  	[tilespmem:s9+$0xFFFFFFC0] =	vst v1;
	v1 =	vld [tilespmem:s11+$0x60]  }
0x120: {  	v7 =	vld [tilespmem:s11+$0xFFFFFFD0];
	v0 =	vadd.f32 v5, v0  }
0x121: {  	v6 =	vld [tilespmem:s12+$0x60]  }
0x122: {  	v2 =	vadd.f32 v3, v2;
	v3 =	vld [tilespmem:s12+$0xFFFFFFD0];
	v0 =	vmax.f32 v0, $0.0e+00  }
0x123: {  	[tilespmem:s9+$0x0] =	vst v0;
	v0 =	vld [tilespmem:s12+$0xFFFFFF90]  }
0x124: {  	v5 =	vld [tilespmem:s6+$0xFFFFFFD0];
	v1 =	vadd.f32 v1, v4  }
0x125: {  	v8 =	vld [tilespmem:s6+$0x10]  }
0x126: {  	v4 =	vld [tilespmem:s11+$0x10];
	v1 =	vadd.f32 v6, v1;
	_ =	sdelay $0x1  }
0x127: {  	v6 =	vld [tilespmem:s12+$0x10];
	v0 =	vadd.f32 v0, v2;
	v1 =	vmax.f32 v1, $0.0e+00  }
0x128: {  	v2 =	vadd.f32 v7, v5;
	[tilespmem:s9+$0x60] =	vst v1  }
0x129: {  	v0 =	vmax.f32 v0, $0.0e+00;
	v1 =	vld [tilespmem:s6+$0x70]  }
0x12a: {  	v4 =	vadd.f32 v4, v8;
	v2 =	vadd.f32 v3, v2;
	[tilespmem:s9+$0xFFFFFF90] =	vst v0;
	v0 =	vld [tilespmem:s11+$0x70]  }
0x12b: {  	v5 =	vld [tilespmem:s12+$0x70]  }
0x12c: {  	v4 =	vadd.f32 v6, v4;
	v3 =	vld [tilespmem:s6+$0xFFFFFFA0];
	v2 =	vmax.f32 v2, $0.0e+00  }
0x12d: {  	v6 =	vld [tilespmem:s11+$0xFFFFFFA0];
	[tilespmem:s9+$0xFFFFFFD0] =	vst v2  }
0x12e: {  	v2 =	vmax.f32 v4, $0.0e+00;
	v7 =	vld [tilespmem:s6+$0xFFFFFFE0]  }
0x12f: {  	[tilespmem:s9+$0x10] =	vst v2;
	v8 =	vld [tilespmem:s11+$0xFFFFFFE0];
	v2 =	vadd.f32 v0, v1  }
0x130: {  	v0 =	vld [tilespmem:s6+$0x20]  }
0x131: {  	v1 =	vld [tilespmem:s11+$0x20];
	v5 =	vadd.f32 v5, v2  }
0x132: {  	v4 =	vld [tilespmem:s12+$0xFFFFFFA0]  }
0x133: {  	s17 =	simm.s32 $0x0;
	s25 =	simm.s32 $0x480;
	v2 =	vld [tilespmem:s12+$0xFFFFFFE0];
	v9 =	vmax.f32 v5, $0.0e+00  }
0x134: {  	s16 =	simm.s32 $0x4380;
	s15 =	simm.s32 $0x8380;
	s13 =	simm.s32 $0xC380;
	v5 =	vadd.f32 v6, v3;
	v6 =	vadd.f32 v8, v7;
	v3 =	vld [tilespmem:s12+$0x20];
	[tilespmem:s9+$0x70] =	vst v9  }
.LBB2_9:
0x135: {  	v7 =	vld [tilespmem:s25+$0x40];
	s11 =	sadd.s32 $0x100, s11  }
0x136: {  	v8 =	vld [tilespmem:s11+$0x40];
	v0 =	vadd.f32 v1, v0  }
0x137: {  	s12 =	sadd.s32 $0x100, s12;
	v1 =	vld [tilespmem:s11+$0xFFFFFF80];
	v4 =	vadd.f32 v4, v5  }
0x138: {  	v5 =	vld [tilespmem:s12+$0x40];
	v2 =	vadd.f32 v2, v6  }
0x139: {  	s17 =	sadd.s32 $0x4, s17;
	v6 =	vld [tilespmem:s25+$0xFFFFFFC0];
	v4 =	vmax.f32 v4, $0.0e+00;
	v0 =	vadd.f32 v3, v0  }
0x13a: {  	p1 =	slt.u32 s17, $0x7C;
	v3 =	vld [tilespmem:s11+$0xFFFFFFC0];
	[tilespmem:s9+$0xFFFFFFA0] =	vst v4;
	v2 =	vmax.f32 v2, $0.0e+00  }
0x13b: {  	v4 =	vld [tilespmem:s25+$0x0];
	v7 =	vadd.f32 v8, v7;
	[tilespmem:s9+$0xFFFFFFE0] =	vst v2;
	v0 =	vmax.f32 v0, $0.0e+00  }
0x13c: {  	v2 =	vld [tilespmem:s11+$0x0];
	[tilespmem:s9+$0x20] =	vst v0  }
0x13d: {  	v0 =	vld [tilespmem:s25+$0xFFFFFF80];
	v5 =	vadd.f32 v5, v7  }
0x13e: {  	v7 =	vld [tilespmem:s12+$0xFFFFFF80]  }
0x13f: {  	s9 =	sadd.s32 $0x100, s9;
	v3 =	vadd.f32 v3, v6;
	v6 =	vld [tilespmem:s12+$0xFFFFFFC0];
	v5 =	vmax.f32 v5, $0.0e+00  }
0x140: {  	v8 =	vld [tilespmem:s12+$0x0];
	[tilespmem:s9+$0x40] =	vst v5  }
0x141: {  	v2 =	vadd.f32 v2, v4;
	v4 =	vld [tilespmem:s25+$0x50]  }
0x142: {  	v0 =	vadd.f32 v1, v0;
	v1 =	vld [tilespmem:s11+$0x50]  }
0x143: {  	v5 =	vld [tilespmem:s6+$0xFFFFFFB0]  }
0x144: {  	v0 =	vadd.f32 v7, v0;
	v3 =	vadd.f32 v6, v3;
	v6 =	vld [tilespmem:s12+$0x50]  }
0x145: {  	v2 =	vadd.f32 v8, v2;
	v7 =	vld [tilespmem:s16+$0xFFFFFFB0]  }
0x146: {  	v0 =	vmax.f32 v0, $0.0e+00;
	v3 =	vmax.f32 v3, $0.0e+00;
	v8 =	vld [tilespmem:s6+$0xFFFFFFF0]  }
0x147: {  	[tilespmem:s9+$0xFFFFFF80] =	vst v0;
	v0 =	vmax.f32 v2, $0.0e+00;
	v1 =	vadd.f32 v1, v4;
	v2 =	vld [tilespmem:s16+$0xFFFFFFF0]  }
0x148: {  	v4 =	vld [tilespmem:s25+$0xFFFFFF90];
	[tilespmem:s9+$0xFFFFFFC0] =	vst v3  }
0x149: {  	v3 =	vld [tilespmem:s11+$0xFFFFFF90];
	[tilespmem:s9+$0x0] =	vst v0;
	v0 =	vadd.f32 v6, v1  }
0x14a: {  	v1 =	vld [tilespmem:s25+$0xFFFFFFD0];
	v5 =	vadd.f32 v7, v5  }
0x14b: {  	v6 =	vld [tilespmem:s11+$0xFFFFFFD0];
	v0 =	vmax.f32 v0, $0.0e+00  }
0x14c: {  	v7 =	vld [tilespmem:s25+$0x10];
	[tilespmem:s9+$0x50] =	vst v0;
	v0 =	vadd.f32 v2, v8  }
0x14d: {  	v2 =	vld [tilespmem:s25+$0x60]  }
0x14e: {  	v3 =	vadd.f32 v3, v4;
	v4 =	vld [tilespmem:s11+$0x60]  }
0x14f: {  	v8 =	vld [tilespmem:s11+$0x10]  }
0x150: {  	v1 =	vadd.f32 v6, v1;
	v6 =	vld [tilespmem:s12+$0x60]  }
0x151: {  	v9 =	vld [tilespmem:s12+$0xFFFFFF90]  }
0x152: {  	v10 =	vld [tilespmem:s12+$0xFFFFFFD0]  }
0x153: {  	v11 =	vld [tilespmem:s12+$0x10];
	v2 =	vadd.f32 v4, v2  }
0x154: {  	v4 =	vadd.f32 v8, v7;
	v7 =	vld [tilespmem:s6+$0x30];
	s6 =	smov.u32 s25  }
0x155: {  	v2 =	vadd.f32 v6, v2;
	v6 =	vld [tilespmem:s16+$0x30];
	s16 =	smov.u32 s11  }
0x156: {  	v3 =	vadd.f32 v9, v3;
	v8 =	vld [tilespmem:s15+$0xFFFFFFB0]  }
0x157: {  	v1 =	vadd.f32 v10, v1;
	v2 =	vmax.f32 v2, $0.0e+00;
	v9 =	vld [tilespmem:s15+$0xFFFFFFF0]  }
0x158: {  	v3 =	vmax.f32 v3, $0.0e+00;
	v4 =	vadd.f32 v11, v4;
	[tilespmem:s9+$0x60] =	vst v2;
	v2 =	vld [tilespmem:s15+$0x30];
	s15 =	smov.u32 s12  }
0x159: {  	[tilespmem:s9+$0xFFFFFF90] =	vst v3;
	v1 =	vmax.f32 v1, $0.0e+00;
	v3 =	vld [tilespmem:s25+$0x70]  }
0x15a: {  	[tilespmem:s9+$0xFFFFFFD0] =	vst v1;
	v1 =	vmax.f32 v4, $0.0e+00;
	v4 =	vld [tilespmem:s11+$0x70];
	v6 =	vadd.f32 v6, v7  }
0x15b: {  	v7 =	vld [tilespmem:s25+$0xFFFFFFA0];
	[tilespmem:s9+$0x10] =	vst v1;
	v1 =	vadd.f32 v8, v5  }
0x15c: {  	v5 =	vld [tilespmem:s12+$0x70];
	v0 =	vadd.f32 v9, v0  }
0x15d: {  	v8 =	vld [tilespmem:s11+$0xFFFFFFA0];
	v1 =	vmax.f32 v1, $0.0e+00;
	v2 =	vadd.f32 v2, v6  }
0x15e: {  	v6 =	vld [tilespmem:s25+$0xFFFFFFE0];
	[tilespmem:s13+$0xFFFFFFB0] =	vst v1;
	v0 =	vmax.f32 v0, $0.0e+00  }
0x15f: {  	v9 =	vld [tilespmem:s11+$0xFFFFFFE0];
	v3 =	vadd.f32 v4, v3;
	[tilespmem:s13+$0xFFFFFFF0] =	vst v0;
	v1 =	vmax.f32 v2, $0.0e+00  }
.Ltmp8:
0x160: {  	v0 =	vld [tilespmem:s25+$0x20];
	[tilespmem:s13+$0x30] =	vst v1;
	s13 =	smov.u32 s9;
	(pc) =	sbr.rel @p1 .LBB2_9-.Ltmp8, $4  }
0x161: {  	v1 =	vld [tilespmem:s11+$0x20];
	v3 =	vadd.f32 v5, v3  }
0x162: {  	v5 =	vadd.f32 v8, v7;
	v4 =	vld [tilespmem:s12+$0xFFFFFFA0]  }
0x163: {  	v2 =	vld [tilespmem:s12+$0xFFFFFFE0];
	v7 =	vmax.f32 v3, $0.0e+00  }
0x164: {  	s25 =	sadd.s32 $0x100, s25;
	v6 =	vadd.f32 v9, v6;
	v3 =	vld [tilespmem:s12+$0x20];
	[tilespmem:s9+$0x70] =	vst v7  }
0x165: {  	_ =	sdelay $0x1  }
0x166: {  	v4 =	vadd.f32 v4, v5;
	_ =	sdelay $0x1  }
0x167: {  	v55 =	vmax.f32 v4, $0.0e+00  }
0x168: {  	v0 =	vadd.f32 v1, v0;
	v54 =	vadd.f32 v2, v6;
	[tilespmem:s9+$0xFFFFFFA0] =	vst v55  }
0x169: {  	v2 =	vld [tilespmem:s6+$0xFFFFFFB0]  }
0x16a: {  	v0 =	vadd.f32 v3, v0;
	v1 =	vmax.f32 v54, $0.0e+00;
	v56 =	vld [tilespmem:s16+$0xFFFFFFB0]  }
0x16b: {  	[tilespmem:s9+$0xFFFFFFE0] =	vst v1;
	v61 =	vld [tilespmem:s15+$0xFFFFFFB0]  }
0x16c: {  	v0 =	vmax.f32 v0, $0.0e+00;
	v57 =	vld [tilespmem:s6+$0xFFFFFFF0]  }
0x16d: {  	[tilespmem:s9+$0x20] =	vst v0;
	v58 =	vld [tilespmem:s16+$0xFFFFFFF0]  }
0x16e: {  	v59 =	vld [tilespmem:s6+$0x30]  }
0x16f: {  	v60 =	vld [tilespmem:s16+$0x30]  }
0x170: {  	v7 =	vld [tilespmem:s15+$0xFFFFFFF0]  }
0x171: {  	v8 =	vld [tilespmem:s15+$0x30]  }
0x172: {  	v1 =	vadd.f32 v56, v2  }
0x173: {  	v0 =	vadd.f32 v58, v57  }
0x174: {  	v62 =	vadd.f32 v60, v59;
	v1 =	vadd.f32 v61, v1  }
0x175: {  	v0 =	vadd.f32 v7, v0  }
.Ltmp9:
0x176: {  	v1 =	vmax.f32 v1, $0.0e+00;
	v2 =	vadd.f32 v8, v62;
	(pc) =	sbr.rel .LBB2_11-.Ltmp9, $4  }
0x177: {  	[tilespmem:s13+$0xFFFFFFB0] =	vst v1;
	v0 =	vmax.f32 v0, $0.0e+00  }
0x178: {  	[tilespmem:s13+$0xFFFFFFF0] =	vst v0;
	v63 =	vmax.f32 v2, $0.0e+00  }
0x179: {  	[tilespmem:s13+$0x30] =	vst v63  }
0x17a: {  	[spmem:s1] =	stream.indirect.scatter.add.f32 [tilespmem:s28], [sflag:$0x5], $0x40, s26, s21, $0xb8;
	[tilespmem:$0x1A300] =	vst v63  }
.LBB2_13:
0x17b: {  	_ =	sfence.sel $0x180000  }
0x17c: {  	[bflag:$0x0] =	sbarrier.arrive $0xFFFF  }
0x17d: {  	_ =	strace $0x90000047  }
0x17e: {  	[bflag:$0x2] =	sbarrier.arrive $0xFFFF  }
0x17f: {  	s0 =	rddreg [dreg:$0x2]  }
0x180: {  	s0 =	sadd.s32 @!p0 $0x100000, s0  }
0x181: {  	[sflag:s0] =	ssyncadd.tile.s32 @!p0 $0x1;
	_ =	shalt  }
.Lfunc_end2:
_tile_overlayer_lowered:
.L_overlay_start_2:
0x182: {  	(tag) =	ssettag $0x2  }
0x183: {  	s0 =	rddreg [dreg:$0x0];
	s2 =	stileid.u32  }
0x184: {  	s1 =	rddreg [dreg:$0x1];
	p0 =	sne.s32 s2, $0x0  }
0x185: {  	s3 =	rddreg [dreg:$0x2];
	[bflag:$0x3] =	sbarrier.arrive $0xFFFF;
	s2 =	simm.s32 @!p0 $0x1C07  }
0x186: {  	[timem:s3], [sflag:s2] =	dma.local @!p0 [hbm:s0], s1  }
0x187: {  	s0 =	simm.s32 @!p0 $0x7  }
0x188: {  	_ =	swait.ge @!p0 [sflag:s0], s1  }
0x189: {  	s1 =	ssub.s32 @!p0 $0x0, s1;
	[sflag:s0] =	ssyncset.done @!p0 $0x0  }
0x18a: {  	[sflag:s0] =	ssyncadd.s32 @!p0 s1  }
0x18b: {  	[bflag:$0x3] =	sbarrier.arrive $0xFFFF  }
0x18c: {  	_ =	shalt  }

// kernel: kernel.25.cloned.1.call-start
scs
__scs_entry_jumppad:
0x0: {  	(pc) =	sbr.rel $0x88, $3  }
0x1: {  	(tag) =	ssettag $0x0;
	lr =	simm.s32 $0x1  }
0x2: {  	[smem:$0x3F6D] =	sst lr;
	_ =	strace $0xD0000000  }
0x3: {  	_ = 	snop  }
0x4: {  	_ = 	snop  }
0x5: {  	_ = 	snop  }
0x6: {  	_ = 	snop  }
0x7: {  	_ = 	snop  }
__scs_overlays_trampoline_lowered:
0x8: {  	[smem:$0x3F7C] =	sst s0  }
0x9: {  	[smem:$0x3F7D] =	sst s1  }
0xa: {  	[smem:$0x3F7E] =	sst s2  }
0xb: {  	[smem:$0x3F7F] =	sst s3  }
0xc: {  	[smem:$0x3F80] =	sst s4  }
0xd: {  	[smem:$0x3F81] =	sst s5  }
0xe: {  	[smem:$0x3F82] =	sst s6  }
0xf: {  	[smem:$0x3F83] =	sst s7  }
0x10: {  	[smem:$0x3F84] =	sst s8  }
0x11: {  	[smem:$0x3F85] =	sst s9;
	s0 =	simm.s32 @!p0 $0x0  }
0x12: {  	s1 =	sld [smem:$0x3F6B];
	s0 =	simm.s32 @p0 $0x1  }
0x13: {  	[smem:$0x3F86] =	sst s0;
	s0 =	simm.s32 @!p1 $0x0  }
0x14: {  	s2 =	sld [smem:$0x3F6A];
	s0 =	simm.s32 @p1 $0x1  }
0x15: {  	[smem:$0x3F87] =	sst s0;
	s0 =	simm.s32 @!p2 $0x0  }
0x16: {  	s3 =	sld [smem:$0x3FDB];
	s0 =	simm.s32 @p2 $0x1  }
0x17: {  	s4 =	simm.s32 $0x1BF5;
	[smem:$0x3F89] =	sst s0  }
0x18: {  	s0 =	sld [smem:$0x3F6C];
	_ =	swait.ge [sflag:s4], $0x0  }
0x19: {  	s7 =	sld [smem:$0x3F6D]  }
0x1a: {  	s8 =	sadd.s32 $0xFFFFE003, lr  }
0x1b: {  	s9 =	sadd.s32 $0xFFFFFEF7, lr;
	s5 =	simm.s32 $0xFFFFFFFF;
	p2 =	slt.u32 s8, $0xFFFFF086  }
0x1c: {  	p1 =	slt.u32 s9, $0xF7A;
	s5 =	simm.s32 @!p2 $0x0  }
0x1d: {  	s5 =	simm.s32 @p1 $0x1;
	p0 =	seq.s32 s7, s2  }
0x1e: {  	s7 =	smul.u32 @!p0 $0xF7A, s2;
	p2 =	seq.s32 @!p0 s5, $0x0  }
0x1f: {  	s9 =	smul.u32 $0xF7A, s1;
	s8 =	simm.s32 @!p0 $0x1BF5;
	p2 =	por !p2, p0  }
0x20: {  	[sflag:s8] =	ssyncset.s32 @!p0 $0xFFFFF086;
	s6 =	sadd.s32 @!p0 s3, s7;
	s7 =	simm.s32 @!p0 $0x108  }
0x21: {  	s3 =	sadd.s32 s3, s9;
	s6 =	sadd.s32 @!p0 $0x88, s6;
	s7 =	simm.s32 @p2 $0x1082  }
0x22: {  	[simem:s7], [sflag:s8] =	dma.local @!p0 [hbm:s6], $0xF7A  }
0x23: {  	s9 =	sor.u32 $0xD0000000, s2;
	s6 =	simm.s32 $0x108;
	_ =	swait.ge @!p0 [sflag:s8], $0x0  }
0x24: {  	s3 =	sadd.s32 $0x88, s3;
	s6 =	simm.s32 @!p1 $0x1082;
	[sflag:s4] =	ssyncset.s32 $0xFFFFF086  }
0x25: {  	[simem:s6], [sflag:s4] =	dma.local [hbm:s3], $0xF7A  }
0x26: {  	[smem:$0x3F6D] =	sst s1;
	(tag) =	ssettag s2;
	_ =	strace s9  }
0x27: {  	s1 =	sld [smem:$0x3F7D]  }
0x28: {  	s2 =	sld [smem:$0x3F7E]  }
0x29: {  	s4 =	sld [smem:$0x3F80]  }
0x2a: {  	p0 =	seq.s32 s5, $0x0;
	s5 =	sld [smem:$0x3F81]  }
0x2b: {  	s6 =	sld [smem:$0x3F82]  }
0x2c: {  	s7 =	sld [smem:$0x3F83]  }
0x2d: {  	s3 =	simm.s32 $0x108;
	s8 =	sld [smem:$0x3F84]  }
0x2e: {  	s3 =	simm.s32 @!p0 $0x1082;
	s9 =	sld [smem:$0x3F85]  }
0x2f: {  	lr =	sadd.s32 s0, s3;
	s0 =	sld [smem:$0x3F7C]  }
0x30: {  	s3 =	sld [smem:$0x3F7F]  }
0x31: {  	[smem:$0x3F88] =	sst s10  }
0x32: {  	s10 =	sld [smem:$0x3F86];
	_ =	sdelay $0x3  }
0x33: {  	p0 =	seq.s32 s10, $0x1;
	s10 =	sld [smem:$0x3F88];
	_ =	sdelay $0x3  }
0x34: {  	[smem:$0x3F88] =	sst s10  }
0x35: {  	s10 =	sld [smem:$0x3F87];
	_ =	sdelay $0x3  }
0x36: {  	p1 =	seq.s32 s10, $0x1;
	s10 =	sld [smem:$0x3F88];
	_ =	sdelay $0x3  }
0x37: {  	[smem:$0x3F88] =	sst s10  }
0x38: {  	s10 =	sld [smem:$0x3F89]  }
0x39: {  	_ = 	snop;
	(pc) =	sbr.ind lr, $3  }
0x3a: {  	_ = 	snop  }
0x3b: {  	_ = 	snop  }
0x3c: {  	p2 =	seq.s32 s10, $0x1;
	s10 =	sld [smem:$0x3F88]  }
0x3d: {  	_ =	shalt  }
0x3e: {  	_ =	shalt  }
0x3f: {  	_ =	shalt  }
0x40: {  	_ =	shalt  }
0x41: {  	_ =	shalt  }
0x42: {  	_ =	shalt  }
0x43: {  	_ =	shalt  }
0x44: {  	_ =	shalt  }
0x45: {  	_ =	shalt  }
0x46: {  	_ =	shalt  }
0x47: {  	_ =	shalt  }
0x48: {  	_ =	shalt  }
0x49: {  	_ =	shalt  }
0x4a: {  	_ =	shalt  }
0x4b: {  	_ =	shalt  }
0x4c: {  	_ =	shalt  }
0x4d: {  	_ =	shalt  }
0x4e: {  	_ =	shalt  }
0x4f: {  	_ =	shalt  }
0x50: {  	_ =	shalt  }
0x51: {  	_ =	shalt  }
0x52: {  	_ =	shalt  }
0x53: {  	_ =	shalt  }
0x54: {  	_ =	shalt  }
0x55: {  	_ =	shalt  }
0x56: {  	_ =	shalt  }
0x57: {  	_ =	shalt  }
0x58: {  	_ =	shalt  }
0x59: {  	_ =	shalt  }
0x5a: {  	_ =	shalt  }
0x5b: {  	_ =	shalt  }
0x5c: {  	_ =	shalt  }
0x5d: {  	_ =	shalt  }
0x5e: {  	_ =	shalt  }
0x5f: {  	_ =	shalt  }
0x60: {  	_ =	shalt  }
0x61: {  	_ =	shalt  }
0x62: {  	_ =	shalt  }
0x63: {  	_ =	shalt  }
0x64: {  	_ =	shalt  }
0x65: {  	_ =	shalt  }
0x66: {  	_ =	shalt  }
0x67: {  	_ =	shalt  }
0x68: {  	_ =	shalt  }
0x69: {  	_ =	shalt  }
0x6a: {  	_ =	shalt  }
0x6b: {  	_ =	shalt  }
0x6c: {  	_ =	shalt  }
0x6d: {  	_ =	shalt  }
0x6e: {  	_ =	shalt  }
0x6f: {  	_ =	shalt  }
0x70: {  	_ =	shalt  }
0x71: {  	_ =	shalt  }
0x72: {  	_ =	shalt  }
0x73: {  	_ =	shalt  }
0x74: {  	_ =	shalt  }
0x75: {  	_ =	shalt  }
0x76: {  	_ =	shalt  }
0x77: {  	_ =	shalt  }
0x78: {  	_ =	shalt  }
0x79: {  	_ =	shalt  }
0x7a: {  	_ =	shalt  }
0x7b: {  	_ =	shalt  }
0x7c: {  	_ =	shalt  }
0x7d: {  	_ =	shalt  }
0x7e: {  	_ =	shalt  }
0x7f: {  	_ =	shalt  }
0x80: {  	_ =	shalt  }
0x81: {  	_ =	shalt  }
0x82: {  	_ =	shalt  }
0x83: {  	_ =	shalt  }
0x84: {  	_ =	shalt  }
0x85: {  	_ =	shalt  }
0x86: {  	_ =	shalt  }
0x87: {  	_ =	shalt  }
.Lfunc_end0:
.L_simem_size_0:
called_computation.2_lowered:
.L_overlay_start_0:
0x88: {  	s2 =	sld [smem:$0x3FD9]  }
0x89: {  	s3 =	sld [smem:$0x3FFE];
	_ =	sdelay $0x1  }
0x8a: {  	s1 =	srdreg.scid  }
0x8b: {  	s0 =	sand.u32 $0x1, s1  }
0x8c: {  	s16 =	sshll.u32 s0, $0xA;
	s2 =	sadd.s32 s3, s2  }
0x8d: {  	s2 =	sadd.s32 s2, s16  }
0x8e: {  	[smem:$0x3F94] =	sst s2  }
0x8f: {  	_ = 	snop  }
0x90: {  	(tm) =	ssettm $0x1  }
0x91: {  	s17 =	sld [smem:$0x3FFB];
	_ =	sdelay $0x3  }
0x92: {  	_ =	strace s17  }
0x93: {  	s2 =	sld [smem:$0x3FFC];
	_ =	sdelay $0x3  }
0x94: {  	_ =	strace s2  }
0x95: {  	s2 =	sld [smem:$0x3FFD];
	_ =	sdelay $0x3  }
0x96: {  	_ =	strace s2  }
0x97: {  	_ =	strace $0x8FFFFFFF  }
0x98: {  	s18 =	sld [smem:$0x3FDB];
	_ =	sdelay $0x1  }
0x99: {  	s19 =	simm.s32 $_scs_section_size  }
0x9a: {  	s4 =	simm.s32 $_size__tile_overlayer_lowered;
	s5 =	simm.s32 $_tile_overlayer_lowered  }
0x9b: {  	s22 =	simm.s32 $0x1BFF;
	s21 =	sshll.u32 s5, $0x1;
	s2 =	sadd.s32 s19, s18  }
0x9c: {  	s6 =	simm.s32 $0x0;
	s20 =	sshll.u32 s4, $0x1;
	s4 =	sadd.s32 s21, s2  }
0x9d: {  	[timem:s6], [sflag:s22] =	dma.local [hbm:s4], s20  }
0x9e: {  	_ =	swait.ge [sflag:s22], s20  }
0x9f: {  	s3 =	ssub.s32 $0x0, s20;
	[sflag:s22] =	ssyncset.done $0x0  }
0xa0: {  	[sflag:s22] =	ssyncadd.s32 s3;
	_ =	sdelay $0x1  }
0xa1: {  	s23 =	simm.s32 $0x1B8B  }
0xa2: {  	_ =	swait.ge [sflag:s23], $0x1  }
0xa3: {  	[sflag:s23] =	ssyncset.done $0x0  }
0xa4: {  	s25 =	simm.s32 $0x1B8E;
	s24 =	sld [smem:$0x3FFE];
	[sflag:s23] =	ssyncadd.s32 $0xFFFFFFFF  }
0xa5: {  	s26 =	simm.s32 $execute0_lowered;
	[smem:$0x3FD2] =	sst s25  }
0xa6: {  	s4 =	sshll.u32 s26, $0x1;
	_ =	strace $0x8000004C;
	[dreg:$0x1] =	wrdreg $0xFFFFFFFF  }
0xa7: {  	s28 =	simm.s32 $_size_execute0_lowered;
	s2 =	sadd.s32 s2, s4;
	[dreg:$0x0] =	wrdreg $0x0  }
0xa8: {  	s4 =	sshll.u32 s28, $0x1;
	[dreg:$0x2] =	wrdreg s2  }
0xa9: {  	[dreg:$0x3] =	wrdreg s4  }
0xaa: {  	[dreg:$0x4] =	wrdreg $0xC0  }
0xab: {  	_ =	task [dreg:s6], $0x5FFFF  }
0xac: {  	[dreg:$0x1] =	wrdreg $0xFFFFFFFF  }
0xad: {  	[dreg:$0x0] =	wrdreg $0x60  }
0xae: {  	[dreg:$0x2] =	wrdreg s24  }
0xaf: {  	[dreg:$0x3] =	wrdreg $0x103000  }
0xb0: {  	[dreg:$0x4] =	wrdreg $0x9  }
0xb1: {  	_ =	task.clear_ibuf [dreg:s6], $0x5FFFF;
	_ =	strace $0x9000004C  }
0xb2: {  	s29 =	simm.s32 $0x9;
	_ =	strace $0x8000004E  }
0xb3: {  	_ =	swait.ge [sflag:s29], $0x1  }
0xb4: {  	[sflag:s29] =	ssyncadd.s32 $0xFFFFFFFF  }
0xb5: {  	_ =	strace $0x9000004E  }
0xb6: {  	_ =	sfence  }
0xb7: {  	s30 =	sld [smem:$0x0];
	_ =	sdelay $0x2  }
0xb8: {  	s31 =	sshll.u32 s1, $0xD;
	s1 =	sshrl.u32 s1, $0x2  }
0xb9: {  	s3 =	sand.u32 $0x4000, s31;
	s1 =	sadd.s32 s1, s30  }
0xba: {  	s0 =	sor.u32 s3, s0;
	s1 =	sshll.u32 s1, $0x11  }
0xbb: {  	s0 =	sor.u32 s1, s0  }
0xbc: {  	s0 =	sadd.s32 $0x8F2B, s0  }
0xbd: {  	[sflag:s0] =	ssyncadd.remote.s32 $0x1  }
0xbe: {  	_ =	sfence.sel $0xFFFF  }
0xbf: {  	[dreg:$0x0] =	wrdreg $0xFFFFFFFF;
	(pc) =	sbr.abs _section_cstart, $3  }
0xc0: {  	[dreg:$0x1] =	wrdreg $0xFFFFFFFF  }
0xc1: {  	_ =	task.clear_ibuf [dreg:s6], $0x2FFFF;
	_ =	strace $0x9FFFFFFF  }
0xc2: {  	(tm) =	ssettm $0x7FFFFFFF  }
0xc3: {  	_ =	shalt  }
tec
execute0_lowered:
.L_overlay_start_1:
0x0: {  	(tag) =	ssettag $0x1  }
0x1: {  	s0 =	rddreg [dreg:$0x0]  }
0x2: {  	s1 =	rddreg [dreg:$0x1];
	s2 =	simm.s32 $0x0  }
0x3: {  	s5 =	srdreg.scid;
	s15 =	stileid.u32;
	s20 =	simm.s32 $0x4  }
0x4: {  	s21 =	simm.s32 $0x80;
	s22 =	simm.s32 $0x280;
	s28 =	simm.s32 $0xC300  }
0x5: {  	s30 =	simm.s32 $0x7;
	s31 =	simm.s32 $0x180;
	s18 =	simm.s32 $0x0  }
0x6: {  	[smem:$0x7FF] =	sst s2;
	s3 =	sadd.s32 $0x49200, s0;
	s4 =	sadd.s32 $0x35200, s0  }
0x7: {  	s6 =	sand.u32 $0x1, s5;
	s5 =	sadd.s32 $0x33C200, s0;
	s7 =	sadd.s32 $0x2E7200, s0  }
0x8: {  	s11 =	smul.u32 $0xA000, s15;
	s10 =	sshll.u32 s15, $0x1;
	s8 =	sadd.s32 $0x2DD200, s0  }
0x9: {  	s12 =	sadd.s32 $0x2F1200, s0;
	s9 =	smul.u32 $0xA0000, s6;
	s23 =	sor.u32 s6, s10  }
0xa: {  	p0 =	sne.s32 s15, $0x0;
	_ =	strace $0x8000004D;
	s10 =	smul.u32 $0x2800, s23  }
0xb: {  	[dreg:$0x3] =	wrdreg s12;
	s6 =	ssub.s32 $0x2, s6;
	s12 =	smul.u32 $0x14000, s23  }
0xc: {  	s13 =	sshrl.u32 s6, $0x1;
	s29 =	sadd.s32 s11, s1;
	s9 =	sadd.s32 s11, s9  }
0xd: {  	s6 =	ssub.s32 s6, s13;
	s9 =	sshrl.u32 s9, $0x3;
	s26 =	sadd.s32 s5, s12  }
0xe: {  	s24 =	sshrl.u32 s10, $0x3;
	s6 =	smax.u32 s6, $0x1;
	[dreg:$0x6] =	wrdreg s26  }
0xf: {  	s0 =	sadd.s32 s9, s0;
	s25 =	sadd.s32 s7, s24;
	[dreg:$0x8] =	wrdreg s6  }
.Ltmp0:
0x10: {  	s9 =	sadd.s32 s8, s24;
	[dreg:$0x4] =	wrdreg s25;
	(pc) =	sbr.rel .LBB2_1-.Ltmp0, $4  }
0x11: {  	s23 =	simm.s32 $0xE300;
	s6 =	sshrl.u32 @!p0 s1, $0x3;
	[dreg:$0x5] =	wrdreg s9  }
0x12: {  	s14 =	sor.u32 $0x100, s10;
	s0 =	sadd.s32 $0x5D200, s0;
	[dreg:$0x9] =	wrdreg s6  }
0x13: {  	s24 =	simm.s32 $0x3;
	[dreg:$0x7] =	wrdreg s0;
	s0 =	sshrl.u32 s29, $0x3  }
0x14: {  	s26 =	simm.s32 $0x200;
	[dreg:$0xa] =	wrdreg s0;
	s0 =	simm.s32 $0xA300  }
.LBB2_12:
0x15: {  	s6 =	simm.s32 $0x6  }
0x16: {  	_ =	swait.ge [sflag:s6], $0x2000  }
0x17: {  	[sflag:s6] =	ssyncset.done $0x0  }
0x18: {  	[sflag:s6] =	ssyncadd.s32 $0xFFFFE000  }
0x19: {  	s25 =	stileid.u32;
	[bflag:$0x0] =	sbarrier.arrive $0xFFFF  }
0x1a: {  	s6 =	sshll.u32 s25, $0x6;
	s9 =	rddreg [dreg:$0x7]  }
0x1b: {  	s6 =	sor.u32 $0x1C07, s6;
	s11 =	rddreg [dreg:$0xa]  }
0x1c: {  	[hbm:s9], [sflag:s6] =	dma.local [spmem:s11], $0x1400  }
0x1d: {  	_ =	swait.ge [sflag:s30], $0x1400  }
0x1e: {  	s18 =	sadd.s32 $0x1, s18;
	s29 =	rddreg [dreg:$0x8]  }
0x1f: {  	p1 =	sne.s32 s18, s29  }
.Ltmp1:
0x20: {  	_ = 	snop;
	(pc) =	sbr.rel @!p1 .LBB2_13-.Ltmp1, $3  }
0x21: {  	_ =	sdelay $0x1  }
0x22: {  	[sflag:s30] =	ssyncset.done $0x0  }
0x23: {  	[sflag:s30] =	ssyncadd.s32 $0xFFFFEC00  }
.LBB2_1:
0x24: {  	s9 =	rddreg [dreg:$0x3]  }
0x25: {  	s6 =	simm.s32 @!p0 $0x1C07;
	s11 =	rddreg [dreg:$0x9]  }
0x26: {  	[spmem:s11], [sflag:s6] =	dma.local @!p0 [hbm:s9], $0x14000  }
0x27: {  	s6 =	simm.s32 @!p0 $0x7  }
0x28: {  	_ =	swait.ge @!p0 [sflag:s6], $0x14000  }
0x29: {  	[sflag:s6] =	ssyncset.done @!p0 $0x0  }
0x2a: {  	[sflag:s6] =	ssyncadd.s32 @!p0 $0xFFFEC000  }
0x2b: {  	[bflag:$0x0] =	sbarrier.arrive $0xFFFF  }
0x2c: {  	s16 =	rddreg [dreg:$0x4]  }
0x2d: {  	[tilespmem:s2], [sflag:$0x1] =	stream.linear.gather [hbm4b:s16+s2], $0x80, $0x38;
	[tilespmem:$0x1A300] =	vst v63  }
.Ltmp2:
0x2e: {  	_ = 	snop;
	(pc) =	sbr.rel .LBB2_2-.Ltmp2, $4  }
0x2f: {  	s19 =	simm.s32 $0x100;
	s17 =	rddreg [dreg:$0x5]  }
0x30: {  	[tilespmem:s19], [sflag:$0x1] =	stream.linear.gather [hbm4b:s17+s2], $0x80, $0x38;
	[tilespmem:$0x1A300] =	vst v63  }
0x31: {  	s29 =	simm.s32 $0x8300;
	s25 =	rddreg [dreg:$0x6];
	s19 =	simm.s32 $0x0  }
0x32: {  	[tilespmem:s29], [sflag:$0x1] =	stream.linear.gather [hbm4b:s25+s2], $0x2000, $0x38;
	[tilespmem:$0x1A300] =	vst v63  }
.LBB2_11:
0x33: {  	p1 =	sgt.u32 s19, $0x26  }
0x34: {  	s6 =	sshll.u32 @!p1 s19, $0x8  }
0x35: {  	s6 =	sadd.s32 @!p1 s6, s14  }
0x36: {  	s9 =	sshrl.u32 @!p1 s6, $0x3  }
0x37: {  	s12 =	simm.s32 @!p1 $0x0;
	s6 =	sshll.u32 @!p1 s6, $0x3;
	s11 =	sadd.s32 @!p1 s7, s9  }
0x38: {  	[tilespmem:s12], [sflag:$0x1] =	stream.linear.gather @!p1 [hbm4b:s11+s12], $0x80, $0x38;
	[tilespmem:$0x1A300] =	vst v63  }
0x39: {  	s9 =	sadd.s32 @!p1 s8, s9;
	s6 =	sand.u32 @!p1 $0x1FFFF800, s6;
	s11 =	simm.s32 @!p1 $0x100  }
0x3a: {  	[tilespmem:s11], [sflag:$0x1] =	stream.linear.gather @!p1 [hbm4b:s9+s12], $0x80, $0x38;
	[tilespmem:$0x1A300] =	vst v63  }
0x3b: {  	s19 =	sadd.s32 $0x1, s19;
	s6 =	sadd.s32 @!p1 s5, s6;
	s9 =	simm.s32 @!p1 $0x8300  }
0x3c: {  	[tilespmem:s9], [sflag:$0x1] =	stream.linear.gather @!p1 [hbm4b:s6+s12], $0x2000, $0x38;
	[tilespmem:$0x1A300] =	vst v63  }
0x3d: {  	p1 =	sne.s32 s19, $0x29  }
.Ltmp3:
0x3e: {  	_ = 	snop;
	(pc) =	sbr.rel @!p1 .LBB2_12-.Ltmp3, $1  }
0x3f: {  	_ =	sdelay $0x3  }
.LBB2_2:
0x40: {  	p1 =	slt.u32 s19, $0x2  }
0x41: {  	s6 =	simm.s32 @!p1 $0x6  }
0x42: {  	p2 =	seq.s32 @!p1 s19, $0x28;
	_ =	swait.ge @!p1 [sflag:s6], $0x2000  }
0x43: {  	p2 =	por p1, !p2;
	[sflag:s6] =	ssyncset.done @!p1 $0x0  }
0x44: {  	s9 =	simm.s32 @p2 $0x1;
	[sflag:s6] =	ssyncadd.s32 @!p1 $0xFFFFE000  }
0x45: {  	_ =	swait.ge @p2 [sflag:s9], $0x80  }
0x46: {  	[sflag:s9] =	ssyncset.done @p2 $0x0  }
0x47: {  	[sflag:s9] =	ssyncadd.s32 @p2 $0xFFFFFF80  }
0x48: {  	_ =	swait.ge @p2 [sflag:s9], $0x80  }
0x49: {  	[sflag:s9] =	ssyncset.done @p2 $0x0  }
0x4a: {  	[sflag:s9] =	ssyncadd.s32 @p2 $0xFFFFFF80  }
0x4b: {  	_ =	swait.ge @p2 [sflag:s9], $0x2000  }
0x4c: {  	s11 =	simm.s32 @p2 $0x80;
	[sflag:s9] =	ssyncset.done @p2 $0x0  }
0x4d: {  	s12 =	simm.s32 @p2 $0x300;
	s6 =	simm.s32 @p2 $0x0;
	[sflag:s9] =	ssyncadd.s32 @p2 $0xFFFFE000  }
0x4e: {  	[tilespmem:s12], [sflag:$0x3] =	stream.indirect.gather @p2 [hbm4b:s3+s11], $0x40, s6, s11, $0xb8;
	[tilespmem:$0x1A300] =	vst v63  }
0x4f: {  	s13 =	simm.s32 @p2 $0x4300;
	s6 =	sshll.u32 s19, $0x1;
	s12 =	simm.s32 @p2 $0x100  }
0x50: {  	[tilespmem:s13], [sflag:$0x3] =	stream.indirect.gather @p2 [hbm4b:s4+s11], $0x40, s12, s11, $0xb8;
	[tilespmem:$0x1A300] =	vst v63  }
0x51: {  	s11 =	sadd.s32 @p2 $0xFFFFFFFE, s6  }
0x52: {  	p3 =	sgt.u32 @p2 s11, $0x4F  }
0x53: {  	p3 =	por !p2, !p3  }
.Ltmp4:
0x54: {  	_ = 	snop;
	(pc) =	sbr.rel @!p3 .LBB2_6-.Ltmp4, $1  }
0x55: {  	_ =	sdelay $0x3  }
0x56: {  	_ =	swait.ge [sflag:s20], $0x2000  }
0x57: {  	[sflag:s20] =	ssyncset.done $0x0  }
0x58: {  	[sflag:s20] =	ssyncadd.s32 $0xFFFFE000  }
0x59: {  	_ =	swait.ge [sflag:s20], $0x2000  }
0x5a: {  	[sflag:s20] =	ssyncset.done $0x0  }
0x5b: {  	[sflag:s20] =	ssyncadd.s32 $0xFFFFE000  }
0x5c: {  	v0 =	vld [tilespmem:$0x180]  }
0x5d: {  	v1 =	vld [tilespmem:$0x190]  }
0x5e: {  	v2 =	vld [tilespmem:$0x1A0]  }
0x5f: {  	v3 =	vld [tilespmem:$0x1B0]  }
0x60: {  	v4 =	vld [tilespmem:$0x1C0]  }
0x61: {  	[tilespmem:$0x280] =	vst v0;
	v0 =	vld [tilespmem:$0x1D0]  }
0x62: {  	[tilespmem:$0x290] =	vst v1;
	v1 =	vld [tilespmem:$0x1E0]  }
0x63: {  	[tilespmem:$0x2A0] =	vst v2;
	v2 =	vld [tilespmem:$0x1F0]  }
0x64: {  	[tilespmem:$0x2B0] =	vst v3  }
0x65: {  	[tilespmem:$0x2C0] =	vst v4  }
0x66: {  	[tilespmem:$0x2D0] =	vst v0  }
0x67: {  	[tilespmem:$0x2E0] =	vst v1  }
0x68: {  	s9 =	simm.s32 $0x2380;
	[tilespmem:$0x2F0] =	vst v2  }
0x69: {  	s12 =	simm.s32 $0x6380;
	v0 =	vld [tilespmem:s9+$0x40]  }
0x6a: {  	v1 =	vld [tilespmem:s12+$0x40]  }
0x6b: {  	s13 =	simm.s32 $0xA380  }
0x6c: {  	v2 =	vld [tilespmem:s13+$0x40];
	_ =	sdelay $0x2  }
0x6d: {  	v0 =	vadd.f32 v1, v0;
	_ =	sdelay $0x1  }
0x6e: {  	v3 =	vld [tilespmem:s9+$0xFFFFFF80];
	v0 =	vadd.f32 v2, v0  }
0x6f: {  	v4 =	vld [tilespmem:s13+$0xFFFFFF80]  }
0x70: {  	s11 =	simm.s32 $0xE380;
	v6 =	vld [tilespmem:s12+$0xFFFFFFC0];
	v0 =	vmax.f32 v0, $0.0e+00  }
0x71: {  	v1 =	vld [tilespmem:s12+$0xFFFFFF80];
	[tilespmem:s11+$0x40] =	vst v0  }
0x72: {  	v0 =	vld [tilespmem:s9+$0x50]  }
0x73: {  	v5 =	vld [tilespmem:s12+$0x50]  }
0x74: {  	v2 =	vld [tilespmem:s9+$0xFFFFFFC0]  }
0x75: {  	v7 =	vld [tilespmem:s13+$0x50]  }
0x76: {  	v1 =	vadd.f32 v1, v3  }
0x77: {  	v3 =	vld [tilespmem:s13+$0xFFFFFFC0]  }
0x78: {  	v8 =	vld [tilespmem:s9+$0x0];
	v1 =	vadd.f32 v4, v1;
	v0 =	vadd.f32 v5, v0  }
0x79: {  	v4 =	vld [tilespmem:s12+$0x0]  }
0x7a: {  	v2 =	vadd.f32 v6, v2;
	v1 =	vmax.f32 v1, $0.0e+00;
	v0 =	vadd.f32 v7, v0  }
0x7b: {  	[tilespmem:s11+$0xFFFFFF80] =	vst v1;
	v5 =	vld [tilespmem:s13+$0x0]  }
0x7c: {  	v1 =	vadd.f32 v3, v2;
	v2 =	vld [tilespmem:s9+$0xFFFFFF90];
	v0 =	vmax.f32 v0, $0.0e+00  }
0x7d: {  	v3 =	vld [tilespmem:s12+$0xFFFFFF90];
	[tilespmem:s11+$0x50] =	vst v0  }
0x7e: {  	v1 =	vmax.f32 v1, $0.0e+00;
	v0 =	vadd.f32 v4, v8;
	v4 =	vld [tilespmem:s9+$0x60]  }
0x7f: {  	[tilespmem:s11+$0xFFFFFFC0] =	vst v1;
	v1 =	vld [tilespmem:s12+$0x60]  }
0x80: {  	v7 =	vld [tilespmem:s12+$0xFFFFFFD0];
	v0 =	vadd.f32 v5, v0  }
0x81: {  	v6 =	vld [tilespmem:s13+$0x60]  }
0x82: {  	v5 =	vld [tilespmem:s9+$0xFFFFFFD0];
	v0 =	vmax.f32 v0, $0.0e+00  }
0x83: {  	[tilespmem:s11+$0x0] =	vst v0;
	v0 =	vld [tilespmem:s13+$0xFFFFFF90]  }
0x84: {  	v8 =	vld [tilespmem:s9+$0x10];
	v1 =	vadd.f32 v1, v4  }
0x85: {  	v4 =	vld [tilespmem:s12+$0x10]  }
0x86: {  	v2 =	vadd.f32 v3, v2;
	v3 =	vld [tilespmem:s13+$0xFFFFFFD0];
	v1 =	vadd.f32 v6, v1  }
0x87: {  	v6 =	vld [tilespmem:s13+$0x10]  }
0x88: {  	v0 =	vadd.f32 v0, v2;
	v1 =	vmax.f32 v1, $0.0e+00  }
0x89: {  	v2 =	vadd.f32 v7, v5;
	[tilespmem:s11+$0x60] =	vst v1  }
0x8a: {  	v4 =	vadd.f32 v4, v8;
	v0 =	vmax.f32 v0, $0.0e+00;
	v1 =	vld [tilespmem:s9+$0x70]  }
0x8b: {  	v2 =	vadd.f32 v3, v2;
	[tilespmem:s11+$0xFFFFFF90] =	vst v0;
	v0 =	vld [tilespmem:s12+$0x70]  }
0x8c: {  	v3 =	vadd.f32 v6, v4;
	v4 =	vld [tilespmem:s13+$0x70]  }
0x8d: {  	v5 =	vld [tilespmem:s9+$0xFFFFFFA0];
	v2 =	vmax.f32 v2, $0.0e+00  }
0x8e: {  	v6 =	vld [tilespmem:s12+$0xFFFFFFA0];
	[tilespmem:s11+$0xFFFFFFD0] =	vst v2  }
0x8f: {  	v2 =	vmax.f32 v3, $0.0e+00;
	v7 =	vld [tilespmem:s9+$0xFFFFFFE0]  }
0x90: {  	[tilespmem:s11+$0x10] =	vst v2;
	v8 =	vld [tilespmem:s12+$0xFFFFFFE0];
	v2 =	vadd.f32 v0, v1  }
0x91: {  	v0 =	vld [tilespmem:s9+$0x20]  }
0x92: {  	v1 =	vld [tilespmem:s12+$0x20];
	v4 =	vadd.f32 v4, v2  }
0x93: {  	p3 =	por @!p1 $0x1, $0x1;
	p1 =	por @p2 $0x0, $0x0;
	v3 =	vld [tilespmem:s13+$0xFFFFFFA0]  }
0x94: {  	s25 =	simm.s32 $0x0;
	s29 =	simm.s32 $0x2480;
	s17 =	simm.s32 $0x6380;
	v2 =	vld [tilespmem:s13+$0xFFFFFFE0];
	v9 =	vmax.f32 v4, $0.0e+00  }
0x95: {  	s16 =	simm.s32 $0xA380;
	s15 =	simm.s32 $0xE380;
	p1 =	por @!p2 p3, p3;
	v5 =	vadd.f32 v6, v5;
	v6 =	vadd.f32 v8, v7;
	v4 =	vld [tilespmem:s13+$0x20];
	[tilespmem:s11+$0x70] =	vst v9  }
.LBB2_4:
0x96: {  	v7 =	vld [tilespmem:s29+$0x40];
	s12 =	sadd.s32 $0x100, s12  }
0x97: {  	v8 =	vld [tilespmem:s12+$0x40];
	v0 =	vadd.f32 v1, v0  }
0x98: {  	s13 =	sadd.s32 $0x100, s13;
	v1 =	vld [tilespmem:s12+$0xFFFFFF80];
	v3 =	vadd.f32 v3, v5  }
0x99: {  	v5 =	vld [tilespmem:s13+$0x40];
	v2 =	vadd.f32 v2, v6  }
0x9a: {  	s25 =	sadd.s32 $0x4, s25;
	v6 =	vld [tilespmem:s29+$0xFFFFFFC0];
	v3 =	vmax.f32 v3, $0.0e+00;
	v0 =	vadd.f32 v4, v0  }
0x9b: {  	p2 =	slt.u32 s25, $0x7C;
	v4 =	vld [tilespmem:s12+$0xFFFFFFC0];
	[tilespmem:s11+$0xFFFFFFA0] =	vst v3;
	v2 =	vmax.f32 v2, $0.0e+00  }
0x9c: {  	v3 =	vld [tilespmem:s29+$0x0];
	v7 =	vadd.f32 v8, v7;
	[tilespmem:s11+$0xFFFFFFE0] =	vst v2;
	v0 =	vmax.f32 v0, $0.0e+00  }
0x9d: {  	v2 =	vld [tilespmem:s12+$0x0];
	[tilespmem:s11+$0x20] =	vst v0  }
0x9e: {  	v0 =	vld [tilespmem:s29+$0xFFFFFF80];
	v5 =	vadd.f32 v5, v7  }
0x9f: {  	v7 =	vld [tilespmem:s13+$0xFFFFFF80]  }
0xa0: {  	s11 =	sadd.s32 $0x100, s11;
	v4 =	vadd.f32 v4, v6;
	v6 =	vld [tilespmem:s13+$0xFFFFFFC0];
	v5 =	vmax.f32 v5, $0.0e+00  }
0xa1: {  	v8 =	vld [tilespmem:s13+$0x0];
	[tilespmem:s11+$0x40] =	vst v5  }
0xa2: {  	v2 =	vadd.f32 v2, v3;
	v3 =	vld [tilespmem:s29+$0x50]  }
0xa3: {  	v0 =	vadd.f32 v1, v0;
	v1 =	vld [tilespmem:s12+$0x50]  }
0xa4: {  	v5 =	vld [tilespmem:s9+$0xFFFFFFB0]  }
0xa5: {  	v0 =	vadd.f32 v7, v0;
	v4 =	vadd.f32 v6, v4;
	v6 =	vld [tilespmem:s13+$0x50]  }
0xa6: {  	v2 =	vadd.f32 v8, v2;
	v7 =	vld [tilespmem:s17+$0xFFFFFFB0]  }
0xa7: {  	v0 =	vmax.f32 v0, $0.0e+00;
	v4 =	vmax.f32 v4, $0.0e+00;
	v8 =	vld [tilespmem:s9+$0xFFFFFFF0]  }
0xa8: {  	[tilespmem:s11+$0xFFFFFF80] =	vst v0;
	v0 =	vmax.f32 v2, $0.0e+00;
	v1 =	vadd.f32 v1, v3;
	v2 =	vld [tilespmem:s17+$0xFFFFFFF0]  }
0xa9: {  	v3 =	vld [tilespmem:s29+$0xFFFFFF90];
	[tilespmem:s11+$0xFFFFFFC0] =	vst v4  }
0xaa: {  	v4 =	vld [tilespmem:s12+$0xFFFFFF90];
	[tilespmem:s11+$0x0] =	vst v0;
	v0 =	vadd.f32 v6, v1  }
0xab: {  	v1 =	vld [tilespmem:s29+$0xFFFFFFD0];
	v5 =	vadd.f32 v7, v5  }
0xac: {  	v6 =	vld [tilespmem:s12+$0xFFFFFFD0];
	v0 =	vmax.f32 v0, $0.0e+00  }
0xad: {  	v7 =	vld [tilespmem:s29+$0x10];
	[tilespmem:s11+$0x50] =	vst v0;
	v0 =	vadd.f32 v2, v8  }
0xae: {  	v2 =	vld [tilespmem:s29+$0x60]  }
0xaf: {  	v3 =	vadd.f32 v4, v3;
	v4 =	vld [tilespmem:s12+$0x60]  }
0xb0: {  	v8 =	vld [tilespmem:s12+$0x10]  }
0xb1: {  	v1 =	vadd.f32 v6, v1;
	v6 =	vld [tilespmem:s13+$0x60]  }
0xb2: {  	v9 =	vld [tilespmem:s13+$0xFFFFFF90]  }
0xb3: {  	v10 =	vld [tilespmem:s13+$0xFFFFFFD0]  }
0xb4: {  	v11 =	vld [tilespmem:s13+$0x10];
	v2 =	vadd.f32 v4, v2  }
0xb5: {  	v4 =	vadd.f32 v8, v7;
	v7 =	vld [tilespmem:s9+$0x30];
	s9 =	smov.u32 s29  }
0xb6: {  	v2 =	vadd.f32 v6, v2;
	v6 =	vld [tilespmem:s17+$0x30];
	s17 =	smov.u32 s12  }
0xb7: {  	v3 =	vadd.f32 v9, v3;
	v8 =	vld [tilespmem:s16+$0xFFFFFFB0]  }
0xb8: {  	v1 =	vadd.f32 v10, v1;
	v2 =	vmax.f32 v2, $0.0e+00;
	v9 =	vld [tilespmem:s16+$0xFFFFFFF0]  }
0xb9: {  	v3 =	vmax.f32 v3, $0.0e+00;
	v4 =	vadd.f32 v11, v4;
	[tilespmem:s11+$0x60] =	vst v2;
	v2 =	vld [tilespmem:s16+$0x30];
	s16 =	smov.u32 s13  }
0xba: {  	[tilespmem:s11+$0xFFFFFF90] =	vst v3;
	v1 =	vmax.f32 v1, $0.0e+00;
	v3 =	vld [tilespmem:s29+$0x70]  }
0xbb: {  	[tilespmem:s11+$0xFFFFFFD0] =	vst v1;
	v1 =	vmax.f32 v4, $0.0e+00;
	v4 =	vld [tilespmem:s12+$0x70];
	v6 =	vadd.f32 v6, v7  }
0xbc: {  	v7 =	vld [tilespmem:s29+$0xFFFFFFA0];
	[tilespmem:s11+$0x10] =	vst v1;
	v1 =	vadd.f32 v8, v5  }
0xbd: {  	v5 =	vld [tilespmem:s13+$0x70];
	v0 =	vadd.f32 v9, v0  }
0xbe: {  	v8 =	vld [tilespmem:s12+$0xFFFFFFA0];
	v1 =	vmax.f32 v1, $0.0e+00;
	v2 =	vadd.f32 v2, v6  }
0xbf: {  	v6 =	vld [tilespmem:s29+$0xFFFFFFE0];
	[tilespmem:s15+$0xFFFFFFB0] =	vst v1;
	v0 =	vmax.f32 v0, $0.0e+00  }
0xc0: {  	v9 =	vld [tilespmem:s12+$0xFFFFFFE0];
	v3 =	vadd.f32 v4, v3;
	[tilespmem:s15+$0xFFFFFFF0] =	vst v0;
	v1 =	vmax.f32 v2, $0.0e+00  }
.Ltmp5:
0xc1: {  	v0 =	vld [tilespmem:s29+$0x20];
	[tilespmem:s15+$0x30] =	vst v1;
	s15 =	smov.u32 s11;
	(pc) =	sbr.rel @p2 .LBB2_4-.Ltmp5, $4  }
0xc2: {  	v1 =	vld [tilespmem:s12+$0x20];
	v4 =	vadd.f32 v5, v3  }
0xc3: {  	v5 =	vadd.f32 v8, v7;
	v3 =	vld [tilespmem:s13+$0xFFFFFFA0]  }
0xc4: {  	v2 =	vld [tilespmem:s13+$0xFFFFFFE0];
	v7 =	vmax.f32 v4, $0.0e+00  }
0xc5: {  	s29 =	sadd.s32 $0x100, s29;
	v6 =	vadd.f32 v9, v6;
	v4 =	vld [tilespmem:s13+$0x20];
	[tilespmem:s11+$0x70] =	vst v7  }
0xc6: {  	_ =	sdelay $0x1  }
0xc7: {  	v3 =	vadd.f32 v3, v5;
	_ =	sdelay $0x1  }
0xc8: {  	v55 =	vmax.f32 v3, $0.0e+00  }
0xc9: {  	v0 =	vadd.f32 v1, v0;
	v54 =	vadd.f32 v2, v6;
	[tilespmem:s11+$0xFFFFFFA0] =	vst v55  }
0xca: {  	v2 =	vld [tilespmem:s9+$0xFFFFFFB0]  }
0xcb: {  	v0 =	vadd.f32 v4, v0;
	v1 =	vmax.f32 v54, $0.0e+00;
	v56 =	vld [tilespmem:s17+$0xFFFFFFB0]  }
0xcc: {  	[tilespmem:s11+$0xFFFFFFE0] =	vst v1;
	v61 =	vld [tilespmem:s16+$0xFFFFFFB0]  }
0xcd: {  	v0 =	vmax.f32 v0, $0.0e+00;
	v57 =	vld [tilespmem:s9+$0xFFFFFFF0]  }
0xce: {  	[tilespmem:s11+$0x20] =	vst v0;
	v58 =	vld [tilespmem:s17+$0xFFFFFFF0]  }
0xcf: {  	v59 =	vld [tilespmem:s9+$0x30]  }
0xd0: {  	v60 =	vld [tilespmem:s17+$0x30]  }
0xd1: {  	v7 =	vld [tilespmem:s16+$0xFFFFFFF0]  }
0xd2: {  	v8 =	vld [tilespmem:s16+$0x30]  }
0xd3: {  	v1 =	vadd.f32 v56, v2  }
0xd4: {  	v0 =	vadd.f32 v58, v57  }
0xd5: {  	v62 =	vadd.f32 v60, v59;
	v1 =	vadd.f32 v61, v1  }
0xd6: {  	v0 =	vadd.f32 v7, v0  }
.Ltmp6:
0xd7: {  	v1 =	vmax.f32 v1, $0.0e+00;
	v2 =	vadd.f32 v8, v62;
	(pc) =	sbr.rel @p1 .LBB2_7-.Ltmp6, $4  }
0xd8: {  	[tilespmem:s15+$0xFFFFFFB0] =	vst v1;
	v0 =	vmax.f32 v0, $0.0e+00  }
0xd9: {  	[tilespmem:s15+$0xFFFFFFF0] =	vst v0;
	v63 =	vmax.f32 v2, $0.0e+00  }
0xda: {  	p2 =	por $0x1, $0x1;
	s9 =	sor.u32 $0x1, s6;
	[tilespmem:s15+$0x30] =	vst v63  }
0xdb: {  	[spmem:s1] =	stream.indirect.scatter.add.f32 [tilespmem:s23], [sflag:$0x6], $0x40, s22, s21, $0xb8;
	[tilespmem:$0x1A300] =	vst v63  }
.LBB2_6:
0xdc: {  	s6 =	sshll.u32 s9, $0x7  }
0xdd: {  	s6 =	sadd.s32 s10, s6  }
0xde: {  	s11 =	sshrl.u32 s6, $0x3  }
0xdf: {  	s6 =	sshll.u32 s6, $0x3;
	s12 =	sadd.s32 s7, s11  }
0xe0: {  	[tilespmem:s21], [sflag:$0x2] =	stream.linear.gather [hbm4b:s12+s2], $0x80, $0x38;
	[tilespmem:$0x1A300] =	vst v63  }
0xe1: {  	s11 =	sadd.s32 s8, s11;
	s6 =	sand.u32 $0x1FFFFC00, s6  }
0xe2: {  	[tilespmem:s31], [sflag:$0x2] =	stream.linear.gather [hbm4b:s11+s2], $0x80, $0x38;
	[tilespmem:$0x1A300] =	vst v63  }
0xe3: {  	p2 =	por $0x0, $0x0;
	s6 =	sadd.s32 s5, s6  }
0xe4: {  	[tilespmem:s0], [sflag:$0x2] =	stream.linear.gather [hbm4b:s6+s2], $0x2000, $0x38;
	[tilespmem:$0x1A300] =	vst v63  }
.LBB2_7:
0xe5: {  	p1 =	seq.s32 s19, $0x0  }
0xe6: {  	s6 =	simm.s32 @!p1 $0x5  }
0xe7: {  	_ =	swait.ge @!p1 [sflag:s6], $0x2000  }
0xe8: {  	[sflag:s6] =	ssyncset.done @!p1 $0x0  }
0xe9: {  	[sflag:s6] =	ssyncadd.s32 @!p1 $0xFFFFE000;
	s6 =	simm.s32 @!p2 $0x2  }
0xea: {  	_ =	swait.ge @!p2 [sflag:s6], $0x80  }
0xeb: {  	[sflag:s6] =	ssyncset.done @!p2 $0x0  }
0xec: {  	[sflag:s6] =	ssyncadd.s32 @!p2 $0xFFFFFF80  }
0xed: {  	_ =	swait.ge @!p2 [sflag:s6], $0x80  }
0xee: {  	[sflag:s6] =	ssyncset.done @!p2 $0x0  }
0xef: {  	[sflag:s6] =	ssyncadd.s32 @!p2 $0xFFFFFF80  }
0xf0: {  	p1 =	sgt.u32 s9, $0x50;
	_ =	swait.ge @!p2 [sflag:s6], $0x2000  }
.Ltmp7:
0xf1: {  	[sflag:s6] =	ssyncset.done @!p2 $0x0;
	(pc) =	sbr.rel @p1 .LBB2_11-.Ltmp7, $4  }
0xf2: {  	s11 =	simm.s32 @!p2 $0x2300;
	[sflag:s6] =	ssyncadd.s32 @!p2 $0xFFFFE000;
	s6 =	simm.s32 @!p2 $0x80  }
0xf3: {  	[tilespmem:s11], [sflag:$0x4] =	stream.indirect.gather @!p2 [hbm4b:s3+s6], $0x40, s6, s6, $0xb8;
	[tilespmem:$0x1A300] =	vst v63  }
0xf4: {  	s12 =	simm.s32 @!p2 $0x6300;
	s11 =	simm.s32 @!p2 $0x180  }
0xf5: {  	[tilespmem:s12], [sflag:$0x4] =	stream.indirect.gather @!p2 [hbm4b:s4+s6], $0x40, s11, s6, $0xb8;
	[tilespmem:$0x1A300] =	vst v63  }
0xf6: {  	_ =	swait.ge [sflag:s24], $0x2000  }
0xf7: {  	[sflag:s24] =	ssyncset.done $0x0  }
0xf8: {  	[sflag:s24] =	ssyncadd.s32 $0xFFFFE000  }
0xf9: {  	_ =	swait.ge [sflag:s24], $0x2000  }
0xfa: {  	[sflag:s24] =	ssyncset.done $0x0  }
0xfb: {  	[sflag:s24] =	ssyncadd.s32 $0xFFFFE000  }
0xfc: {  	v0 =	vld [tilespmem:$0x100]  }
0xfd: {  	v1 =	vld [tilespmem:$0x110]  }
0xfe: {  	v2 =	vld [tilespmem:$0x120]  }
0xff: {  	v3 =	vld [tilespmem:$0x130]  }
0x100: {  	v4 =	vld [tilespmem:$0x140]  }
0x101: {  	[tilespmem:$0x200] =	vst v0;
	v0 =	vld [tilespmem:$0x150]  }
0x102: {  	[tilespmem:$0x210] =	vst v1;
	v1 =	vld [tilespmem:$0x160]  }
0x103: {  	[tilespmem:$0x220] =	vst v2;
	v2 =	vld [tilespmem:$0x170]  }
0x104: {  	[tilespmem:$0x230] =	vst v3  }
0x105: {  	[tilespmem:$0x240] =	vst v4  }
0x106: {  	[tilespmem:$0x250] =	vst v0  }
0x107: {  	[tilespmem:$0x260] =	vst v1  }
0x108: {  	s6 =	simm.s32 $0x380;
	[tilespmem:$0x270] =	vst v2  }
0x109: {  	s11 =	simm.s32 $0x4380;
	v0 =	vld [tilespmem:s6+$0x40]  }
0x10a: {  	v1 =	vld [tilespmem:s11+$0x40]  }
0x10b: {  	s12 =	simm.s32 $0x8380  }
0x10c: {  	v2 =	vld [tilespmem:s12+$0x40];
	_ =	sdelay $0x2  }
0x10d: {  	v0 =	vadd.f32 v1, v0;
	_ =	sdelay $0x1  }
0x10e: {  	v3 =	vld [tilespmem:s6+$0xFFFFFF80];
	v0 =	vadd.f32 v2, v0  }
0x10f: {  	v4 =	vld [tilespmem:s12+$0xFFFFFF80]  }
0x110: {  	s9 =	simm.s32 $0xC380;
	v6 =	vld [tilespmem:s11+$0xFFFFFFC0];
	v0 =	vmax.f32 v0, $0.0e+00  }
0x111: {  	v1 =	vld [tilespmem:s11+$0xFFFFFF80];
	[tilespmem:s9+$0x40] =	vst v0  }
0x112: {  	v0 =	vld [tilespmem:s6+$0x50]  }
0x113: {  	v5 =	vld [tilespmem:s11+$0x50]  }
0x114: {  	v2 =	vld [tilespmem:s6+$0xFFFFFFC0]  }
0x115: {  	v7 =	vld [tilespmem:s12+$0x50]  }
0x116: {  	v1 =	vadd.f32 v1, v3  }
0x117: {  	v3 =	vld [tilespmem:s12+$0xFFFFFFC0]  }
0x118: {  	v8 =	vld [tilespmem:s6+$0x0];
	v1 =	vadd.f32 v4, v1;
	v0 =	vadd.f32 v5, v0  }
0x119: {  	v4 =	vld [tilespmem:s11+$0x0]  }
0x11a: {  	v2 =	vadd.f32 v6, v2;
	v1 =	vmax.f32 v1, $0.0e+00;
	v0 =	vadd.f32 v7, v0  }
0x11b: {  	[tilespmem:s9+$0xFFFFFF80] =	vst v1;
	v5 =	vld [tilespmem:s12+$0x0]  }
0x11c: {  	v1 =	vadd.f32 v3, v2;
	v2 =	vld [tilespmem:s6+$0xFFFFFF90];
	v0 =	vmax.f32 v0, $0.0e+00  }
0x11d: {  	v3 =	vld [tilespmem:s11+$0xFFFFFF90];
	[tilespmem:s9+$0x50] =	vst v0  }
0x11e: {  	v1 =	vmax.f32 v1, $0.0e+00;
	v0 =	vadd.f32 v4, v8;
	v4 =	vld [tilespmem:s6+$0x60]  }
0x11f: {  	[tilespmem:s9+$0xFFFFFFC0] =	vst v1;
	v1 =	vld [tilespmem:s11+$0x60]  }
0x120: {  	v7 =	vld [tilespmem:s11+$0xFFFFFFD0];
	v0 =	vadd.f32 v5, v0  }
0x121: {  	v6 =	vld [tilespmem:s12+$0x60]  }
0x122: {  	v2 =	vadd.f32 v3, v2;
	v3 =	vld [tilespmem:s12+$0xFFFFFFD0];
	v0 =	vmax.f32 v0, $0.0e+00  }
0x123: {  	[tilespmem:s9+$0x0] =	vst v0;
	v0 =	vld [tilespmem:s12+$0xFFFFFF90]  }
0x124: {  	v5 =	vld [tilespmem:s6+$0xFFFFFFD0];
	v1 =	vadd.f32 v1, v4  }
0x125: {  	v8 =	vld [tilespmem:s6+$0x10]  }
0x126: {  	v4 =	vld [tilespmem:s11+$0x10];
	v1 =	vadd.f32 v6, v1;
	_ =	sdelay $0x1  }
0x127: {  	v6 =	vld [tilespmem:s12+$0x10];
	v0 =	vadd.f32 v0, v2;
	v1 =	vmax.f32 v1, $0.0e+00  }
0x128: {  	v2 =	vadd.f32 v7, v5;
	[tilespmem:s9+$0x60] =	vst v1  }
0x129: {  	v0 =	vmax.f32 v0, $0.0e+00;
	v1 =	vld [tilespmem:s6+$0x70]  }
0x12a: {  	v4 =	vadd.f32 v4, v8;
	v2 =	vadd.f32 v3, v2;
	[tilespmem:s9+$0xFFFFFF90] =	vst v0;
	v0 =	vld [tilespmem:s11+$0x70]  }
0x12b: {  	v5 =	vld [tilespmem:s12+$0x70]  }
0x12c: {  	v4 =	vadd.f32 v6, v4;
	v3 =	vld [tilespmem:s6+$0xFFFFFFA0];
	v2 =	vmax.f32 v2, $0.0e+00  }
0x12d: {  	v6 =	vld [tilespmem:s11+$0xFFFFFFA0];
	[tilespmem:s9+$0xFFFFFFD0] =	vst v2  }
0x12e: {  	v2 =	vmax.f32 v4, $0.0e+00;
	v7 =	vld [tilespmem:s6+$0xFFFFFFE0]  }
0x12f: {  	[tilespmem:s9+$0x10] =	vst v2;
	v8 =	vld [tilespmem:s11+$0xFFFFFFE0];
	v2 =	vadd.f32 v0, v1  }
0x130: {  	v0 =	vld [tilespmem:s6+$0x20]  }
0x131: {  	v1 =	vld [tilespmem:s11+$0x20];
	v5 =	vadd.f32 v5, v2  }
0x132: {  	v4 =	vld [tilespmem:s12+$0xFFFFFFA0]  }
0x133: {  	s17 =	simm.s32 $0x0;
	s25 =	simm.s32 $0x480;
	v2 =	vld [tilespmem:s12+$0xFFFFFFE0];
	v9 =	vmax.f32 v5, $0.0e+00  }
0x134: {  	s16 =	simm.s32 $0x4380;
	s15 =	simm.s32 $0x8380;
	s13 =	simm.s32 $0xC380;
	v5 =	vadd.f32 v6, v3;
	v6 =	vadd.f32 v8, v7;
	v3 =	vld [tilespmem:s12+$0x20];
	[tilespmem:s9+$0x70] =	vst v9  }
.LBB2_9:
0x135: {  	v7 =	vld [tilespmem:s25+$0x40];
	s11 =	sadd.s32 $0x100, s11  }
0x136: {  	v8 =	vld [tilespmem:s11+$0x40];
	v0 =	vadd.f32 v1, v0  }
0x137: {  	s12 =	sadd.s32 $0x100, s12;
	v1 =	vld [tilespmem:s11+$0xFFFFFF80];
	v4 =	vadd.f32 v4, v5  }
0x138: {  	v5 =	vld [tilespmem:s12+$0x40];
	v2 =	vadd.f32 v2, v6  }
0x139: {  	s17 =	sadd.s32 $0x4, s17;
	v6 =	vld [tilespmem:s25+$0xFFFFFFC0];
	v4 =	vmax.f32 v4, $0.0e+00;
	v0 =	vadd.f32 v3, v0  }
0x13a: {  	p1 =	slt.u32 s17, $0x7C;
	v3 =	vld [tilespmem:s11+$0xFFFFFFC0];
	[tilespmem:s9+$0xFFFFFFA0] =	vst v4;
	v2 =	vmax.f32 v2, $0.0e+00  }
0x13b: {  	v4 =	vld [tilespmem:s25+$0x0];
	v7 =	vadd.f32 v8, v7;
	[tilespmem:s9+$0xFFFFFFE0] =	vst v2;
	v0 =	vmax.f32 v0, $0.0e+00  }
0x13c: {  	v2 =	vld [tilespmem:s11+$0x0];
	[tilespmem:s9+$0x20] =	vst v0  }
0x13d: {  	v0 =	vld [tilespmem:s25+$0xFFFFFF80];
	v5 =	vadd.f32 v5, v7  }
0x13e: {  	v7 =	vld [tilespmem:s12+$0xFFFFFF80]  }
0x13f: {  	s9 =	sadd.s32 $0x100, s9;
	v3 =	vadd.f32 v3, v6;
	v6 =	vld [tilespmem:s12+$0xFFFFFFC0];
	v5 =	vmax.f32 v5, $0.0e+00  }
0x140: {  	v8 =	vld [tilespmem:s12+$0x0];
	[tilespmem:s9+$0x40] =	vst v5  }
0x141: {  	v2 =	vadd.f32 v2, v4;
	v4 =	vld [tilespmem:s25+$0x50]  }
0x142: {  	v0 =	vadd.f32 v1, v0;
	v1 =	vld [tilespmem:s11+$0x50]  }
0x143: {  	v5 =	vld [tilespmem:s6+$0xFFFFFFB0]  }
0x144: {  	v0 =	vadd.f32 v7, v0;
	v3 =	vadd.f32 v6, v3;
	v6 =	vld [tilespmem:s12+$0x50]  }
0x145: {  	v2 =	vadd.f32 v8, v2;
	v7 =	vld [tilespmem:s16+$0xFFFFFFB0]  }
0x146: {  	v0 =	vmax.f32 v0, $0.0e+00;
	v3 =	vmax.f32 v3, $0.0e+00;
	v8 =	vld [tilespmem:s6+$0xFFFFFFF0]  }
0x147: {  	[tilespmem:s9+$0xFFFFFF80] =	vst v0;
	v0 =	vmax.f32 v2, $0.0e+00;
	v1 =	vadd.f32 v1, v4;
	v2 =	vld [tilespmem:s16+$0xFFFFFFF0]  }
0x148: {  	v4 =	vld [tilespmem:s25+$0xFFFFFF90];
	[tilespmem:s9+$0xFFFFFFC0] =	vst v3  }
0x149: {  	v3 =	vld [tilespmem:s11+$0xFFFFFF90];
	[tilespmem:s9+$0x0] =	vst v0;
	v0 =	vadd.f32 v6, v1  }
0x14a: {  	v1 =	vld [tilespmem:s25+$0xFFFFFFD0];
	v5 =	vadd.f32 v7, v5  }
0x14b: {  	v6 =	vld [tilespmem:s11+$0xFFFFFFD0];
	v0 =	vmax.f32 v0, $0.0e+00  }
0x14c: {  	v7 =	vld [tilespmem:s25+$0x10];
	[tilespmem:s9+$0x50] =	vst v0;
	v0 =	vadd.f32 v2, v8  }
0x14d: {  	v2 =	vld [tilespmem:s25+$0x60]  }
0x14e: {  	v3 =	vadd.f32 v3, v4;
	v4 =	vld [tilespmem:s11+$0x60]  }
0x14f: {  	v8 =	vld [tilespmem:s11+$0x10]  }
0x150: {  	v1 =	vadd.f32 v6, v1;
	v6 =	vld [tilespmem:s12+$0x60]  }
0x151: {  	v9 =	vld [tilespmem:s12+$0xFFFFFF90]  }
0x152: {  	v10 =	vld [tilespmem:s12+$0xFFFFFFD0]  }
0x153: {  	v11 =	vld [tilespmem:s12+$0x10];
	v2 =	vadd.f32 v4, v2  }
0x154: {  	v4 =	vadd.f32 v8, v7;
	v7 =	vld [tilespmem:s6+$0x30];
	s6 =	smov.u32 s25  }
0x155: {  	v2 =	vadd.f32 v6, v2;
	v6 =	vld [tilespmem:s16+$0x30];
	s16 =	smov.u32 s11  }
0x156: {  	v3 =	vadd.f32 v9, v3;
	v8 =	vld [tilespmem:s15+$0xFFFFFFB0]  }
0x157: {  	v1 =	vadd.f32 v10, v1;
	v2 =	vmax.f32 v2, $0.0e+00;
	v9 =	vld [tilespmem:s15+$0xFFFFFFF0]  }
0x158: {  	v3 =	vmax.f32 v3, $0.0e+00;
	v4 =	vadd.f32 v11, v4;
	[tilespmem:s9+$0x60] =	vst v2;
	v2 =	vld [tilespmem:s15+$0x30];
	s15 =	smov.u32 s12  }
0x159: {  	[tilespmem:s9+$0xFFFFFF90] =	vst v3;
	v1 =	vmax.f32 v1, $0.0e+00;
	v3 =	vld [tilespmem:s25+$0x70]  }
0x15a: {  	[tilespmem:s9+$0xFFFFFFD0] =	vst v1;
	v1 =	vmax.f32 v4, $0.0e+00;
	v4 =	vld [tilespmem:s11+$0x70];
	v6 =	vadd.f32 v6, v7  }
0x15b: {  	v7 =	vld [tilespmem:s25+$0xFFFFFFA0];
	[tilespmem:s9+$0x10] =	vst v1;
	v1 =	vadd.f32 v8, v5  }
0x15c: {  	v5 =	vld [tilespmem:s12+$0x70];
	v0 =	vadd.f32 v9, v0  }
0x15d: {  	v8 =	vld [tilespmem:s11+$0xFFFFFFA0];
	v1 =	vmax.f32 v1, $0.0e+00;
	v2 =	vadd.f32 v2, v6  }
0x15e: {  	v6 =	vld [tilespmem:s25+$0xFFFFFFE0];
	[tilespmem:s13+$0xFFFFFFB0] =	vst v1;
	v0 =	vmax.f32 v0, $0.0e+00  }
0x15f: {  	v9 =	vld [tilespmem:s11+$0xFFFFFFE0];
	v3 =	vadd.f32 v4, v3;
	[tilespmem:s13+$0xFFFFFFF0] =	vst v0;
	v1 =	vmax.f32 v2, $0.0e+00  }
.Ltmp8:
0x160: {  	v0 =	vld [tilespmem:s25+$0x20];
	[tilespmem:s13+$0x30] =	vst v1;
	s13 =	smov.u32 s9;
	(pc) =	sbr.rel @p1 .LBB2_9-.Ltmp8, $4  }
0x161: {  	v1 =	vld [tilespmem:s11+$0x20];
	v3 =	vadd.f32 v5, v3  }
0x162: {  	v5 =	vadd.f32 v8, v7;
	v4 =	vld [tilespmem:s12+$0xFFFFFFA0]  }
0x163: {  	v2 =	vld [tilespmem:s12+$0xFFFFFFE0];
	v7 =	vmax.f32 v3, $0.0e+00  }
0x164: {  	s25 =	sadd.s32 $0x100, s25;
	v6 =	vadd.f32 v9, v6;
	v3 =	vld [tilespmem:s12+$0x20];
	[tilespmem:s9+$0x70] =	vst v7  }
0x165: {  	_ =	sdelay $0x1  }
0x166: {  	v4 =	vadd.f32 v4, v5;
	_ =	sdelay $0x1  }
0x167: {  	v55 =	vmax.f32 v4, $0.0e+00  }
0x168: {  	v0 =	vadd.f32 v1, v0;
	v54 =	vadd.f32 v2, v6;
	[tilespmem:s9+$0xFFFFFFA0] =	vst v55  }
0x169: {  	v2 =	vld [tilespmem:s6+$0xFFFFFFB0]  }
0x16a: {  	v0 =	vadd.f32 v3, v0;
	v1 =	vmax.f32 v54, $0.0e+00;
	v56 =	vld [tilespmem:s16+$0xFFFFFFB0]  }
0x16b: {  	[tilespmem:s9+$0xFFFFFFE0] =	vst v1;
	v61 =	vld [tilespmem:s15+$0xFFFFFFB0]  }
0x16c: {  	v0 =	vmax.f32 v0, $0.0e+00;
	v57 =	vld [tilespmem:s6+$0xFFFFFFF0]  }
0x16d: {  	[tilespmem:s9+$0x20] =	vst v0;
	v58 =	vld [tilespmem:s16+$0xFFFFFFF0]  }
0x16e: {  	v59 =	vld [tilespmem:s6+$0x30]  }
0x16f: {  	v60 =	vld [tilespmem:s16+$0x30]  }
0x170: {  	v7 =	vld [tilespmem:s15+$0xFFFFFFF0]  }
0x171: {  	v8 =	vld [tilespmem:s15+$0x30]  }
0x172: {  	v1 =	vadd.f32 v56, v2  }
0x173: {  	v0 =	vadd.f32 v58, v57  }
0x174: {  	v62 =	vadd.f32 v60, v59;
	v1 =	vadd.f32 v61, v1  }
0x175: {  	v0 =	vadd.f32 v7, v0  }
.Ltmp9:
0x176: {  	v1 =	vmax.f32 v1, $0.0e+00;
	v2 =	vadd.f32 v8, v62;
	(pc) =	sbr.rel .LBB2_11-.Ltmp9, $4  }
0x177: {  	[tilespmem:s13+$0xFFFFFFB0] =	vst v1;
	v0 =	vmax.f32 v0, $0.0e+00  }
0x178: {  	[tilespmem:s13+$0xFFFFFFF0] =	vst v0;
	v63 =	vmax.f32 v2, $0.0e+00  }
0x179: {  	[tilespmem:s13+$0x30] =	vst v63  }
0x17a: {  	[spmem:s1] =	stream.indirect.scatter.add.f32 [tilespmem:s28], [sflag:$0x5], $0x40, s26, s21, $0xb8;
	[tilespmem:$0x1A300] =	vst v63  }
.LBB2_13:
0x17b: {  	_ =	sfence.sel $0x180000  }
0x17c: {  	[bflag:$0x0] =	sbarrier.arrive $0xFFFF  }
0x17d: {  	_ =	strace $0x9000004D  }
0x17e: {  	[bflag:$0x2] =	sbarrier.arrive $0xFFFF  }
0x17f: {  	s0 =	rddreg [dreg:$0x2]  }
0x180: {  	s0 =	sadd.s32 @!p0 $0x100000, s0  }
0x181: {  	[sflag:s0] =	ssyncadd.tile.s32 @!p0 $0x1;
	_ =	shalt  }
.Lfunc_end2:
_tile_overlayer_lowered:
.L_overlay_start_2:
0x182: {  	(tag) =	ssettag $0x2  }
0x183: {  	s0 =	rddreg [dreg:$0x0];
	s2 =	stileid.u32  }
0x184: {  	s1 =	rddreg [dreg:$0x1];
	p0 =	sne.s32 s2, $0x0  }
0x185: {  	s3 =	rddreg [dreg:$0x2];
	[bflag:$0x3] =	sbarrier.arrive $0xFFFF;
	s2 =	simm.s32 @!p0 $0x1C07  }
0x186: {  	[timem:s3], [sflag:s2] =	dma.local @!p0 [hbm:s0], s1  }
0x187: {  	s0 =	simm.s32 @!p0 $0x7  }
0x188: {  	_ =	swait.ge @!p0 [sflag:s0], s1  }
0x189: {  	s1 =	ssub.s32 @!p0 $0x0, s1;
	[sflag:s0] =	ssyncset.done @!p0 $0x0  }
0x18a: {  	[sflag:s0] =	ssyncadd.s32 @!p0 s1  }
0x18b: {  	[bflag:$0x3] =	sbarrier.arrive $0xFFFF  }
0x18c: {  	_ =	shalt  }

// kernel: kernel.28.cloned.1.call-start
scs
__scs_entry_jumppad:
0x0: {  	(pc) =	sbr.rel $0x88, $3  }
0x1: {  	(tag) =	ssettag $0x0;
	lr =	simm.s32 $0x1  }
0x2: {  	[smem:$0x3F6D] =	sst lr;
	_ =	strace $0xD0000000  }
0x3: {  	_ = 	snop  }
0x4: {  	_ = 	snop  }
0x5: {  	_ = 	snop  }
0x6: {  	_ = 	snop  }
0x7: {  	_ = 	snop  }
__scs_overlays_trampoline_lowered:
0x8: {  	[smem:$0x3F7C] =	sst s0  }
0x9: {  	[smem:$0x3F7D] =	sst s1  }
0xa: {  	[smem:$0x3F7E] =	sst s2  }
0xb: {  	[smem:$0x3F7F] =	sst s3  }
0xc: {  	[smem:$0x3F80] =	sst s4  }
0xd: {  	[smem:$0x3F81] =	sst s5  }
0xe: {  	[smem:$0x3F82] =	sst s6  }
0xf: {  	[smem:$0x3F83] =	sst s7  }
0x10: {  	[smem:$0x3F84] =	sst s8  }
0x11: {  	[smem:$0x3F85] =	sst s9;
	s0 =	simm.s32 @!p0 $0x0  }
0x12: {  	s1 =	sld [smem:$0x3F6B];
	s0 =	simm.s32 @p0 $0x1  }
0x13: {  	[smem:$0x3F86] =	sst s0;
	s0 =	simm.s32 @!p1 $0x0  }
0x14: {  	s2 =	sld [smem:$0x3F6A];
	s0 =	simm.s32 @p1 $0x1  }
0x15: {  	[smem:$0x3F87] =	sst s0;
	s0 =	simm.s32 @!p2 $0x0  }
0x16: {  	s3 =	sld [smem:$0x3FDB];
	s0 =	simm.s32 @p2 $0x1  }
0x17: {  	s4 =	simm.s32 $0x1BF5;
	[smem:$0x3F89] =	sst s0  }
0x18: {  	s0 =	sld [smem:$0x3F6C];
	_ =	swait.ge [sflag:s4], $0x0  }
0x19: {  	s7 =	sld [smem:$0x3F6D]  }
0x1a: {  	s8 =	sadd.s32 $0xFFFFE003, lr  }
0x1b: {  	s9 =	sadd.s32 $0xFFFFFEF7, lr;
	s5 =	simm.s32 $0xFFFFFFFF;
	p2 =	slt.u32 s8, $0xFFFFF086  }
0x1c: {  	p1 =	slt.u32 s9, $0xF7A;
	s5 =	simm.s32 @!p2 $0x0  }
0x1d: {  	s5 =	simm.s32 @p1 $0x1;
	p0 =	seq.s32 s7, s2  }
0x1e: {  	s7 =	smul.u32 @!p0 $0xF7A, s2;
	p2 =	seq.s32 @!p0 s5, $0x0  }
0x1f: {  	s9 =	smul.u32 $0xF7A, s1;
	s8 =	simm.s32 @!p0 $0x1BF5;
	p2 =	por !p2, p0  }
0x20: {  	[sflag:s8] =	ssyncset.s32 @!p0 $0xFFFFF086;
	s6 =	sadd.s32 @!p0 s3, s7;
	s7 =	simm.s32 @!p0 $0x108  }
0x21: {  	s3 =	sadd.s32 s3, s9;
	s6 =	sadd.s32 @!p0 $0x88, s6;
	s7 =	simm.s32 @p2 $0x1082  }
0x22: {  	[simem:s7], [sflag:s8] =	dma.local @!p0 [hbm:s6], $0xF7A  }
0x23: {  	s9 =	sor.u32 $0xD0000000, s2;
	s6 =	simm.s32 $0x108;
	_ =	swait.ge @!p0 [sflag:s8], $0x0  }
0x24: {  	s3 =	sadd.s32 $0x88, s3;
	s6 =	simm.s32 @!p1 $0x1082;
	[sflag:s4] =	ssyncset.s32 $0xFFFFF086  }
0x25: {  	[simem:s6], [sflag:s4] =	dma.local [hbm:s3], $0xF7A  }
0x26: {  	[smem:$0x3F6D] =	sst s1;
	(tag) =	ssettag s2;
	_ =	strace s9  }
0x27: {  	s1 =	sld [smem:$0x3F7D]  }
0x28: {  	s2 =	sld [smem:$0x3F7E]  }
0x29: {  	s4 =	sld [smem:$0x3F80]  }
0x2a: {  	p0 =	seq.s32 s5, $0x0;
	s5 =	sld [smem:$0x3F81]  }
0x2b: {  	s6 =	sld [smem:$0x3F82]  }
0x2c: {  	s7 =	sld [smem:$0x3F83]  }
0x2d: {  	s3 =	simm.s32 $0x108;
	s8 =	sld [smem:$0x3F84]  }
0x2e: {  	s3 =	simm.s32 @!p0 $0x1082;
	s9 =	sld [smem:$0x3F85]  }
0x2f: {  	lr =	sadd.s32 s0, s3;
	s0 =	sld [smem:$0x3F7C]  }
0x30: {  	s3 =	sld [smem:$0x3F7F]  }
0x31: {  	[smem:$0x3F88] =	sst s10  }
0x32: {  	s10 =	sld [smem:$0x3F86];
	_ =	sdelay $0x3  }
0x33: {  	p0 =	seq.s32 s10, $0x1;
	s10 =	sld [smem:$0x3F88];
	_ =	sdelay $0x3  }
0x34: {  	[smem:$0x3F88] =	sst s10  }
0x35: {  	s10 =	sld [smem:$0x3F87];
	_ =	sdelay $0x3  }
0x36: {  	p1 =	seq.s32 s10, $0x1;
	s10 =	sld [smem:$0x3F88];
	_ =	sdelay $0x3  }
0x37: {  	[smem:$0x3F88] =	sst s10  }
0x38: {  	s10 =	sld [smem:$0x3F89]  }
0x39: {  	_ = 	snop;
	(pc) =	sbr.ind lr, $3  }
0x3a: {  	_ = 	snop  }
0x3b: {  	_ = 	snop  }
0x3c: {  	p2 =	seq.s32 s10, $0x1;
	s10 =	sld [smem:$0x3F88]  }
0x3d: {  	_ =	shalt  }
0x3e: {  	_ =	shalt  }
0x3f: {  	_ =	shalt  }
0x40: {  	_ =	shalt  }
0x41: {  	_ =	shalt  }
0x42: {  	_ =	shalt  }
0x43: {  	_ =	shalt  }
0x44: {  	_ =	shalt  }
0x45: {  	_ =	shalt  }
0x46: {  	_ =	shalt  }
0x47: {  	_ =	shalt  }
0x48: {  	_ =	shalt  }
0x49: {  	_ =	shalt  }
0x4a: {  	_ =	shalt  }
0x4b: {  	_ =	shalt  }
0x4c: {  	_ =	shalt  }
0x4d: {  	_ =	shalt  }
0x4e: {  	_ =	shalt  }
0x4f: {  	_ =	shalt  }
0x50: {  	_ =	shalt  }
0x51: {  	_ =	shalt  }
0x52: {  	_ =	shalt  }
0x53: {  	_ =	shalt  }
0x54: {  	_ =	shalt  }
0x55: {  	_ =	shalt  }
0x56: {  	_ =	shalt  }
0x57: {  	_ =	shalt  }
0x58: {  	_ =	shalt  }
0x59: {  	_ =	shalt  }
0x5a: {  	_ =	shalt  }
0x5b: {  	_ =	shalt  }
0x5c: {  	_ =	shalt  }
0x5d: {  	_ =	shalt  }
0x5e: {  	_ =	shalt  }
0x5f: {  	_ =	shalt  }
0x60: {  	_ =	shalt  }
0x61: {  	_ =	shalt  }
0x62: {  	_ =	shalt  }
0x63: {  	_ =	shalt  }
0x64: {  	_ =	shalt  }
0x65: {  	_ =	shalt  }
0x66: {  	_ =	shalt  }
0x67: {  	_ =	shalt  }
0x68: {  	_ =	shalt  }
0x69: {  	_ =	shalt  }
0x6a: {  	_ =	shalt  }
0x6b: {  	_ =	shalt  }
0x6c: {  	_ =	shalt  }
0x6d: {  	_ =	shalt  }
0x6e: {  	_ =	shalt  }
0x6f: {  	_ =	shalt  }
0x70: {  	_ =	shalt  }
0x71: {  	_ =	shalt  }
0x72: {  	_ =	shalt  }
0x73: {  	_ =	shalt  }
0x74: {  	_ =	shalt  }
0x75: {  	_ =	shalt  }
0x76: {  	_ =	shalt  }
0x77: {  	_ =	shalt  }
0x78: {  	_ =	shalt  }
0x79: {  	_ =	shalt  }
0x7a: {  	_ =	shalt  }
0x7b: {  	_ =	shalt  }
0x7c: {  	_ =	shalt  }
0x7d: {  	_ =	shalt  }
0x7e: {  	_ =	shalt  }
0x7f: {  	_ =	shalt  }
0x80: {  	_ =	shalt  }
0x81: {  	_ =	shalt  }
0x82: {  	_ =	shalt  }
0x83: {  	_ =	shalt  }
0x84: {  	_ =	shalt  }
0x85: {  	_ =	shalt  }
0x86: {  	_ =	shalt  }
0x87: {  	_ =	shalt  }
.Lfunc_end0:
.L_simem_size_0:
called_computation.3_lowered:
.L_overlay_start_0:
0x88: {  	s2 =	sld [smem:$0x3FD9]  }
0x89: {  	s3 =	sld [smem:$0x3FFE];
	_ =	sdelay $0x1  }
0x8a: {  	s1 =	srdreg.scid  }
0x8b: {  	s0 =	sand.u32 $0x1, s1  }
0x8c: {  	s16 =	sshll.u32 s0, $0xA;
	s2 =	sadd.s32 s3, s2  }
0x8d: {  	s2 =	sadd.s32 s2, s16  }
0x8e: {  	[smem:$0x3F94] =	sst s2  }
0x8f: {  	_ = 	snop  }
0x90: {  	(tm) =	ssettm $0x1  }
0x91: {  	s17 =	sld [smem:$0x3FFB];
	_ =	sdelay $0x3  }
0x92: {  	_ =	strace s17  }
0x93: {  	s2 =	sld [smem:$0x3FFC];
	_ =	sdelay $0x3  }
0x94: {  	_ =	strace s2  }
0x95: {  	s2 =	sld [smem:$0x3FFD];
	_ =	sdelay $0x3  }
0x96: {  	_ =	strace s2  }
0x97: {  	_ =	strace $0x8FFFFFFF  }
0x98: {  	s18 =	sld [smem:$0x3FDB];
	_ =	sdelay $0x1  }
0x99: {  	s19 =	simm.s32 $_scs_section_size  }
0x9a: {  	s4 =	simm.s32 $_size__tile_overlayer_lowered;
	s5 =	simm.s32 $_tile_overlayer_lowered  }
0x9b: {  	s22 =	simm.s32 $0x1BFF;
	s21 =	sshll.u32 s5, $0x1;
	s2 =	sadd.s32 s19, s18  }
0x9c: {  	s6 =	simm.s32 $0x0;
	s20 =	sshll.u32 s4, $0x1;
	s4 =	sadd.s32 s21, s2  }
0x9d: {  	[timem:s6], [sflag:s22] =	dma.local [hbm:s4], s20  }
0x9e: {  	_ =	swait.ge [sflag:s22], s20  }
0x9f: {  	s3 =	ssub.s32 $0x0, s20;
	[sflag:s22] =	ssyncset.done $0x0  }
0xa0: {  	[sflag:s22] =	ssyncadd.s32 s3;
	_ =	sdelay $0x1  }
0xa1: {  	s23 =	simm.s32 $0x1B8B  }
0xa2: {  	_ =	swait.ge [sflag:s23], $0x1  }
0xa3: {  	[sflag:s23] =	ssyncset.done $0x0  }
0xa4: {  	s25 =	simm.s32 $0x1B8E;
	s24 =	sld [smem:$0x3FFE];
	[sflag:s23] =	ssyncadd.s32 $0xFFFFFFFF  }
0xa5: {  	s26 =	simm.s32 $execute0_lowered;
	[smem:$0x3FD2] =	sst s25  }
0xa6: {  	s4 =	sshll.u32 s26, $0x1;
	_ =	strace $0x8000004F;
	[dreg:$0x1] =	wrdreg $0xFFFFFFFF  }
0xa7: {  	s28 =	simm.s32 $_size_execute0_lowered;
	s2 =	sadd.s32 s2, s4;
	[dreg:$0x0] =	wrdreg $0x0  }
0xa8: {  	s4 =	sshll.u32 s28, $0x1;
	[dreg:$0x2] =	wrdreg s2  }
0xa9: {  	[dreg:$0x3] =	wrdreg s4  }
0xaa: {  	[dreg:$0x4] =	wrdreg $0xC0  }
0xab: {  	_ =	task [dreg:s6], $0x5FFFF  }
0xac: {  	[dreg:$0x1] =	wrdreg $0xFFFFFFFF  }
0xad: {  	[dreg:$0x0] =	wrdreg $0x60  }
0xae: {  	[dreg:$0x2] =	wrdreg s24  }
0xaf: {  	[dreg:$0x3] =	wrdreg $0x103000  }
0xb0: {  	[dreg:$0x4] =	wrdreg $0x9  }
0xb1: {  	_ =	task.clear_ibuf [dreg:s6], $0x5FFFF;
	_ =	strace $0x9000004F  }
0xb2: {  	s29 =	simm.s32 $0x9;
	_ =	strace $0x80000051  }
0xb3: {  	_ =	swait.ge [sflag:s29], $0x1  }
0xb4: {  	[sflag:s29] =	ssyncadd.s32 $0xFFFFFFFF  }
0xb5: {  	_ =	strace $0x90000051  }
0xb6: {  	_ =	sfence  }
0xb7: {  	s30 =	sld [smem:$0x0];
	_ =	sdelay $0x2  }
0xb8: {  	s31 =	sshll.u32 s1, $0xD;
	s1 =	sshrl.u32 s1, $0x2  }
0xb9: {  	s3 =	sand.u32 $0x4000, s31;
	s1 =	sadd.s32 s1, s30  }
0xba: {  	s0 =	sor.u32 s3, s0;
	s1 =	sshll.u32 s1, $0x11  }
0xbb: {  	s0 =	sor.u32 s1, s0  }
0xbc: {  	s0 =	sadd.s32 $0x8F2B, s0  }
0xbd: {  	[sflag:s0] =	ssyncadd.remote.s32 $0x1  }
0xbe: {  	_ =	sfence.sel $0xFFFF  }
0xbf: {  	[dreg:$0x0] =	wrdreg $0xFFFFFFFF;
	(pc) =	sbr.abs _section_cstart, $3  }
0xc0: {  	[dreg:$0x1] =	wrdreg $0xFFFFFFFF  }
0xc1: {  	_ =	task.clear_ibuf [dreg:s6], $0x2FFFF;
	_ =	strace $0x9FFFFFFF  }
0xc2: {  	(tm) =	ssettm $0x7FFFFFFF  }
0xc3: {  	_ =	shalt  }
tec
execute0_lowered:
.L_overlay_start_1:
0x0: {  	(tag) =	ssettag $0x1  }
0x1: {  	s0 =	rddreg [dreg:$0x0]  }
0x2: {  	s1 =	rddreg [dreg:$0x1];
	s2 =	simm.s32 $0x0  }
0x3: {  	s5 =	srdreg.scid;
	s15 =	stileid.u32;
	s20 =	simm.s32 $0x4  }
0x4: {  	s21 =	simm.s32 $0x80;
	s22 =	simm.s32 $0x280;
	s28 =	simm.s32 $0xC300  }
0x5: {  	s30 =	simm.s32 $0x7;
	s31 =	simm.s32 $0x180;
	[smem:$0x7FF] =	sst s2  }
0x6: {  	s18 =	simm.s32 $0x0;
	s3 =	sadd.s32 $0x369200, s0;
	s4 =	sadd.s32 $0x355200, s0  }
0x7: {  	s6 =	sand.u32 $0x1, s5;
	s5 =	sadd.s32 $0x5BC200, s0;
	s7 =	sadd.s32 $0x2E7200, s0  }
0x8: {  	s11 =	smul.u32 $0xA000, s15;
	s10 =	sshll.u32 s15, $0x1;
	s8 =	sadd.s32 $0x2DD200, s0  }
0x9: {  	s12 =	sadd.s32 $0x2F1200, s0;
	s9 =	smul.u32 $0xA0000, s6;
	s23 =	sor.u32 s6, s10  }
0xa: {  	p0 =	sne.s32 s15, $0x0;
	_ =	strace $0x80000050;
	s10 =	smul.u32 $0x2800, s23  }
0xb: {  	[dreg:$0x3] =	wrdreg s12;
	s6 =	ssub.s32 $0x2, s6;
	s12 =	smul.u32 $0x14000, s23  }
0xc: {  	s13 =	sshrl.u32 s6, $0x1;
	s29 =	sadd.s32 s11, s1;
	s9 =	sadd.s32 s11, s9  }
0xd: {  	s6 =	ssub.s32 s6, s13;
	s9 =	sshrl.u32 s9, $0x3;
	s26 =	sadd.s32 s5, s12  }
0xe: {  	s24 =	sshrl.u32 s10, $0x3;
	s6 =	smax.u32 s6, $0x1;
	[dreg:$0x6] =	wrdreg s26  }
0xf: {  	s0 =	sadd.s32 s9, s0;
	s25 =	sadd.s32 s7, s24;
	[dreg:$0x8] =	wrdreg s6  }
.Ltmp0:
0x10: {  	s9 =	sadd.s32 s8, s24;
	[dreg:$0x4] =	wrdreg s25;
	(pc) =	sbr.rel .LBB2_1-.Ltmp0, $4  }
0x11: {  	s23 =	simm.s32 $0xE300;
	s6 =	sshrl.u32 @!p0 s1, $0x3;
	[dreg:$0x5] =	wrdreg s9  }
0x12: {  	s14 =	sor.u32 $0x100, s10;
	s0 =	sadd.s32 $0x37D200, s0;
	[dreg:$0x9] =	wrdreg s6  }
0x13: {  	s24 =	simm.s32 $0x3;
	[dreg:$0x7] =	wrdreg s0;
	s0 =	sshrl.u32 s29, $0x3  }
0x14: {  	s26 =	simm.s32 $0x200;
	[dreg:$0xa] =	wrdreg s0;
	s0 =	simm.s32 $0xA300  }
.LBB2_12:
0x15: {  	s6 =	simm.s32 $0x6  }
0x16: {  	_ =	swait.ge [sflag:s6], $0x2000  }
0x17: {  	[sflag:s6] =	ssyncset.done $0x0  }
0x18: {  	[sflag:s6] =	ssyncadd.s32 $0xFFFFE000  }
0x19: {  	s25 =	stileid.u32;
	[bflag:$0x0] =	sbarrier.arrive $0xFFFF  }
0x1a: {  	s6 =	sshll.u32 s25, $0x6;
	s9 =	rddreg [dreg:$0x7]  }
0x1b: {  	s6 =	sor.u32 $0x1C07, s6;
	s11 =	rddreg [dreg:$0xa]  }
0x1c: {  	[hbm:s9], [sflag:s6] =	dma.local [spmem:s11], $0x1400  }
0x1d: {  	_ =	swait.ge [sflag:s30], $0x1400  }
0x1e: {  	s18 =	sadd.s32 $0x1, s18;
	s29 =	rddreg [dreg:$0x8]  }
0x1f: {  	p1 =	sne.s32 s18, s29  }
.Ltmp1:
0x20: {  	_ = 	snop;
	(pc) =	sbr.rel @!p1 .LBB2_13-.Ltmp1, $3  }
0x21: {  	_ =	sdelay $0x1  }
0x22: {  	[sflag:s30] =	ssyncset.done $0x0  }
0x23: {  	[sflag:s30] =	ssyncadd.s32 $0xFFFFEC00  }
.LBB2_1:
0x24: {  	s9 =	rddreg [dreg:$0x3]  }
0x25: {  	s6 =	simm.s32 @!p0 $0x1C07;
	s11 =	rddreg [dreg:$0x9]  }
0x26: {  	[spmem:s11], [sflag:s6] =	dma.local @!p0 [hbm:s9], $0x14000  }
0x27: {  	s6 =	simm.s32 @!p0 $0x7  }
0x28: {  	_ =	swait.ge @!p0 [sflag:s6], $0x14000  }
0x29: {  	[sflag:s6] =	ssyncset.done @!p0 $0x0  }
0x2a: {  	[sflag:s6] =	ssyncadd.s32 @!p0 $0xFFFEC000  }
0x2b: {  	[bflag:$0x0] =	sbarrier.arrive $0xFFFF  }
0x2c: {  	s16 =	rddreg [dreg:$0x4]  }
0x2d: {  	[tilespmem:s2], [sflag:$0x1] =	stream.linear.gather [hbm4b:s16+s2], $0x80, $0x38;
	[tilespmem:$0x1A300] =	vst v63  }
.Ltmp2:
0x2e: {  	_ = 	snop;
	(pc) =	sbr.rel .LBB2_2-.Ltmp2, $4  }
0x2f: {  	s19 =	simm.s32 $0x100;
	s17 =	rddreg [dreg:$0x5]  }
0x30: {  	[tilespmem:s19], [sflag:$0x1] =	stream.linear.gather [hbm4b:s17+s2], $0x80, $0x38;
	[tilespmem:$0x1A300] =	vst v63  }
0x31: {  	s29 =	simm.s32 $0x8300;
	s25 =	rddreg [dreg:$0x6];
	s19 =	simm.s32 $0x0  }
0x32: {  	[tilespmem:s29], [sflag:$0x1] =	stream.linear.gather [hbm4b:s25+s2], $0x2000, $0x38;
	[tilespmem:$0x1A300] =	vst v63  }
.LBB2_11:
0x33: {  	p1 =	sgt.u32 s19, $0x26  }
0x34: {  	s6 =	sshll.u32 @!p1 s19, $0x8  }
0x35: {  	s6 =	sadd.s32 @!p1 s6, s14  }
0x36: {  	s9 =	sshrl.u32 @!p1 s6, $0x3  }
0x37: {  	s12 =	simm.s32 @!p1 $0x0;
	s6 =	sshll.u32 @!p1 s6, $0x3;
	s11 =	sadd.s32 @!p1 s7, s9  }
0x38: {  	[tilespmem:s12], [sflag:$0x1] =	stream.linear.gather @!p1 [hbm4b:s11+s12], $0x80, $0x38;
	[tilespmem:$0x1A300] =	vst v63  }
0x39: {  	s9 =	sadd.s32 @!p1 s8, s9;
	s6 =	sand.u32 @!p1 $0x1FFFF800, s6;
	s11 =	simm.s32 @!p1 $0x100  }
0x3a: {  	[tilespmem:s11], [sflag:$0x1] =	stream.linear.gather @!p1 [hbm4b:s9+s12], $0x80, $0x38;
	[tilespmem:$0x1A300] =	vst v63  }
0x3b: {  	s19 =	sadd.s32 $0x1, s19;
	s6 =	sadd.s32 @!p1 s5, s6;
	s9 =	simm.s32 @!p1 $0x8300  }
0x3c: {  	[tilespmem:s9], [sflag:$0x1] =	stream.linear.gather @!p1 [hbm4b:s6+s12], $0x2000, $0x38;
	[tilespmem:$0x1A300] =	vst v63  }
0x3d: {  	p1 =	sne.s32 s19, $0x29  }
.Ltmp3:
0x3e: {  	_ = 	snop;
	(pc) =	sbr.rel @!p1 .LBB2_12-.Ltmp3, $1  }
0x3f: {  	_ =	sdelay $0x3  }
.LBB2_2:
0x40: {  	p1 =	slt.u32 s19, $0x2  }
0x41: {  	s6 =	simm.s32 @!p1 $0x6  }
0x42: {  	p2 =	seq.s32 @!p1 s19, $0x28;
	_ =	swait.ge @!p1 [sflag:s6], $0x2000  }
0x43: {  	p2 =	por p1, !p2;
	[sflag:s6] =	ssyncset.done @!p1 $0x0  }
0x44: {  	s9 =	simm.s32 @p2 $0x1;
	[sflag:s6] =	ssyncadd.s32 @!p1 $0xFFFFE000  }
0x45: {  	_ =	swait.ge @p2 [sflag:s9], $0x80  }
0x46: {  	[sflag:s9] =	ssyncset.done @p2 $0x0  }
0x47: {  	[sflag:s9] =	ssyncadd.s32 @p2 $0xFFFFFF80  }
0x48: {  	_ =	swait.ge @p2 [sflag:s9], $0x80  }
0x49: {  	[sflag:s9] =	ssyncset.done @p2 $0x0  }
0x4a: {  	[sflag:s9] =	ssyncadd.s32 @p2 $0xFFFFFF80  }
0x4b: {  	_ =	swait.ge @p2 [sflag:s9], $0x2000  }
0x4c: {  	s11 =	simm.s32 @p2 $0x80;
	[sflag:s9] =	ssyncset.done @p2 $0x0  }
0x4d: {  	s12 =	simm.s32 @p2 $0x300;
	s6 =	simm.s32 @p2 $0x0;
	[sflag:s9] =	ssyncadd.s32 @p2 $0xFFFFE000  }
0x4e: {  	[tilespmem:s12], [sflag:$0x3] =	stream.indirect.gather @p2 [hbm4b:s3+s11], $0x40, s6, s11, $0xb8;
	[tilespmem:$0x1A300] =	vst v63  }
0x4f: {  	s13 =	simm.s32 @p2 $0x4300;
	s6 =	sshll.u32 s19, $0x1;
	s12 =	simm.s32 @p2 $0x100  }
0x50: {  	[tilespmem:s13], [sflag:$0x3] =	stream.indirect.gather @p2 [hbm4b:s4+s11], $0x40, s12, s11, $0xb8;
	[tilespmem:$0x1A300] =	vst v63  }
0x51: {  	s11 =	sadd.s32 @p2 $0xFFFFFFFE, s6  }
0x52: {  	p3 =	sgt.u32 @p2 s11, $0x4F  }
0x53: {  	p3 =	por !p2, !p3  }
.Ltmp4:
0x54: {  	_ = 	snop;
	(pc) =	sbr.rel @!p3 .LBB2_6-.Ltmp4, $1  }
0x55: {  	_ =	sdelay $0x3  }
0x56: {  	_ =	swait.ge [sflag:s20], $0x2000  }
0x57: {  	[sflag:s20] =	ssyncset.done $0x0  }
0x58: {  	[sflag:s20] =	ssyncadd.s32 $0xFFFFE000  }
0x59: {  	_ =	swait.ge [sflag:s20], $0x2000  }
0x5a: {  	[sflag:s20] =	ssyncset.done $0x0  }
0x5b: {  	[sflag:s20] =	ssyncadd.s32 $0xFFFFE000  }
0x5c: {  	v0 =	vld [tilespmem:$0x180]  }
0x5d: {  	v1 =	vld [tilespmem:$0x190]  }
0x5e: {  	v2 =	vld [tilespmem:$0x1A0]  }
0x5f: {  	v3 =	vld [tilespmem:$0x1B0]  }
0x60: {  	v4 =	vld [tilespmem:$0x1C0]  }
0x61: {  	[tilespmem:$0x280] =	vst v0;
	v0 =	vld [tilespmem:$0x1D0]  }
0x62: {  	[tilespmem:$0x290] =	vst v1;
	v1 =	vld [tilespmem:$0x1E0]  }
0x63: {  	[tilespmem:$0x2A0] =	vst v2;
	v2 =	vld [tilespmem:$0x1F0]  }
0x64: {  	[tilespmem:$0x2B0] =	vst v3  }
0x65: {  	[tilespmem:$0x2C0] =	vst v4  }
0x66: {  	[tilespmem:$0x2D0] =	vst v0  }
0x67: {  	[tilespmem:$0x2E0] =	vst v1  }
0x68: {  	s9 =	simm.s32 $0x2380;
	[tilespmem:$0x2F0] =	vst v2  }
0x69: {  	s12 =	simm.s32 $0x6380;
	v0 =	vld [tilespmem:s9+$0x40]  }
0x6a: {  	v1 =	vld [tilespmem:s12+$0x40]  }
0x6b: {  	s13 =	simm.s32 $0xA380  }
0x6c: {  	v2 =	vld [tilespmem:s13+$0x40];
	_ =	sdelay $0x2  }
0x6d: {  	v0 =	vadd.f32 v1, v0;
	_ =	sdelay $0x1  }
0x6e: {  	v3 =	vld [tilespmem:s9+$0xFFFFFF80];
	v0 =	vadd.f32 v2, v0  }
0x6f: {  	v4 =	vld [tilespmem:s13+$0xFFFFFF80]  }
0x70: {  	s11 =	simm.s32 $0xE380;
	v6 =	vld [tilespmem:s12+$0xFFFFFFC0];
	v0 =	vmax.f32 v0, $0.0e+00  }
0x71: {  	v1 =	vld [tilespmem:s12+$0xFFFFFF80];
	[tilespmem:s11+$0x40] =	vst v0  }
0x72: {  	v0 =	vld [tilespmem:s9+$0x50]  }
0x73: {  	v5 =	vld [tilespmem:s12+$0x50]  }
0x74: {  	v2 =	vld [tilespmem:s9+$0xFFFFFFC0]  }
0x75: {  	v7 =	vld [tilespmem:s13+$0x50]  }
0x76: {  	v1 =	vadd.f32 v1, v3  }
0x77: {  	v3 =	vld [tilespmem:s13+$0xFFFFFFC0]  }
0x78: {  	v8 =	vld [tilespmem:s9+$0x0];
	v1 =	vadd.f32 v4, v1;
	v0 =	vadd.f32 v5, v0  }
0x79: {  	v4 =	vld [tilespmem:s12+$0x0]  }
0x7a: {  	v2 =	vadd.f32 v6, v2;
	v1 =	vmax.f32 v1, $0.0e+00;
	v0 =	vadd.f32 v7, v0  }
0x7b: {  	[tilespmem:s11+$0xFFFFFF80] =	vst v1;
	v5 =	vld [tilespmem:s13+$0x0]  }
0x7c: {  	v1 =	vadd.f32 v3, v2;
	v2 =	vld [tilespmem:s9+$0xFFFFFF90];
	v0 =	vmax.f32 v0, $0.0e+00  }
0x7d: {  	v3 =	vld [tilespmem:s12+$0xFFFFFF90];
	[tilespmem:s11+$0x50] =	vst v0  }
0x7e: {  	v1 =	vmax.f32 v1, $0.0e+00;
	v0 =	vadd.f32 v4, v8;
	v4 =	vld [tilespmem:s9+$0x60]  }
0x7f: {  	[tilespmem:s11+$0xFFFFFFC0] =	vst v1;
	v1 =	vld [tilespmem:s12+$0x60]  }
0x80: {  	v7 =	vld [tilespmem:s12+$0xFFFFFFD0];
	v0 =	vadd.f32 v5, v0  }
0x81: {  	v6 =	vld [tilespmem:s13+$0x60]  }
0x82: {  	v5 =	vld [tilespmem:s9+$0xFFFFFFD0];
	v0 =	vmax.f32 v0, $0.0e+00  }
0x83: {  	[tilespmem:s11+$0x0] =	vst v0;
	v0 =	vld [tilespmem:s13+$0xFFFFFF90]  }
0x84: {  	v8 =	vld [tilespmem:s9+$0x10];
	v1 =	vadd.f32 v1, v4  }
0x85: {  	v4 =	vld [tilespmem:s12+$0x10]  }
0x86: {  	v2 =	vadd.f32 v3, v2;
	v3 =	vld [tilespmem:s13+$0xFFFFFFD0];
	v1 =	vadd.f32 v6, v1  }
0x87: {  	v6 =	vld [tilespmem:s13+$0x10]  }
0x88: {  	v0 =	vadd.f32 v0, v2;
	v1 =	vmax.f32 v1, $0.0e+00  }
0x89: {  	v2 =	vadd.f32 v7, v5;
	[tilespmem:s11+$0x60] =	vst v1  }
0x8a: {  	v4 =	vadd.f32 v4, v8;
	v0 =	vmax.f32 v0, $0.0e+00;
	v1 =	vld [tilespmem:s9+$0x70]  }
0x8b: {  	v2 =	vadd.f32 v3, v2;
	[tilespmem:s11+$0xFFFFFF90] =	vst v0;
	v0 =	vld [tilespmem:s12+$0x70]  }
0x8c: {  	v3 =	vadd.f32 v6, v4;
	v4 =	vld [tilespmem:s13+$0x70]  }
0x8d: {  	v5 =	vld [tilespmem:s9+$0xFFFFFFA0];
	v2 =	vmax.f32 v2, $0.0e+00  }
0x8e: {  	v6 =	vld [tilespmem:s12+$0xFFFFFFA0];
	[tilespmem:s11+$0xFFFFFFD0] =	vst v2  }
0x8f: {  	v2 =	vmax.f32 v3, $0.0e+00;
	v7 =	vld [tilespmem:s9+$0xFFFFFFE0]  }
0x90: {  	[tilespmem:s11+$0x10] =	vst v2;
	v8 =	vld [tilespmem:s12+$0xFFFFFFE0];
	v2 =	vadd.f32 v0, v1  }
0x91: {  	v0 =	vld [tilespmem:s9+$0x20]  }
0x92: {  	v1 =	vld [tilespmem:s12+$0x20];
	v4 =	vadd.f32 v4, v2  }
0x93: {  	p3 =	por @!p1 $0x1, $0x1;
	p1 =	por @p2 $0x0, $0x0;
	v3 =	vld [tilespmem:s13+$0xFFFFFFA0]  }
0x94: {  	s25 =	simm.s32 $0x0;
	s29 =	simm.s32 $0x2480;
	s17 =	simm.s32 $0x6380;
	v2 =	vld [tilespmem:s13+$0xFFFFFFE0];
	v9 =	vmax.f32 v4, $0.0e+00  }
0x95: {  	s16 =	simm.s32 $0xA380;
	s15 =	simm.s32 $0xE380;
	p1 =	por @!p2 p3, p3;
	v5 =	vadd.f32 v6, v5;
	v6 =	vadd.f32 v8, v7;
	v4 =	vld [tilespmem:s13+$0x20];
	[tilespmem:s11+$0x70] =	vst v9  }
.LBB2_4:
0x96: {  	v7 =	vld [tilespmem:s29+$0x40];
	s12 =	sadd.s32 $0x100, s12  }
0x97: {  	v8 =	vld [tilespmem:s12+$0x40];
	v0 =	vadd.f32 v1, v0  }
0x98: {  	s13 =	sadd.s32 $0x100, s13;
	v1 =	vld [tilespmem:s12+$0xFFFFFF80];
	v3 =	vadd.f32 v3, v5  }
0x99: {  	v5 =	vld [tilespmem:s13+$0x40];
	v2 =	vadd.f32 v2, v6  }
0x9a: {  	s25 =	sadd.s32 $0x4, s25;
	v6 =	vld [tilespmem:s29+$0xFFFFFFC0];
	v3 =	vmax.f32 v3, $0.0e+00;
	v0 =	vadd.f32 v4, v0  }
0x9b: {  	p2 =	slt.u32 s25, $0x7C;
	v4 =	vld [tilespmem:s12+$0xFFFFFFC0];
	[tilespmem:s11+$0xFFFFFFA0] =	vst v3;
	v2 =	vmax.f32 v2, $0.0e+00  }
0x9c: {  	v3 =	vld [tilespmem:s29+$0x0];
	v7 =	vadd.f32 v8, v7;
	[tilespmem:s11+$0xFFFFFFE0] =	vst v2;
	v0 =	vmax.f32 v0, $0.0e+00  }
0x9d: {  	v2 =	vld [tilespmem:s12+$0x0];
	[tilespmem:s11+$0x20] =	vst v0  }
0x9e: {  	v0 =	vld [tilespmem:s29+$0xFFFFFF80];
	v5 =	vadd.f32 v5, v7  }
0x9f: {  	v7 =	vld [tilespmem:s13+$0xFFFFFF80]  }
0xa0: {  	s11 =	sadd.s32 $0x100, s11;
	v4 =	vadd.f32 v4, v6;
	v6 =	vld [tilespmem:s13+$0xFFFFFFC0];
	v5 =	vmax.f32 v5, $0.0e+00  }
0xa1: {  	v8 =	vld [tilespmem:s13+$0x0];
	[tilespmem:s11+$0x40] =	vst v5  }
0xa2: {  	v2 =	vadd.f32 v2, v3;
	v3 =	vld [tilespmem:s29+$0x50]  }
0xa3: {  	v0 =	vadd.f32 v1, v0;
	v1 =	vld [tilespmem:s12+$0x50]  }
0xa4: {  	v5 =	vld [tilespmem:s9+$0xFFFFFFB0]  }
0xa5: {  	v0 =	vadd.f32 v7, v0;
	v4 =	vadd.f32 v6, v4;
	v6 =	vld [tilespmem:s13+$0x50]  }
0xa6: {  	v2 =	vadd.f32 v8, v2;
	v7 =	vld [tilespmem:s17+$0xFFFFFFB0]  }
0xa7: {  	v0 =	vmax.f32 v0, $0.0e+00;
	v4 =	vmax.f32 v4, $0.0e+00;
	v8 =	vld [tilespmem:s9+$0xFFFFFFF0]  }
0xa8: {  	[tilespmem:s11+$0xFFFFFF80] =	vst v0;
	v0 =	vmax.f32 v2, $0.0e+00;
	v1 =	vadd.f32 v1, v3;
	v2 =	vld [tilespmem:s17+$0xFFFFFFF0]  }
0xa9: {  	v3 =	vld [tilespmem:s29+$0xFFFFFF90];
	[tilespmem:s11+$0xFFFFFFC0] =	vst v4  }
0xaa: {  	v4 =	vld [tilespmem:s12+$0xFFFFFF90];
	[tilespmem:s11+$0x0] =	vst v0;
	v0 =	vadd.f32 v6, v1  }
0xab: {  	v1 =	vld [tilespmem:s29+$0xFFFFFFD0];
	v5 =	vadd.f32 v7, v5  }
0xac: {  	v6 =	vld [tilespmem:s12+$0xFFFFFFD0];
	v0 =	vmax.f32 v0, $0.0e+00  }
0xad: {  	v7 =	vld [tilespmem:s29+$0x10];
	[tilespmem:s11+$0x50] =	vst v0;
	v0 =	vadd.f32 v2, v8  }
0xae: {  	v2 =	vld [tilespmem:s29+$0x60]  }
0xaf: {  	v3 =	vadd.f32 v4, v3;
	v4 =	vld [tilespmem:s12+$0x60]  }
0xb0: {  	v8 =	vld [tilespmem:s12+$0x10]  }
0xb1: {  	v1 =	vadd.f32 v6, v1;
	v6 =	vld [tilespmem:s13+$0x60]  }
0xb2: {  	v9 =	vld [tilespmem:s13+$0xFFFFFF90]  }
0xb3: {  	v10 =	vld [tilespmem:s13+$0xFFFFFFD0]  }
0xb4: {  	v11 =	vld [tilespmem:s13+$0x10];
	v2 =	vadd.f32 v4, v2  }
0xb5: {  	v4 =	vadd.f32 v8, v7;
	v7 =	vld [tilespmem:s9+$0x30];
	s9 =	smov.u32 s29  }
0xb6: {  	v2 =	vadd.f32 v6, v2;
	v6 =	vld [tilespmem:s17+$0x30];
	s17 =	smov.u32 s12  }
0xb7: {  	v3 =	vadd.f32 v9, v3;
	v8 =	vld [tilespmem:s16+$0xFFFFFFB0]  }
0xb8: {  	v1 =	vadd.f32 v10, v1;
	v2 =	vmax.f32 v2, $0.0e+00;
	v9 =	vld [tilespmem:s16+$0xFFFFFFF0]  }
0xb9: {  	v3 =	vmax.f32 v3, $0.0e+00;
	v4 =	vadd.f32 v11, v4;
	[tilespmem:s11+$0x60] =	vst v2;
	v2 =	vld [tilespmem:s16+$0x30];
	s16 =	smov.u32 s13  }
0xba: {  	[tilespmem:s11+$0xFFFFFF90] =	vst v3;
	v1 =	vmax.f32 v1, $0.0e+00;
	v3 =	vld [tilespmem:s29+$0x70]  }
0xbb: {  	[tilespmem:s11+$0xFFFFFFD0] =	vst v1;
	v1 =	vmax.f32 v4, $0.0e+00;
	v4 =	vld [tilespmem:s12+$0x70];
	v6 =	vadd.f32 v6, v7  }
0xbc: {  	v7 =	vld [tilespmem:s29+$0xFFFFFFA0];
	[tilespmem:s11+$0x10] =	vst v1;
	v1 =	vadd.f32 v8, v5  }
0xbd: {  	v5 =	vld [tilespmem:s13+$0x70];
	v0 =	vadd.f32 v9, v0  }
0xbe: {  	v8 =	vld [tilespmem:s12+$0xFFFFFFA0];
	v1 =	vmax.f32 v1, $0.0e+00;
	v2 =	vadd.f32 v2, v6  }
0xbf: {  	v6 =	vld [tilespmem:s29+$0xFFFFFFE0];
	[tilespmem:s15+$0xFFFFFFB0] =	vst v1;
	v0 =	vmax.f32 v0, $0.0e+00  }
0xc0: {  	v9 =	vld [tilespmem:s12+$0xFFFFFFE0];
	v3 =	vadd.f32 v4, v3;
	[tilespmem:s15+$0xFFFFFFF0] =	vst v0;
	v1 =	vmax.f32 v2, $0.0e+00  }
.Ltmp5:
0xc1: {  	v0 =	vld [tilespmem:s29+$0x20];
	[tilespmem:s15+$0x30] =	vst v1;
	s15 =	smov.u32 s11;
	(pc) =	sbr.rel @p2 .LBB2_4-.Ltmp5, $4  }
0xc2: {  	v1 =	vld [tilespmem:s12+$0x20];
	v4 =	vadd.f32 v5, v3  }
0xc3: {  	v5 =	vadd.f32 v8, v7;
	v3 =	vld [tilespmem:s13+$0xFFFFFFA0]  }
0xc4: {  	v2 =	vld [tilespmem:s13+$0xFFFFFFE0];
	v7 =	vmax.f32 v4, $0.0e+00  }
0xc5: {  	s29 =	sadd.s32 $0x100, s29;
	v6 =	vadd.f32 v9, v6;
	v4 =	vld [tilespmem:s13+$0x20];
	[tilespmem:s11+$0x70] =	vst v7  }
0xc6: {  	_ =	sdelay $0x1  }
0xc7: {  	v3 =	vadd.f32 v3, v5;
	_ =	sdelay $0x1  }
0xc8: {  	v55 =	vmax.f32 v3, $0.0e+00  }
0xc9: {  	v0 =	vadd.f32 v1, v0;
	v54 =	vadd.f32 v2, v6;
	[tilespmem:s11+$0xFFFFFFA0] =	vst v55  }
0xca: {  	v2 =	vld [tilespmem:s9+$0xFFFFFFB0]  }
0xcb: {  	v0 =	vadd.f32 v4, v0;
	v1 =	vmax.f32 v54, $0.0e+00;
	v56 =	vld [tilespmem:s17+$0xFFFFFFB0]  }
0xcc: {  	[tilespmem:s11+$0xFFFFFFE0] =	vst v1;
	v61 =	vld [tilespmem:s16+$0xFFFFFFB0]  }
0xcd: {  	v0 =	vmax.f32 v0, $0.0e+00;
	v57 =	vld [tilespmem:s9+$0xFFFFFFF0]  }
0xce: {  	[tilespmem:s11+$0x20] =	vst v0;
	v58 =	vld [tilespmem:s17+$0xFFFFFFF0]  }
0xcf: {  	v59 =	vld [tilespmem:s9+$0x30]  }
0xd0: {  	v60 =	vld [tilespmem:s17+$0x30]  }
0xd1: {  	v7 =	vld [tilespmem:s16+$0xFFFFFFF0]  }
0xd2: {  	v8 =	vld [tilespmem:s16+$0x30]  }
0xd3: {  	v1 =	vadd.f32 v56, v2  }
0xd4: {  	v0 =	vadd.f32 v58, v57  }
0xd5: {  	v62 =	vadd.f32 v60, v59;
	v1 =	vadd.f32 v61, v1  }
0xd6: {  	v0 =	vadd.f32 v7, v0  }
.Ltmp6:
0xd7: {  	v1 =	vmax.f32 v1, $0.0e+00;
	v2 =	vadd.f32 v8, v62;
	(pc) =	sbr.rel @p1 .LBB2_7-.Ltmp6, $4  }
0xd8: {  	[tilespmem:s15+$0xFFFFFFB0] =	vst v1;
	v0 =	vmax.f32 v0, $0.0e+00  }
0xd9: {  	[tilespmem:s15+$0xFFFFFFF0] =	vst v0;
	v63 =	vmax.f32 v2, $0.0e+00  }
0xda: {  	p2 =	por $0x1, $0x1;
	s9 =	sor.u32 $0x1, s6;
	[tilespmem:s15+$0x30] =	vst v63  }
0xdb: {  	[spmem:s1] =	stream.indirect.scatter.add.f32 [tilespmem:s23], [sflag:$0x6], $0x40, s22, s21, $0xb8;
	[tilespmem:$0x1A300] =	vst v63  }
.LBB2_6:
0xdc: {  	s6 =	sshll.u32 s9, $0x7  }
0xdd: {  	s6 =	sadd.s32 s10, s6  }
0xde: {  	s11 =	sshrl.u32 s6, $0x3  }
0xdf: {  	s6 =	sshll.u32 s6, $0x3;
	s12 =	sadd.s32 s7, s11  }
0xe0: {  	[tilespmem:s21], [sflag:$0x2] =	stream.linear.gather [hbm4b:s12+s2], $0x80, $0x38;
	[tilespmem:$0x1A300] =	vst v63  }
0xe1: {  	s11 =	sadd.s32 s8, s11;
	s6 =	sand.u32 $0x1FFFFC00, s6  }
0xe2: {  	[tilespmem:s31], [sflag:$0x2] =	stream.linear.gather [hbm4b:s11+s2], $0x80, $0x38;
	[tilespmem:$0x1A300] =	vst v63  }
0xe3: {  	p2 =	por $0x0, $0x0;
	s6 =	sadd.s32 s5, s6  }
0xe4: {  	[tilespmem:s0], [sflag:$0x2] =	stream.linear.gather [hbm4b:s6+s2], $0x2000, $0x38;
	[tilespmem:$0x1A300] =	vst v63  }
.LBB2_7:
0xe5: {  	p1 =	seq.s32 s19, $0x0  }
0xe6: {  	s6 =	simm.s32 @!p1 $0x5  }
0xe7: {  	_ =	swait.ge @!p1 [sflag:s6], $0x2000  }
0xe8: {  	[sflag:s6] =	ssyncset.done @!p1 $0x0  }
0xe9: {  	[sflag:s6] =	ssyncadd.s32 @!p1 $0xFFFFE000;
	s6 =	simm.s32 @!p2 $0x2  }
0xea: {  	_ =	swait.ge @!p2 [sflag:s6], $0x80  }
0xeb: {  	[sflag:s6] =	ssyncset.done @!p2 $0x0  }
0xec: {  	[sflag:s6] =	ssyncadd.s32 @!p2 $0xFFFFFF80  }
0xed: {  	_ =	swait.ge @!p2 [sflag:s6], $0x80  }
0xee: {  	[sflag:s6] =	ssyncset.done @!p2 $0x0  }
0xef: {  	[sflag:s6] =	ssyncadd.s32 @!p2 $0xFFFFFF80  }
0xf0: {  	p1 =	sgt.u32 s9, $0x50;
	_ =	swait.ge @!p2 [sflag:s6], $0x2000  }
.Ltmp7:
0xf1: {  	[sflag:s6] =	ssyncset.done @!p2 $0x0;
	(pc) =	sbr.rel @p1 .LBB2_11-.Ltmp7, $4  }
0xf2: {  	s11 =	simm.s32 @!p2 $0x2300;
	[sflag:s6] =	ssyncadd.s32 @!p2 $0xFFFFE000;
	s6 =	simm.s32 @!p2 $0x80  }
0xf3: {  	[tilespmem:s11], [sflag:$0x4] =	stream.indirect.gather @!p2 [hbm4b:s3+s6], $0x40, s6, s6, $0xb8;
	[tilespmem:$0x1A300] =	vst v63  }
0xf4: {  	s12 =	simm.s32 @!p2 $0x6300;
	s11 =	simm.s32 @!p2 $0x180  }
0xf5: {  	[tilespmem:s12], [sflag:$0x4] =	stream.indirect.gather @!p2 [hbm4b:s4+s6], $0x40, s11, s6, $0xb8;
	[tilespmem:$0x1A300] =	vst v63  }
0xf6: {  	_ =	swait.ge [sflag:s24], $0x2000  }
0xf7: {  	[sflag:s24] =	ssyncset.done $0x0  }
0xf8: {  	[sflag:s24] =	ssyncadd.s32 $0xFFFFE000  }
0xf9: {  	_ =	swait.ge [sflag:s24], $0x2000  }
0xfa: {  	[sflag:s24] =	ssyncset.done $0x0  }
0xfb: {  	[sflag:s24] =	ssyncadd.s32 $0xFFFFE000  }
0xfc: {  	v0 =	vld [tilespmem:$0x100]  }
0xfd: {  	v1 =	vld [tilespmem:$0x110]  }
0xfe: {  	v2 =	vld [tilespmem:$0x120]  }
0xff: {  	v3 =	vld [tilespmem:$0x130]  }
0x100: {  	v4 =	vld [tilespmem:$0x140]  }
0x101: {  	[tilespmem:$0x200] =	vst v0;
	v0 =	vld [tilespmem:$0x150]  }
0x102: {  	[tilespmem:$0x210] =	vst v1;
	v1 =	vld [tilespmem:$0x160]  }
0x103: {  	[tilespmem:$0x220] =	vst v2;
	v2 =	vld [tilespmem:$0x170]  }
0x104: {  	[tilespmem:$0x230] =	vst v3  }
0x105: {  	[tilespmem:$0x240] =	vst v4  }
0x106: {  	[tilespmem:$0x250] =	vst v0  }
0x107: {  	[tilespmem:$0x260] =	vst v1  }
0x108: {  	s6 =	simm.s32 $0x380;
	[tilespmem:$0x270] =	vst v2  }
0x109: {  	s11 =	simm.s32 $0x4380;
	v0 =	vld [tilespmem:s6+$0x40]  }
0x10a: {  	v1 =	vld [tilespmem:s11+$0x40]  }
0x10b: {  	s12 =	simm.s32 $0x8380  }
0x10c: {  	v2 =	vld [tilespmem:s12+$0x40];
	_ =	sdelay $0x2  }
0x10d: {  	v0 =	vadd.f32 v1, v0;
	_ =	sdelay $0x1  }
0x10e: {  	v3 =	vld [tilespmem:s6+$0xFFFFFF80];
	v0 =	vadd.f32 v2, v0  }
0x10f: {  	v4 =	vld [tilespmem:s12+$0xFFFFFF80]  }
0x110: {  	s9 =	simm.s32 $0xC380;
	v6 =	vld [tilespmem:s11+$0xFFFFFFC0];
	v0 =	vmax.f32 v0, $0.0e+00  }
0x111: {  	v1 =	vld [tilespmem:s11+$0xFFFFFF80];
	[tilespmem:s9+$0x40] =	vst v0  }
0x112: {  	v0 =	vld [tilespmem:s6+$0x50]  }
0x113: {  	v5 =	vld [tilespmem:s11+$0x50]  }
0x114: {  	v2 =	vld [tilespmem:s6+$0xFFFFFFC0]  }
0x115: {  	v7 =	vld [tilespmem:s12+$0x50]  }
0x116: {  	v1 =	vadd.f32 v1, v3  }
0x117: {  	v3 =	vld [tilespmem:s12+$0xFFFFFFC0]  }
0x118: {  	v8 =	vld [tilespmem:s6+$0x0];
	v1 =	vadd.f32 v4, v1;
	v0 =	vadd.f32 v5, v0  }
0x119: {  	v4 =	vld [tilespmem:s11+$0x0]  }
0x11a: {  	v2 =	vadd.f32 v6, v2;
	v1 =	vmax.f32 v1, $0.0e+00;
	v0 =	vadd.f32 v7, v0  }
0x11b: {  	[tilespmem:s9+$0xFFFFFF80] =	vst v1;
	v5 =	vld [tilespmem:s12+$0x0]  }
0x11c: {  	v1 =	vadd.f32 v3, v2;
	v2 =	vld [tilespmem:s6+$0xFFFFFF90];
	v0 =	vmax.f32 v0, $0.0e+00  }
0x11d: {  	v3 =	vld [tilespmem:s11+$0xFFFFFF90];
	[tilespmem:s9+$0x50] =	vst v0  }
0x11e: {  	v1 =	vmax.f32 v1, $0.0e+00;
	v0 =	vadd.f32 v4, v8;
	v4 =	vld [tilespmem:s6+$0x60]  }
0x11f: {  	[tilespmem:s9+$0xFFFFFFC0] =	vst v1;
	v1 =	vld [tilespmem:s11+$0x60]  }
0x120: {  	v7 =	vld [tilespmem:s11+$0xFFFFFFD0];
	v0 =	vadd.f32 v5, v0  }
0x121: {  	v6 =	vld [tilespmem:s12+$0x60]  }
0x122: {  	v2 =	vadd.f32 v3, v2;
	v3 =	vld [tilespmem:s12+$0xFFFFFFD0];
	v0 =	vmax.f32 v0, $0.0e+00  }
0x123: {  	[tilespmem:s9+$0x0] =	vst v0;
	v0 =	vld [tilespmem:s12+$0xFFFFFF90]  }
0x124: {  	v5 =	vld [tilespmem:s6+$0xFFFFFFD0];
	v1 =	vadd.f32 v1, v4  }
0x125: {  	v8 =	vld [tilespmem:s6+$0x10]  }
0x126: {  	v4 =	vld [tilespmem:s11+$0x10];
	v1 =	vadd.f32 v6, v1;
	_ =	sdelay $0x1  }
0x127: {  	v6 =	vld [tilespmem:s12+$0x10];
	v0 =	vadd.f32 v0, v2;
	v1 =	vmax.f32 v1, $0.0e+00  }
0x128: {  	v2 =	vadd.f32 v7, v5;
	[tilespmem:s9+$0x60] =	vst v1  }
0x129: {  	v0 =	vmax.f32 v0, $0.0e+00;
	v1 =	vld [tilespmem:s6+$0x70]  }
0x12a: {  	v4 =	vadd.f32 v4, v8;
	v2 =	vadd.f32 v3, v2;
	[tilespmem:s9+$0xFFFFFF90] =	vst v0;
	v0 =	vld [tilespmem:s11+$0x70]  }
0x12b: {  	v5 =	vld [tilespmem:s12+$0x70]  }
0x12c: {  	v4 =	vadd.f32 v6, v4;
	v3 =	vld [tilespmem:s6+$0xFFFFFFA0];
	v2 =	vmax.f32 v2, $0.0e+00  }
0x12d: {  	v6 =	vld [tilespmem:s11+$0xFFFFFFA0];
	[tilespmem:s9+$0xFFFFFFD0] =	vst v2  }
0x12e: {  	v2 =	vmax.f32 v4, $0.0e+00;
	v7 =	vld [tilespmem:s6+$0xFFFFFFE0]  }
0x12f: {  	[tilespmem:s9+$0x10] =	vst v2;
	v8 =	vld [tilespmem:s11+$0xFFFFFFE0];
	v2 =	vadd.f32 v0, v1  }
0x130: {  	v0 =	vld [tilespmem:s6+$0x20]  }
0x131: {  	v1 =	vld [tilespmem:s11+$0x20];
	v5 =	vadd.f32 v5, v2  }
0x132: {  	v4 =	vld [tilespmem:s12+$0xFFFFFFA0]  }
0x133: {  	s17 =	simm.s32 $0x0;
	s25 =	simm.s32 $0x480;
	v2 =	vld [tilespmem:s12+$0xFFFFFFE0];
	v9 =	vmax.f32 v5, $0.0e+00  }
0x134: {  	s16 =	simm.s32 $0x4380;
	s15 =	simm.s32 $0x8380;
	s13 =	simm.s32 $0xC380;
	v5 =	vadd.f32 v6, v3;
	v6 =	vadd.f32 v8, v7;
	v3 =	vld [tilespmem:s12+$0x20];
	[tilespmem:s9+$0x70] =	vst v9  }
.LBB2_9:
0x135: {  	v7 =	vld [tilespmem:s25+$0x40];
	s11 =	sadd.s32 $0x100, s11  }
0x136: {  	v8 =	vld [tilespmem:s11+$0x40];
	v0 =	vadd.f32 v1, v0  }
0x137: {  	s12 =	sadd.s32 $0x100, s12;
	v1 =	vld [tilespmem:s11+$0xFFFFFF80];
	v4 =	vadd.f32 v4, v5  }
0x138: {  	v5 =	vld [tilespmem:s12+$0x40];
	v2 =	vadd.f32 v2, v6  }
0x139: {  	s17 =	sadd.s32 $0x4, s17;
	v6 =	vld [tilespmem:s25+$0xFFFFFFC0];
	v4 =	vmax.f32 v4, $0.0e+00;
	v0 =	vadd.f32 v3, v0  }
0x13a: {  	p1 =	slt.u32 s17, $0x7C;
	v3 =	vld [tilespmem:s11+$0xFFFFFFC0];
	[tilespmem:s9+$0xFFFFFFA0] =	vst v4;
	v2 =	vmax.f32 v2, $0.0e+00  }
0x13b: {  	v4 =	vld [tilespmem:s25+$0x0];
	v7 =	vadd.f32 v8, v7;
	[tilespmem:s9+$0xFFFFFFE0] =	vst v2;
	v0 =	vmax.f32 v0, $0.0e+00  }
0x13c: {  	v2 =	vld [tilespmem:s11+$0x0];
	[tilespmem:s9+$0x20] =	vst v0  }
0x13d: {  	v0 =	vld [tilespmem:s25+$0xFFFFFF80];
	v5 =	vadd.f32 v5, v7  }
0x13e: {  	v7 =	vld [tilespmem:s12+$0xFFFFFF80]  }
0x13f: {  	s9 =	sadd.s32 $0x100, s9;
	v3 =	vadd.f32 v3, v6;
	v6 =	vld [tilespmem:s12+$0xFFFFFFC0];
	v5 =	vmax.f32 v5, $0.0e+00  }
0x140: {  	v8 =	vld [tilespmem:s12+$0x0];
	[tilespmem:s9+$0x40] =	vst v5  }
0x141: {  	v2 =	vadd.f32 v2, v4;
	v4 =	vld [tilespmem:s25+$0x50]  }
0x142: {  	v0 =	vadd.f32 v1, v0;
	v1 =	vld [tilespmem:s11+$0x50]  }
0x143: {  	v5 =	vld [tilespmem:s6+$0xFFFFFFB0]  }
0x144: {  	v0 =	vadd.f32 v7, v0;
	v3 =	vadd.f32 v6, v3;
	v6 =	vld [tilespmem:s12+$0x50]  }
0x145: {  	v2 =	vadd.f32 v8, v2;
	v7 =	vld [tilespmem:s16+$0xFFFFFFB0]  }
0x146: {  	v0 =	vmax.f32 v0, $0.0e+00;
	v3 =	vmax.f32 v3, $0.0e+00;
	v8 =	vld [tilespmem:s6+$0xFFFFFFF0]  }
0x147: {  	[tilespmem:s9+$0xFFFFFF80] =	vst v0;
	v0 =	vmax.f32 v2, $0.0e+00;
	v1 =	vadd.f32 v1, v4;
	v2 =	vld [tilespmem:s16+$0xFFFFFFF0]  }
0x148: {  	v4 =	vld [tilespmem:s25+$0xFFFFFF90];
	[tilespmem:s9+$0xFFFFFFC0] =	vst v3  }
0x149: {  	v3 =	vld [tilespmem:s11+$0xFFFFFF90];
	[tilespmem:s9+$0x0] =	vst v0;
	v0 =	vadd.f32 v6, v1  }
0x14a: {  	v1 =	vld [tilespmem:s25+$0xFFFFFFD0];
	v5 =	vadd.f32 v7, v5  }
0x14b: {  	v6 =	vld [tilespmem:s11+$0xFFFFFFD0];
	v0 =	vmax.f32 v0, $0.0e+00  }
0x14c: {  	v7 =	vld [tilespmem:s25+$0x10];
	[tilespmem:s9+$0x50] =	vst v0;
	v0 =	vadd.f32 v2, v8  }
0x14d: {  	v2 =	vld [tilespmem:s25+$0x60]  }
0x14e: {  	v3 =	vadd.f32 v3, v4;
	v4 =	vld [tilespmem:s11+$0x60]  }
0x14f: {  	v8 =	vld [tilespmem:s11+$0x10]  }
0x150: {  	v1 =	vadd.f32 v6, v1;
	v6 =	vld [tilespmem:s12+$0x60]  }
0x151: {  	v9 =	vld [tilespmem:s12+$0xFFFFFF90]  }
0x152: {  	v10 =	vld [tilespmem:s12+$0xFFFFFFD0]  }
0x153: {  	v11 =	vld [tilespmem:s12+$0x10];
	v2 =	vadd.f32 v4, v2  }
0x154: {  	v4 =	vadd.f32 v8, v7;
	v7 =	vld [tilespmem:s6+$0x30];
	s6 =	smov.u32 s25  }
0x155: {  	v2 =	vadd.f32 v6, v2;
	v6 =	vld [tilespmem:s16+$0x30];
	s16 =	smov.u32 s11  }
0x156: {  	v3 =	vadd.f32 v9, v3;
	v8 =	vld [tilespmem:s15+$0xFFFFFFB0]  }
0x157: {  	v1 =	vadd.f32 v10, v1;
	v2 =	vmax.f32 v2, $0.0e+00;
	v9 =	vld [tilespmem:s15+$0xFFFFFFF0]  }
0x158: {  	v3 =	vmax.f32 v3, $0.0e+00;
	v4 =	vadd.f32 v11, v4;
	[tilespmem:s9+$0x60] =	vst v2;
	v2 =	vld [tilespmem:s15+$0x30];
	s15 =	smov.u32 s12  }
0x159: {  	[tilespmem:s9+$0xFFFFFF90] =	vst v3;
	v1 =	vmax.f32 v1, $0.0e+00;
	v3 =	vld [tilespmem:s25+$0x70]  }
0x15a: {  	[tilespmem:s9+$0xFFFFFFD0] =	vst v1;
	v1 =	vmax.f32 v4, $0.0e+00;
	v4 =	vld [tilespmem:s11+$0x70];
	v6 =	vadd.f32 v6, v7  }
0x15b: {  	v7 =	vld [tilespmem:s25+$0xFFFFFFA0];
	[tilespmem:s9+$0x10] =	vst v1;
	v1 =	vadd.f32 v8, v5  }
0x15c: {  	v5 =	vld [tilespmem:s12+$0x70];
	v0 =	vadd.f32 v9, v0  }
0x15d: {  	v8 =	vld [tilespmem:s11+$0xFFFFFFA0];
	v1 =	vmax.f32 v1, $0.0e+00;
	v2 =	vadd.f32 v2, v6  }
0x15e: {  	v6 =	vld [tilespmem:s25+$0xFFFFFFE0];
	[tilespmem:s13+$0xFFFFFFB0] =	vst v1;
	v0 =	vmax.f32 v0, $0.0e+00  }
0x15f: {  	v9 =	vld [tilespmem:s11+$0xFFFFFFE0];
	v3 =	vadd.f32 v4, v3;
	[tilespmem:s13+$0xFFFFFFF0] =	vst v0;
	v1 =	vmax.f32 v2, $0.0e+00  }
.Ltmp8:
0x160: {  	v0 =	vld [tilespmem:s25+$0x20];
	[tilespmem:s13+$0x30] =	vst v1;
	s13 =	smov.u32 s9;
	(pc) =	sbr.rel @p1 .LBB2_9-.Ltmp8, $4  }
0x161: {  	v1 =	vld [tilespmem:s11+$0x20];
	v3 =	vadd.f32 v5, v3  }
0x162: {  	v5 =	vadd.f32 v8, v7;
	v4 =	vld [tilespmem:s12+$0xFFFFFFA0]  }
0x163: {  	v2 =	vld [tilespmem:s12+$0xFFFFFFE0];
	v7 =	vmax.f32 v3, $0.0e+00  }
0x164: {  	s25 =	sadd.s32 $0x100, s25;
	v6 =	vadd.f32 v9, v6;
	v3 =	vld [tilespmem:s12+$0x20];
	[tilespmem:s9+$0x70] =	vst v7  }
0x165: {  	_ =	sdelay $0x1  }
0x166: {  	v4 =	vadd.f32 v4, v5;
	_ =	sdelay $0x1  }
0x167: {  	v55 =	vmax.f32 v4, $0.0e+00  }
0x168: {  	v0 =	vadd.f32 v1, v0;
	v54 =	vadd.f32 v2, v6;
	[tilespmem:s9+$0xFFFFFFA0] =	vst v55  }
0x169: {  	v2 =	vld [tilespmem:s6+$0xFFFFFFB0]  }
0x16a: {  	v0 =	vadd.f32 v3, v0;
	v1 =	vmax.f32 v54, $0.0e+00;
	v56 =	vld [tilespmem:s16+$0xFFFFFFB0]  }
0x16b: {  	[tilespmem:s9+$0xFFFFFFE0] =	vst v1;
	v61 =	vld [tilespmem:s15+$0xFFFFFFB0]  }
0x16c: {  	v0 =	vmax.f32 v0, $0.0e+00;
	v57 =	vld [tilespmem:s6+$0xFFFFFFF0]  }
0x16d: {  	[tilespmem:s9+$0x20] =	vst v0;
	v58 =	vld [tilespmem:s16+$0xFFFFFFF0]  }
0x16e: {  	v59 =	vld [tilespmem:s6+$0x30]  }
0x16f: {  	v60 =	vld [tilespmem:s16+$0x30]  }
0x170: {  	v7 =	vld [tilespmem:s15+$0xFFFFFFF0]  }
0x171: {  	v8 =	vld [tilespmem:s15+$0x30]  }
0x172: {  	v1 =	vadd.f32 v56, v2  }
0x173: {  	v0 =	vadd.f32 v58, v57  }
0x174: {  	v62 =	vadd.f32 v60, v59;
	v1 =	vadd.f32 v61, v1  }
0x175: {  	v0 =	vadd.f32 v7, v0  }
.Ltmp9:
0x176: {  	v1 =	vmax.f32 v1, $0.0e+00;
	v2 =	vadd.f32 v8, v62;
	(pc) =	sbr.rel .LBB2_11-.Ltmp9, $4  }
0x177: {  	[tilespmem:s13+$0xFFFFFFB0] =	vst v1;
	v0 =	vmax.f32 v0, $0.0e+00  }
0x178: {  	[tilespmem:s13+$0xFFFFFFF0] =	vst v0;
	v63 =	vmax.f32 v2, $0.0e+00  }
0x179: {  	[tilespmem:s13+$0x30] =	vst v63  }
0x17a: {  	[spmem:s1] =	stream.indirect.scatter.add.f32 [tilespmem:s28], [sflag:$0x5], $0x40, s26, s21, $0xb8;
	[tilespmem:$0x1A300] =	vst v63  }
.LBB2_13:
0x17b: {  	_ =	sfence.sel $0x180000  }
0x17c: {  	[bflag:$0x0] =	sbarrier.arrive $0xFFFF  }
0x17d: {  	_ =	strace $0x90000050  }
0x17e: {  	[bflag:$0x2] =	sbarrier.arrive $0xFFFF  }
0x17f: {  	s0 =	rddreg [dreg:$0x2]  }
0x180: {  	s0 =	sadd.s32 @!p0 $0x100000, s0  }
0x181: {  	[sflag:s0] =	ssyncadd.tile.s32 @!p0 $0x1;
	_ =	shalt  }
.Lfunc_end2:
_tile_overlayer_lowered:
.L_overlay_start_2:
0x182: {  	(tag) =	ssettag $0x2  }
0x183: {  	s0 =	rddreg [dreg:$0x0];
	s2 =	stileid.u32  }
0x184: {  	s1 =	rddreg [dreg:$0x1];
	p0 =	sne.s32 s2, $0x0  }
0x185: {  	s3 =	rddreg [dreg:$0x2];
	[bflag:$0x3] =	sbarrier.arrive $0xFFFF;
	s2 =	simm.s32 @!p0 $0x1C07  }
0x186: {  	[timem:s3], [sflag:s2] =	dma.local @!p0 [hbm:s0], s1  }
0x187: {  	s0 =	simm.s32 @!p0 $0x7  }
0x188: {  	_ =	swait.ge @!p0 [sflag:s0], s1  }
0x189: {  	s1 =	ssub.s32 @!p0 $0x0, s1;
	[sflag:s0] =	ssyncset.done @!p0 $0x0  }
0x18a: {  	[sflag:s0] =	ssyncadd.s32 @!p0 s1  }
0x18b: {  	[bflag:$0x3] =	sbarrier.arrive $0xFFFF  }
0x18c: {  	_ =	shalt  }

// kernel: kernel.31.cloned.1.call-start
scs
__scs_entry_jumppad:
0x0: {  	(pc) =	sbr.rel $0x88, $3  }
0x1: {  	(tag) =	ssettag $0x0;
	lr =	simm.s32 $0x1  }
0x2: {  	[smem:$0x3F6D] =	sst lr;
	_ =	strace $0xD0000000  }
0x3: {  	_ = 	snop  }
0x4: {  	_ = 	snop  }
0x5: {  	_ = 	snop  }
0x6: {  	_ = 	snop  }
0x7: {  	_ = 	snop  }
__scs_overlays_trampoline_lowered:
0x8: {  	[smem:$0x3F7C] =	sst s0  }
0x9: {  	[smem:$0x3F7D] =	sst s1  }
0xa: {  	[smem:$0x3F7E] =	sst s2  }
0xb: {  	[smem:$0x3F7F] =	sst s3  }
0xc: {  	[smem:$0x3F80] =	sst s4  }
0xd: {  	[smem:$0x3F81] =	sst s5  }
0xe: {  	[smem:$0x3F82] =	sst s6  }
0xf: {  	[smem:$0x3F83] =	sst s7  }
0x10: {  	[smem:$0x3F84] =	sst s8  }
0x11: {  	[smem:$0x3F85] =	sst s9;
	s0 =	simm.s32 @!p0 $0x0  }
0x12: {  	s1 =	sld [smem:$0x3F6B];
	s0 =	simm.s32 @p0 $0x1  }
0x13: {  	[smem:$0x3F86] =	sst s0;
	s0 =	simm.s32 @!p1 $0x0  }
0x14: {  	s2 =	sld [smem:$0x3F6A];
	s0 =	simm.s32 @p1 $0x1  }
0x15: {  	[smem:$0x3F87] =	sst s0;
	s0 =	simm.s32 @!p2 $0x0  }
0x16: {  	s3 =	sld [smem:$0x3FDB];
	s0 =	simm.s32 @p2 $0x1  }
0x17: {  	s4 =	simm.s32 $0x1BF5;
	[smem:$0x3F89] =	sst s0  }
0x18: {  	s0 =	sld [smem:$0x3F6C];
	_ =	swait.ge [sflag:s4], $0x0  }
0x19: {  	s7 =	sld [smem:$0x3F6D]  }
0x1a: {  	s8 =	sadd.s32 $0xFFFFE003, lr  }
0x1b: {  	s9 =	sadd.s32 $0xFFFFFEF7, lr;
	s5 =	simm.s32 $0xFFFFFFFF;
	p2 =	slt.u32 s8, $0xFFFFF086  }
0x1c: {  	p1 =	slt.u32 s9, $0xF7A;
	s5 =	simm.s32 @!p2 $0x0  }
0x1d: {  	s5 =	simm.s32 @p1 $0x1;
	p0 =	seq.s32 s7, s2  }
0x1e: {  	s7 =	smul.u32 @!p0 $0xF7A, s2;
	p2 =	seq.s32 @!p0 s5, $0x0  }
0x1f: {  	s9 =	smul.u32 $0xF7A, s1;
	s8 =	simm.s32 @!p0 $0x1BF5;
	p2 =	por !p2, p0  }
0x20: {  	[sflag:s8] =	ssyncset.s32 @!p0 $0xFFFFF086;
	s6 =	sadd.s32 @!p0 s3, s7;
	s7 =	simm.s32 @!p0 $0x108  }
0x21: {  	s3 =	sadd.s32 s3, s9;
	s6 =	sadd.s32 @!p0 $0x88, s6;
	s7 =	simm.s32 @p2 $0x1082  }
0x22: {  	[simem:s7], [sflag:s8] =	dma.local @!p0 [hbm:s6], $0xF7A  }
0x23: {  	s9 =	sor.u32 $0xD0000000, s2;
	s6 =	simm.s32 $0x108;
	_ =	swait.ge @!p0 [sflag:s8], $0x0  }
0x24: {  	s3 =	sadd.s32 $0x88, s3;
	s6 =	simm.s32 @!p1 $0x1082;
	[sflag:s4] =	ssyncset.s32 $0xFFFFF086  }
0x25: {  	[simem:s6], [sflag:s4] =	dma.local [hbm:s3], $0xF7A  }
0x26: {  	[smem:$0x3F6D] =	sst s1;
	(tag) =	ssettag s2;
	_ =	strace s9  }
0x27: {  	s1 =	sld [smem:$0x3F7D]  }
0x28: {  	s2 =	sld [smem:$0x3F7E]  }
0x29: {  	s4 =	sld [smem:$0x3F80]  }
0x2a: {  	p0 =	seq.s32 s5, $0x0;
	s5 =	sld [smem:$0x3F81]  }
0x2b: {  	s6 =	sld [smem:$0x3F82]  }
0x2c: {  	s7 =	sld [smem:$0x3F83]  }
0x2d: {  	s3 =	simm.s32 $0x108;
	s8 =	sld [smem:$0x3F84]  }
0x2e: {  	s3 =	simm.s32 @!p0 $0x1082;
	s9 =	sld [smem:$0x3F85]  }
0x2f: {  	lr =	sadd.s32 s0, s3;
	s0 =	sld [smem:$0x3F7C]  }
0x30: {  	s3 =	sld [smem:$0x3F7F]  }
0x31: {  	[smem:$0x3F88] =	sst s10  }
0x32: {  	s10 =	sld [smem:$0x3F86];
	_ =	sdelay $0x3  }
0x33: {  	p0 =	seq.s32 s10, $0x1;
	s10 =	sld [smem:$0x3F88];
	_ =	sdelay $0x3  }
0x34: {  	[smem:$0x3F88] =	sst s10  }
0x35: {  	s10 =	sld [smem:$0x3F87];
	_ =	sdelay $0x3  }
0x36: {  	p1 =	seq.s32 s10, $0x1;
	s10 =	sld [smem:$0x3F88];
	_ =	sdelay $0x3  }
0x37: {  	[smem:$0x3F88] =	sst s10  }
0x38: {  	s10 =	sld [smem:$0x3F89]  }
0x39: {  	_ = 	snop;
	(pc) =	sbr.ind lr, $3  }
0x3a: {  	_ = 	snop  }
0x3b: {  	_ = 	snop  }
0x3c: {  	p2 =	seq.s32 s10, $0x1;
	s10 =	sld [smem:$0x3F88]  }
0x3d: {  	_ =	shalt  }
0x3e: {  	_ =	shalt  }
0x3f: {  	_ =	shalt  }
0x40: {  	_ =	shalt  }
0x41: {  	_ =	shalt  }
0x42: {  	_ =	shalt  }
0x43: {  	_ =	shalt  }
0x44: {  	_ =	shalt  }
0x45: {  	_ =	shalt  }
0x46: {  	_ =	shalt  }
0x47: {  	_ =	shalt  }
0x48: {  	_ =	shalt  }
0x49: {  	_ =	shalt  }
0x4a: {  	_ =	shalt  }
0x4b: {  	_ =	shalt  }
0x4c: {  	_ =	shalt  }
0x4d: {  	_ =	shalt  }
0x4e: {  	_ =	shalt  }
0x4f: {  	_ =	shalt  }
0x50: {  	_ =	shalt  }
0x51: {  	_ =	shalt  }
0x52: {  	_ =	shalt  }
0x53: {  	_ =	shalt  }
0x54: {  	_ =	shalt  }
0x55: {  	_ =	shalt  }
0x56: {  	_ =	shalt  }
0x57: {  	_ =	shalt  }
0x58: {  	_ =	shalt  }
0x59: {  	_ =	shalt  }
0x5a: {  	_ =	shalt  }
0x5b: {  	_ =	shalt  }
0x5c: {  	_ =	shalt  }
0x5d: {  	_ =	shalt  }
0x5e: {  	_ =	shalt  }
0x5f: {  	_ =	shalt  }
0x60: {  	_ =	shalt  }
0x61: {  	_ =	shalt  }
0x62: {  	_ =	shalt  }
0x63: {  	_ =	shalt  }
0x64: {  	_ =	shalt  }
0x65: {  	_ =	shalt  }
0x66: {  	_ =	shalt  }
0x67: {  	_ =	shalt  }
0x68: {  	_ =	shalt  }
0x69: {  	_ =	shalt  }
0x6a: {  	_ =	shalt  }
0x6b: {  	_ =	shalt  }
0x6c: {  	_ =	shalt  }
0x6d: {  	_ =	shalt  }
0x6e: {  	_ =	shalt  }
0x6f: {  	_ =	shalt  }
0x70: {  	_ =	shalt  }
0x71: {  	_ =	shalt  }
0x72: {  	_ =	shalt  }
0x73: {  	_ =	shalt  }
0x74: {  	_ =	shalt  }
0x75: {  	_ =	shalt  }
0x76: {  	_ =	shalt  }
0x77: {  	_ =	shalt  }
0x78: {  	_ =	shalt  }
0x79: {  	_ =	shalt  }
0x7a: {  	_ =	shalt  }
0x7b: {  	_ =	shalt  }
0x7c: {  	_ =	shalt  }
0x7d: {  	_ =	shalt  }
0x7e: {  	_ =	shalt  }
0x7f: {  	_ =	shalt  }
0x80: {  	_ =	shalt  }
0x81: {  	_ =	shalt  }
0x82: {  	_ =	shalt  }
0x83: {  	_ =	shalt  }
0x84: {  	_ =	shalt  }
0x85: {  	_ =	shalt  }
0x86: {  	_ =	shalt  }
0x87: {  	_ =	shalt  }
.Lfunc_end0:
.L_simem_size_0:
called_computation.4_lowered:
.L_overlay_start_0:
0x88: {  	s2 =	sld [smem:$0x3FD9]  }
0x89: {  	s3 =	sld [smem:$0x3FFE];
	_ =	sdelay $0x1  }
0x8a: {  	s1 =	srdreg.scid  }
0x8b: {  	s0 =	sand.u32 $0x1, s1  }
0x8c: {  	s16 =	sshll.u32 s0, $0xA;
	s2 =	sadd.s32 s3, s2  }
0x8d: {  	s2 =	sadd.s32 s2, s16  }
0x8e: {  	[smem:$0x3F94] =	sst s2  }
0x8f: {  	_ = 	snop  }
0x90: {  	(tm) =	ssettm $0x1  }
0x91: {  	s17 =	sld [smem:$0x3FFB];
	_ =	sdelay $0x3  }
0x92: {  	_ =	strace s17  }
0x93: {  	s2 =	sld [smem:$0x3FFC];
	_ =	sdelay $0x3  }
0x94: {  	_ =	strace s2  }
0x95: {  	s2 =	sld [smem:$0x3FFD];
	_ =	sdelay $0x3  }
0x96: {  	_ =	strace s2  }
0x97: {  	_ =	strace $0x8FFFFFFF  }
0x98: {  	s18 =	sld [smem:$0x3FDB];
	_ =	sdelay $0x1  }
0x99: {  	s19 =	simm.s32 $_scs_section_size  }
0x9a: {  	s4 =	simm.s32 $_size__tile_overlayer_lowered;
	s5 =	simm.s32 $_tile_overlayer_lowered  }
0x9b: {  	s22 =	simm.s32 $0x1BFF;
	s21 =	sshll.u32 s5, $0x1;
	s2 =	sadd.s32 s19, s18  }
0x9c: {  	s6 =	simm.s32 $0x0;
	s20 =	sshll.u32 s4, $0x1;
	s4 =	sadd.s32 s21, s2  }
0x9d: {  	[timem:s6], [sflag:s22] =	dma.local [hbm:s4], s20  }
0x9e: {  	_ =	swait.ge [sflag:s22], s20  }
0x9f: {  	s3 =	ssub.s32 $0x0, s20;
	[sflag:s22] =	ssyncset.done $0x0  }
0xa0: {  	[sflag:s22] =	ssyncadd.s32 s3;
	_ =	sdelay $0x1  }
0xa1: {  	s23 =	simm.s32 $0x1B8B  }
0xa2: {  	_ =	swait.ge [sflag:s23], $0x1  }
0xa3: {  	[sflag:s23] =	ssyncset.done $0x0  }
0xa4: {  	s25 =	simm.s32 $0x1B8E;
	s24 =	sld [smem:$0x3FFE];
	[sflag:s23] =	ssyncadd.s32 $0xFFFFFFFF  }
0xa5: {  	s26 =	simm.s32 $execute0_lowered;
	[smem:$0x3FD2] =	sst s25  }
0xa6: {  	s4 =	sshll.u32 s26, $0x1;
	_ =	strace $0x80000052;
	[dreg:$0x1] =	wrdreg $0xFFFFFFFF  }
0xa7: {  	s28 =	simm.s32 $_size_execute0_lowered;
	s2 =	sadd.s32 s2, s4;
	[dreg:$0x0] =	wrdreg $0x0  }
0xa8: {  	s4 =	sshll.u32 s28, $0x1;
	[dreg:$0x2] =	wrdreg s2  }
0xa9: {  	[dreg:$0x3] =	wrdreg s4  }
0xaa: {  	[dreg:$0x4] =	wrdreg $0xC0  }
0xab: {  	_ =	task [dreg:s6], $0x5FFFF  }
0xac: {  	[dreg:$0x1] =	wrdreg $0xFFFFFFFF  }
0xad: {  	[dreg:$0x0] =	wrdreg $0x60  }
0xae: {  	[dreg:$0x2] =	wrdreg s24  }
0xaf: {  	[dreg:$0x3] =	wrdreg $0x103000  }
0xb0: {  	[dreg:$0x4] =	wrdreg $0x9  }
0xb1: {  	_ =	task.clear_ibuf [dreg:s6], $0x5FFFF;
	_ =	strace $0x90000052  }
0xb2: {  	s29 =	simm.s32 $0x9;
	_ =	strace $0x80000054  }
0xb3: {  	_ =	swait.ge [sflag:s29], $0x1  }
0xb4: {  	[sflag:s29] =	ssyncadd.s32 $0xFFFFFFFF  }
0xb5: {  	_ =	strace $0x90000054  }
0xb6: {  	_ =	sfence  }
0xb7: {  	s30 =	sld [smem:$0x0];
	_ =	sdelay $0x2  }
0xb8: {  	s31 =	sshll.u32 s1, $0xD;
	s1 =	sshrl.u32 s1, $0x2  }
0xb9: {  	s3 =	sand.u32 $0x4000, s31;
	s1 =	sadd.s32 s1, s30  }
0xba: {  	s0 =	sor.u32 s3, s0;
	s1 =	sshll.u32 s1, $0x11  }
0xbb: {  	s0 =	sor.u32 s1, s0  }
0xbc: {  	s0 =	sadd.s32 $0x8F2B, s0  }
0xbd: {  	[sflag:s0] =	ssyncadd.remote.s32 $0x1  }
0xbe: {  	_ =	sfence.sel $0xFFFF  }
0xbf: {  	[dreg:$0x0] =	wrdreg $0xFFFFFFFF;
	(pc) =	sbr.abs _section_cstart, $3  }
0xc0: {  	[dreg:$0x1] =	wrdreg $0xFFFFFFFF  }
0xc1: {  	_ =	task.clear_ibuf [dreg:s6], $0x2FFFF;
	_ =	strace $0x9FFFFFFF  }
0xc2: {  	(tm) =	ssettm $0x7FFFFFFF  }
0xc3: {  	_ =	shalt  }
tec
execute0_lowered:
.L_overlay_start_1:
0x0: {  	(tag) =	ssettag $0x1  }
0x1: {  	s0 =	rddreg [dreg:$0x0]  }
0x2: {  	s1 =	rddreg [dreg:$0x1];
	s2 =	simm.s32 $0x0  }
0x3: {  	s5 =	srdreg.scid;
	s15 =	stileid.u32;
	s20 =	simm.s32 $0x4  }
0x4: {  	s21 =	simm.s32 $0x80;
	s22 =	simm.s32 $0x280;
	s28 =	simm.s32 $0xC300  }
0x5: {  	s30 =	simm.s32 $0x7;
	s31 =	simm.s32 $0x180;
	[smem:$0x7FF] =	sst s2  }
0x6: {  	s18 =	simm.s32 $0x0;
	s3 =	sadd.s32 $0x319200, s0;
	s4 =	sadd.s32 $0x305200, s0  }
0x7: {  	s6 =	sand.u32 $0x1, s5;
	s5 =	sadd.s32 $0xB600, s0;
	s7 =	sadd.s32 $0x2E7200, s0  }
0x8: {  	s11 =	smul.u32 $0xA000, s15;
	s10 =	sshll.u32 s15, $0x1;
	s8 =	sadd.s32 $0x2DD200, s0  }
0x9: {  	s12 =	sadd.s32 $0x2F1200, s0;
	s9 =	smul.u32 $0xA0000, s6;
	s23 =	sor.u32 s6, s10  }
0xa: {  	p0 =	sne.s32 s15, $0x0;
	_ =	strace $0x80000053;
	s10 =	smul.u32 $0x2800, s23  }
0xb: {  	[dreg:$0x3] =	wrdreg s12;
	s6 =	ssub.s32 $0x2, s6;
	s12 =	smul.u32 $0x14000, s23  }
0xc: {  	s13 =	sshrl.u32 s6, $0x1;
	s29 =	sadd.s32 s11, s1;
	s9 =	sadd.s32 s11, s9  }
0xd: {  	s6 =	ssub.s32 s6, s13;
	s9 =	sshrl.u32 s9, $0x3;
	s26 =	sadd.s32 s5, s12  }
0xe: {  	s24 =	sshrl.u32 s10, $0x3;
	s6 =	smax.u32 s6, $0x1;
	[dreg:$0x6] =	wrdreg s26  }
0xf: {  	s0 =	sadd.s32 s9, s0;
	s25 =	sadd.s32 s7, s24;
	[dreg:$0x8] =	wrdreg s6  }
.Ltmp0:
0x10: {  	s9 =	sadd.s32 s8, s24;
	[dreg:$0x4] =	wrdreg s25;
	(pc) =	sbr.rel .LBB2_1-.Ltmp0, $4  }
0x11: {  	s23 =	simm.s32 $0xE300;
	s6 =	sshrl.u32 @!p0 s1, $0x3;
	[dreg:$0x5] =	wrdreg s9  }
0x12: {  	s14 =	sor.u32 $0x100, s10;
	s0 =	sadd.s32 $0x32D200, s0;
	[dreg:$0x9] =	wrdreg s6  }
0x13: {  	s24 =	simm.s32 $0x3;
	[dreg:$0x7] =	wrdreg s0;
	s0 =	sshrl.u32 s29, $0x3  }
0x14: {  	s26 =	simm.s32 $0x200;
	[dreg:$0xa] =	wrdreg s0;
	s0 =	simm.s32 $0xA300  }
.LBB2_12:
0x15: {  	s6 =	simm.s32 $0x6  }
0x16: {  	_ =	swait.ge [sflag:s6], $0x2000  }
0x17: {  	[sflag:s6] =	ssyncset.done $0x0  }
0x18: {  	[sflag:s6] =	ssyncadd.s32 $0xFFFFE000  }
0x19: {  	s25 =	stileid.u32;
	[bflag:$0x0] =	sbarrier.arrive $0xFFFF  }
0x1a: {  	s6 =	sshll.u32 s25, $0x6;
	s9 =	rddreg [dreg:$0x7]  }
0x1b: {  	s6 =	sor.u32 $0x1C07, s6;
	s11 =	rddreg [dreg:$0xa]  }
0x1c: {  	[hbm:s9], [sflag:s6] =	dma.local [spmem:s11], $0x1400  }
0x1d: {  	_ =	swait.ge [sflag:s30], $0x1400  }
0x1e: {  	s18 =	sadd.s32 $0x1, s18;
	s29 =	rddreg [dreg:$0x8]  }
0x1f: {  	p1 =	sne.s32 s18, s29  }
.Ltmp1:
0x20: {  	_ = 	snop;
	(pc) =	sbr.rel @!p1 .LBB2_13-.Ltmp1, $3  }
0x21: {  	_ =	sdelay $0x1  }
0x22: {  	[sflag:s30] =	ssyncset.done $0x0  }
0x23: {  	[sflag:s30] =	ssyncadd.s32 $0xFFFFEC00  }
.LBB2_1:
0x24: {  	s9 =	rddreg [dreg:$0x3]  }
0x25: {  	s6 =	simm.s32 @!p0 $0x1C07;
	s11 =	rddreg [dreg:$0x9]  }
0x26: {  	[spmem:s11], [sflag:s6] =	dma.local @!p0 [hbm:s9], $0x14000  }
0x27: {  	s6 =	simm.s32 @!p0 $0x7  }
0x28: {  	_ =	swait.ge @!p0 [sflag:s6], $0x14000  }
0x29: {  	[sflag:s6] =	ssyncset.done @!p0 $0x0  }
0x2a: {  	[sflag:s6] =	ssyncadd.s32 @!p0 $0xFFFEC000  }
0x2b: {  	[bflag:$0x0] =	sbarrier.arrive $0xFFFF  }
0x2c: {  	s16 =	rddreg [dreg:$0x4]  }
0x2d: {  	[tilespmem:s2], [sflag:$0x1] =	stream.linear.gather [hbm4b:s16+s2], $0x80, $0x38;
	[tilespmem:$0x1A300] =	vst v63  }
.Ltmp2:
0x2e: {  	_ = 	snop;
	(pc) =	sbr.rel .LBB2_2-.Ltmp2, $4  }
0x2f: {  	s19 =	simm.s32 $0x100;
	s17 =	rddreg [dreg:$0x5]  }
0x30: {  	[tilespmem:s19], [sflag:$0x1] =	stream.linear.gather [hbm4b:s17+s2], $0x80, $0x38;
	[tilespmem:$0x1A300] =	vst v63  }
0x31: {  	s29 =	simm.s32 $0x8300;
	s25 =	rddreg [dreg:$0x6];
	s19 =	simm.s32 $0x0  }
0x32: {  	[tilespmem:s29], [sflag:$0x1] =	stream.linear.gather [hbm4b:s25+s2], $0x2000, $0x38;
	[tilespmem:$0x1A300] =	vst v63  }
.LBB2_11:
0x33: {  	p1 =	sgt.u32 s19, $0x26  }
0x34: {  	s6 =	sshll.u32 @!p1 s19, $0x8  }
0x35: {  	s6 =	sadd.s32 @!p1 s6, s14  }
0x36: {  	s9 =	sshrl.u32 @!p1 s6, $0x3  }
0x37: {  	s12 =	simm.s32 @!p1 $0x0;
	s6 =	sshll.u32 @!p1 s6, $0x3;
	s11 =	sadd.s32 @!p1 s7, s9  }
0x38: {  	[tilespmem:s12], [sflag:$0x1] =	stream.linear.gather @!p1 [hbm4b:s11+s12], $0x80, $0x38;
	[tilespmem:$0x1A300] =	vst v63  }
0x39: {  	s9 =	sadd.s32 @!p1 s8, s9;
	s6 =	sand.u32 @!p1 $0x1FFFF800, s6;
	s11 =	simm.s32 @!p1 $0x100  }
0x3a: {  	[tilespmem:s11], [sflag:$0x1] =	stream.linear.gather @!p1 [hbm4b:s9+s12], $0x80, $0x38;
	[tilespmem:$0x1A300] =	vst v63  }
0x3b: {  	s19 =	sadd.s32 $0x1, s19;
	s6 =	sadd.s32 @!p1 s5, s6;
	s9 =	simm.s32 @!p1 $0x8300  }
0x3c: {  	[tilespmem:s9], [sflag:$0x1] =	stream.linear.gather @!p1 [hbm4b:s6+s12], $0x2000, $0x38;
	[tilespmem:$0x1A300] =	vst v63  }
0x3d: {  	p1 =	sne.s32 s19, $0x29  }
.Ltmp3:
0x3e: {  	_ = 	snop;
	(pc) =	sbr.rel @!p1 .LBB2_12-.Ltmp3, $1  }
0x3f: {  	_ =	sdelay $0x3  }
.LBB2_2:
0x40: {  	p1 =	slt.u32 s19, $0x2  }
0x41: {  	s6 =	simm.s32 @!p1 $0x6  }
0x42: {  	p2 =	seq.s32 @!p1 s19, $0x28;
	_ =	swait.ge @!p1 [sflag:s6], $0x2000  }
0x43: {  	p2 =	por p1, !p2;
	[sflag:s6] =	ssyncset.done @!p1 $0x0  }
0x44: {  	s9 =	simm.s32 @p2 $0x1;
	[sflag:s6] =	ssyncadd.s32 @!p1 $0xFFFFE000  }
0x45: {  	_ =	swait.ge @p2 [sflag:s9], $0x80  }
0x46: {  	[sflag:s9] =	ssyncset.done @p2 $0x0  }
0x47: {  	[sflag:s9] =	ssyncadd.s32 @p2 $0xFFFFFF80  }
0x48: {  	_ =	swait.ge @p2 [sflag:s9], $0x80  }
0x49: {  	[sflag:s9] =	ssyncset.done @p2 $0x0  }
0x4a: {  	[sflag:s9] =	ssyncadd.s32 @p2 $0xFFFFFF80  }
0x4b: {  	_ =	swait.ge @p2 [sflag:s9], $0x2000  }
0x4c: {  	s11 =	simm.s32 @p2 $0x80;
	[sflag:s9] =	ssyncset.done @p2 $0x0  }
0x4d: {  	s12 =	simm.s32 @p2 $0x300;
	s6 =	simm.s32 @p2 $0x0;
	[sflag:s9] =	ssyncadd.s32 @p2 $0xFFFFE000  }
0x4e: {  	[tilespmem:s12], [sflag:$0x3] =	stream.indirect.gather @p2 [hbm4b:s3+s11], $0x40, s6, s11, $0xb8;
	[tilespmem:$0x1A300] =	vst v63  }
0x4f: {  	s13 =	simm.s32 @p2 $0x4300;
	s6 =	sshll.u32 s19, $0x1;
	s12 =	simm.s32 @p2 $0x100  }
0x50: {  	[tilespmem:s13], [sflag:$0x3] =	stream.indirect.gather @p2 [hbm4b:s4+s11], $0x40, s12, s11, $0xb8;
	[tilespmem:$0x1A300] =	vst v63  }
0x51: {  	s11 =	sadd.s32 @p2 $0xFFFFFFFE, s6  }
0x52: {  	p3 =	sgt.u32 @p2 s11, $0x4F  }
0x53: {  	p3 =	por !p2, !p3  }
.Ltmp4:
0x54: {  	_ = 	snop;
	(pc) =	sbr.rel @!p3 .LBB2_6-.Ltmp4, $1  }
0x55: {  	_ =	sdelay $0x3  }
0x56: {  	_ =	swait.ge [sflag:s20], $0x2000  }
0x57: {  	[sflag:s20] =	ssyncset.done $0x0  }
0x58: {  	[sflag:s20] =	ssyncadd.s32 $0xFFFFE000  }
0x59: {  	_ =	swait.ge [sflag:s20], $0x2000  }
0x5a: {  	[sflag:s20] =	ssyncset.done $0x0  }
0x5b: {  	[sflag:s20] =	ssyncadd.s32 $0xFFFFE000  }
0x5c: {  	v0 =	vld [tilespmem:$0x180]  }
0x5d: {  	v1 =	vld [tilespmem:$0x190]  }
0x5e: {  	v2 =	vld [tilespmem:$0x1A0]  }
0x5f: {  	v3 =	vld [tilespmem:$0x1B0]  }
0x60: {  	v4 =	vld [tilespmem:$0x1C0]  }
0x61: {  	[tilespmem:$0x280] =	vst v0;
	v0 =	vld [tilespmem:$0x1D0]  }
0x62: {  	[tilespmem:$0x290] =	vst v1;
	v1 =	vld [tilespmem:$0x1E0]  }
0x63: {  	[tilespmem:$0x2A0] =	vst v2;
	v2 =	vld [tilespmem:$0x1F0]  }
0x64: {  	[tilespmem:$0x2B0] =	vst v3  }
0x65: {  	[tilespmem:$0x2C0] =	vst v4  }
0x66: {  	[tilespmem:$0x2D0] =	vst v0  }
0x67: {  	[tilespmem:$0x2E0] =	vst v1  }
0x68: {  	s9 =	simm.s32 $0x2380;
	[tilespmem:$0x2F0] =	vst v2  }
0x69: {  	s12 =	simm.s32 $0x6380;
	v0 =	vld [tilespmem:s9+$0x40]  }
0x6a: {  	v1 =	vld [tilespmem:s12+$0x40]  }
0x6b: {  	s13 =	simm.s32 $0xA380  }
0x6c: {  	v2 =	vld [tilespmem:s13+$0x40];
	_ =	sdelay $0x2  }
0x6d: {  	v0 =	vadd.f32 v1, v0;
	_ =	sdelay $0x1  }
0x6e: {  	v3 =	vld [tilespmem:s9+$0xFFFFFF80];
	v0 =	vadd.f32 v2, v0  }
0x6f: {  	v4 =	vld [tilespmem:s13+$0xFFFFFF80]  }
0x70: {  	s11 =	simm.s32 $0xE380;
	v6 =	vld [tilespmem:s12+$0xFFFFFFC0];
	v0 =	vmax.f32 v0, $0.0e+00  }
0x71: {  	v1 =	vld [tilespmem:s12+$0xFFFFFF80];
	[tilespmem:s11+$0x40] =	vst v0  }
0x72: {  	v0 =	vld [tilespmem:s9+$0x50]  }
0x73: {  	v5 =	vld [tilespmem:s12+$0x50]  }
0x74: {  	v2 =	vld [tilespmem:s9+$0xFFFFFFC0]  }
0x75: {  	v7 =	vld [tilespmem:s13+$0x50]  }
0x76: {  	v1 =	vadd.f32 v1, v3  }
0x77: {  	v3 =	vld [tilespmem:s13+$0xFFFFFFC0]  }
0x78: {  	v8 =	vld [tilespmem:s9+$0x0];
	v1 =	vadd.f32 v4, v1;
	v0 =	vadd.f32 v5, v0  }
0x79: {  	v4 =	vld [tilespmem:s12+$0x0]  }
0x7a: {  	v2 =	vadd.f32 v6, v2;
	v1 =	vmax.f32 v1, $0.0e+00;
	v0 =	vadd.f32 v7, v0  }
0x7b: {  	[tilespmem:s11+$0xFFFFFF80] =	vst v1;
	v5 =	vld [tilespmem:s13+$0x0]  }
0x7c: {  	v1 =	vadd.f32 v3, v2;
	v2 =	vld [tilespmem:s9+$0xFFFFFF90];
	v0 =	vmax.f32 v0, $0.0e+00  }
0x7d: {  	v3 =	vld [tilespmem:s12+$0xFFFFFF90];
	[tilespmem:s11+$0x50] =	vst v0  }
0x7e: {  	v1 =	vmax.f32 v1, $0.0e+00;
	v0 =	vadd.f32 v4, v8;
	v4 =	vld [tilespmem:s9+$0x60]  }
0x7f: {  	[tilespmem:s11+$0xFFFFFFC0] =	vst v1;
	v1 =	vld [tilespmem:s12+$0x60]  }
0x80: {  	v7 =	vld [tilespmem:s12+$0xFFFFFFD0];
	v0 =	vadd.f32 v5, v0  }
0x81: {  	v6 =	vld [tilespmem:s13+$0x60]  }
0x82: {  	v5 =	vld [tilespmem:s9+$0xFFFFFFD0];
	v0 =	vmax.f32 v0, $0.0e+00  }
0x83: {  	[tilespmem:s11+$0x0] =	vst v0;
	v0 =	vld [tilespmem:s13+$0xFFFFFF90]  }
0x84: {  	v8 =	vld [tilespmem:s9+$0x10];
	v1 =	vadd.f32 v1, v4  }
0x85: {  	v4 =	vld [tilespmem:s12+$0x10]  }
0x86: {  	v2 =	vadd.f32 v3, v2;
	v3 =	vld [tilespmem:s13+$0xFFFFFFD0];
	v1 =	vadd.f32 v6, v1  }
0x87: {  	v6 =	vld [tilespmem:s13+$0x10]  }
0x88: {  	v0 =	vadd.f32 v0, v2;
	v1 =	vmax.f32 v1, $0.0e+00  }
0x89: {  	v2 =	vadd.f32 v7, v5;
	[tilespmem:s11+$0x60] =	vst v1  }
0x8a: {  	v4 =	vadd.f32 v4, v8;
	v0 =	vmax.f32 v0, $0.0e+00;
	v1 =	vld [tilespmem:s9+$0x70]  }
0x8b: {  	v2 =	vadd.f32 v3, v2;
	[tilespmem:s11+$0xFFFFFF90] =	vst v0;
	v0 =	vld [tilespmem:s12+$0x70]  }
0x8c: {  	v3 =	vadd.f32 v6, v4;
	v4 =	vld [tilespmem:s13+$0x70]  }
0x8d: {  	v5 =	vld [tilespmem:s9+$0xFFFFFFA0];
	v2 =	vmax.f32 v2, $0.0e+00  }
0x8e: {  	v6 =	vld [tilespmem:s12+$0xFFFFFFA0];
	[tilespmem:s11+$0xFFFFFFD0] =	vst v2  }
0x8f: {  	v2 =	vmax.f32 v3, $0.0e+00;
	v7 =	vld [tilespmem:s9+$0xFFFFFFE0]  }
0x90: {  	[tilespmem:s11+$0x10] =	vst v2;
	v8 =	vld [tilespmem:s12+$0xFFFFFFE0];
	v2 =	vadd.f32 v0, v1  }
0x91: {  	v0 =	vld [tilespmem:s9+$0x20]  }
0x92: {  	v1 =	vld [tilespmem:s12+$0x20];
	v4 =	vadd.f32 v4, v2  }
0x93: {  	p3 =	por @!p1 $0x1, $0x1;
	p1 =	por @p2 $0x0, $0x0;
	v3 =	vld [tilespmem:s13+$0xFFFFFFA0]  }
0x94: {  	s25 =	simm.s32 $0x0;
	s29 =	simm.s32 $0x2480;
	s17 =	simm.s32 $0x6380;
	v2 =	vld [tilespmem:s13+$0xFFFFFFE0];
	v9 =	vmax.f32 v4, $0.0e+00  }
0x95: {  	s16 =	simm.s32 $0xA380;
	s15 =	simm.s32 $0xE380;
	p1 =	por @!p2 p3, p3;
	v5 =	vadd.f32 v6, v5;
	v6 =	vadd.f32 v8, v7;
	v4 =	vld [tilespmem:s13+$0x20];
	[tilespmem:s11+$0x70] =	vst v9  }
.LBB2_4:
0x96: {  	v7 =	vld [tilespmem:s29+$0x40];
	s12 =	sadd.s32 $0x100, s12  }
0x97: {  	v8 =	vld [tilespmem:s12+$0x40];
	v0 =	vadd.f32 v1, v0  }
0x98: {  	s13 =	sadd.s32 $0x100, s13;
	v1 =	vld [tilespmem:s12+$0xFFFFFF80];
	v3 =	vadd.f32 v3, v5  }
0x99: {  	v5 =	vld [tilespmem:s13+$0x40];
	v2 =	vadd.f32 v2, v6  }
0x9a: {  	s25 =	sadd.s32 $0x4, s25;
	v6 =	vld [tilespmem:s29+$0xFFFFFFC0];
	v3 =	vmax.f32 v3, $0.0e+00;
	v0 =	vadd.f32 v4, v0  }
0x9b: {  	p2 =	slt.u32 s25, $0x7C;
	v4 =	vld [tilespmem:s12+$0xFFFFFFC0];
	[tilespmem:s11+$0xFFFFFFA0] =	vst v3;
	v2 =	vmax.f32 v2, $0.0e+00  }
0x9c: {  	v3 =	vld [tilespmem:s29+$0x0];
	v7 =	vadd.f32 v8, v7;
	[tilespmem:s11+$0xFFFFFFE0] =	vst v2;
	v0 =	vmax.f32 v0, $0.0e+00  }
0x9d: {  	v2 =	vld [tilespmem:s12+$0x0];
	[tilespmem:s11+$0x20] =	vst v0  }
0x9e: {  	v0 =	vld [tilespmem:s29+$0xFFFFFF80];
	v5 =	vadd.f32 v5, v7  }
0x9f: {  	v7 =	vld [tilespmem:s13+$0xFFFFFF80]  }
0xa0: {  	s11 =	sadd.s32 $0x100, s11;
	v4 =	vadd.f32 v4, v6;
	v6 =	vld [tilespmem:s13+$0xFFFFFFC0];
	v5 =	vmax.f32 v5, $0.0e+00  }
0xa1: {  	v8 =	vld [tilespmem:s13+$0x0];
	[tilespmem:s11+$0x40] =	vst v5  }
0xa2: {  	v2 =	vadd.f32 v2, v3;
	v3 =	vld [tilespmem:s29+$0x50]  }
0xa3: {  	v0 =	vadd.f32 v1, v0;
	v1 =	vld [tilespmem:s12+$0x50]  }
0xa4: {  	v5 =	vld [tilespmem:s9+$0xFFFFFFB0]  }
0xa5: {  	v0 =	vadd.f32 v7, v0;
	v4 =	vadd.f32 v6, v4;
	v6 =	vld [tilespmem:s13+$0x50]  }
0xa6: {  	v2 =	vadd.f32 v8, v2;
	v7 =	vld [tilespmem:s17+$0xFFFFFFB0]  }
0xa7: {  	v0 =	vmax.f32 v0, $0.0e+00;
	v4 =	vmax.f32 v4, $0.0e+00;
	v8 =	vld [tilespmem:s9+$0xFFFFFFF0]  }
0xa8: {  	[tilespmem:s11+$0xFFFFFF80] =	vst v0;
	v0 =	vmax.f32 v2, $0.0e+00;
	v1 =	vadd.f32 v1, v3;
	v2 =	vld [tilespmem:s17+$0xFFFFFFF0]  }
0xa9: {  	v3 =	vld [tilespmem:s29+$0xFFFFFF90];
	[tilespmem:s11+$0xFFFFFFC0] =	vst v4  }
0xaa: {  	v4 =	vld [tilespmem:s12+$0xFFFFFF90];
	[tilespmem:s11+$0x0] =	vst v0;
	v0 =	vadd.f32 v6, v1  }
0xab: {  	v1 =	vld [tilespmem:s29+$0xFFFFFFD0];
	v5 =	vadd.f32 v7, v5  }
0xac: {  	v6 =	vld [tilespmem:s12+$0xFFFFFFD0];
	v0 =	vmax.f32 v0, $0.0e+00  }
0xad: {  	v7 =	vld [tilespmem:s29+$0x10];
	[tilespmem:s11+$0x50] =	vst v0;
	v0 =	vadd.f32 v2, v8  }
0xae: {  	v2 =	vld [tilespmem:s29+$0x60]  }
0xaf: {  	v3 =	vadd.f32 v4, v3;
	v4 =	vld [tilespmem:s12+$0x60]  }
0xb0: {  	v8 =	vld [tilespmem:s12+$0x10]  }
0xb1: {  	v1 =	vadd.f32 v6, v1;
	v6 =	vld [tilespmem:s13+$0x60]  }
0xb2: {  	v9 =	vld [tilespmem:s13+$0xFFFFFF90]  }
0xb3: {  	v10 =	vld [tilespmem:s13+$0xFFFFFFD0]  }
0xb4: {  	v11 =	vld [tilespmem:s13+$0x10];
	v2 =	vadd.f32 v4, v2  }
0xb5: {  	v4 =	vadd.f32 v8, v7;
	v7 =	vld [tilespmem:s9+$0x30];
	s9 =	smov.u32 s29  }
0xb6: {  	v2 =	vadd.f32 v6, v2;
	v6 =	vld [tilespmem:s17+$0x30];
	s17 =	smov.u32 s12  }
0xb7: {  	v3 =	vadd.f32 v9, v3;
	v8 =	vld [tilespmem:s16+$0xFFFFFFB0]  }
0xb8: {  	v1 =	vadd.f32 v10, v1;
	v2 =	vmax.f32 v2, $0.0e+00;
	v9 =	vld [tilespmem:s16+$0xFFFFFFF0]  }
0xb9: {  	v3 =	vmax.f32 v3, $0.0e+00;
	v4 =	vadd.f32 v11, v4;
	[tilespmem:s11+$0x60] =	vst v2;
	v2 =	vld [tilespmem:s16+$0x30];
	s16 =	smov.u32 s13  }
0xba: {  	[tilespmem:s11+$0xFFFFFF90] =	vst v3;
	v1 =	vmax.f32 v1, $0.0e+00;
	v3 =	vld [tilespmem:s29+$0x70]  }
0xbb: {  	[tilespmem:s11+$0xFFFFFFD0] =	vst v1;
	v1 =	vmax.f32 v4, $0.0e+00;
	v4 =	vld [tilespmem:s12+$0x70];
	v6 =	vadd.f32 v6, v7  }
0xbc: {  	v7 =	vld [tilespmem:s29+$0xFFFFFFA0];
	[tilespmem:s11+$0x10] =	vst v1;
	v1 =	vadd.f32 v8, v5  }
0xbd: {  	v5 =	vld [tilespmem:s13+$0x70];
	v0 =	vadd.f32 v9, v0  }
0xbe: {  	v8 =	vld [tilespmem:s12+$0xFFFFFFA0];
	v1 =	vmax.f32 v1, $0.0e+00;
	v2 =	vadd.f32 v2, v6  }
0xbf: {  	v6 =	vld [tilespmem:s29+$0xFFFFFFE0];
	[tilespmem:s15+$0xFFFFFFB0] =	vst v1;
	v0 =	vmax.f32 v0, $0.0e+00  }
0xc0: {  	v9 =	vld [tilespmem:s12+$0xFFFFFFE0];
	v3 =	vadd.f32 v4, v3;
	[tilespmem:s15+$0xFFFFFFF0] =	vst v0;
	v1 =	vmax.f32 v2, $0.0e+00  }
.Ltmp5:
0xc1: {  	v0 =	vld [tilespmem:s29+$0x20];
	[tilespmem:s15+$0x30] =	vst v1;
	s15 =	smov.u32 s11;
	(pc) =	sbr.rel @p2 .LBB2_4-.Ltmp5, $4  }
0xc2: {  	v1 =	vld [tilespmem:s12+$0x20];
	v4 =	vadd.f32 v5, v3  }
0xc3: {  	v5 =	vadd.f32 v8, v7;
	v3 =	vld [tilespmem:s13+$0xFFFFFFA0]  }
0xc4: {  	v2 =	vld [tilespmem:s13+$0xFFFFFFE0];
	v7 =	vmax.f32 v4, $0.0e+00  }
0xc5: {  	s29 =	sadd.s32 $0x100, s29;
	v6 =	vadd.f32 v9, v6;
	v4 =	vld [tilespmem:s13+$0x20];
	[tilespmem:s11+$0x70] =	vst v7  }
0xc6: {  	_ =	sdelay $0x1  }
0xc7: {  	v3 =	vadd.f32 v3, v5;
	_ =	sdelay $0x1  }
0xc8: {  	v55 =	vmax.f32 v3, $0.0e+00  }
0xc9: {  	v0 =	vadd.f32 v1, v0;
	v54 =	vadd.f32 v2, v6;
	[tilespmem:s11+$0xFFFFFFA0] =	vst v55  }
0xca: {  	v2 =	vld [tilespmem:s9+$0xFFFFFFB0]  }
0xcb: {  	v0 =	vadd.f32 v4, v0;
	v1 =	vmax.f32 v54, $0.0e+00;
	v56 =	vld [tilespmem:s17+$0xFFFFFFB0]  }
0xcc: {  	[tilespmem:s11+$0xFFFFFFE0] =	vst v1;
	v61 =	vld [tilespmem:s16+$0xFFFFFFB0]  }
0xcd: {  	v0 =	vmax.f32 v0, $0.0e+00;
	v57 =	vld [tilespmem:s9+$0xFFFFFFF0]  }
0xce: {  	[tilespmem:s11+$0x20] =	vst v0;
	v58 =	vld [tilespmem:s17+$0xFFFFFFF0]  }
0xcf: {  	v59 =	vld [tilespmem:s9+$0x30]  }
0xd0: {  	v60 =	vld [tilespmem:s17+$0x30]  }
0xd1: {  	v7 =	vld [tilespmem:s16+$0xFFFFFFF0]  }
0xd2: {  	v8 =	vld [tilespmem:s16+$0x30]  }
0xd3: {  	v1 =	vadd.f32 v56, v2  }
0xd4: {  	v0 =	vadd.f32 v58, v57  }
0xd5: {  	v62 =	vadd.f32 v60, v59;
	v1 =	vadd.f32 v61, v1  }
0xd6: {  	v0 =	vadd.f32 v7, v0  }
.Ltmp6:
0xd7: {  	v1 =	vmax.f32 v1, $0.0e+00;
	v2 =	vadd.f32 v8, v62;
	(pc) =	sbr.rel @p1 .LBB2_7-.Ltmp6, $4  }
0xd8: {  	[tilespmem:s15+$0xFFFFFFB0] =	vst v1;
	v0 =	vmax.f32 v0, $0.0e+00  }
0xd9: {  	[tilespmem:s15+$0xFFFFFFF0] =	vst v0;
	v63 =	vmax.f32 v2, $0.0e+00  }
0xda: {  	p2 =	por $0x1, $0x1;
	s9 =	sor.u32 $0x1, s6;
	[tilespmem:s15+$0x30] =	vst v63  }
0xdb: {  	[spmem:s1] =	stream.indirect.scatter.add.f32 [tilespmem:s23], [sflag:$0x6], $0x40, s22, s21, $0xb8;
	[tilespmem:$0x1A300] =	vst v63  }
.LBB2_6:
0xdc: {  	s6 =	sshll.u32 s9, $0x7  }
0xdd: {  	s6 =	sadd.s32 s10, s6  }
0xde: {  	s11 =	sshrl.u32 s6, $0x3  }
0xdf: {  	s6 =	sshll.u32 s6, $0x3;
	s12 =	sadd.s32 s7, s11  }
0xe0: {  	[tilespmem:s21], [sflag:$0x2] =	stream.linear.gather [hbm4b:s12+s2], $0x80, $0x38;
	[tilespmem:$0x1A300] =	vst v63  }
0xe1: {  	s11 =	sadd.s32 s8, s11;
	s6 =	sand.u32 $0x1FFFFC00, s6  }
0xe2: {  	[tilespmem:s31], [sflag:$0x2] =	stream.linear.gather [hbm4b:s11+s2], $0x80, $0x38;
	[tilespmem:$0x1A300] =	vst v63  }
0xe3: {  	p2 =	por $0x0, $0x0;
	s6 =	sadd.s32 s5, s6  }
0xe4: {  	[tilespmem:s0], [sflag:$0x2] =	stream.linear.gather [hbm4b:s6+s2], $0x2000, $0x38;
	[tilespmem:$0x1A300] =	vst v63  }
.LBB2_7:
0xe5: {  	p1 =	seq.s32 s19, $0x0  }
0xe6: {  	s6 =	simm.s32 @!p1 $0x5  }
0xe7: {  	_ =	swait.ge @!p1 [sflag:s6], $0x2000  }
0xe8: {  	[sflag:s6] =	ssyncset.done @!p1 $0x0  }
0xe9: {  	[sflag:s6] =	ssyncadd.s32 @!p1 $0xFFFFE000;
	s6 =	simm.s32 @!p2 $0x2  }
0xea: {  	_ =	swait.ge @!p2 [sflag:s6], $0x80  }
0xeb: {  	[sflag:s6] =	ssyncset.done @!p2 $0x0  }
0xec: {  	[sflag:s6] =	ssyncadd.s32 @!p2 $0xFFFFFF80  }
0xed: {  	_ =	swait.ge @!p2 [sflag:s6], $0x80  }
0xee: {  	[sflag:s6] =	ssyncset.done @!p2 $0x0  }
0xef: {  	[sflag:s6] =	ssyncadd.s32 @!p2 $0xFFFFFF80  }
0xf0: {  	p1 =	sgt.u32 s9, $0x50;
	_ =	swait.ge @!p2 [sflag:s6], $0x2000  }
.Ltmp7:
0xf1: {  	[sflag:s6] =	ssyncset.done @!p2 $0x0;
	(pc) =	sbr.rel @p1 .LBB2_11-.Ltmp7, $4  }
0xf2: {  	s11 =	simm.s32 @!p2 $0x2300;
	[sflag:s6] =	ssyncadd.s32 @!p2 $0xFFFFE000;
	s6 =	simm.s32 @!p2 $0x80  }
0xf3: {  	[tilespmem:s11], [sflag:$0x4] =	stream.indirect.gather @!p2 [hbm4b:s3+s6], $0x40, s6, s6, $0xb8;
	[tilespmem:$0x1A300] =	vst v63  }
0xf4: {  	s12 =	simm.s32 @!p2 $0x6300;
	s11 =	simm.s32 @!p2 $0x180  }
0xf5: {  	[tilespmem:s12], [sflag:$0x4] =	stream.indirect.gather @!p2 [hbm4b:s4+s6], $0x40, s11, s6, $0xb8;
	[tilespmem:$0x1A300] =	vst v63  }
0xf6: {  	_ =	swait.ge [sflag:s24], $0x2000  }
0xf7: {  	[sflag:s24] =	ssyncset.done $0x0  }
0xf8: {  	[sflag:s24] =	ssyncadd.s32 $0xFFFFE000  }
0xf9: {  	_ =	swait.ge [sflag:s24], $0x2000  }
0xfa: {  	[sflag:s24] =	ssyncset.done $0x0  }
0xfb: {  	[sflag:s24] =	ssyncadd.s32 $0xFFFFE000  }
0xfc: {  	v0 =	vld [tilespmem:$0x100]  }
0xfd: {  	v1 =	vld [tilespmem:$0x110]  }
0xfe: {  	v2 =	vld [tilespmem:$0x120]  }
0xff: {  	v3 =	vld [tilespmem:$0x130]  }
0x100: {  	v4 =	vld [tilespmem:$0x140]  }
0x101: {  	[tilespmem:$0x200] =	vst v0;
	v0 =	vld [tilespmem:$0x150]  }
0x102: {  	[tilespmem:$0x210] =	vst v1;
	v1 =	vld [tilespmem:$0x160]  }
0x103: {  	[tilespmem:$0x220] =	vst v2;
	v2 =	vld [tilespmem:$0x170]  }
0x104: {  	[tilespmem:$0x230] =	vst v3  }
0x105: {  	[tilespmem:$0x240] =	vst v4  }
0x106: {  	[tilespmem:$0x250] =	vst v0  }
0x107: {  	[tilespmem:$0x260] =	vst v1  }
0x108: {  	s6 =	simm.s32 $0x380;
	[tilespmem:$0x270] =	vst v2  }
0x109: {  	s11 =	simm.s32 $0x4380;
	v0 =	vld [tilespmem:s6+$0x40]  }
0x10a: {  	v1 =	vld [tilespmem:s11+$0x40]  }
0x10b: {  	s12 =	simm.s32 $0x8380  }
0x10c: {  	v2 =	vld [tilespmem:s12+$0x40];
	_ =	sdelay $0x2  }
0x10d: {  	v0 =	vadd.f32 v1, v0;
	_ =	sdelay $0x1  }
0x10e: {  	v3 =	vld [tilespmem:s6+$0xFFFFFF80];
	v0 =	vadd.f32 v2, v0  }
0x10f: {  	v4 =	vld [tilespmem:s12+$0xFFFFFF80]  }
0x110: {  	s9 =	simm.s32 $0xC380;
	v6 =	vld [tilespmem:s11+$0xFFFFFFC0];
	v0 =	vmax.f32 v0, $0.0e+00  }
0x111: {  	v1 =	vld [tilespmem:s11+$0xFFFFFF80];
	[tilespmem:s9+$0x40] =	vst v0  }
0x112: {  	v0 =	vld [tilespmem:s6+$0x50]  }
0x113: {  	v5 =	vld [tilespmem:s11+$0x50]  }
0x114: {  	v2 =	vld [tilespmem:s6+$0xFFFFFFC0]  }
0x115: {  	v7 =	vld [tilespmem:s12+$0x50]  }
0x116: {  	v1 =	vadd.f32 v1, v3  }
0x117: {  	v3 =	vld [tilespmem:s12+$0xFFFFFFC0]  }
0x118: {  	v8 =	vld [tilespmem:s6+$0x0];
	v1 =	vadd.f32 v4, v1;
	v0 =	vadd.f32 v5, v0  }
0x119: {  	v4 =	vld [tilespmem:s11+$0x0]  }
0x11a: {  	v2 =	vadd.f32 v6, v2;
	v1 =	vmax.f32 v1, $0.0e+00;
	v0 =	vadd.f32 v7, v0  }
0x11b: {  	[tilespmem:s9+$0xFFFFFF80] =	vst v1;
	v5 =	vld [tilespmem:s12+$0x0]  }
0x11c: {  	v1 =	vadd.f32 v3, v2;
	v2 =	vld [tilespmem:s6+$0xFFFFFF90];
	v0 =	vmax.f32 v0, $0.0e+00  }
0x11d: {  	v3 =	vld [tilespmem:s11+$0xFFFFFF90];
	[tilespmem:s9+$0x50] =	vst v0  }
0x11e: {  	v1 =	vmax.f32 v1, $0.0e+00;
	v0 =	vadd.f32 v4, v8;
	v4 =	vld [tilespmem:s6+$0x60]  }
0x11f: {  	[tilespmem:s9+$0xFFFFFFC0] =	vst v1;
	v1 =	vld [tilespmem:s11+$0x60]  }
0x120: {  	v7 =	vld [tilespmem:s11+$0xFFFFFFD0];
	v0 =	vadd.f32 v5, v0  }
0x121: {  	v6 =	vld [tilespmem:s12+$0x60]  }
0x122: {  	v2 =	vadd.f32 v3, v2;
	v3 =	vld [tilespmem:s12+$0xFFFFFFD0];
	v0 =	vmax.f32 v0, $0.0e+00  }
0x123: {  	[tilespmem:s9+$0x0] =	vst v0;
	v0 =	vld [tilespmem:s12+$0xFFFFFF90]  }
0x124: {  	v5 =	vld [tilespmem:s6+$0xFFFFFFD0];
	v1 =	vadd.f32 v1, v4  }
0x125: {  	v8 =	vld [tilespmem:s6+$0x10]  }
0x126: {  	v4 =	vld [tilespmem:s11+$0x10];
	v1 =	vadd.f32 v6, v1;
	_ =	sdelay $0x1  }
0x127: {  	v6 =	vld [tilespmem:s12+$0x10];
	v0 =	vadd.f32 v0, v2;
	v1 =	vmax.f32 v1, $0.0e+00  }
0x128: {  	v2 =	vadd.f32 v7, v5;
	[tilespmem:s9+$0x60] =	vst v1  }
0x129: {  	v0 =	vmax.f32 v0, $0.0e+00;
	v1 =	vld [tilespmem:s6+$0x70]  }
0x12a: {  	v4 =	vadd.f32 v4, v8;
	v2 =	vadd.f32 v3, v2;
	[tilespmem:s9+$0xFFFFFF90] =	vst v0;
	v0 =	vld [tilespmem:s11+$0x70]  }
0x12b: {  	v5 =	vld [tilespmem:s12+$0x70]  }
0x12c: {  	v4 =	vadd.f32 v6, v4;
	v3 =	vld [tilespmem:s6+$0xFFFFFFA0];
	v2 =	vmax.f32 v2, $0.0e+00  }
0x12d: {  	v6 =	vld [tilespmem:s11+$0xFFFFFFA0];
	[tilespmem:s9+$0xFFFFFFD0] =	vst v2  }
0x12e: {  	v2 =	vmax.f32 v4, $0.0e+00;
	v7 =	vld [tilespmem:s6+$0xFFFFFFE0]  }
0x12f: {  	[tilespmem:s9+$0x10] =	vst v2;
	v8 =	vld [tilespmem:s11+$0xFFFFFFE0];
	v2 =	vadd.f32 v0, v1  }
0x130: {  	v0 =	vld [tilespmem:s6+$0x20]  }
0x131: {  	v1 =	vld [tilespmem:s11+$0x20];
	v5 =	vadd.f32 v5, v2  }
0x132: {  	v4 =	vld [tilespmem:s12+$0xFFFFFFA0]  }
0x133: {  	s17 =	simm.s32 $0x0;
	s25 =	simm.s32 $0x480;
	v2 =	vld [tilespmem:s12+$0xFFFFFFE0];
	v9 =	vmax.f32 v5, $0.0e+00  }
0x134: {  	s16 =	simm.s32 $0x4380;
	s15 =	simm.s32 $0x8380;
	s13 =	simm.s32 $0xC380;
	v5 =	vadd.f32 v6, v3;
	v6 =	vadd.f32 v8, v7;
	v3 =	vld [tilespmem:s12+$0x20];
	[tilespmem:s9+$0x70] =	vst v9  }
.LBB2_9:
0x135: {  	v7 =	vld [tilespmem:s25+$0x40];
	s11 =	sadd.s32 $0x100, s11  }
0x136: {  	v8 =	vld [tilespmem:s11+$0x40];
	v0 =	vadd.f32 v1, v0  }
0x137: {  	s12 =	sadd.s32 $0x100, s12;
	v1 =	vld [tilespmem:s11+$0xFFFFFF80];
	v4 =	vadd.f32 v4, v5  }
0x138: {  	v5 =	vld [tilespmem:s12+$0x40];
	v2 =	vadd.f32 v2, v6  }
0x139: {  	s17 =	sadd.s32 $0x4, s17;
	v6 =	vld [tilespmem:s25+$0xFFFFFFC0];
	v4 =	vmax.f32 v4, $0.0e+00;
	v0 =	vadd.f32 v3, v0  }
0x13a: {  	p1 =	slt.u32 s17, $0x7C;
	v3 =	vld [tilespmem:s11+$0xFFFFFFC0];
	[tilespmem:s9+$0xFFFFFFA0] =	vst v4;
	v2 =	vmax.f32 v2, $0.0e+00  }
0x13b: {  	v4 =	vld [tilespmem:s25+$0x0];
	v7 =	vadd.f32 v8, v7;
	[tilespmem:s9+$0xFFFFFFE0] =	vst v2;
	v0 =	vmax.f32 v0, $0.0e+00  }
0x13c: {  	v2 =	vld [tilespmem:s11+$0x0];
	[tilespmem:s9+$0x20] =	vst v0  }
0x13d: {  	v0 =	vld [tilespmem:s25+$0xFFFFFF80];
	v5 =	vadd.f32 v5, v7  }
0x13e: {  	v7 =	vld [tilespmem:s12+$0xFFFFFF80]  }
0x13f: {  	s9 =	sadd.s32 $0x100, s9;
	v3 =	vadd.f32 v3, v6;
	v6 =	vld [tilespmem:s12+$0xFFFFFFC0];
	v5 =	vmax.f32 v5, $0.0e+00  }
0x140: {  	v8 =	vld [tilespmem:s12+$0x0];
	[tilespmem:s9+$0x40] =	vst v5  }
0x141: {  	v2 =	vadd.f32 v2, v4;
	v4 =	vld [tilespmem:s25+$0x50]  }
0x142: {  	v0 =	vadd.f32 v1, v0;
	v1 =	vld [tilespmem:s11+$0x50]  }
0x143: {  	v5 =	vld [tilespmem:s6+$0xFFFFFFB0]  }
0x144: {  	v0 =	vadd.f32 v7, v0;
	v3 =	vadd.f32 v6, v3;
	v6 =	vld [tilespmem:s12+$0x50]  }
0x145: {  	v2 =	vadd.f32 v8, v2;
	v7 =	vld [tilespmem:s16+$0xFFFFFFB0]  }
0x146: {  	v0 =	vmax.f32 v0, $0.0e+00;
	v3 =	vmax.f32 v3, $0.0e+00;
	v8 =	vld [tilespmem:s6+$0xFFFFFFF0]  }
0x147: {  	[tilespmem:s9+$0xFFFFFF80] =	vst v0;
	v0 =	vmax.f32 v2, $0.0e+00;
	v1 =	vadd.f32 v1, v4;
	v2 =	vld [tilespmem:s16+$0xFFFFFFF0]  }
0x148: {  	v4 =	vld [tilespmem:s25+$0xFFFFFF90];
	[tilespmem:s9+$0xFFFFFFC0] =	vst v3  }
0x149: {  	v3 =	vld [tilespmem:s11+$0xFFFFFF90];
	[tilespmem:s9+$0x0] =	vst v0;
	v0 =	vadd.f32 v6, v1  }
0x14a: {  	v1 =	vld [tilespmem:s25+$0xFFFFFFD0];
	v5 =	vadd.f32 v7, v5  }
0x14b: {  	v6 =	vld [tilespmem:s11+$0xFFFFFFD0];
	v0 =	vmax.f32 v0, $0.0e+00  }
0x14c: {  	v7 =	vld [tilespmem:s25+$0x10];
	[tilespmem:s9+$0x50] =	vst v0;
	v0 =	vadd.f32 v2, v8  }
0x14d: {  	v2 =	vld [tilespmem:s25+$0x60]  }
0x14e: {  	v3 =	vadd.f32 v3, v4;
	v4 =	vld [tilespmem:s11+$0x60]  }
0x14f: {  	v8 =	vld [tilespmem:s11+$0x10]  }
0x150: {  	v1 =	vadd.f32 v6, v1;
	v6 =	vld [tilespmem:s12+$0x60]  }
0x151: {  	v9 =	vld [tilespmem:s12+$0xFFFFFF90]  }
0x152: {  	v10 =	vld [tilespmem:s12+$0xFFFFFFD0]  }
0x153: {  	v11 =	vld [tilespmem:s12+$0x10];
	v2 =	vadd.f32 v4, v2  }
0x154: {  	v4 =	vadd.f32 v8, v7;
	v7 =	vld [tilespmem:s6+$0x30];
	s6 =	smov.u32 s25  }
0x155: {  	v2 =	vadd.f32 v6, v2;
	v6 =	vld [tilespmem:s16+$0x30];
	s16 =	smov.u32 s11  }
0x156: {  	v3 =	vadd.f32 v9, v3;
	v8 =	vld [tilespmem:s15+$0xFFFFFFB0]  }
0x157: {  	v1 =	vadd.f32 v10, v1;
	v2 =	vmax.f32 v2, $0.0e+00;
	v9 =	vld [tilespmem:s15+$0xFFFFFFF0]  }
0x158: {  	v3 =	vmax.f32 v3, $0.0e+00;
	v4 =	vadd.f32 v11, v4;
	[tilespmem:s9+$0x60] =	vst v2;
	v2 =	vld [tilespmem:s15+$0x30];
	s15 =	smov.u32 s12  }
0x159: {  	[tilespmem:s9+$0xFFFFFF90] =	vst v3;
	v1 =	vmax.f32 v1, $0.0e+00;
	v3 =	vld [tilespmem:s25+$0x70]  }
0x15a: {  	[tilespmem:s9+$0xFFFFFFD0] =	vst v1;
	v1 =	vmax.f32 v4, $0.0e+00;
	v4 =	vld [tilespmem:s11+$0x70];
	v6 =	vadd.f32 v6, v7  }
0x15b: {  	v7 =	vld [tilespmem:s25+$0xFFFFFFA0];
	[tilespmem:s9+$0x10] =	vst v1;
	v1 =	vadd.f32 v8, v5  }
0x15c: {  	v5 =	vld [tilespmem:s12+$0x70];
	v0 =	vadd.f32 v9, v0  }
0x15d: {  	v8 =	vld [tilespmem:s11+$0xFFFFFFA0];
	v1 =	vmax.f32 v1, $0.0e+00;
	v2 =	vadd.f32 v2, v6  }
0x15e: {  	v6 =	vld [tilespmem:s25+$0xFFFFFFE0];
	[tilespmem:s13+$0xFFFFFFB0] =	vst v1;
	v0 =	vmax.f32 v0, $0.0e+00  }
0x15f: {  	v9 =	vld [tilespmem:s11+$0xFFFFFFE0];
	v3 =	vadd.f32 v4, v3;
	[tilespmem:s13+$0xFFFFFFF0] =	vst v0;
	v1 =	vmax.f32 v2, $0.0e+00  }
.Ltmp8:
0x160: {  	v0 =	vld [tilespmem:s25+$0x20];
	[tilespmem:s13+$0x30] =	vst v1;
	s13 =	smov.u32 s9;
	(pc) =	sbr.rel @p1 .LBB2_9-.Ltmp8, $4  }
0x161: {  	v1 =	vld [tilespmem:s11+$0x20];
	v3 =	vadd.f32 v5, v3  }
0x162: {  	v5 =	vadd.f32 v8, v7;
	v4 =	vld [tilespmem:s12+$0xFFFFFFA0]  }
0x163: {  	v2 =	vld [tilespmem:s12+$0xFFFFFFE0];
	v7 =	vmax.f32 v3, $0.0e+00  }
0x164: {  	s25 =	sadd.s32 $0x100, s25;
	v6 =	vadd.f32 v9, v6;
	v3 =	vld [tilespmem:s12+$0x20];
	[tilespmem:s9+$0x70] =	vst v7  }
0x165: {  	_ =	sdelay $0x1  }
0x166: {  	v4 =	vadd.f32 v4, v5;
	_ =	sdelay $0x1  }
0x167: {  	v55 =	vmax.f32 v4, $0.0e+00  }
0x168: {  	v0 =	vadd.f32 v1, v0;
	v54 =	vadd.f32 v2, v6;
	[tilespmem:s9+$0xFFFFFFA0] =	vst v55  }
0x169: {  	v2 =	vld [tilespmem:s6+$0xFFFFFFB0]  }
0x16a: {  	v0 =	vadd.f32 v3, v0;
	v1 =	vmax.f32 v54, $0.0e+00;
	v56 =	vld [tilespmem:s16+$0xFFFFFFB0]  }
0x16b: {  	[tilespmem:s9+$0xFFFFFFE0] =	vst v1;
	v61 =	vld [tilespmem:s15+$0xFFFFFFB0]  }
0x16c: {  	v0 =	vmax.f32 v0, $0.0e+00;
	v57 =	vld [tilespmem:s6+$0xFFFFFFF0]  }
0x16d: {  	[tilespmem:s9+$0x20] =	vst v0;
	v58 =	vld [tilespmem:s16+$0xFFFFFFF0]  }
0x16e: {  	v59 =	vld [tilespmem:s6+$0x30]  }
0x16f: {  	v60 =	vld [tilespmem:s16+$0x30]  }
0x170: {  	v7 =	vld [tilespmem:s15+$0xFFFFFFF0]  }
0x171: {  	v8 =	vld [tilespmem:s15+$0x30]  }
0x172: {  	v1 =	vadd.f32 v56, v2  }
0x173: {  	v0 =	vadd.f32 v58, v57  }
0x174: {  	v62 =	vadd.f32 v60, v59;
	v1 =	vadd.f32 v61, v1  }
0x175: {  	v0 =	vadd.f32 v7, v0  }
.Ltmp9:
0x176: {  	v1 =	vmax.f32 v1, $0.0e+00;
	v2 =	vadd.f32 v8, v62;
	(pc) =	sbr.rel .LBB2_11-.Ltmp9, $4  }
0x177: {  	[tilespmem:s13+$0xFFFFFFB0] =	vst v1;
	v0 =	vmax.f32 v0, $0.0e+00  }
0x178: {  	[tilespmem:s13+$0xFFFFFFF0] =	vst v0;
	v63 =	vmax.f32 v2, $0.0e+00  }
0x179: {  	[tilespmem:s13+$0x30] =	vst v63  }
0x17a: {  	[spmem:s1] =	stream.indirect.scatter.add.f32 [tilespmem:s28], [sflag:$0x5], $0x40, s26, s21, $0xb8;
	[tilespmem:$0x1A300] =	vst v63  }
.LBB2_13:
0x17b: {  	_ =	sfence.sel $0x180000  }
0x17c: {  	[bflag:$0x0] =	sbarrier.arrive $0xFFFF  }
0x17d: {  	_ =	strace $0x90000053  }
0x17e: {  	[bflag:$0x2] =	sbarrier.arrive $0xFFFF  }
0x17f: {  	s0 =	rddreg [dreg:$0x2]  }
0x180: {  	s0 =	sadd.s32 @!p0 $0x100000, s0  }
0x181: {  	[sflag:s0] =	ssyncadd.tile.s32 @!p0 $0x1;
	_ =	shalt  }
.Lfunc_end2:
_tile_overlayer_lowered:
.L_overlay_start_2:
0x182: {  	(tag) =	ssettag $0x2  }
0x183: {  	s0 =	rddreg [dreg:$0x0];
	s2 =	stileid.u32  }
0x184: {  	s1 =	rddreg [dreg:$0x1];
	p0 =	sne.s32 s2, $0x0  }
0x185: {  	s3 =	rddreg [dreg:$0x2];
	[bflag:$0x3] =	sbarrier.arrive $0xFFFF;
	s2 =	simm.s32 @!p0 $0x1C07  }
0x186: {  	[timem:s3], [sflag:s2] =	dma.local @!p0 [hbm:s0], s1  }
0x187: {  	s0 =	simm.s32 @!p0 $0x7  }
0x188: {  	_ =	swait.ge @!p0 [sflag:s0], s1  }
0x189: {  	s1 =	ssub.s32 @!p0 $0x0, s1;
	[sflag:s0] =	ssyncset.done @!p0 $0x0  }
0x18a: {  	[sflag:s0] =	ssyncadd.s32 @!p0 s1  }
0x18b: {  	[bflag:$0x3] =	sbarrier.arrive $0xFFFF  }
0x18c: {  	_ =	shalt  }

</sc_bundles>
